<compile_context>
chip_gen: v7x
topology: tpu7x:2x2x1
jax: 0.10.2.dev20260603
libtpu: 0.0.44.dev20260713+nightly
codegen_flags: <defaults>
</compile_context>

<pallas_src>
import functools

import jax
import jax.numpy as jnp
from jax import lax
from jax.experimental import pallas as pl
from jax.experimental.pallas import tpu as pltpu
from jax.experimental.pallas import tpu_sc as plsc

N = 10000
NPAD = 10112
D = 128
NC, NS, L = 2, 16, 16
NW = NC * NS
CHUNK = 128
E_TOT = 320000 + N
EPW = 10752
E_PAD = NW * EPW
NCHUNKS = EPW // CHUNK
RPT = NPAD // NS
ZR = RPT // 2

_MESH = dict(core_axis_name="c", subcore_axis_name="s")


@functools.partial(
    pl.kernel,
    out_type=jax.ShapeDtypeStruct((NC, NPAD, L), jnp.float32),
    mesh=plsc.VectorSubcoreMesh(**_MESH),
    scratch_types=[
        pltpu.VMEM((NCHUNKS, CHUNK), jnp.int32),
        pltpu.VMEM((CHUNK, L), jnp.float32),
        pltpu.VMEM((ZR, L), jnp.float32),
        pltpu.VMEM_SHARED((NPAD, L), jnp.float32),
        pltpu.SemaphoreType.DMA,
    ],
    compiler_params=pltpu.CompilerParams(use_tc_tiling_on_sc=False),
)
def _deg_kernel(dst_hbm, out_hbm, di_all, ones_v, zero_v, acc, sem):
    c = lax.axis_index("c")
    s = lax.axis_index("s")
    w = c * NS + s

    def fill(i, _):
        ones_v[i] = jnp.ones((L,), jnp.float32)
        return 0

    lax.fori_loop(0, CHUNK, fill, 0)

    def zfill(i, _):
        zero_v[i] = jnp.zeros((L,), jnp.float32)
        return 0

    lax.fori_loop(0, ZR, zfill, 0)
    pltpu.sync_copy(dst_hbm.at[w], di_all)
    pltpu.sync_copy(zero_v, acc.at[pl.ds(s * RPT, ZR)])
    pltpu.sync_copy(zero_v, acc.at[pl.ds(s * RPT + ZR, ZR)])
    plsc.subcore_barrier()

    @pl.loop(0, NCHUNKS, step=12)
    def group(t0):
        for j in range(12):
            pltpu.async_copy(ones_v, acc.at[di_all.at[t0 + j]], sem,
                             add=True)
        for j in range(12):
            pltpu.make_async_copy(ones_v, acc.at[di_all.at[t0]], sem).wait()

    plsc.subcore_barrier()
    pltpu.sync_copy(acc.at[pl.ds(s * RPT, RPT)],
                    out_hbm.at[c, pl.ds(s * RPT, RPT)])


HALF = D // 2


@functools.partial(
    pl.kernel,
    out_type=jax.ShapeDtypeStruct((NC, 2, NPAD, HALF), jnp.float32),
    mesh=plsc.VectorSubcoreMesh(**_MESH),
    scratch_types=[
        pltpu.VMEM((NCHUNKS, CHUNK), jnp.int32),
        pltpu.VMEM((NCHUNKS, CHUNK), jnp.int32),
        [pltpu.VMEM((CHUNK, HALF), jnp.float32) for _ in range(4)],
        pltpu.VMEM((ZR, HALF), jnp.float32),
        pltpu.VMEM_SHARED((NPAD, HALF), jnp.float32),
        [pltpu.SemaphoreType.DMA for _ in range(4)],
        [pltpu.SemaphoreType.DMA for _ in range(4)],
    ],
    compiler_params=pltpu.CompilerParams(use_tc_tiling_on_sc=False),
)
def _edge_kernel(src0_hbm, src1_hbm, dst_hbm, gv_hbm, out_hbm,
                 si_all, di_all, rows, zero_v, acc, gsems, ssems):
    c = lax.axis_index("c")
    s = lax.axis_index("s")
    w = c * NS + s

    def zfill(i, _):
        zero_v[i // 4, pl.ds((i % 4) * L, L)] = jnp.zeros((L,), jnp.float32)
        return 0

    lax.fori_loop(0, ZR * (HALF // L), zfill, 0)
    pltpu.sync_copy(dst_hbm.at[w], di_all)

    for h, src_hbm in ((0, src0_hbm), (1, src1_hbm)):
        pltpu.sync_copy(zero_v, acc.at[pl.ds(s * RPT, ZR)])
        pltpu.sync_copy(zero_v, acc.at[pl.ds(s * RPT + ZR, ZR)])
        pltpu.sync_copy(src_hbm.at[w], si_all)
        plsc.subcore_barrier()

        pltpu.async_copy(gv_hbm.at[si_all.at[0]], rows[0], gsems[0])
        pltpu.async_copy(gv_hbm.at[si_all.at[1]], rows[1], gsems[1])

        @pl.loop(0, NCHUNKS, step=4)
        def chunk_quad(t0):
            for b in range(4):
                t = t0 + b
                nb = (b + 2) % 4
                pltpu.make_async_copy(gv_hbm.at[si_all.at[t]], rows[b],
                                      gsems[b]).wait()
                pltpu.async_copy(rows[b], acc.at[di_all.at[t]], ssems[b],
                                 add=True)

                @pl.when((t >= 2) & (t + 2 < NCHUNKS))
                def _():
                    pltpu.make_async_copy(rows[nb], acc.at[di_all.at[t]],
                                          ssems[nb]).wait()

                @pl.when(t + 2 < NCHUNKS)
                def _():
                    pltpu.async_copy(gv_hbm.at[si_all.at[t + 2]], rows[nb],
                                     gsems[nb])

        for b in range(4):
            pltpu.make_async_copy(rows[b], acc.at[di_all.at[0]],
                                  ssems[b]).wait()
        plsc.subcore_barrier()
        pltpu.sync_copy(acc.at[pl.ds(s * RPT, RPT)],
                        out_hbm.at[c, h, pl.ds(s * RPT, RPT)])


BR = 2528
GRID = NPAD // BR


def _dinv_block(d0_ref, d1_ref):
    deg = d0_ref[:, :1] + d1_ref[:, :1]
    return jnp.where(deg > 0, lax.rsqrt(deg), 0.0)


def _tc_first_body(x_ref, w_ref, d0_ref, d1_ref, g_ref):
    dinv = _dinv_block(d0_ref, d1_ref)
    g_ref[...] = dinv * jnp.dot(x_ref[...], w_ref[...],
                                preferred_element_type=jnp.float32)


def _combine(p00, p10, p01, p11, d0_ref, d1_ref, b_ref):
    dinv = _dinv_block(d0_ref, d1_ref)
    h0 = jnp.maximum(dinv * (p00[...] + p10[...]) + b_ref[:, :HALF], 0.0)
    h1 = jnp.maximum(dinv * (p01[...] + p11[...]) + b_ref[:, HALF:], 0.0)
    return dinv, jnp.concatenate([h0, h1], axis=1)


def _tc_mid_body(p00, p10, p01, p11, d0_ref, d1_ref, b_ref, w_ref, g_ref):
    dinv, h = _combine(p00, p10, p01, p11, d0_ref, d1_ref, b_ref)
    g_ref[...] = dinv * jnp.dot(h, w_ref[...],
                                preferred_element_type=jnp.float32)


def _tc_last_body(p00, p10, p01, p11, d0_ref, d1_ref, b_ref, w_ref, bb_ref,
                  o_ref):
    _, h = _combine(p00, p10, p01, p11, d0_ref, d1_ref, b_ref)
    o_ref[...] = jnp.dot(h, w_ref[...],
                         preferred_element_type=jnp.float32) + bb_ref[...]


_ROWS = pl.BlockSpec((BR, D), lambda i: (i, 0))
_HROWS = pl.BlockSpec((BR, HALF), lambda i: (i, 0))
_MAT = pl.BlockSpec((D, D), lambda i: (0, 0))
_DEG = pl.BlockSpec((BR, L), lambda i: (i, 0))
_VEC = pl.BlockSpec((1, D), lambda i: (0, 0))
_OUT = jax.ShapeDtypeStruct((NPAD, D), jnp.float32)

_tc_first = pl.pallas_call(
    _tc_first_body, grid=(GRID,),
    in_specs=[_ROWS, _MAT, _DEG, _DEG], out_specs=_ROWS, out_shape=_OUT)

_tc_mid = pl.pallas_call(
    _tc_mid_body, grid=(GRID,),
    in_specs=[_HROWS, _HROWS, _HROWS, _HROWS, _DEG, _DEG, _VEC, _MAT],
    out_specs=_ROWS, out_shape=_OUT)

_tc_last = pl.pallas_call(
    _tc_last_body, grid=(GRID,),
    in_specs=[_HROWS, _HROWS, _HROWS, _HROWS, _DEG, _DEG, _VEC, _MAT, _VEC],
    out_specs=_ROWS, out_shape=_OUT)


def kernel(x, edge_index, W0, b0, W1, b1, W2, b2, fcW, fcb):
    ei = edge_index.astype(jnp.int32)
    loop = jnp.arange(N, dtype=jnp.int32)
    npad_e = E_PAD - E_TOT
    pad_src = jnp.arange(npad_e, dtype=jnp.int32) % N
    src = jnp.concatenate([ei[0], loop, pad_src])
    pad_dst = N + (jnp.arange(npad_e, dtype=jnp.int32) % (NPAD - N))
    dst = jnp.concatenate([ei[1], loop, pad_dst])
    src0 = src * 2
    src1 = src0 + 1
    xp = jnp.pad(x, ((0, NPAD - N), (0, 0)))

    src0_3 = src0.reshape(NW, NCHUNKS, CHUNK)
    src1_3 = src1.reshape(NW, NCHUNKS, CHUNK)
    dst3 = dst.reshape(NW, NCHUNKS, CHUNK)

    degw = _deg_kernel(dst3)
    d0, d1 = degw[0], degw[1]

    def halves(g):
        return g.reshape(2 * NPAD, HALF)

    g0 = _tc_first(xp, W0, d0, d1)
    a0 = _edge_kernel(src0_3, src1_3, dst3, halves(g0))
    g1 = _tc_mid(a0[0, 0], a0[1, 0], a0[0, 1], a0[1, 1], d0, d1,
                 b0.reshape(1, D), W1)
    a1 = _edge_kernel(src0_3, src1_3, dst3, halves(g1))
    g2 = _tc_mid(a1[0, 0], a1[1, 0], a1[0, 1], a1[1, 1], d0, d1,
                 b1.reshape(1, D), W2)
    a2 = _edge_kernel(src0_3, src1_3, dst3, halves(g2))
    out = _tc_last(a2[0, 0], a2[1, 0], a2[0, 1], a2[1, 1], d0, d1,
                   b2.reshape(1, D), fcW, fcb.reshape(1, D))
    return out[:N]

# --- scband reference (transcript-rebuilt; emitter-appended) ---
"""Pipeline reference for scband-gcn-5325759447714 (READ-ONLY COPY).

The authoritative reference and input builder live on the scoring server;
editing this copy changes nothing except your own understanding.
"""

import jax, jax.numpy as jnp
import numpy as np

N_NODES = 10000
N_EDGES = 320000
D_IN = 128
D_HID = 128
D_OUT = 128

def setup_inputs(seed: int = 0) -> dict:
    key = jax.random.key(seed)
    ks = jax.random.split(key, 12)
    x = jax.random.normal(ks[0], (N_NODES, D_IN), dtype=jnp.float32)
    edge_index = jax.random.randint(ks[1], (2, N_EDGES), 0, N_NODES, dtype=jnp.int64)
    def glorot(k, fan_in, fan_out):
        limit = np.sqrt(6.0 / (fan_in + fan_out))
        return jax.random.uniform(k, (fan_in, fan_out), dtype=jnp.float32, minval=-limit, maxval=limit)
    W0 = glorot(ks[2], D_IN, D_HID); b0 = jnp.zeros((D_HID,), dtype=jnp.float32)
    W1 = glorot(ks[3], D_HID, D_HID); b1 = jnp.zeros((D_HID,), dtype=jnp.float32)
    W2 = glorot(ks[4], D_HID, D_HID); b2 = jnp.zeros((D_HID,), dtype=jnp.float32)
    fcW = glorot(ks[5], D_HID, D_OUT); fcb = jnp.zeros((D_OUT,), dtype=jnp.float32)
    return {"x": x, "edge_index": edge_index, "W0": W0, "b0": b0, "W1": W1, "b1": b1, "W2": W2, "b2": b2, "fcW": fcW, "fcb": fcb}

def reference(x, edge_index, W0, b0, W1, b1, W2, b2, fcW, fcb):
    n = x.shape[0]
    loop = jnp.arange(n, dtype=edge_index.dtype)
    src = jnp.concatenate([edge_index[0], loop])
    dst = jnp.concatenate([edge_index[1], loop])
    # GCN symmetric normalization with self-loops (PyG gcn_norm semantics)
    deg = jnp.zeros((n,), dtype=jnp.float32).at[dst].add(1.0)
    dinv = jnp.where(deg > 0, 1.0 / jnp.sqrt(deg), 0.0)
    norm = dinv[src] * dinv[dst]

    def gcn_conv(h, W, b):
        h = h @ W
        msg = h[src] * norm[:, None]
        out = jnp.zeros((n, W.shape[1]), dtype=h.dtype).at[dst].add(msg)
        return out + b

    h = jax.nn.relu(gcn_conv(x, W0, b0))
    h = jax.nn.relu(gcn_conv(h, W1, b1))
    h = jax.nn.relu(gcn_conv(h, W2, b2))
    # dropout is identity in eval mode
    return h @ fcW + fcb

if __name__ == "__main__":
    import jax
    _d = setup_inputs()
    print(jax.jit(kernel)(*tuple(_d.values())))

</pallas_src>

<mosaic_0001>
#map = affine_map<(d0, d1) -> (0, 0, 0)>
#map1 = affine_map<(d0, d1) -> (0, 0)>
#map2 = affine_map<(d0, d1) -> (0, 0, 0, 0)>
module attributes {stable_mosaic.version = 14 : i64} {
  func.func @_edge_kernel(%arg0: i32, %arg1: i32, %arg2: memref<32x84x128xi32, #tpu.memory_space<hbm>>, %arg3: memref<32x84x128xi32, #tpu.memory_space<hbm>>, %arg4: memref<32x84x128xi32, #tpu.memory_space<hbm>>, %arg5: memref<20224x64xf32, #tpu.memory_space<hbm>>, %arg6: memref<2x2x10112x64xf32, #tpu.memory_space<hbm>>, %arg7: memref<84x128xi32, #tpu.memory_space<vmem>>, %arg8: memref<84x128xi32, #tpu.memory_space<vmem>>, %arg9: memref<128x64xf32, #tpu.memory_space<vmem>>, %arg10: memref<128x64xf32, #tpu.memory_space<vmem>>, %arg11: memref<128x64xf32, #tpu.memory_space<vmem>>, %arg12: memref<128x64xf32, #tpu.memory_space<vmem>>, %arg13: memref<316x64xf32, #tpu.memory_space<vmem>>, %arg14: memref<10112x64xf32, #tpu.memory_space<vmem_shared>>, %arg15: memref<!tpu.dma_semaphore, #tpu.memory_space<semaphore_mem>>, %arg16: memref<!tpu.dma_semaphore, #tpu.memory_space<semaphore_mem>>, %arg17: memref<!tpu.dma_semaphore, #tpu.memory_space<semaphore_mem>>, %arg18: memref<!tpu.dma_semaphore, #tpu.memory_space<semaphore_mem>>, %arg19: memref<!tpu.dma_semaphore, #tpu.memory_space<semaphore_mem>>, %arg20: memref<!tpu.dma_semaphore, #tpu.memory_space<semaphore_mem>>, %arg21: memref<!tpu.dma_semaphore, #tpu.memory_space<semaphore_mem>>, %arg22: memref<!tpu.dma_semaphore, #tpu.memory_space<semaphore_mem>>) attributes {dimension_semantics = [#tpu.dimension_semantics<core_parallel>, #tpu.dimension_semantics<subcore_parallel>], iteration_bounds = array<i64: 2, 16>, scalar_prefetch = 0 : i64, scratch_operands = 16 : i64, tpu.core_type = #tpu.core_type<sc_vector_subcore>, window_params = [{transform_indices = #map}, {transform_indices = #map}, {transform_indices = #map}, {transform_indices = #map1}, {transform_indices = #map2}]} {
    %mul3A = arith.constant 16 : i32
    %mul3A_0 = arith.muli %arg0, %mul3A : i32
    %add3A = arith.addi %mul3A_0, %arg1 : i32
    %scan3A = arith.constant 0 : i32
    %scan3A_1 = arith.constant 0 : i32
    %scan3A_2 = arith.constant 1264 : i32
    %scan3A_3 = arith.addi %scan3A_1, %scan3A_2 : i32
    %scan3A_4 = arith.constant 1 : i32
    %scan3A_5 = scf.for %scan3A_123 = %scan3A_1 to %scan3A_3 step %scan3A_4 iter_args(%scan3A_124 = %scan3A) -> (i32)  : i32 {
      %broadcast_in_dim3A = arith.constant 0.000000e+00 : f32
      %broadcast_in_dim3A_125 = vector.broadcast %broadcast_in_dim3A : f32 to vector<16xf32>
      %jit3A = arith.constant 4 : i32
      %div3A = arith.divsi %scan3A_123, %jit3A : i32
      %sign3A = arith.constant 0 : i32
      %sign3A_126 = arith.cmpi sgt, %scan3A_123, %sign3A : i32
      %sign3A_127 = arith.extui %sign3A_126 : i1 to i32
      %sign3A_128 = arith.constant 0 : i32
      %sign3A_129 = arith.cmpi slt, %scan3A_123, %sign3A_128 : i32
      %sign3A_130 = arith.extui %sign3A_129 : i1 to i32
      %sign3A_131 = arith.subi %sign3A_127, %sign3A_130 : i32
      %sign3A_132 = arith.constant 0 : i32
      %sign3A_133 = arith.cmpi sgt, %jit3A, %sign3A_132 : i32
      %sign3A_134 = arith.extui %sign3A_133 : i1 to i32
      %sign3A_135 = arith.constant 0 : i32
      %sign3A_136 = arith.cmpi slt, %jit3A, %sign3A_135 : i32
      %sign3A_137 = arith.extui %sign3A_136 : i1 to i32
      %sign3A_138 = arith.subi %sign3A_134, %sign3A_137 : i32
      %ne3A = arith.cmpi ne, %sign3A_131, %sign3A_138 : i32
      %rem3A = arith.remsi %scan3A_123, %jit3A : i32
      %ne3A_139 = arith.constant 0 : i32
      %ne3A_140 = arith.cmpi ne, %rem3A, %ne3A_139 : i32
      %and3A = arith.andi %ne3A, %ne3A_140 : i1
      %sub3A = arith.constant 1 : i32
      %sub3A_141 = arith.subi %div3A, %sub3A : i32
      %select_n3A = arith.select %and3A, %sub3A_141, %div3A : i32
      %jit3A_142 = arith.constant 4 : i32
      %eq3A = arith.constant 0 : i32
      %eq3A_143 = arith.cmpi eq, %jit3A_142, %eq3A : i32
      %jit3A_144 = arith.constant 1 : i32
      %select_n3A_145 = arith.select %eq3A_143, %jit3A_144, %jit3A_142 : i32
      %rem3A_146 = arith.remsi %scan3A_123, %select_n3A_145 : i32
      %ne3A_147 = arith.constant 0 : i32
      %ne3A_148 = arith.cmpi ne, %rem3A_146, %ne3A_147 : i32
      %lt3A = arith.constant 0 : i32
      %lt3A_149 = arith.cmpi slt, %rem3A_146, %lt3A : i32
      %lt3A_150 = arith.constant 0 : i32
      %lt3A_151 = arith.cmpi slt, %select_n3A_145, %lt3A_150 : i32
      %ne3A_152 = arith.xori %lt3A_149, %lt3A_151 : i1
      %and3A_153 = arith.andi %ne3A_152, %ne3A_148 : i1
      %add3A_154 = arith.addi %rem3A_146, %select_n3A_145 : i32
      %select_n3A_155 = arith.select %and3A_153, %add3A_154, %rem3A_146 : i32
      %mul3A_156 = arith.constant 16 : i32
      %mul3A_157 = arith.muli %select_n3A_155, %mul3A_156 : i32
      %swap3A = arith.index_cast %select_n3A : i32 to index
      %swap3A_158 = arith.index_cast %mul3A_157 : i32 to index
      %swap3A_159 = tpu.vector_load %arg13[%swap3A, %swap3A_158] {strides = array<i32>} : memref<316x64xf32, #tpu.memory_space<vmem>>, vector<1x16xf32>,
      %swap3A_160 = vector.shape_cast %swap3A_159 : vector<1x16xf32> to vector<16xf32>
      %swap3A_161 = vector.shape_cast %broadcast_in_dim3A_125 : vector<16xf32> to vector<1x16xf32>
      tpu.vector_store %arg13[%swap3A, %swap3A_158], %swap3A_161 {strides = array<i32>} : memref<316x64xf32, #tpu.memory_space<vmem>>, vector<1x16xf32>,
      %scan3A_162 = arith.constant 0 : i32
      scf.yield %scan3A_162 : i32
    }
    %scan3A_6 = arith.constant 1264 : i32
    "tpu.region"() ({
      %run_scoped3A_123 = tpu.sem_alloc : memref<!tpu.dma_semaphore, #tpu.memory_space<semaphore_mem>>
      %dma_start3A_124 = arith.constant 0 : i32
      %dma_start3A_125 = arith.constant 0 : i32
      %dma_start3A_126 = tpu.memref_slice %arg4[%add3A, %dma_start3A_124, %dma_start3A_125] : memref<32x84x128xi32, #tpu.memory_space<hbm>> -> memref<1x84x128xi32, #tpu.memory_space<hbm>>
      %dma_start3A_127 = tpu.memref_squeeze %dma_start3A_126 : memref<1x84x128xi32, #tpu.memory_space<hbm>> -> memref<84x128xi32, #tpu.memory_space<hbm>>
      %dma_start3A_128 = arith.constant 0 : i32
      %dma_start3A_129 = arith.constant 0 : i32
      %dma_start3A_130 = tpu.memref_slice %arg4[%add3A, %dma_start3A_128, %dma_start3A_129] : memref<32x84x128xi32, #tpu.memory_space<hbm>> -> memref<1x84x128xi32, #tpu.memory_space<hbm>>
      %dma_start3A_131 = tpu.memref_squeeze %dma_start3A_130 : memref<1x84x128xi32, #tpu.memory_space<hbm>> -> memref<84x128xi32, #tpu.memory_space<hbm>>
      tpu.enqueue_dma source(%dma_start3A_131 : memref<84x128xi32, #tpu.memory_space<hbm>>) target(%arg8 : memref<84x128xi32, #tpu.memory_space<vmem>>) target_semaphore(%run_scoped3A_123 : memref<!tpu.dma_semaphore, #tpu.memory_space<semaphore_mem>>)
      %dma_wait3A_132 = arith.constant 0 : i32
      %dma_wait3A_133 = arith.constant 0 : i32
      %dma_wait3A_134 = tpu.memref_slice %arg4[%add3A, %dma_wait3A_132, %dma_wait3A_133] : memref<32x84x128xi32, #tpu.memory_space<hbm>> -> memref<1x84x128xi32, #tpu.memory_space<hbm>>
      %dma_wait3A_135 = tpu.memref_squeeze %dma_wait3A_134 : memref<1x84x128xi32, #tpu.memory_space<hbm>> -> memref<84x128xi32, #tpu.memory_space<hbm>>
      %dma_wait3A_136 = arith.constant 0 : i32
      %dma_wait3A_137 = arith.constant 0 : i32
      %dma_wait3A_138 = tpu.memref_slice %arg4[%add3A, %dma_wait3A_136, %dma_wait3A_137] : memref<32x84x128xi32, #tpu.memory_space<hbm>> -> memref<1x84x128xi32, #tpu.memory_space<hbm>>
      %dma_wait3A_139 = tpu.memref_squeeze %dma_wait3A_138 : memref<1x84x128xi32, #tpu.memory_space<hbm>> -> memref<84x128xi32, #tpu.memory_space<hbm>>
      tpu.wait_dma2 semaphore(%run_scoped3A_123 : memref<!tpu.dma_semaphore, #tpu.memory_space<semaphore_mem>>) src(%dma_wait3A_139 : memref<84x128xi32, #tpu.memory_space<hbm>>) dst(%arg8 : memref<84x128xi32, #tpu.memory_space<vmem>>)
      tpu.yield
    }) : () -> ()
    %mul3A_7 = arith.constant 632 : i32
    %mul3A_8 = arith.muli %arg1, %mul3A_7 : i32
    "tpu.region"() ({
      %run_scoped3A_123 = tpu.sem_alloc : memref<!tpu.dma_semaphore, #tpu.memory_space<semaphore_mem>>
      %dma_start3A_124 = arith.constant 0 : i32
      %dma_start3A_125 = tpu.memref_slice %arg14[%mul3A_8, %dma_start3A_124] : memref<10112x64xf32, #tpu.memory_space<vmem_shared>> -> memref<316x64xf32, #tpu.memory_space<vmem_shared>>
      %dma_start3A_126 = arith.constant 0 : i32
      %dma_start3A_127 = tpu.memref_slice %arg14[%mul3A_8, %dma_start3A_126] : memref<10112x64xf32, #tpu.memory_space<vmem_shared>> -> memref<316x64xf32, #tpu.memory_space<vmem_shared>>
      tpu.enqueue_dma source(%arg13 : memref<316x64xf32, #tpu.memory_space<vmem>>) target(%dma_start3A_127 : memref<316x64xf32, #tpu.memory_space<vmem_shared>>) target_semaphore(%run_scoped3A_123 : memref<!tpu.dma_semaphore, #tpu.memory_space<semaphore_mem>>)
      %dma_wait3A_128 = arith.constant 0 : i32
      %dma_wait3A_129 = tpu.memref_slice %arg14[%mul3A_8, %dma_wait3A_128] : memref<10112x64xf32, #tpu.memory_space<vmem_shared>> -> memref<316x64xf32, #tpu.memory_space<vmem_shared>>
      %dma_wait3A_130 = arith.constant 0 : i32
      %dma_wait3A_131 = tpu.memref_slice %arg14[%mul3A_8, %dma_wait3A_130] : memref<10112x64xf32, #tpu.memory_space<vmem_shared>> -> memref<316x64xf32, #tpu.memory_space<vmem_shared>>
      tpu.wait_dma2 semaphore(%run_scoped3A_123 : memref<!tpu.dma_semaphore, #tpu.memory_space<semaphore_mem>>) src(%arg13 : memref<316x64xf32, #tpu.memory_space<vmem>>) dst(%dma_wait3A_131 : memref<316x64xf32, #tpu.memory_space<vmem_shared>>)
      tpu.yield
    }) : () -> ()
    %mul3A_9 = arith.constant 632 : i32
    %mul3A_10 = arith.muli %arg1, %mul3A_9 : i32
    %add3A_11 = arith.constant 316 : i32
    %add3A_12 = arith.addi %mul3A_10, %add3A_11 : i32
    "tpu.region"() ({
      %run_scoped3A_123 = tpu.sem_alloc : memref<!tpu.dma_semaphore, #tpu.memory_space<semaphore_mem>>
      %dma_start3A_124 = arith.constant 0 : i32
      %dma_start3A_125 = tpu.memref_slice %arg14[%add3A_12, %dma_start3A_124] : memref<10112x64xf32, #tpu.memory_space<vmem_shared>> -> memref<316x64xf32, #tpu.memory_space<vmem_shared>>
      %dma_start3A_126 = arith.constant 0 : i32
      %dma_start3A_127 = tpu.memref_slice %arg14[%add3A_12, %dma_start3A_126] : memref<10112x64xf32, #tpu.memory_space<vmem_shared>> -> memref<316x64xf32, #tpu.memory_space<vmem_shared>>
      tpu.enqueue_dma source(%arg13 : memref<316x64xf32, #tpu.memory_space<vmem>>) target(%dma_start3A_127 : memref<316x64xf32, #tpu.memory_space<vmem_shared>>) target_semaphore(%run_scoped3A_123 : memref<!tpu.dma_semaphore, #tpu.memory_space<semaphore_mem>>)
      %dma_wait3A_128 = arith.constant 0 : i32
      %dma_wait3A_129 = tpu.memref_slice %arg14[%add3A_12, %dma_wait3A_128] : memref<10112x64xf32, #tpu.memory_space<vmem_shared>> -> memref<316x64xf32, #tpu.memory_space<vmem_shared>>
      %dma_wait3A_130 = arith.constant 0 : i32
      %dma_wait3A_131 = tpu.memref_slice %arg14[%add3A_12, %dma_wait3A_130] : memref<10112x64xf32, #tpu.memory_space<vmem_shared>> -> memref<316x64xf32, #tpu.memory_space<vmem_shared>>
      tpu.wait_dma2 semaphore(%run_scoped3A_123 : memref<!tpu.dma_semaphore, #tpu.memory_space<semaphore_mem>>) src(%arg13 : memref<316x64xf32, #tpu.memory_space<vmem>>) dst(%dma_wait3A_131 : memref<316x64xf32, #tpu.memory_space<vmem_shared>>)
      tpu.yield
    }) : () -> ()
    "tpu.region"() ({
      %run_scoped3A_123 = tpu.sem_alloc : memref<!tpu.dma_semaphore, #tpu.memory_space<semaphore_mem>>
      %dma_start3A_124 = arith.constant 0 : i32
      %dma_start3A_125 = arith.constant 0 : i32
      %dma_start3A_126 = tpu.memref_slice %arg2[%add3A, %dma_start3A_124, %dma_start3A_125] : memref<32x84x128xi32, #tpu.memory_space<hbm>> -> memref<1x84x128xi32, #tpu.memory_space<hbm>>
      %dma_start3A_127 = tpu.memref_squeeze %dma_start3A_126 : memref<1x84x128xi32, #tpu.memory_space<hbm>> -> memref<84x128xi32, #tpu.memory_space<hbm>>
      %dma_start3A_128 = arith.constant 0 : i32
      %dma_start3A_129 = arith.constant 0 : i32
      %dma_start3A_130 = tpu.memref_slice %arg2[%add3A, %dma_start3A_128, %dma_start3A_129] : memref<32x84x128xi32, #tpu.memory_space<hbm>> -> memref<1x84x128xi32, #tpu.memory_space<hbm>>
      %dma_start3A_131 = tpu.memref_squeeze %dma_start3A_130 : memref<1x84x128xi32, #tpu.memory_space<hbm>> -> memref<84x128xi32, #tpu.memory_space<hbm>>
      tpu.enqueue_dma source(%dma_start3A_131 : memref<84x128xi32, #tpu.memory_space<hbm>>) target(%arg7 : memref<84x128xi32, #tpu.memory_space<vmem>>) target_semaphore(%run_scoped3A_123 : memref<!tpu.dma_semaphore, #tpu.memory_space<semaphore_mem>>)
      %dma_wait3A_132 = arith.constant 0 : i32
      %dma_wait3A_133 = arith.constant 0 : i32
      %dma_wait3A_134 = tpu.memref_slice %arg2[%add3A, %dma_wait3A_132, %dma_wait3A_133] : memref<32x84x128xi32, #tpu.memory_space<hbm>> -> memref<1x84x128xi32, #tpu.memory_space<hbm>>
      %dma_wait3A_135 = tpu.memref_squeeze %dma_wait3A_134 : memref<1x84x128xi32, #tpu.memory_space<hbm>> -> memref<84x128xi32, #tpu.memory_space<hbm>>
      %dma_wait3A_136 = arith.constant 0 : i32
      %dma_wait3A_137 = arith.constant 0 : i32
      %dma_wait3A_138 = tpu.memref_slice %arg2[%add3A, %dma_wait3A_136, %dma_wait3A_137] : memref<32x84x128xi32, #tpu.memory_space<hbm>> -> memref<1x84x128xi32, #tpu.memory_space<hbm>>
      %dma_wait3A_139 = tpu.memref_squeeze %dma_wait3A_138 : memref<1x84x128xi32, #tpu.memory_space<hbm>> -> memref<84x128xi32, #tpu.memory_space<hbm>>
      tpu.wait_dma2 semaphore(%run_scoped3A_123 : memref<!tpu.dma_semaphore, #tpu.memory_space<semaphore_mem>>) src(%dma_wait3A_139 : memref<84x128xi32, #tpu.memory_space<hbm>>) dst(%arg7 : memref<84x128xi32, #tpu.memory_space<vmem>>)
      tpu.yield
    }) : () -> ()
    %barrier3A = arith.constant 0 : index
    tpu.barrier barrier_id(%barrier3A)
    %dma_start3A = arith.constant 0 : i32
    %dma_start3A_13 = arith.constant 0 : i32
    %dma_start3A_14 = tpu.memref_slice %arg7[%dma_start3A, %dma_start3A_13] : memref<84x128xi32, #tpu.memory_space<vmem>> -> memref<1x128xi32, #tpu.memory_space<vmem>>
    %dma_start3A_15 = tpu.memref_squeeze %dma_start3A_14 : memref<1x128xi32, #tpu.memory_space<vmem>> -> memref<128xi32, #tpu.memory_space<vmem>>
    %dma_start3A_16 = arith.constant 0 : i32
    %dma_start3A_17 = arith.constant 0 : i32
    %dma_start3A_18 = tpu.memref_slice %arg5[%dma_start3A_16, %dma_start3A_17] : memref<20224x64xf32, #tpu.memory_space<hbm>> -> memref<20224x64xf32, #tpu.memory_space<hbm>>
    tpu.enqueue_indirect_dma source(%dma_start3A_18 : memref<20224x64xf32, #tpu.memory_space<hbm>>) target(%arg9 : memref<128x64xf32, #tpu.memory_space<vmem>>) offsets(%dma_start3A_15 : memref<128xi32, #tpu.memory_space<vmem>>) semaphore(%arg15 : memref<!tpu.dma_semaphore, #tpu.memory_space<semaphore_mem>>)
    %dma_start3A_19 = arith.constant 1 : i32
    %dma_start3A_20 = arith.constant 0 : i32
    %dma_start3A_21 = tpu.memref_slice %arg7[%dma_start3A_19, %dma_start3A_20] : memref<84x128xi32, #tpu.memory_space<vmem>> -> memref<1x128xi32, #tpu.memory_space<vmem>>
    %dma_start3A_22 = tpu.memref_squeeze %dma_start3A_21 : memref<1x128xi32, #tpu.memory_space<vmem>> -> memref<128xi32, #tpu.memory_space<vmem>>
    %dma_start3A_23 = arith.constant 0 : i32
    %dma_start3A_24 = arith.constant 0 : i32
    %dma_start3A_25 = tpu.memref_slice %arg5[%dma_start3A_23, %dma_start3A_24] : memref<20224x64xf32, #tpu.memory_space<hbm>> -> memref<20224x64xf32, #tpu.memory_space<hbm>>
    tpu.enqueue_indirect_dma source(%dma_start3A_25 : memref<20224x64xf32, #tpu.memory_space<hbm>>) target(%arg10 : memref<128x64xf32, #tpu.memory_space<vmem>>) offsets(%dma_start3A_22 : memref<128xi32, #tpu.memory_space<vmem>>) semaphore(%arg16 : memref<!tpu.dma_semaphore, #tpu.memory_space<semaphore_mem>>)
    %scan3A_26 = arith.constant 0 : i32
    %scan3A_27 = arith.constant 21 : i32
    %scan3A_28 = arith.addi %scan3A_26, %scan3A_27 : i32
    %scan3A_29 = arith.constant 1 : i32
    scf.for %scan3A_123 = %scan3A_26 to %scan3A_28 step %scan3A_29  : i32 {
      %mul3A_124 = arith.constant 4 : i32
      %mul3A_125 = arith.muli %scan3A_123, %mul3A_124 : i32
      %add3A_126 = arith.constant 0 : i32
      %add3A_127 = arith.addi %add3A_126, %mul3A_125 : i32
      %add3A_128 = arith.constant 0 : i32
      %add3A_129 = arith.addi %add3A_127, %add3A_128 : i32
      %dma_wait3A_130 = arith.constant 0 : i32
      %dma_wait3A_131 = tpu.memref_slice %arg7[%add3A_129, %dma_wait3A_130] : memref<84x128xi32, #tpu.memory_space<vmem>> -> memref<1x128xi32, #tpu.memory_space<vmem>>
      %dma_wait3A_132 = tpu.memref_squeeze %dma_wait3A_131 : memref<1x128xi32, #tpu.memory_space<vmem>> -> memref<128xi32, #tpu.memory_space<vmem>>
      %dma_wait3A_133 = arith.constant 0 : i32
      %dma_wait3A_134 = arith.constant 0 : i32
      %dma_wait3A_135 = tpu.memref_slice %arg5[%dma_wait3A_133, %dma_wait3A_134] : memref<20224x64xf32, #tpu.memory_space<hbm>> -> memref<20224x64xf32, #tpu.memory_space<hbm>>
      tpu.wait_indirect_dma semaphore(%arg15 : memref<!tpu.dma_semaphore, #tpu.memory_space<semaphore_mem>>) src(%dma_wait3A_135 : memref<20224x64xf32, #tpu.memory_space<hbm>>) dst(%arg9 : memref<128x64xf32, #tpu.memory_space<vmem>>)
      %dma_start3A_136 = arith.constant 0 : i32
      %dma_start3A_137 = tpu.memref_slice %arg8[%add3A_129, %dma_start3A_136] : memref<84x128xi32, #tpu.memory_space<vmem>> -> memref<1x128xi32, #tpu.memory_space<vmem>>
      %dma_start3A_138 = tpu.memref_squeeze %dma_start3A_137 : memref<1x128xi32, #tpu.memory_space<vmem>> -> memref<128xi32, #tpu.memory_space<vmem>>
      %dma_start3A_139 = arith.constant 0 : i32
      %dma_start3A_140 = arith.constant 0 : i32
      %dma_start3A_141 = tpu.memref_slice %arg14[%dma_start3A_139, %dma_start3A_140] : memref<10112x64xf32, #tpu.memory_space<vmem_shared>> -> memref<10112x64xf32, #tpu.memory_space<vmem_shared>>
      tpu.enqueue_indirect_dma source(%arg9 : memref<128x64xf32, #tpu.memory_space<vmem>>) target(%dma_start3A_141 : memref<10112x64xf32, #tpu.memory_space<vmem_shared>>) offsets(%dma_start3A_138 : memref<128xi32, #tpu.memory_space<vmem>>) semaphore(%arg19 : memref<!tpu.dma_semaphore, #tpu.memory_space<semaphore_mem>>) {add = true}
      %ge3A = arith.constant 2 : i32
      %ge3A_142 = arith.cmpi sge, %add3A_129, %ge3A : i32
      %add3A_143 = arith.constant 2 : i32
      %add3A_144 = arith.addi %add3A_129, %add3A_143 : i32
      %lt3A = arith.constant 84 : i32
      %lt3A_145 = arith.cmpi slt, %add3A_144, %lt3A : i32
      %and3A = arith.andi %ge3A_142, %lt3A_145 : i1
      %convert_element_type3A = arith.extui %and3A : i1 to i32
      %cond3A = arith.constant 0 : i32
      %cond3A_146 = arith.cmpi ne, %convert_element_type3A, %cond3A : i32
      scf.if %cond3A_146 {
        %dma_wait3A_247 = arith.constant 0 : i32
        %dma_wait3A_248 = tpu.memref_slice %arg8[%add3A_129, %dma_wait3A_247] : memref<84x128xi32, #tpu.memory_space<vmem>> -> memref<1x128xi32, #tpu.memory_space<vmem>>
        %dma_wait3A_249 = tpu.memref_squeeze %dma_wait3A_248 : memref<1x128xi32, #tpu.memory_space<vmem>> -> memref<128xi32, #tpu.memory_space<vmem>>
        %dma_wait3A_250 = arith.constant 0 : i32
        %dma_wait3A_251 = arith.constant 0 : i32
        %dma_wait3A_252 = tpu.memref_slice %arg14[%dma_wait3A_250, %dma_wait3A_251] : memref<10112x64xf32, #tpu.memory_space<vmem_shared>> -> memref<10112x64xf32, #tpu.memory_space<vmem_shared>>
        tpu.wait_indirect_dma semaphore(%arg21 : memref<!tpu.dma_semaphore, #tpu.memory_space<semaphore_mem>>) src(%arg11 : memref<128x64xf32, #tpu.memory_space<vmem>>) dst(%dma_wait3A_252 : memref<10112x64xf32, #tpu.memory_space<vmem_shared>>)
      } else {
      }
      %add3A_147 = arith.constant 2 : i32
      %add3A_148 = arith.addi %add3A_129, %add3A_147 : i32
      %lt3A_149 = arith.constant 84 : i32
      %lt3A_150 = arith.cmpi slt, %add3A_148, %lt3A_149 : i32
      %convert_element_type3A_151 = arith.extui %lt3A_150 : i1 to i32
      %cond3A_152 = arith.constant 0 : i32
      %cond3A_153 = arith.cmpi ne, %convert_element_type3A_151, %cond3A_152 : i32
      scf.if %cond3A_153 {
        %add3A_247 = arith.constant 2 : i32
        %add3A_248 = arith.addi %add3A_129, %add3A_247 : i32
        %dma_start3A_249 = arith.constant 0 : i32
        %dma_start3A_250 = tpu.memref_slice %arg7[%add3A_248, %dma_start3A_249] : memref<84x128xi32, #tpu.memory_space<vmem>> -> memref<1x128xi32, #tpu.memory_space<vmem>>
        %dma_start3A_251 = tpu.memref_squeeze %dma_start3A_250 : memref<1x128xi32, #tpu.memory_space<vmem>> -> memref<128xi32, #tpu.memory_space<vmem>>
        %dma_start3A_252 = arith.constant 0 : i32
        %dma_start3A_253 = arith.constant 0 : i32
        %dma_start3A_254 = tpu.memref_slice %arg5[%dma_start3A_252, %dma_start3A_253] : memref<20224x64xf32, #tpu.memory_space<hbm>> -> memref<20224x64xf32, #tpu.memory_space<hbm>>
        tpu.enqueue_indirect_dma source(%dma_start3A_254 : memref<20224x64xf32, #tpu.memory_space<hbm>>) target(%arg11 : memref<128x64xf32, #tpu.memory_space<vmem>>) offsets(%dma_start3A_251 : memref<128xi32, #tpu.memory_space<vmem>>) semaphore(%arg17 : memref<!tpu.dma_semaphore, #tpu.memory_space<semaphore_mem>>)
      } else {
      }
      %add3A_154 = arith.constant 1 : i32
      %add3A_155 = arith.addi %add3A_127, %add3A_154 : i32
      %dma_wait3A_156 = arith.constant 0 : i32
      %dma_wait3A_157 = tpu.memref_slice %arg7[%add3A_155, %dma_wait3A_156] : memref<84x128xi32, #tpu.memory_space<vmem>> -> memref<1x128xi32, #tpu.memory_space<vmem>>
      %dma_wait3A_158 = tpu.memref_squeeze %dma_wait3A_157 : memref<1x128xi32, #tpu.memory_space<vmem>> -> memref<128xi32, #tpu.memory_space<vmem>>
      %dma_wait3A_159 = arith.constant 0 : i32
      %dma_wait3A_160 = arith.constant 0 : i32
      %dma_wait3A_161 = tpu.memref_slice %arg5[%dma_wait3A_159, %dma_wait3A_160] : memref<20224x64xf32, #tpu.memory_space<hbm>> -> memref<20224x64xf32, #tpu.memory_space<hbm>>
      tpu.wait_indirect_dma semaphore(%arg16 : memref<!tpu.dma_semaphore, #tpu.memory_space<semaphore_mem>>) src(%dma_wait3A_161 : memref<20224x64xf32, #tpu.memory_space<hbm>>) dst(%arg10 : memref<128x64xf32, #tpu.memory_space<vmem>>)
      %dma_start3A_162 = arith.constant 0 : i32
      %dma_start3A_163 = tpu.memref_slice %arg8[%add3A_155, %dma_start3A_162] : memref<84x128xi32, #tpu.memory_space<vmem>> -> memref<1x128xi32, #tpu.memory_space<vmem>>
      %dma_start3A_164 = tpu.memref_squeeze %dma_start3A_163 : memref<1x128xi32, #tpu.memory_space<vmem>> -> memref<128xi32, #tpu.memory_space<vmem>>
      %dma_start3A_165 = arith.constant 0 : i32
      %dma_start3A_166 = arith.constant 0 : i32
      %dma_start3A_167 = tpu.memref_slice %arg14[%dma_start3A_165, %dma_start3A_166] : memref<10112x64xf32, #tpu.memory_space<vmem_shared>> -> memref<10112x64xf32, #tpu.memory_space<vmem_shared>>
      tpu.enqueue_indirect_dma source(%arg10 : memref<128x64xf32, #tpu.memory_space<vmem>>) target(%dma_start3A_167 : memref<10112x64xf32, #tpu.memory_space<vmem_shared>>) offsets(%dma_start3A_164 : memref<128xi32, #tpu.memory_space<vmem>>) semaphore(%arg20 : memref<!tpu.dma_semaphore, #tpu.memory_space<semaphore_mem>>) {add = true}
      %ge3A_168 = arith.constant 2 : i32
      %ge3A_169 = arith.cmpi sge, %add3A_155, %ge3A_168 : i32
      %add3A_170 = arith.constant 2 : i32
      %add3A_171 = arith.addi %add3A_155, %add3A_170 : i32
      %lt3A_172 = arith.constant 84 : i32
      %lt3A_173 = arith.cmpi slt, %add3A_171, %lt3A_172 : i32
      %and3A_174 = arith.andi %ge3A_169, %lt3A_173 : i1
      %convert_element_type3A_175 = arith.extui %and3A_174 : i1 to i32
      %cond3A_176 = arith.constant 0 : i32
      %cond3A_177 = arith.cmpi ne, %convert_element_type3A_175, %cond3A_176 : i32
      scf.if %cond3A_177 {
        %dma_wait3A_247 = arith.constant 0 : i32
        %dma_wait3A_248 = tpu.memref_slice %arg8[%add3A_155, %dma_wait3A_247] : memref<84x128xi32, #tpu.memory_space<vmem>> -> memref<1x128xi32, #tpu.memory_space<vmem>>
        %dma_wait3A_249 = tpu.memref_squeeze %dma_wait3A_248 : memref<1x128xi32, #tpu.memory_space<vmem>> -> memref<128xi32, #tpu.memory_space<vmem>>
        %dma_wait3A_250 = arith.constant 0 : i32
        %dma_wait3A_251 = arith.constant 0 : i32
        %dma_wait3A_252 = tpu.memref_slice %arg14[%dma_wait3A_250, %dma_wait3A_251] : memref<10112x64xf32, #tpu.memory_space<vmem_shared>> -> memref<10112x64xf32, #tpu.memory_space<vmem_shared>>
        tpu.wait_indirect_dma semaphore(%arg22 : memref<!tpu.dma_semaphore, #tpu.memory_space<semaphore_mem>>) src(%arg12 : memref<128x64xf32, #tpu.memory_space<vmem>>) dst(%dma_wait3A_252 : memref<10112x64xf32, #tpu.memory_space<vmem_shared>>)
      } else {
      }
      %add3A_178 = arith.constant 2 : i32
      %add3A_179 = arith.addi %add3A_155, %add3A_178 : i32
      %lt3A_180 = arith.constant 84 : i32
      %lt3A_181 = arith.cmpi slt, %add3A_179, %lt3A_180 : i32
      %convert_element_type3A_182 = arith.extui %lt3A_181 : i1 to i32
      %cond3A_183 = arith.constant 0 : i32
      %cond3A_184 = arith.cmpi ne, %convert_element_type3A_182, %cond3A_183 : i32
      scf.if %cond3A_184 {
        %add3A_247 = arith.constant 2 : i32
        %add3A_248 = arith.addi %add3A_155, %add3A_247 : i32
        %dma_start3A_249 = arith.constant 0 : i32
        %dma_start3A_250 = tpu.memref_slice %arg7[%add3A_248, %dma_start3A_249] : memref<84x128xi32, #tpu.memory_space<vmem>> -> memref<1x128xi32, #tpu.memory_space<vmem>>
        %dma_start3A_251 = tpu.memref_squeeze %dma_start3A_250 : memref<1x128xi32, #tpu.memory_space<vmem>> -> memref<128xi32, #tpu.memory_space<vmem>>
        %dma_start3A_252 = arith.constant 0 : i32
        %dma_start3A_253 = arith.constant 0 : i32
        %dma_start3A_254 = tpu.memref_slice %arg5[%dma_start3A_252, %dma_start3A_253] : memref<20224x64xf32, #tpu.memory_space<hbm>> -> memref<20224x64xf32, #tpu.memory_space<hbm>>
        tpu.enqueue_indirect_dma source(%dma_start3A_254 : memref<20224x64xf32, #tpu.memory_space<hbm>>) target(%arg12 : memref<128x64xf32, #tpu.memory_space<vmem>>) offsets(%dma_start3A_251 : memref<128xi32, #tpu.memory_space<vmem>>) semaphore(%arg18 : memref<!tpu.dma_semaphore, #tpu.memory_space<semaphore_mem>>)
      } else {
      }
      %add3A_185 = arith.constant 2 : i32
      %add3A_186 = arith.addi %add3A_127, %add3A_185 : i32
      %dma_wait3A_187 = arith.constant 0 : i32
      %dma_wait3A_188 = tpu.memref_slice %arg7[%add3A_186, %dma_wait3A_187] : memref<84x128xi32, #tpu.memory_space<vmem>> -> memref<1x128xi32, #tpu.memory_space<vmem>>
      %dma_wait3A_189 = tpu.memref_squeeze %dma_wait3A_188 : memref<1x128xi32, #tpu.memory_space<vmem>> -> memref<128xi32, #tpu.memory_space<vmem>>
      %dma_wait3A_190 = arith.constant 0 : i32
      %dma_wait3A_191 = arith.constant 0 : i32
      %dma_wait3A_192 = tpu.memref_slice %arg5[%dma_wait3A_190, %dma_wait3A_191] : memref<20224x64xf32, #tpu.memory_space<hbm>> -> memref<20224x64xf32, #tpu.memory_space<hbm>>
      tpu.wait_indirect_dma semaphore(%arg17 : memref<!tpu.dma_semaphore, #tpu.memory_space<semaphore_mem>>) src(%dma_wait3A_192 : memref<20224x64xf32, #tpu.memory_space<hbm>>) dst(%arg11 : memref<128x64xf32, #tpu.memory_space<vmem>>)
      %dma_start3A_193 = arith.constant 0 : i32
      %dma_start3A_194 = tpu.memref_slice %arg8[%add3A_186, %dma_start3A_193] : memref<84x128xi32, #tpu.memory_space<vmem>> -> memref<1x128xi32, #tpu.memory_space<vmem>>
      %dma_start3A_195 = tpu.memref_squeeze %dma_start3A_194 : memref<1x128xi32, #tpu.memory_space<vmem>> -> memref<128xi32, #tpu.memory_space<vmem>>
      %dma_start3A_196 = arith.constant 0 : i32
      %dma_start3A_197 = arith.constant 0 : i32
      %dma_start3A_198 = tpu.memref_slice %arg14[%dma_start3A_196, %dma_start3A_197] : memref<10112x64xf32, #tpu.memory_space<vmem_shared>> -> memref<10112x64xf32, #tpu.memory_space<vmem_shared>>
      tpu.enqueue_indirect_dma source(%arg11 : memref<128x64xf32, #tpu.memory_space<vmem>>) target(%dma_start3A_198 : memref<10112x64xf32, #tpu.memory_space<vmem_shared>>) offsets(%dma_start3A_195 : memref<128xi32, #tpu.memory_space<vmem>>) semaphore(%arg21 : memref<!tpu.dma_semaphore, #tpu.memory_space<semaphore_mem>>) {add = true}
      %ge3A_199 = arith.constant 2 : i32
      %ge3A_200 = arith.cmpi sge, %add3A_186, %ge3A_199 : i32
      %add3A_201 = arith.constant 2 : i32
      %add3A_202 = arith.addi %add3A_186, %add3A_201 : i32
      %lt3A_203 = arith.constant 84 : i32
      %lt3A_204 = arith.cmpi slt, %add3A_202, %lt3A_203 : i32
      %and3A_205 = arith.andi %ge3A_200, %lt3A_204 : i1
      %convert_element_type3A_206 = arith.extui %and3A_205 : i1 to i32
      %cond3A_207 = arith.constant 0 : i32
      %cond3A_208 = arith.cmpi ne, %convert_element_type3A_206, %cond3A_207 : i32
      scf.if %cond3A_208 {
        %dma_wait3A_247 = arith.constant 0 : i32
        %dma_wait3A_248 = tpu.memref_slice %arg8[%add3A_186, %dma_wait3A_247] : memref<84x128xi32, #tpu.memory_space<vmem>> -> memref<1x128xi32, #tpu.memory_space<vmem>>
        %dma_wait3A_249 = tpu.memref_squeeze %dma_wait3A_248 : memref<1x128xi32, #tpu.memory_space<vmem>> -> memref<128xi32, #tpu.memory_space<vmem>>
        %dma_wait3A_250 = arith.constant 0 : i32
        %dma_wait3A_251 = arith.constant 0 : i32
        %dma_wait3A_252 = tpu.memref_slice %arg14[%dma_wait3A_250, %dma_wait3A_251] : memref<10112x64xf32, #tpu.memory_space<vmem_shared>> -> memref<10112x64xf32, #tpu.memory_space<vmem_shared>>
        tpu.wait_indirect_dma semaphore(%arg19 : memref<!tpu.dma_semaphore, #tpu.memory_space<semaphore_mem>>) src(%arg9 : memref<128x64xf32, #tpu.memory_space<vmem>>) dst(%dma_wait3A_252 : memref<10112x64xf32, #tpu.memory_space<vmem_shared>>)
      } else {
      }
      %add3A_209 = arith.constant 2 : i32
      %add3A_210 = arith.addi %add3A_186, %add3A_209 : i32
      %lt3A_211 = arith.constant 84 : i32
      %lt3A_212 = arith.cmpi slt, %add3A_210, %lt3A_211 : i32
      %convert_element_type3A_213 = arith.extui %lt3A_212 : i1 to i32
      %cond3A_214 = arith.constant 0 : i32
      %cond3A_215 = arith.cmpi ne, %convert_element_type3A_213, %cond3A_214 : i32
      scf.if %cond3A_215 {
        %add3A_247 = arith.constant 2 : i32
        %add3A_248 = arith.addi %add3A_186, %add3A_247 : i32
        %dma_start3A_249 = arith.constant 0 : i32
        %dma_start3A_250 = tpu.memref_slice %arg7[%add3A_248, %dma_start3A_249] : memref<84x128xi32, #tpu.memory_space<vmem>> -> memref<1x128xi32, #tpu.memory_space<vmem>>
        %dma_start3A_251 = tpu.memref_squeeze %dma_start3A_250 : memref<1x128xi32, #tpu.memory_space<vmem>> -> memref<128xi32, #tpu.memory_space<vmem>>
        %dma_start3A_252 = arith.constant 0 : i32
        %dma_start3A_253 = arith.constant 0 : i32
        %dma_start3A_254 = tpu.memref_slice %arg5[%dma_start3A_252, %dma_start3A_253] : memref<20224x64xf32, #tpu.memory_space<hbm>> -> memref<20224x64xf32, #tpu.memory_space<hbm>>
        tpu.enqueue_indirect_dma source(%dma_start3A_254 : memref<20224x64xf32, #tpu.memory_space<hbm>>) target(%arg9 : memref<128x64xf32, #tpu.memory_space<vmem>>) offsets(%dma_start3A_251 : memref<128xi32, #tpu.memory_space<vmem>>) semaphore(%arg15 : memref<!tpu.dma_semaphore, #tpu.memory_space<semaphore_mem>>)
      } else {
      }
      %add3A_216 = arith.constant 3 : i32
      %add3A_217 = arith.addi %add3A_127, %add3A_216 : i32
      %dma_wait3A_218 = arith.constant 0 : i32
      %dma_wait3A_219 = tpu.memref_slice %arg7[%add3A_217, %dma_wait3A_218] : memref<84x128xi32, #tpu.memory_space<vmem>> -> memref<1x128xi32, #tpu.memory_space<vmem>>
      %dma_wait3A_220 = tpu.memref_squeeze %dma_wait3A_219 : memref<1x128xi32, #tpu.memory_space<vmem>> -> memref<128xi32, #tpu.memory_space<vmem>>
      %dma_wait3A_221 = arith.constant 0 : i32
      %dma_wait3A_222 = arith.constant 0 : i32
      %dma_wait3A_223 = tpu.memref_slice %arg5[%dma_wait3A_221, %dma_wait3A_222] : memref<20224x64xf32, #tpu.memory_space<hbm>> -> memref<20224x64xf32, #tpu.memory_space<hbm>>
      tpu.wait_indirect_dma semaphore(%arg18 : memref<!tpu.dma_semaphore, #tpu.memory_space<semaphore_mem>>) src(%dma_wait3A_223 : memref<20224x64xf32, #tpu.memory_space<hbm>>) dst(%arg12 : memref<128x64xf32, #tpu.memory_space<vmem>>)
      %dma_start3A_224 = arith.constant 0 : i32
      %dma_start3A_225 = tpu.memref_slice %arg8[%add3A_217, %dma_start3A_224] : memref<84x128xi32, #tpu.memory_space<vmem>> -> memref<1x128xi32, #tpu.memory_space<vmem>>
      %dma_start3A_226 = tpu.memref_squeeze %dma_start3A_225 : memref<1x128xi32, #tpu.memory_space<vmem>> -> memref<128xi32, #tpu.memory_space<vmem>>
      %dma_start3A_227 = arith.constant 0 : i32
      %dma_start3A_228 = arith.constant 0 : i32
      %dma_start3A_229 = tpu.memref_slice %arg14[%dma_start3A_227, %dma_start3A_228] : memref<10112x64xf32, #tpu.memory_space<vmem_shared>> -> memref<10112x64xf32, #tpu.memory_space<vmem_shared>>
      tpu.enqueue_indirect_dma source(%arg12 : memref<128x64xf32, #tpu.memory_space<vmem>>) target(%dma_start3A_229 : memref<10112x64xf32, #tpu.memory_space<vmem_shared>>) offsets(%dma_start3A_226 : memref<128xi32, #tpu.memory_space<vmem>>) semaphore(%arg22 : memref<!tpu.dma_semaphore, #tpu.memory_space<semaphore_mem>>) {add = true}
      %ge3A_230 = arith.constant 2 : i32
      %ge3A_231 = arith.cmpi sge, %add3A_217, %ge3A_230 : i32
      %add3A_232 = arith.constant 2 : i32
      %add3A_233 = arith.addi %add3A_217, %add3A_232 : i32
      %lt3A_234 = arith.constant 84 : i32
      %lt3A_235 = arith.cmpi slt, %add3A_233, %lt3A_234 : i32
      %and3A_236 = arith.andi %ge3A_231, %lt3A_235 : i1
      %convert_element_type3A_237 = arith.extui %and3A_236 : i1 to i32
      %cond3A_238 = arith.constant 0 : i32
      %cond3A_239 = arith.cmpi ne, %convert_element_type3A_237, %cond3A_238 : i32
      scf.if %cond3A_239 {
        %dma_wait3A_247 = arith.constant 0 : i32
        %dma_wait3A_248 = tpu.memref_slice %arg8[%add3A_217, %dma_wait3A_247] : memref<84x128xi32, #tpu.memory_space<vmem>> -> memref<1x128xi32, #tpu.memory_space<vmem>>
        %dma_wait3A_249 = tpu.memref_squeeze %dma_wait3A_248 : memref<1x128xi32, #tpu.memory_space<vmem>> -> memref<128xi32, #tpu.memory_space<vmem>>
        %dma_wait3A_250 = arith.constant 0 : i32
        %dma_wait3A_251 = arith.constant 0 : i32
        %dma_wait3A_252 = tpu.memref_slice %arg14[%dma_wait3A_250, %dma_wait3A_251] : memref<10112x64xf32, #tpu.memory_space<vmem_shared>> -> memref<10112x64xf32, #tpu.memory_space<vmem_shared>>
        tpu.wait_indirect_dma semaphore(%arg20 : memref<!tpu.dma_semaphore, #tpu.memory_space<semaphore_mem>>) src(%arg10 : memref<128x64xf32, #tpu.memory_space<vmem>>) dst(%dma_wait3A_252 : memref<10112x64xf32, #tpu.memory_space<vmem_shared>>)
      } else {
      }
      %add3A_240 = arith.constant 2 : i32
      %add3A_241 = arith.addi %add3A_217, %add3A_240 : i32
      %lt3A_242 = arith.constant 84 : i32
      %lt3A_243 = arith.cmpi slt, %add3A_241, %lt3A_242 : i32
      %convert_element_type3A_244 = arith.extui %lt3A_243 : i1 to i32
      %cond3A_245 = arith.constant 0 : i32
      %cond3A_246 = arith.cmpi ne, %convert_element_type3A_244, %cond3A_245 : i32
      scf.if %cond3A_246 {
        %add3A_247 = arith.constant 2 : i32
        %add3A_248 = arith.addi %add3A_217, %add3A_247 : i32
        %dma_start3A_249 = arith.constant 0 : i32
        %dma_start3A_250 = tpu.memref_slice %arg7[%add3A_248, %dma_start3A_249] : memref<84x128xi32, #tpu.memory_space<vmem>> -> memref<1x128xi32, #tpu.memory_space<vmem>>
        %dma_start3A_251 = tpu.memref_squeeze %dma_start3A_250 : memref<1x128xi32, #tpu.memory_space<vmem>> -> memref<128xi32, #tpu.memory_space<vmem>>
        %dma_start3A_252 = arith.constant 0 : i32
        %dma_start3A_253 = arith.constant 0 : i32
        %dma_start3A_254 = tpu.memref_slice %arg5[%dma_start3A_252, %dma_start3A_253] : memref<20224x64xf32, #tpu.memory_space<hbm>> -> memref<20224x64xf32, #tpu.memory_space<hbm>>
        tpu.enqueue_indirect_dma source(%dma_start3A_254 : memref<20224x64xf32, #tpu.memory_space<hbm>>) target(%arg10 : memref<128x64xf32, #tpu.memory_space<vmem>>) offsets(%dma_start3A_251 : memref<128xi32, #tpu.memory_space<vmem>>) semaphore(%arg16 : memref<!tpu.dma_semaphore, #tpu.memory_space<semaphore_mem>>)
      } else {
      }
    }
    %scan3A_30 = arith.constant 21 : i32
    %dma_wait3A = arith.constant 0 : i32
    %dma_wait3A_31 = arith.constant 0 : i32
    %dma_wait3A_32 = tpu.memref_slice %arg8[%dma_wait3A, %dma_wait3A_31] : memref<84x128xi32, #tpu.memory_space<vmem>> -> memref<1x128xi32, #tpu.memory_space<vmem>>
    %dma_wait3A_33 = tpu.memref_squeeze %dma_wait3A_32 : memref<1x128xi32, #tpu.memory_space<vmem>> -> memref<128xi32, #tpu.memory_space<vmem>>
    %dma_wait3A_34 = arith.constant 0 : i32
    %dma_wait3A_35 = arith.constant 0 : i32
    %dma_wait3A_36 = tpu.memref_slice %arg14[%dma_wait3A_34, %dma_wait3A_35] : memref<10112x64xf32, #tpu.memory_space<vmem_shared>> -> memref<10112x64xf32, #tpu.memory_space<vmem_shared>>
    tpu.wait_indirect_dma semaphore(%arg19 : memref<!tpu.dma_semaphore, #tpu.memory_space<semaphore_mem>>) src(%arg9 : memref<128x64xf32, #tpu.memory_space<vmem>>) dst(%dma_wait3A_36 : memref<10112x64xf32, #tpu.memory_space<vmem_shared>>)
    %dma_wait3A_37 = arith.constant 0 : i32
    %dma_wait3A_38 = arith.constant 0 : i32
    %dma_wait3A_39 = tpu.memref_slice %arg8[%dma_wait3A_37, %dma_wait3A_38] : memref<84x128xi32, #tpu.memory_space<vmem>> -> memref<1x128xi32, #tpu.memory_space<vmem>>
    %dma_wait3A_40 = tpu.memref_squeeze %dma_wait3A_39 : memref<1x128xi32, #tpu.memory_space<vmem>> -> memref<128xi32, #tpu.memory_space<vmem>>
    %dma_wait3A_41 = arith.constant 0 : i32
    %dma_wait3A_42 = arith.constant 0 : i32
    %dma_wait3A_43 = tpu.memref_slice %arg14[%dma_wait3A_41, %dma_wait3A_42] : memref<10112x64xf32, #tpu.memory_space<vmem_shared>> -> memref<10112x64xf32, #tpu.memory_space<vmem_shared>>
    tpu.wait_indirect_dma semaphore(%arg20 : memref<!tpu.dma_semaphore, #tpu.memory_space<semaphore_mem>>) src(%arg10 : memref<128x64xf32, #tpu.memory_space<vmem>>) dst(%dma_wait3A_43 : memref<10112x64xf32, #tpu.memory_space<vmem_shared>>)
    %dma_wait3A_44 = arith.constant 0 : i32
    %dma_wait3A_45 = arith.constant 0 : i32
    %dma_wait3A_46 = tpu.memref_slice %arg8[%dma_wait3A_44, %dma_wait3A_45] : memref<84x128xi32, #tpu.memory_space<vmem>> -> memref<1x128xi32, #tpu.memory_space<vmem>>
    %dma_wait3A_47 = tpu.memref_squeeze %dma_wait3A_46 : memref<1x128xi32, #tpu.memory_space<vmem>> -> memref<128xi32, #tpu.memory_space<vmem>>
    %dma_wait3A_48 = arith.constant 0 : i32
    %dma_wait3A_49 = arith.constant 0 : i32
    %dma_wait3A_50 = tpu.memref_slice %arg14[%dma_wait3A_48, %dma_wait3A_49] : memref<10112x64xf32, #tpu.memory_space<vmem_shared>> -> memref<10112x64xf32, #tpu.memory_space<vmem_shared>>
    tpu.wait_indirect_dma semaphore(%arg21 : memref<!tpu.dma_semaphore, #tpu.memory_space<semaphore_mem>>) src(%arg11 : memref<128x64xf32, #tpu.memory_space<vmem>>) dst(%dma_wait3A_50 : memref<10112x64xf32, #tpu.memory_space<vmem_shared>>)
    %dma_wait3A_51 = arith.constant 0 : i32
    %dma_wait3A_52 = arith.constant 0 : i32
    %dma_wait3A_53 = tpu.memref_slice %arg8[%dma_wait3A_51, %dma_wait3A_52] : memref<84x128xi32, #tpu.memory_space<vmem>> -> memref<1x128xi32, #tpu.memory_space<vmem>>
    %dma_wait3A_54 = tpu.memref_squeeze %dma_wait3A_53 : memref<1x128xi32, #tpu.memory_space<vmem>> -> memref<128xi32, #tpu.memory_space<vmem>>
    %dma_wait3A_55 = arith.constant 0 : i32
    %dma_wait3A_56 = arith.constant 0 : i32
    %dma_wait3A_57 = tpu.memref_slice %arg14[%dma_wait3A_55, %dma_wait3A_56] : memref<10112x64xf32, #tpu.memory_space<vmem_shared>> -> memref<10112x64xf32, #tpu.memory_space<vmem_shared>>
    tpu.wait_indirect_dma semaphore(%arg22 : memref<!tpu.dma_semaphore, #tpu.memory_space<semaphore_mem>>) src(%arg12 : memref<128x64xf32, #tpu.memory_space<vmem>>) dst(%dma_wait3A_57 : memref<10112x64xf32, #tpu.memory_space<vmem_shared>>)
    %barrier3A_58 = arith.constant 0 : index
    tpu.barrier barrier_id(%barrier3A_58)
    %mul3A_59 = arith.constant 632 : i32
    %mul3A_60 = arith.muli %arg1, %mul3A_59 : i32
    %mul3A_61 = arith.constant 632 : i32
    %mul3A_62 = arith.muli %arg1, %mul3A_61 : i32
    %run_scoped3A = arith.constant 0 : i32
    "tpu.region"() ({
      %run_scoped3A_123 = tpu.sem_alloc : memref<!tpu.dma_semaphore, #tpu.memory_space<semaphore_mem>>
      %dma_start3A_124 = arith.constant 0 : i32
      %dma_start3A_125 = tpu.memref_slice %arg6[%arg0, %run_scoped3A, %mul3A_62, %dma_start3A_124] : memref<2x2x10112x64xf32, #tpu.memory_space<hbm>> -> memref<1x1x632x64xf32, #tpu.memory_space<hbm>>
      %dma_start3A_126 = tpu.memref_squeeze %dma_start3A_125 : memref<1x1x632x64xf32, #tpu.memory_space<hbm>> -> memref<632x64xf32, #tpu.memory_space<hbm>>
      %dma_start3A_127 = arith.constant 0 : i32
      %dma_start3A_128 = tpu.memref_slice %arg14[%mul3A_60, %dma_start3A_127] : memref<10112x64xf32, #tpu.memory_space<vmem_shared>> -> memref<632x64xf32, #tpu.memory_space<vmem_shared>>
      tpu.enqueue_dma source(%dma_start3A_128 : memref<632x64xf32, #tpu.memory_space<vmem_shared>>) target(%dma_start3A_126 : memref<632x64xf32, #tpu.memory_space<hbm>>) target_semaphore(%run_scoped3A_123 : memref<!tpu.dma_semaphore, #tpu.memory_space<semaphore_mem>>)
      %dma_wait3A_129 = arith.constant 0 : i32
      %dma_wait3A_130 = tpu.memref_slice %arg6[%arg0, %run_scoped3A, %mul3A_62, %dma_wait3A_129] : memref<2x2x10112x64xf32, #tpu.memory_space<hbm>> -> memref<1x1x632x64xf32, #tpu.memory_space<hbm>>
      %dma_wait3A_131 = tpu.memref_squeeze %dma_wait3A_130 : memref<1x1x632x64xf32, #tpu.memory_space<hbm>> -> memref<632x64xf32, #tpu.memory_space<hbm>>
      %dma_wait3A_132 = arith.constant 0 : i32
      %dma_wait3A_133 = tpu.memref_slice %arg14[%mul3A_60, %dma_wait3A_132] : memref<10112x64xf32, #tpu.memory_space<vmem_shared>> -> memref<632x64xf32, #tpu.memory_space<vmem_shared>>
      tpu.wait_dma2 semaphore(%run_scoped3A_123 : memref<!tpu.dma_semaphore, #tpu.memory_space<semaphore_mem>>) src(%dma_wait3A_133 : memref<632x64xf32, #tpu.memory_space<vmem_shared>>) dst(%dma_wait3A_131 : memref<632x64xf32, #tpu.memory_space<hbm>>)
      tpu.yield
    }) : () -> ()
    %mul3A_63 = arith.constant 632 : i32
    %mul3A_64 = arith.muli %arg1, %mul3A_63 : i32
    "tpu.region"() ({
      %run_scoped3A_123 = tpu.sem_alloc : memref<!tpu.dma_semaphore, #tpu.memory_space<semaphore_mem>>
      %dma_start3A_124 = arith.constant 0 : i32
      %dma_start3A_125 = tpu.memref_slice %arg14[%mul3A_64, %dma_start3A_124] : memref<10112x64xf32, #tpu.memory_space<vmem_shared>> -> memref<316x64xf32, #tpu.memory_space<vmem_shared>>
      %dma_start3A_126 = arith.constant 0 : i32
      %dma_start3A_127 = tpu.memref_slice %arg14[%mul3A_64, %dma_start3A_126] : memref<10112x64xf32, #tpu.memory_space<vmem_shared>> -> memref<316x64xf32, #tpu.memory_space<vmem_shared>>
      tpu.enqueue_dma source(%arg13 : memref<316x64xf32, #tpu.memory_space<vmem>>) target(%dma_start3A_127 : memref<316x64xf32, #tpu.memory_space<vmem_shared>>) target_semaphore(%run_scoped3A_123 : memref<!tpu.dma_semaphore, #tpu.memory_space<semaphore_mem>>)
      %dma_wait3A_128 = arith.constant 0 : i32
      %dma_wait3A_129 = tpu.memref_slice %arg14[%mul3A_64, %dma_wait3A_128] : memref<10112x64xf32, #tpu.memory_space<vmem_shared>> -> memref<316x64xf32, #tpu.memory_space<vmem_shared>>
      %dma_wait3A_130 = arith.constant 0 : i32
      %dma_wait3A_131 = tpu.memref_slice %arg14[%mul3A_64, %dma_wait3A_130] : memref<10112x64xf32, #tpu.memory_space<vmem_shared>> -> memref<316x64xf32, #tpu.memory_space<vmem_shared>>
      tpu.wait_dma2 semaphore(%run_scoped3A_123 : memref<!tpu.dma_semaphore, #tpu.memory_space<semaphore_mem>>) src(%arg13 : memref<316x64xf32, #tpu.memory_space<vmem>>) dst(%dma_wait3A_131 : memref<316x64xf32, #tpu.memory_space<vmem_shared>>)
      tpu.yield
    }) : () -> ()
    %mul3A_65 = arith.constant 632 : i32
    %mul3A_66 = arith.muli %arg1, %mul3A_65 : i32
    %add3A_67 = arith.constant 316 : i32
    %add3A_68 = arith.addi %mul3A_66, %add3A_67 : i32
    "tpu.region"() ({
      %run_scoped3A_123 = tpu.sem_alloc : memref<!tpu.dma_semaphore, #tpu.memory_space<semaphore_mem>>
      %dma_start3A_124 = arith.constant 0 : i32
      %dma_start3A_125 = tpu.memref_slice %arg14[%add3A_68, %dma_start3A_124] : memref<10112x64xf32, #tpu.memory_space<vmem_shared>> -> memref<316x64xf32, #tpu.memory_space<vmem_shared>>
      %dma_start3A_126 = arith.constant 0 : i32
      %dma_start3A_127 = tpu.memref_slice %arg14[%add3A_68, %dma_start3A_126] : memref<10112x64xf32, #tpu.memory_space<vmem_shared>> -> memref<316x64xf32, #tpu.memory_space<vmem_shared>>
      tpu.enqueue_dma source(%arg13 : memref<316x64xf32, #tpu.memory_space<vmem>>) target(%dma_start3A_127 : memref<316x64xf32, #tpu.memory_space<vmem_shared>>) target_semaphore(%run_scoped3A_123 : memref<!tpu.dma_semaphore, #tpu.memory_space<semaphore_mem>>)
      %dma_wait3A_128 = arith.constant 0 : i32
      %dma_wait3A_129 = tpu.memref_slice %arg14[%add3A_68, %dma_wait3A_128] : memref<10112x64xf32, #tpu.memory_space<vmem_shared>> -> memref<316x64xf32, #tpu.memory_space<vmem_shared>>
      %dma_wait3A_130 = arith.constant 0 : i32
      %dma_wait3A_131 = tpu.memref_slice %arg14[%add3A_68, %dma_wait3A_130] : memref<10112x64xf32, #tpu.memory_space<vmem_shared>> -> memref<316x64xf32, #tpu.memory_space<vmem_shared>>
      tpu.wait_dma2 semaphore(%run_scoped3A_123 : memref<!tpu.dma_semaphore, #tpu.memory_space<semaphore_mem>>) src(%arg13 : memref<316x64xf32, #tpu.memory_space<vmem>>) dst(%dma_wait3A_131 : memref<316x64xf32, #tpu.memory_space<vmem_shared>>)
      tpu.yield
    }) : () -> ()
    "tpu.region"() ({
      %run_scoped3A_123 = tpu.sem_alloc : memref<!tpu.dma_semaphore, #tpu.memory_space<semaphore_mem>>
      %dma_start3A_124 = arith.constant 0 : i32
      %dma_start3A_125 = arith.constant 0 : i32
      %dma_start3A_126 = tpu.memref_slice %arg3[%add3A, %dma_start3A_124, %dma_start3A_125] : memref<32x84x128xi32, #tpu.memory_space<hbm>> -> memref<1x84x128xi32, #tpu.memory_space<hbm>>
      %dma_start3A_127 = tpu.memref_squeeze %dma_start3A_126 : memref<1x84x128xi32, #tpu.memory_space<hbm>> -> memref<84x128xi32, #tpu.memory_space<hbm>>
      %dma_start3A_128 = arith.constant 0 : i32
      %dma_start3A_129 = arith.constant 0 : i32
      %dma_start3A_130 = tpu.memref_slice %arg3[%add3A, %dma_start3A_128, %dma_start3A_129] : memref<32x84x128xi32, #tpu.memory_space<hbm>> -> memref<1x84x128xi32, #tpu.memory_space<hbm>>
      %dma_start3A_131 = tpu.memref_squeeze %dma_start3A_130 : memref<1x84x128xi32, #tpu.memory_space<hbm>> -> memref<84x128xi32, #tpu.memory_space<hbm>>
      tpu.enqueue_dma source(%dma_start3A_131 : memref<84x128xi32, #tpu.memory_space<hbm>>) target(%arg7 : memref<84x128xi32, #tpu.memory_space<vmem>>) target_semaphore(%run_scoped3A_123 : memref<!tpu.dma_semaphore, #tpu.memory_space<semaphore_mem>>)
      %dma_wait3A_132 = arith.constant 0 : i32
      %dma_wait3A_133 = arith.constant 0 : i32
      %dma_wait3A_134 = tpu.memref_slice %arg3[%add3A, %dma_wait3A_132, %dma_wait3A_133] : memref<32x84x128xi32, #tpu.memory_space<hbm>> -> memref<1x84x128xi32, #tpu.memory_space<hbm>>
      %dma_wait3A_135 = tpu.memref_squeeze %dma_wait3A_134 : memref<1x84x128xi32, #tpu.memory_space<hbm>> -> memref<84x128xi32, #tpu.memory_space<hbm>>
      %dma_wait3A_136 = arith.constant 0 : i32
      %dma_wait3A_137 = arith.constant 0 : i32
      %dma_wait3A_138 = tpu.memref_slice %arg3[%add3A, %dma_wait3A_136, %dma_wait3A_137] : memref<32x84x128xi32, #tpu.memory_space<hbm>> -> memref<1x84x128xi32, #tpu.memory_space<hbm>>
      %dma_wait3A_139 = tpu.memref_squeeze %dma_wait3A_138 : memref<1x84x128xi32, #tpu.memory_space<hbm>> -> memref<84x128xi32, #tpu.memory_space<hbm>>
      tpu.wait_dma2 semaphore(%run_scoped3A_123 : memref<!tpu.dma_semaphore, #tpu.memory_space<semaphore_mem>>) src(%dma_wait3A_139 : memref<84x128xi32, #tpu.memory_space<hbm>>) dst(%arg7 : memref<84x128xi32, #tpu.memory_space<vmem>>)
      tpu.yield
    }) : () -> ()
    %barrier3A_69 = arith.constant 0 : index
    tpu.barrier barrier_id(%barrier3A_69)
    %dma_start3A_70 = arith.constant 0 : i32
    %dma_start3A_71 = arith.constant 0 : i32
    %dma_start3A_72 = tpu.memref_slice %arg7[%dma_start3A_70, %dma_start3A_71] : memref<84x128xi32, #tpu.memory_space<vmem>> -> memref<1x128xi32, #tpu.memory_space<vmem>>
    %dma_start3A_73 = tpu.memref_squeeze %dma_start3A_72 : memref<1x128xi32, #tpu.memory_space<vmem>> -> memref<128xi32, #tpu.memory_space<vmem>>
    %dma_start3A_74 = arith.constant 0 : i32
    %dma_start3A_75 = arith.constant 0 : i32
    %dma_start3A_76 = tpu.memref_slice %arg5[%dma_start3A_74, %dma_start3A_75] : memref<20224x64xf32, #tpu.memory_space<hbm>> -> memref<20224x64xf32, #tpu.memory_space<hbm>>
    tpu.enqueue_indirect_dma source(%dma_start3A_76 : memref<20224x64xf32, #tpu.memory_space<hbm>>) target(%arg9 : memref<128x64xf32, #tpu.memory_space<vmem>>) offsets(%dma_start3A_73 : memref<128xi32, #tpu.memory_space<vmem>>) semaphore(%arg15 : memref<!tpu.dma_semaphore, #tpu.memory_space<semaphore_mem>>)
    %dma_start3A_77 = arith.constant 1 : i32
    %dma_start3A_78 = arith.constant 0 : i32
    %dma_start3A_79 = tpu.memref_slice %arg7[%dma_start3A_77, %dma_start3A_78] : memref<84x128xi32, #tpu.memory_space<vmem>> -> memref<1x128xi32, #tpu.memory_space<vmem>>
    %dma_start3A_80 = tpu.memref_squeeze %dma_start3A_79 : memref<1x128xi32, #tpu.memory_space<vmem>> -> memref<128xi32, #tpu.memory_space<vmem>>
    %dma_start3A_81 = arith.constant 0 : i32
    %dma_start3A_82 = arith.constant 0 : i32
    %dma_start3A_83 = tpu.memref_slice %arg5[%dma_start3A_81, %dma_start3A_82] : memref<20224x64xf32, #tpu.memory_space<hbm>> -> memref<20224x64xf32, #tpu.memory_space<hbm>>
    tpu.enqueue_indirect_dma source(%dma_start3A_83 : memref<20224x64xf32, #tpu.memory_space<hbm>>) target(%arg10 : memref<128x64xf32, #tpu.memory_space<vmem>>) offsets(%dma_start3A_80 : memref<128xi32, #tpu.memory_space<vmem>>) semaphore(%arg16 : memref<!tpu.dma_semaphore, #tpu.memory_space<semaphore_mem>>)
    %scan3A_84 = arith.constant 0 : i32
    %scan3A_85 = arith.constant 21 : i32
    %scan3A_86 = arith.addi %scan3A_84, %scan3A_85 : i32
    %scan3A_87 = arith.constant 1 : i32
    scf.for %scan3A_123 = %scan3A_84 to %scan3A_86 step %scan3A_87  : i32 {
      %mul3A_124 = arith.constant 4 : i32
      %mul3A_125 = arith.muli %scan3A_123, %mul3A_124 : i32
      %add3A_126 = arith.constant 0 : i32
      %add3A_127 = arith.addi %add3A_126, %mul3A_125 : i32
      %add3A_128 = arith.constant 0 : i32
      %add3A_129 = arith.addi %add3A_127, %add3A_128 : i32
      %dma_wait3A_130 = arith.constant 0 : i32
      %dma_wait3A_131 = tpu.memref_slice %arg7[%add3A_129, %dma_wait3A_130] : memref<84x128xi32, #tpu.memory_space<vmem>> -> memref<1x128xi32, #tpu.memory_space<vmem>>
      %dma_wait3A_132 = tpu.memref_squeeze %dma_wait3A_131 : memref<1x128xi32, #tpu.memory_space<vmem>> -> memref<128xi32, #tpu.memory_space<vmem>>
      %dma_wait3A_133 = arith.constant 0 : i32
      %dma_wait3A_134 = arith.constant 0 : i32
      %dma_wait3A_135 = tpu.memref_slice %arg5[%dma_wait3A_133, %dma_wait3A_134] : memref<20224x64xf32, #tpu.memory_space<hbm>> -> memref<20224x64xf32, #tpu.memory_space<hbm>>
      tpu.wait_indirect_dma semaphore(%arg15 : memref<!tpu.dma_semaphore, #tpu.memory_space<semaphore_mem>>) src(%dma_wait3A_135 : memref<20224x64xf32, #tpu.memory_space<hbm>>) dst(%arg9 : memref<128x64xf32, #tpu.memory_space<vmem>>)
      %dma_start3A_136 = arith.constant 0 : i32
      %dma_start3A_137 = tpu.memref_slice %arg8[%add3A_129, %dma_start3A_136] : memref<84x128xi32, #tpu.memory_space<vmem>> -> memref<1x128xi32, #tpu.memory_space<vmem>>
      %dma_start3A_138 = tpu.memref_squeeze %dma_start3A_137 : memref<1x128xi32, #tpu.memory_space<vmem>> -> memref<128xi32, #tpu.memory_space<vmem>>
      %dma_start3A_139 = arith.constant 0 : i32
      %dma_start3A_140 = arith.constant 0 : i32
      %dma_start3A_141 = tpu.memref_slice %arg14[%dma_start3A_139, %dma_start3A_140] : memref<10112x64xf32, #tpu.memory_space<vmem_shared>> -> memref<10112x64xf32, #tpu.memory_space<vmem_shared>>
      tpu.enqueue_indirect_dma source(%arg9 : memref<128x64xf32, #tpu.memory_space<vmem>>) target(%dma_start3A_141 : memref<10112x64xf32, #tpu.memory_space<vmem_shared>>) offsets(%dma_start3A_138 : memref<128xi32, #tpu.memory_space<vmem>>) semaphore(%arg19 : memref<!tpu.dma_semaphore, #tpu.memory_space<semaphore_mem>>) {add = true}
      %ge3A = arith.constant 2 : i32
      %ge3A_142 = arith.cmpi sge, %add3A_129, %ge3A : i32
      %add3A_143 = arith.constant 2 : i32
      %add3A_144 = arith.addi %add3A_129, %add3A_143 : i32
      %lt3A = arith.constant 84 : i32
      %lt3A_145 = arith.cmpi slt, %add3A_144, %lt3A : i32
      %and3A = arith.andi %ge3A_142, %lt3A_145 : i1
      %convert_element_type3A = arith.extui %and3A : i1 to i32
      %cond3A = arith.constant 0 : i32
      %cond3A_146 = arith.cmpi ne, %convert_element_type3A, %cond3A : i32
      scf.if %cond3A_146 {
        %dma_wait3A_247 = arith.constant 0 : i32
        %dma_wait3A_248 = tpu.memref_slice %arg8[%add3A_129, %dma_wait3A_247] : memref<84x128xi32, #tpu.memory_space<vmem>> -> memref<1x128xi32, #tpu.memory_space<vmem>>
        %dma_wait3A_249 = tpu.memref_squeeze %dma_wait3A_248 : memref<1x128xi32, #tpu.memory_space<vmem>> -> memref<128xi32, #tpu.memory_space<vmem>>
        %dma_wait3A_250 = arith.constant 0 : i32
        %dma_wait3A_251 = arith.constant 0 : i32
        %dma_wait3A_252 = tpu.memref_slice %arg14[%dma_wait3A_250, %dma_wait3A_251] : memref<10112x64xf32, #tpu.memory_space<vmem_shared>> -> memref<10112x64xf32, #tpu.memory_space<vmem_shared>>
        tpu.wait_indirect_dma semaphore(%arg21 : memref<!tpu.dma_semaphore, #tpu.memory_space<semaphore_mem>>) src(%arg11 : memref<128x64xf32, #tpu.memory_space<vmem>>) dst(%dma_wait3A_252 : memref<10112x64xf32, #tpu.memory_space<vmem_shared>>)
      } else {
      }
      %add3A_147 = arith.constant 2 : i32
      %add3A_148 = arith.addi %add3A_129, %add3A_147 : i32
      %lt3A_149 = arith.constant 84 : i32
      %lt3A_150 = arith.cmpi slt, %add3A_148, %lt3A_149 : i32
      %convert_element_type3A_151 = arith.extui %lt3A_150 : i1 to i32
      %cond3A_152 = arith.constant 0 : i32
      %cond3A_153 = arith.cmpi ne, %convert_element_type3A_151, %cond3A_152 : i32
      scf.if %cond3A_153 {
        %add3A_247 = arith.constant 2 : i32
        %add3A_248 = arith.addi %add3A_129, %add3A_247 : i32
        %dma_start3A_249 = arith.constant 0 : i32
        %dma_start3A_250 = tpu.memref_slice %arg7[%add3A_248, %dma_start3A_249] : memref<84x128xi32, #tpu.memory_space<vmem>> -> memref<1x128xi32, #tpu.memory_space<vmem>>
        %dma_start3A_251 = tpu.memref_squeeze %dma_start3A_250 : memref<1x128xi32, #tpu.memory_space<vmem>> -> memref<128xi32, #tpu.memory_space<vmem>>
        %dma_start3A_252 = arith.constant 0 : i32
        %dma_start3A_253 = arith.constant 0 : i32
        %dma_start3A_254 = tpu.memref_slice %arg5[%dma_start3A_252, %dma_start3A_253] : memref<20224x64xf32, #tpu.memory_space<hbm>> -> memref<20224x64xf32, #tpu.memory_space<hbm>>
        tpu.enqueue_indirect_dma source(%dma_start3A_254 : memref<20224x64xf32, #tpu.memory_space<hbm>>) target(%arg11 : memref<128x64xf32, #tpu.memory_space<vmem>>) offsets(%dma_start3A_251 : memref<128xi32, #tpu.memory_space<vmem>>) semaphore(%arg17 : memref<!tpu.dma_semaphore, #tpu.memory_space<semaphore_mem>>)
      } else {
      }
      %add3A_154 = arith.constant 1 : i32
      %add3A_155 = arith.addi %add3A_127, %add3A_154 : i32
      %dma_wait3A_156 = arith.constant 0 : i32
      %dma_wait3A_157 = tpu.memref_slice %arg7[%add3A_155, %dma_wait3A_156] : memref<84x128xi32, #tpu.memory_space<vmem>> -> memref<1x128xi32, #tpu.memory_space<vmem>>
      %dma_wait3A_158 = tpu.memref_squeeze %dma_wait3A_157 : memref<1x128xi32, #tpu.memory_space<vmem>> -> memref<128xi32, #tpu.memory_space<vmem>>
      %dma_wait3A_159 = arith.constant 0 : i32
      %dma_wait3A_160 = arith.constant 0 : i32
      %dma_wait3A_161 = tpu.memref_slice %arg5[%dma_wait3A_159, %dma_wait3A_160] : memref<20224x64xf32, #tpu.memory_space<hbm>> -> memref<20224x64xf32, #tpu.memory_space<hbm>>
      tpu.wait_indirect_dma semaphore(%arg16 : memref<!tpu.dma_semaphore, #tpu.memory_space<semaphore_mem>>) src(%dma_wait3A_161 : memref<20224x64xf32, #tpu.memory_space<hbm>>) dst(%arg10 : memref<128x64xf32, #tpu.memory_space<vmem>>)
      %dma_start3A_162 = arith.constant 0 : i32
      %dma_start3A_163 = tpu.memref_slice %arg8[%add3A_155, %dma_start3A_162] : memref<84x128xi32, #tpu.memory_space<vmem>> -> memref<1x128xi32, #tpu.memory_space<vmem>>
      %dma_start3A_164 = tpu.memref_squeeze %dma_start3A_163 : memref<1x128xi32, #tpu.memory_space<vmem>> -> memref<128xi32, #tpu.memory_space<vmem>>
      %dma_start3A_165 = arith.constant 0 : i32
      %dma_start3A_166 = arith.constant 0 : i32
      %dma_start3A_167 = tpu.memref_slice %arg14[%dma_start3A_165, %dma_start3A_166] : memref<10112x64xf32, #tpu.memory_space<vmem_shared>> -> memref<10112x64xf32, #tpu.memory_space<vmem_shared>>
      tpu.enqueue_indirect_dma source(%arg10 : memref<128x64xf32, #tpu.memory_space<vmem>>) target(%dma_start3A_167 : memref<10112x64xf32, #tpu.memory_space<vmem_shared>>) offsets(%dma_start3A_164 : memref<128xi32, #tpu.memory_space<vmem>>) semaphore(%arg20 : memref<!tpu.dma_semaphore, #tpu.memory_space<semaphore_mem>>) {add = true}
      %ge3A_168 = arith.constant 2 : i32
      %ge3A_169 = arith.cmpi sge, %add3A_155, %ge3A_168 : i32
      %add3A_170 = arith.constant 2 : i32
      %add3A_171 = arith.addi %add3A_155, %add3A_170 : i32
      %lt3A_172 = arith.constant 84 : i32
      %lt3A_173 = arith.cmpi slt, %add3A_171, %lt3A_172 : i32
      %and3A_174 = arith.andi %ge3A_169, %lt3A_173 : i1
      %convert_element_type3A_175 = arith.extui %and3A_174 : i1 to i32
      %cond3A_176 = arith.constant 0 : i32
      %cond3A_177 = arith.cmpi ne, %convert_element_type3A_175, %cond3A_176 : i32
      scf.if %cond3A_177 {
        %dma_wait3A_247 = arith.constant 0 : i32
        %dma_wait3A_248 = tpu.memref_slice %arg8[%add3A_155, %dma_wait3A_247] : memref<84x128xi32, #tpu.memory_space<vmem>> -> memref<1x128xi32, #tpu.memory_space<vmem>>
        %dma_wait3A_249 = tpu.memref_squeeze %dma_wait3A_248 : memref<1x128xi32, #tpu.memory_space<vmem>> -> memref<128xi32, #tpu.memory_space<vmem>>
        %dma_wait3A_250 = arith.constant 0 : i32
        %dma_wait3A_251 = arith.constant 0 : i32
        %dma_wait3A_252 = tpu.memref_slice %arg14[%dma_wait3A_250, %dma_wait3A_251] : memref<10112x64xf32, #tpu.memory_space<vmem_shared>> -> memref<10112x64xf32, #tpu.memory_space<vmem_shared>>
        tpu.wait_indirect_dma semaphore(%arg22 : memref<!tpu.dma_semaphore, #tpu.memory_space<semaphore_mem>>) src(%arg12 : memref<128x64xf32, #tpu.memory_space<vmem>>) dst(%dma_wait3A_252 : memref<10112x64xf32, #tpu.memory_space<vmem_shared>>)
      } else {
      }
      %add3A_178 = arith.constant 2 : i32
      %add3A_179 = arith.addi %add3A_155, %add3A_178 : i32
      %lt3A_180 = arith.constant 84 : i32
      %lt3A_181 = arith.cmpi slt, %add3A_179, %lt3A_180 : i32
      %convert_element_type3A_182 = arith.extui %lt3A_181 : i1 to i32
      %cond3A_183 = arith.constant 0 : i32
      %cond3A_184 = arith.cmpi ne, %convert_element_type3A_182, %cond3A_183 : i32
      scf.if %cond3A_184 {
        %add3A_247 = arith.constant 2 : i32
        %add3A_248 = arith.addi %add3A_155, %add3A_247 : i32
        %dma_start3A_249 = arith.constant 0 : i32
        %dma_start3A_250 = tpu.memref_slice %arg7[%add3A_248, %dma_start3A_249] : memref<84x128xi32, #tpu.memory_space<vmem>> -> memref<1x128xi32, #tpu.memory_space<vmem>>
        %dma_start3A_251 = tpu.memref_squeeze %dma_start3A_250 : memref<1x128xi32, #tpu.memory_space<vmem>> -> memref<128xi32, #tpu.memory_space<vmem>>
        %dma_start3A_252 = arith.constant 0 : i32
        %dma_start3A_253 = arith.constant 0 : i32
        %dma_start3A_254 = tpu.memref_slice %arg5[%dma_start3A_252, %dma_start3A_253] : memref<20224x64xf32, #tpu.memory_space<hbm>> -> memref<20224x64xf32, #tpu.memory_space<hbm>>
        tpu.enqueue_indirect_dma source(%dma_start3A_254 : memref<20224x64xf32, #tpu.memory_space<hbm>>) target(%arg12 : memref<128x64xf32, #tpu.memory_space<vmem>>) offsets(%dma_start3A_251 : memref<128xi32, #tpu.memory_space<vmem>>) semaphore(%arg18 : memref<!tpu.dma_semaphore, #tpu.memory_space<semaphore_mem>>)
      } else {
      }
      %add3A_185 = arith.constant 2 : i32
      %add3A_186 = arith.addi %add3A_127, %add3A_185 : i32
      %dma_wait3A_187 = arith.constant 0 : i32
      %dma_wait3A_188 = tpu.memref_slice %arg7[%add3A_186, %dma_wait3A_187] : memref<84x128xi32, #tpu.memory_space<vmem>> -> memref<1x128xi32, #tpu.memory_space<vmem>>
      %dma_wait3A_189 = tpu.memref_squeeze %dma_wait3A_188 : memref<1x128xi32, #tpu.memory_space<vmem>> -> memref<128xi32, #tpu.memory_space<vmem>>
      %dma_wait3A_190 = arith.constant 0 : i32
      %dma_wait3A_191 = arith.constant 0 : i32
      %dma_wait3A_192 = tpu.memref_slice %arg5[%dma_wait3A_190, %dma_wait3A_191] : memref<20224x64xf32, #tpu.memory_space<hbm>> -> memref<20224x64xf32, #tpu.memory_space<hbm>>
      tpu.wait_indirect_dma semaphore(%arg17 : memref<!tpu.dma_semaphore, #tpu.memory_space<semaphore_mem>>) src(%dma_wait3A_192 : memref<20224x64xf32, #tpu.memory_space<hbm>>) dst(%arg11 : memref<128x64xf32, #tpu.memory_space<vmem>>)
      %dma_start3A_193 = arith.constant 0 : i32
      %dma_start3A_194 = tpu.memref_slice %arg8[%add3A_186, %dma_start3A_193] : memref<84x128xi32, #tpu.memory_space<vmem>> -> memref<1x128xi32, #tpu.memory_space<vmem>>
      %dma_start3A_195 = tpu.memref_squeeze %dma_start3A_194 : memref<1x128xi32, #tpu.memory_space<vmem>> -> memref<128xi32, #tpu.memory_space<vmem>>
      %dma_start3A_196 = arith.constant 0 : i32
      %dma_start3A_197 = arith.constant 0 : i32
      %dma_start3A_198 = tpu.memref_slice %arg14[%dma_start3A_196, %dma_start3A_197] : memref<10112x64xf32, #tpu.memory_space<vmem_shared>> -> memref<10112x64xf32, #tpu.memory_space<vmem_shared>>
      tpu.enqueue_indirect_dma source(%arg11 : memref<128x64xf32, #tpu.memory_space<vmem>>) target(%dma_start3A_198 : memref<10112x64xf32, #tpu.memory_space<vmem_shared>>) offsets(%dma_start3A_195 : memref<128xi32, #tpu.memory_space<vmem>>) semaphore(%arg21 : memref<!tpu.dma_semaphore, #tpu.memory_space<semaphore_mem>>) {add = true}
      %ge3A_199 = arith.constant 2 : i32
      %ge3A_200 = arith.cmpi sge, %add3A_186, %ge3A_199 : i32
      %add3A_201 = arith.constant 2 : i32
      %add3A_202 = arith.addi %add3A_186, %add3A_201 : i32
      %lt3A_203 = arith.constant 84 : i32
      %lt3A_204 = arith.cmpi slt, %add3A_202, %lt3A_203 : i32
      %and3A_205 = arith.andi %ge3A_200, %lt3A_204 : i1
      %convert_element_type3A_206 = arith.extui %and3A_205 : i1 to i32
      %cond3A_207 = arith.constant 0 : i32
      %cond3A_208 = arith.cmpi ne, %convert_element_type3A_206, %cond3A_207 : i32
      scf.if %cond3A_208 {
        %dma_wait3A_247 = arith.constant 0 : i32
        %dma_wait3A_248 = tpu.memref_slice %arg8[%add3A_186, %dma_wait3A_247] : memref<84x128xi32, #tpu.memory_space<vmem>> -> memref<1x128xi32, #tpu.memory_space<vmem>>
        %dma_wait3A_249 = tpu.memref_squeeze %dma_wait3A_248 : memref<1x128xi32, #tpu.memory_space<vmem>> -> memref<128xi32, #tpu.memory_space<vmem>>
        %dma_wait3A_250 = arith.constant 0 : i32
        %dma_wait3A_251 = arith.constant 0 : i32
        %dma_wait3A_252 = tpu.memref_slice %arg14[%dma_wait3A_250, %dma_wait3A_251] : memref<10112x64xf32, #tpu.memory_space<vmem_shared>> -> memref<10112x64xf32, #tpu.memory_space<vmem_shared>>
        tpu.wait_indirect_dma semaphore(%arg19 : memref<!tpu.dma_semaphore, #tpu.memory_space<semaphore_mem>>) src(%arg9 : memref<128x64xf32, #tpu.memory_space<vmem>>) dst(%dma_wait3A_252 : memref<10112x64xf32, #tpu.memory_space<vmem_shared>>)
      } else {
      }
      %add3A_209 = arith.constant 2 : i32
      %add3A_210 = arith.addi %add3A_186, %add3A_209 : i32
      %lt3A_211 = arith.constant 84 : i32
      %lt3A_212 = arith.cmpi slt, %add3A_210, %lt3A_211 : i32
      %convert_element_type3A_213 = arith.extui %lt3A_212 : i1 to i32
      %cond3A_214 = arith.constant 0 : i32
      %cond3A_215 = arith.cmpi ne, %convert_element_type3A_213, %cond3A_214 : i32
      scf.if %cond3A_215 {
        %add3A_247 = arith.constant 2 : i32
        %add3A_248 = arith.addi %add3A_186, %add3A_247 : i32
        %dma_start3A_249 = arith.constant 0 : i32
        %dma_start3A_250 = tpu.memref_slice %arg7[%add3A_248, %dma_start3A_249] : memref<84x128xi32, #tpu.memory_space<vmem>> -> memref<1x128xi32, #tpu.memory_space<vmem>>
        %dma_start3A_251 = tpu.memref_squeeze %dma_start3A_250 : memref<1x128xi32, #tpu.memory_space<vmem>> -> memref<128xi32, #tpu.memory_space<vmem>>
        %dma_start3A_252 = arith.constant 0 : i32
        %dma_start3A_253 = arith.constant 0 : i32
        %dma_start3A_254 = tpu.memref_slice %arg5[%dma_start3A_252, %dma_start3A_253] : memref<20224x64xf32, #tpu.memory_space<hbm>> -> memref<20224x64xf32, #tpu.memory_space<hbm>>
        tpu.enqueue_indirect_dma source(%dma_start3A_254 : memref<20224x64xf32, #tpu.memory_space<hbm>>) target(%arg9 : memref<128x64xf32, #tpu.memory_space<vmem>>) offsets(%dma_start3A_251 : memref<128xi32, #tpu.memory_space<vmem>>) semaphore(%arg15 : memref<!tpu.dma_semaphore, #tpu.memory_space<semaphore_mem>>)
      } else {
      }
      %add3A_216 = arith.constant 3 : i32
      %add3A_217 = arith.addi %add3A_127, %add3A_216 : i32
      %dma_wait3A_218 = arith.constant 0 : i32
      %dma_wait3A_219 = tpu.memref_slice %arg7[%add3A_217, %dma_wait3A_218] : memref<84x128xi32, #tpu.memory_space<vmem>> -> memref<1x128xi32, #tpu.memory_space<vmem>>
      %dma_wait3A_220 = tpu.memref_squeeze %dma_wait3A_219 : memref<1x128xi32, #tpu.memory_space<vmem>> -> memref<128xi32, #tpu.memory_space<vmem>>
      %dma_wait3A_221 = arith.constant 0 : i32
      %dma_wait3A_222 = arith.constant 0 : i32
      %dma_wait3A_223 = tpu.memref_slice %arg5[%dma_wait3A_221, %dma_wait3A_222] : memref<20224x64xf32, #tpu.memory_space<hbm>> -> memref<20224x64xf32, #tpu.memory_space<hbm>>
      tpu.wait_indirect_dma semaphore(%arg18 : memref<!tpu.dma_semaphore, #tpu.memory_space<semaphore_mem>>) src(%dma_wait3A_223 : memref<20224x64xf32, #tpu.memory_space<hbm>>) dst(%arg12 : memref<128x64xf32, #tpu.memory_space<vmem>>)
      %dma_start3A_224 = arith.constant 0 : i32
      %dma_start3A_225 = tpu.memref_slice %arg8[%add3A_217, %dma_start3A_224] : memref<84x128xi32, #tpu.memory_space<vmem>> -> memref<1x128xi32, #tpu.memory_space<vmem>>
      %dma_start3A_226 = tpu.memref_squeeze %dma_start3A_225 : memref<1x128xi32, #tpu.memory_space<vmem>> -> memref<128xi32, #tpu.memory_space<vmem>>
      %dma_start3A_227 = arith.constant 0 : i32
      %dma_start3A_228 = arith.constant 0 : i32
      %dma_start3A_229 = tpu.memref_slice %arg14[%dma_start3A_227, %dma_start3A_228] : memref<10112x64xf32, #tpu.memory_space<vmem_shared>> -> memref<10112x64xf32, #tpu.memory_space<vmem_shared>>
      tpu.enqueue_indirect_dma source(%arg12 : memref<128x64xf32, #tpu.memory_space<vmem>>) target(%dma_start3A_229 : memref<10112x64xf32, #tpu.memory_space<vmem_shared>>) offsets(%dma_start3A_226 : memref<128xi32, #tpu.memory_space<vmem>>) semaphore(%arg22 : memref<!tpu.dma_semaphore, #tpu.memory_space<semaphore_mem>>) {add = true}
      %ge3A_230 = arith.constant 2 : i32
      %ge3A_231 = arith.cmpi sge, %add3A_217, %ge3A_230 : i32
      %add3A_232 = arith.constant 2 : i32
      %add3A_233 = arith.addi %add3A_217, %add3A_232 : i32
      %lt3A_234 = arith.constant 84 : i32
      %lt3A_235 = arith.cmpi slt, %add3A_233, %lt3A_234 : i32
      %and3A_236 = arith.andi %ge3A_231, %lt3A_235 : i1
      %convert_element_type3A_237 = arith.extui %and3A_236 : i1 to i32
      %cond3A_238 = arith.constant 0 : i32
      %cond3A_239 = arith.cmpi ne, %convert_element_type3A_237, %cond3A_238 : i32
      scf.if %cond3A_239 {
        %dma_wait3A_247 = arith.constant 0 : i32
        %dma_wait3A_248 = tpu.memref_slice %arg8[%add3A_217, %dma_wait3A_247] : memref<84x128xi32, #tpu.memory_space<vmem>> -> memref<1x128xi32, #tpu.memory_space<vmem>>
        %dma_wait3A_249 = tpu.memref_squeeze %dma_wait3A_248 : memref<1x128xi32, #tpu.memory_space<vmem>> -> memref<128xi32, #tpu.memory_space<vmem>>
        %dma_wait3A_250 = arith.constant 0 : i32
        %dma_wait3A_251 = arith.constant 0 : i32
        %dma_wait3A_252 = tpu.memref_slice %arg14[%dma_wait3A_250, %dma_wait3A_251] : memref<10112x64xf32, #tpu.memory_space<vmem_shared>> -> memref<10112x64xf32, #tpu.memory_space<vmem_shared>>
        tpu.wait_indirect_dma semaphore(%arg20 : memref<!tpu.dma_semaphore, #tpu.memory_space<semaphore_mem>>) src(%arg10 : memref<128x64xf32, #tpu.memory_space<vmem>>) dst(%dma_wait3A_252 : memref<10112x64xf32, #tpu.memory_space<vmem_shared>>)
      } else {
      }
      %add3A_240 = arith.constant 2 : i32
      %add3A_241 = arith.addi %add3A_217, %add3A_240 : i32
      %lt3A_242 = arith.constant 84 : i32
      %lt3A_243 = arith.cmpi slt, %add3A_241, %lt3A_242 : i32
      %convert_element_type3A_244 = arith.extui %lt3A_243 : i1 to i32
      %cond3A_245 = arith.constant 0 : i32
      %cond3A_246 = arith.cmpi ne, %convert_element_type3A_244, %cond3A_245 : i32
      scf.if %cond3A_246 {
        %add3A_247 = arith.constant 2 : i32
        %add3A_248 = arith.addi %add3A_217, %add3A_247 : i32
        %dma_start3A_249 = arith.constant 0 : i32
        %dma_start3A_250 = tpu.memref_slice %arg7[%add3A_248, %dma_start3A_249] : memref<84x128xi32, #tpu.memory_space<vmem>> -> memref<1x128xi32, #tpu.memory_space<vmem>>
        %dma_start3A_251 = tpu.memref_squeeze %dma_start3A_250 : memref<1x128xi32, #tpu.memory_space<vmem>> -> memref<128xi32, #tpu.memory_space<vmem>>
        %dma_start3A_252 = arith.constant 0 : i32
        %dma_start3A_253 = arith.constant 0 : i32
        %dma_start3A_254 = tpu.memref_slice %arg5[%dma_start3A_252, %dma_start3A_253] : memref<20224x64xf32, #tpu.memory_space<hbm>> -> memref<20224x64xf32, #tpu.memory_space<hbm>>
        tpu.enqueue_indirect_dma source(%dma_start3A_254 : memref<20224x64xf32, #tpu.memory_space<hbm>>) target(%arg10 : memref<128x64xf32, #tpu.memory_space<vmem>>) offsets(%dma_start3A_251 : memref<128xi32, #tpu.memory_space<vmem>>) semaphore(%arg16 : memref<!tpu.dma_semaphore, #tpu.memory_space<semaphore_mem>>)
      } else {
      }
    }
    %scan3A_88 = arith.constant 21 : i32
    %dma_wait3A_89 = arith.constant 0 : i32
    %dma_wait3A_90 = arith.constant 0 : i32
    %dma_wait3A_91 = tpu.memref_slice %arg8[%dma_wait3A_89, %dma_wait3A_90] : memref<84x128xi32, #tpu.memory_space<vmem>> -> memref<1x128xi32, #tpu.memory_space<vmem>>
    %dma_wait3A_92 = tpu.memref_squeeze %dma_wait3A_91 : memref<1x128xi32, #tpu.memory_space<vmem>> -> memref<128xi32, #tpu.memory_space<vmem>>
    %dma_wait3A_93 = arith.constant 0 : i32
    %dma_wait3A_94 = arith.constant 0 : i32
    %dma_wait3A_95 = tpu.memref_slice %arg14[%dma_wait3A_93, %dma_wait3A_94] : memref<10112x64xf32, #tpu.memory_space<vmem_shared>> -> memref<10112x64xf32, #tpu.memory_space<vmem_shared>>
    tpu.wait_indirect_dma semaphore(%arg19 : memref<!tpu.dma_semaphore, #tpu.memory_space<semaphore_mem>>) src(%arg9 : memref<128x64xf32, #tpu.memory_space<vmem>>) dst(%dma_wait3A_95 : memref<10112x64xf32, #tpu.memory_space<vmem_shared>>)
    %dma_wait3A_96 = arith.constant 0 : i32
    %dma_wait3A_97 = arith.constant 0 : i32
    %dma_wait3A_98 = tpu.memref_slice %arg8[%dma_wait3A_96, %dma_wait3A_97] : memref<84x128xi32, #tpu.memory_space<vmem>> -> memref<1x128xi32, #tpu.memory_space<vmem>>
    %dma_wait3A_99 = tpu.memref_squeeze %dma_wait3A_98 : memref<1x128xi32, #tpu.memory_space<vmem>> -> memref<128xi32, #tpu.memory_space<vmem>>
    %dma_wait3A_100 = arith.constant 0 : i32
    %dma_wait3A_101 = arith.constant 0 : i32
    %dma_wait3A_102 = tpu.memref_slice %arg14[%dma_wait3A_100, %dma_wait3A_101] : memref<10112x64xf32, #tpu.memory_space<vmem_shared>> -> memref<10112x64xf32, #tpu.memory_space<vmem_shared>>
    tpu.wait_indirect_dma semaphore(%arg20 : memref<!tpu.dma_semaphore, #tpu.memory_space<semaphore_mem>>) src(%arg10 : memref<128x64xf32, #tpu.memory_space<vmem>>) dst(%dma_wait3A_102 : memref<10112x64xf32, #tpu.memory_space<vmem_shared>>)
    %dma_wait3A_103 = arith.constant 0 : i32
    %dma_wait3A_104 = arith.constant 0 : i32
    %dma_wait3A_105 = tpu.memref_slice %arg8[%dma_wait3A_103, %dma_wait3A_104] : memref<84x128xi32, #tpu.memory_space<vmem>> -> memref<1x128xi32, #tpu.memory_space<vmem>>
    %dma_wait3A_106 = tpu.memref_squeeze %dma_wait3A_105 : memref<1x128xi32, #tpu.memory_space<vmem>> -> memref<128xi32, #tpu.memory_space<vmem>>
    %dma_wait3A_107 = arith.constant 0 : i32
    %dma_wait3A_108 = arith.constant 0 : i32
    %dma_wait3A_109 = tpu.memref_slice %arg14[%dma_wait3A_107, %dma_wait3A_108] : memref<10112x64xf32, #tpu.memory_space<vmem_shared>> -> memref<10112x64xf32, #tpu.memory_space<vmem_shared>>
    tpu.wait_indirect_dma semaphore(%arg21 : memref<!tpu.dma_semaphore, #tpu.memory_space<semaphore_mem>>) src(%arg11 : memref<128x64xf32, #tpu.memory_space<vmem>>) dst(%dma_wait3A_109 : memref<10112x64xf32, #tpu.memory_space<vmem_shared>>)
    %dma_wait3A_110 = arith.constant 0 : i32
    %dma_wait3A_111 = arith.constant 0 : i32
    %dma_wait3A_112 = tpu.memref_slice %arg8[%dma_wait3A_110, %dma_wait3A_111] : memref<84x128xi32, #tpu.memory_space<vmem>> -> memref<1x128xi32, #tpu.memory_space<vmem>>
    %dma_wait3A_113 = tpu.memref_squeeze %dma_wait3A_112 : memref<1x128xi32, #tpu.memory_space<vmem>> -> memref<128xi32, #tpu.memory_space<vmem>>
    %dma_wait3A_114 = arith.constant 0 : i32
    %dma_wait3A_115 = arith.constant 0 : i32
    %dma_wait3A_116 = tpu.memref_slice %arg14[%dma_wait3A_114, %dma_wait3A_115] : memref<10112x64xf32, #tpu.memory_space<vmem_shared>> -> memref<10112x64xf32, #tpu.memory_space<vmem_shared>>
    tpu.wait_indirect_dma semaphore(%arg22 : memref<!tpu.dma_semaphore, #tpu.memory_space<semaphore_mem>>) src(%arg12 : memref<128x64xf32, #tpu.memory_space<vmem>>) dst(%dma_wait3A_116 : memref<10112x64xf32, #tpu.memory_space<vmem_shared>>)
    %barrier3A_117 = arith.constant 0 : index
    tpu.barrier barrier_id(%barrier3A_117)
    %mul3A_118 = arith.constant 632 : i32
    %mul3A_119 = arith.muli %arg1, %mul3A_118 : i32
    %mul3A_120 = arith.constant 632 : i32
    %mul3A_121 = arith.muli %arg1, %mul3A_120 : i32
    %run_scoped3A_122 = arith.constant 1 : i32
    "tpu.region"() ({
      %run_scoped3A_123 = tpu.sem_alloc : memref<!tpu.dma_semaphore, #tpu.memory_space<semaphore_mem>>
      %dma_start3A_124 = arith.constant 0 : i32
      %dma_start3A_125 = tpu.memref_slice %arg6[%arg0, %run_scoped3A_122, %mul3A_121, %dma_start3A_124] : memref<2x2x10112x64xf32, #tpu.memory_space<hbm>> -> memref<1x1x632x64xf32, #tpu.memory_space<hbm>>
      %dma_start3A_126 = tpu.memref_squeeze %dma_start3A_125 : memref<1x1x632x64xf32, #tpu.memory_space<hbm>> -> memref<632x64xf32, #tpu.memory_space<hbm>>
      %dma_start3A_127 = arith.constant 0 : i32
      %dma_start3A_128 = tpu.memref_slice %arg14[%mul3A_119, %dma_start3A_127] : memref<10112x64xf32, #tpu.memory_space<vmem_shared>> -> memref<632x64xf32, #tpu.memory_space<vmem_shared>>
      tpu.enqueue_dma source(%dma_start3A_128 : memref<632x64xf32, #tpu.memory_space<vmem_shared>>) target(%dma_start3A_126 : memref<632x64xf32, #tpu.memory_space<hbm>>) target_semaphore(%run_scoped3A_123 : memref<!tpu.dma_semaphore, #tpu.memory_space<semaphore_mem>>)
      %dma_wait3A_129 = arith.constant 0 : i32
      %dma_wait3A_130 = tpu.memref_slice %arg6[%arg0, %run_scoped3A_122, %mul3A_121, %dma_wait3A_129] : memref<2x2x10112x64xf32, #tpu.memory_space<hbm>> -> memref<1x1x632x64xf32, #tpu.memory_space<hbm>>
      %dma_wait3A_131 = tpu.memref_squeeze %dma_wait3A_130 : memref<1x1x632x64xf32, #tpu.memory_space<hbm>> -> memref<632x64xf32, #tpu.memory_space<hbm>>
      %dma_wait3A_132 = arith.constant 0 : i32
      %dma_wait3A_133 = tpu.memref_slice %arg14[%mul3A_119, %dma_wait3A_132] : memref<10112x64xf32, #tpu.memory_space<vmem_shared>> -> memref<632x64xf32, #tpu.memory_space<vmem_shared>>
      tpu.wait_dma2 semaphore(%run_scoped3A_123 : memref<!tpu.dma_semaphore, #tpu.memory_space<semaphore_mem>>) src(%dma_wait3A_133 : memref<632x64xf32, #tpu.memory_space<vmem_shared>>) dst(%dma_wait3A_131 : memref<632x64xf32, #tpu.memory_space<hbm>>)
      tpu.yield
    }) : () -> ()
    return
  }
}

#map = affine_map<(d0, d1) -> (0, 0, 0)>
module attributes {stable_mosaic.version = 14 : i64} {
  func.func @_deg_kernel(%arg0: i32, %arg1: i32, %arg2: memref<32x84x128xi32, #tpu.memory_space<hbm>>, %arg3: memref<2x10112x16xf32, #tpu.memory_space<hbm>>, %arg4: memref<84x128xi32, #tpu.memory_space<vmem>>, %arg5: memref<128x16xf32, #tpu.memory_space<vmem>>, %arg6: memref<316x16xf32, #tpu.memory_space<vmem>>, %arg7: memref<10112x16xf32, #tpu.memory_space<vmem_shared>>, %arg8: memref<!tpu.dma_semaphore, #tpu.memory_space<semaphore_mem>>) attributes {dimension_semantics = [#tpu.dimension_semantics<core_parallel>, #tpu.dimension_semantics<subcore_parallel>], iteration_bounds = array<i64: 2, 16>, scalar_prefetch = 0 : i64, scratch_operands = 5 : i64, tpu.core_type = #tpu.core_type<sc_vector_subcore>, window_params = [{transform_indices = #map}, {transform_indices = #map}]} {
    %mul3A = arith.constant 16 : i32
    %mul3A_0 = arith.muli %arg0, %mul3A : i32
    %add3A = arith.addi %mul3A_0, %arg1 : i32
    %scan3A = arith.constant 0 : i32
    %scan3A_1 = arith.constant 0 : i32
    %scan3A_2 = arith.constant 128 : i32
    %scan3A_3 = arith.addi %scan3A_1, %scan3A_2 : i32
    %scan3A_4 = arith.constant 1 : i32
    %scan3A_5 = scf.for %scan3A_30 = %scan3A_1 to %scan3A_3 step %scan3A_4 iter_args(%scan3A_31 = %scan3A) -> (i32)  : i32 {
      %broadcast_in_dim3A = arith.constant 1.000000e+00 : f32
      %broadcast_in_dim3A_32 = vector.broadcast %broadcast_in_dim3A : f32 to vector<16xf32>
      %swap3A = arith.index_cast %scan3A_30 : i32 to index
      %swap3A_33 = arith.constant 0 : index
      %swap3A_34 = tpu.vector_load %arg5[%swap3A, %swap3A_33] {strides = array<i32>} : memref<128x16xf32, #tpu.memory_space<vmem>>, vector<1x16xf32>,
      %swap3A_35 = vector.shape_cast %swap3A_34 : vector<1x16xf32> to vector<16xf32>
      %swap3A_36 = vector.shape_cast %broadcast_in_dim3A_32 : vector<16xf32> to vector<1x16xf32>
      tpu.vector_store %arg5[%swap3A, %swap3A_33], %swap3A_36 {strides = array<i32>} : memref<128x16xf32, #tpu.memory_space<vmem>>, vector<1x16xf32>,
      %scan3A_37 = arith.constant 0 : i32
      scf.yield %scan3A_37 : i32
    }
    %scan3A_6 = arith.constant 128 : i32
    %scan3A_7 = arith.constant 0 : i32
    %scan3A_8 = arith.constant 0 : i32
    %scan3A_9 = arith.constant 316 : i32
    %scan3A_10 = arith.addi %scan3A_8, %scan3A_9 : i32
    %scan3A_11 = arith.constant 1 : i32
    %scan3A_12 = scf.for %scan3A_30 = %scan3A_8 to %scan3A_10 step %scan3A_11 iter_args(%scan3A_31 = %scan3A_7) -> (i32)  : i32 {
      %broadcast_in_dim3A = arith.constant 0.000000e+00 : f32
      %broadcast_in_dim3A_32 = vector.broadcast %broadcast_in_dim3A : f32 to vector<16xf32>
      %swap3A = arith.index_cast %scan3A_30 : i32 to index
      %swap3A_33 = arith.constant 0 : index
      %swap3A_34 = tpu.vector_load %arg6[%swap3A, %swap3A_33] {strides = array<i32>} : memref<316x16xf32, #tpu.memory_space<vmem>>, vector<1x16xf32>,
      %swap3A_35 = vector.shape_cast %swap3A_34 : vector<1x16xf32> to vector<16xf32>
      %swap3A_36 = vector.shape_cast %broadcast_in_dim3A_32 : vector<16xf32> to vector<1x16xf32>
      tpu.vector_store %arg6[%swap3A, %swap3A_33], %swap3A_36 {strides = array<i32>} : memref<316x16xf32, #tpu.memory_space<vmem>>, vector<1x16xf32>,
      %scan3A_37 = arith.constant 0 : i32
      scf.yield %scan3A_37 : i32
    }
    %scan3A_13 = arith.constant 316 : i32
    "tpu.region"() ({
      %run_scoped3A = tpu.sem_alloc : memref<!tpu.dma_semaphore, #tpu.memory_space<semaphore_mem>>
      %dma_start3A = arith.constant 0 : i32
      %dma_start3A_30 = arith.constant 0 : i32
      %dma_start3A_31 = tpu.memref_slice %arg2[%add3A, %dma_start3A, %dma_start3A_30] : memref<32x84x128xi32, #tpu.memory_space<hbm>> -> memref<1x84x128xi32, #tpu.memory_space<hbm>>
      %dma_start3A_32 = tpu.memref_squeeze %dma_start3A_31 : memref<1x84x128xi32, #tpu.memory_space<hbm>> -> memref<84x128xi32, #tpu.memory_space<hbm>>
      %dma_start3A_33 = arith.constant 0 : i32
      %dma_start3A_34 = arith.constant 0 : i32
      %dma_start3A_35 = tpu.memref_slice %arg2[%add3A, %dma_start3A_33, %dma_start3A_34] : memref<32x84x128xi32, #tpu.memory_space<hbm>> -> memref<1x84x128xi32, #tpu.memory_space<hbm>>
      %dma_start3A_36 = tpu.memref_squeeze %dma_start3A_35 : memref<1x84x128xi32, #tpu.memory_space<hbm>> -> memref<84x128xi32, #tpu.memory_space<hbm>>
      tpu.enqueue_dma source(%dma_start3A_36 : memref<84x128xi32, #tpu.memory_space<hbm>>) target(%arg4 : memref<84x128xi32, #tpu.memory_space<vmem>>) target_semaphore(%run_scoped3A : memref<!tpu.dma_semaphore, #tpu.memory_space<semaphore_mem>>)
      %dma_wait3A = arith.constant 0 : i32
      %dma_wait3A_37 = arith.constant 0 : i32
      %dma_wait3A_38 = tpu.memref_slice %arg2[%add3A, %dma_wait3A, %dma_wait3A_37] : memref<32x84x128xi32, #tpu.memory_space<hbm>> -> memref<1x84x128xi32, #tpu.memory_space<hbm>>
      %dma_wait3A_39 = tpu.memref_squeeze %dma_wait3A_38 : memref<1x84x128xi32, #tpu.memory_space<hbm>> -> memref<84x128xi32, #tpu.memory_space<hbm>>
      %dma_wait3A_40 = arith.constant 0 : i32
      %dma_wait3A_41 = arith.constant 0 : i32
      %dma_wait3A_42 = tpu.memref_slice %arg2[%add3A, %dma_wait3A_40, %dma_wait3A_41] : memref<32x84x128xi32, #tpu.memory_space<hbm>> -> memref<1x84x128xi32, #tpu.memory_space<hbm>>
      %dma_wait3A_43 = tpu.memref_squeeze %dma_wait3A_42 : memref<1x84x128xi32, #tpu.memory_space<hbm>> -> memref<84x128xi32, #tpu.memory_space<hbm>>
      tpu.wait_dma2 semaphore(%run_scoped3A : memref<!tpu.dma_semaphore, #tpu.memory_space<semaphore_mem>>) src(%dma_wait3A_43 : memref<84x128xi32, #tpu.memory_space<hbm>>) dst(%arg4 : memref<84x128xi32, #tpu.memory_space<vmem>>)
      tpu.yield
    }) : () -> ()
    %mul3A_14 = arith.constant 632 : i32
    %mul3A_15 = arith.muli %arg1, %mul3A_14 : i32
    "tpu.region"() ({
      %run_scoped3A = tpu.sem_alloc : memref<!tpu.dma_semaphore, #tpu.memory_space<semaphore_mem>>
      %dma_start3A = arith.constant 0 : i32
      %dma_start3A_30 = tpu.memref_slice %arg7[%mul3A_15, %dma_start3A] : memref<10112x16xf32, #tpu.memory_space<vmem_shared>> -> memref<316x16xf32, #tpu.memory_space<vmem_shared>>
      %dma_start3A_31 = arith.constant 0 : i32
      %dma_start3A_32 = tpu.memref_slice %arg7[%mul3A_15, %dma_start3A_31] : memref<10112x16xf32, #tpu.memory_space<vmem_shared>> -> memref<316x16xf32, #tpu.memory_space<vmem_shared>>
      tpu.enqueue_dma source(%arg6 : memref<316x16xf32, #tpu.memory_space<vmem>>) target(%dma_start3A_32 : memref<316x16xf32, #tpu.memory_space<vmem_shared>>) target_semaphore(%run_scoped3A : memref<!tpu.dma_semaphore, #tpu.memory_space<semaphore_mem>>)
      %dma_wait3A = arith.constant 0 : i32
      %dma_wait3A_33 = tpu.memref_slice %arg7[%mul3A_15, %dma_wait3A] : memref<10112x16xf32, #tpu.memory_space<vmem_shared>> -> memref<316x16xf32, #tpu.memory_space<vmem_shared>>
      %dma_wait3A_34 = arith.constant 0 : i32
      %dma_wait3A_35 = tpu.memref_slice %arg7[%mul3A_15, %dma_wait3A_34] : memref<10112x16xf32, #tpu.memory_space<vmem_shared>> -> memref<316x16xf32, #tpu.memory_space<vmem_shared>>
      tpu.wait_dma2 semaphore(%run_scoped3A : memref<!tpu.dma_semaphore, #tpu.memory_space<semaphore_mem>>) src(%arg6 : memref<316x16xf32, #tpu.memory_space<vmem>>) dst(%dma_wait3A_35 : memref<316x16xf32, #tpu.memory_space<vmem_shared>>)
      tpu.yield
    }) : () -> ()
    %mul3A_16 = arith.constant 632 : i32
    %mul3A_17 = arith.muli %arg1, %mul3A_16 : i32
    %add3A_18 = arith.constant 316 : i32
    %add3A_19 = arith.addi %mul3A_17, %add3A_18 : i32
    "tpu.region"() ({
      %run_scoped3A = tpu.sem_alloc : memref<!tpu.dma_semaphore, #tpu.memory_space<semaphore_mem>>
      %dma_start3A = arith.constant 0 : i32
      %dma_start3A_30 = tpu.memref_slice %arg7[%add3A_19, %dma_start3A] : memref<10112x16xf32, #tpu.memory_space<vmem_shared>> -> memref<316x16xf32, #tpu.memory_space<vmem_shared>>
      %dma_start3A_31 = arith.constant 0 : i32
      %dma_start3A_32 = tpu.memref_slice %arg7[%add3A_19, %dma_start3A_31] : memref<10112x16xf32, #tpu.memory_space<vmem_shared>> -> memref<316x16xf32, #tpu.memory_space<vmem_shared>>
      tpu.enqueue_dma source(%arg6 : memref<316x16xf32, #tpu.memory_space<vmem>>) target(%dma_start3A_32 : memref<316x16xf32, #tpu.memory_space<vmem_shared>>) target_semaphore(%run_scoped3A : memref<!tpu.dma_semaphore, #tpu.memory_space<semaphore_mem>>)
      %dma_wait3A = arith.constant 0 : i32
      %dma_wait3A_33 = tpu.memref_slice %arg7[%add3A_19, %dma_wait3A] : memref<10112x16xf32, #tpu.memory_space<vmem_shared>> -> memref<316x16xf32, #tpu.memory_space<vmem_shared>>
      %dma_wait3A_34 = arith.constant 0 : i32
      %dma_wait3A_35 = tpu.memref_slice %arg7[%add3A_19, %dma_wait3A_34] : memref<10112x16xf32, #tpu.memory_space<vmem_shared>> -> memref<316x16xf32, #tpu.memory_space<vmem_shared>>
      tpu.wait_dma2 semaphore(%run_scoped3A : memref<!tpu.dma_semaphore, #tpu.memory_space<semaphore_mem>>) src(%arg6 : memref<316x16xf32, #tpu.memory_space<vmem>>) dst(%dma_wait3A_35 : memref<316x16xf32, #tpu.memory_space<vmem_shared>>)
      tpu.yield
    }) : () -> ()
    %barrier3A = arith.constant 0 : index
    tpu.barrier barrier_id(%barrier3A)
    %scan3A_20 = arith.constant 0 : i32
    %scan3A_21 = arith.constant 7 : i32
    %scan3A_22 = arith.addi %scan3A_20, %scan3A_21 : i32
    %scan3A_23 = arith.constant 1 : i32
    scf.for %scan3A_30 = %scan3A_20 to %scan3A_22 step %scan3A_23  : i32 {
      %mul3A_31 = arith.constant 12 : i32
      %mul3A_32 = arith.muli %scan3A_30, %mul3A_31 : i32
      %add3A_33 = arith.constant 0 : i32
      %add3A_34 = arith.addi %add3A_33, %mul3A_32 : i32
      %add3A_35 = arith.constant 0 : i32
      %add3A_36 = arith.addi %add3A_34, %add3A_35 : i32
      %dma_start3A = arith.constant 0 : i32
      %dma_start3A_37 = tpu.memref_slice %arg4[%add3A_36, %dma_start3A] : memref<84x128xi32, #tpu.memory_space<vmem>> -> memref<1x128xi32, #tpu.memory_space<vmem>>
      %dma_start3A_38 = tpu.memref_squeeze %dma_start3A_37 : memref<1x128xi32, #tpu.memory_space<vmem>> -> memref<128xi32, #tpu.memory_space<vmem>>
      %dma_start3A_39 = arith.constant 0 : i32
      %dma_start3A_40 = arith.constant 0 : i32
      %dma_start3A_41 = tpu.memref_slice %arg7[%dma_start3A_39, %dma_start3A_40] : memref<10112x16xf32, #tpu.memory_space<vmem_shared>> -> memref<10112x16xf32, #tpu.memory_space<vmem_shared>>
      tpu.enqueue_indirect_dma source(%arg5 : memref<128x16xf32, #tpu.memory_space<vmem>>) target(%dma_start3A_41 : memref<10112x16xf32, #tpu.memory_space<vmem_shared>>) offsets(%dma_start3A_38 : memref<128xi32, #tpu.memory_space<vmem>>) semaphore(%arg8 : memref<!tpu.dma_semaphore, #tpu.memory_space<semaphore_mem>>) {add = true}
      %add3A_42 = arith.constant 1 : i32
      %add3A_43 = arith.addi %add3A_34, %add3A_42 : i32
      %dma_start3A_44 = arith.constant 0 : i32
      %dma_start3A_45 = tpu.memref_slice %arg4[%add3A_43, %dma_start3A_44] : memref<84x128xi32, #tpu.memory_space<vmem>> -> memref<1x128xi32, #tpu.memory_space<vmem>>
      %dma_start3A_46 = tpu.memref_squeeze %dma_start3A_45 : memref<1x128xi32, #tpu.memory_space<vmem>> -> memref<128xi32, #tpu.memory_space<vmem>>
      %dma_start3A_47 = arith.constant 0 : i32
      %dma_start3A_48 = arith.constant 0 : i32
      %dma_start3A_49 = tpu.memref_slice %arg7[%dma_start3A_47, %dma_start3A_48] : memref<10112x16xf32, #tpu.memory_space<vmem_shared>> -> memref<10112x16xf32, #tpu.memory_space<vmem_shared>>
      tpu.enqueue_indirect_dma source(%arg5 : memref<128x16xf32, #tpu.memory_space<vmem>>) target(%dma_start3A_49 : memref<10112x16xf32, #tpu.memory_space<vmem_shared>>) offsets(%dma_start3A_46 : memref<128xi32, #tpu.memory_space<vmem>>) semaphore(%arg8 : memref<!tpu.dma_semaphore, #tpu.memory_space<semaphore_mem>>) {add = true}
      %add3A_50 = arith.constant 2 : i32
      %add3A_51 = arith.addi %add3A_34, %add3A_50 : i32
      %dma_start3A_52 = arith.constant 0 : i32
      %dma_start3A_53 = tpu.memref_slice %arg4[%add3A_51, %dma_start3A_52] : memref<84x128xi32, #tpu.memory_space<vmem>> -> memref<1x128xi32, #tpu.memory_space<vmem>>
      %dma_start3A_54 = tpu.memref_squeeze %dma_start3A_53 : memref<1x128xi32, #tpu.memory_space<vmem>> -> memref<128xi32, #tpu.memory_space<vmem>>
      %dma_start3A_55 = arith.constant 0 : i32
      %dma_start3A_56 = arith.constant 0 : i32
      %dma_start3A_57 = tpu.memref_slice %arg7[%dma_start3A_55, %dma_start3A_56] : memref<10112x16xf32, #tpu.memory_space<vmem_shared>> -> memref<10112x16xf32, #tpu.memory_space<vmem_shared>>
      tpu.enqueue_indirect_dma source(%arg5 : memref<128x16xf32, #tpu.memory_space<vmem>>) target(%dma_start3A_57 : memref<10112x16xf32, #tpu.memory_space<vmem_shared>>) offsets(%dma_start3A_54 : memref<128xi32, #tpu.memory_space<vmem>>) semaphore(%arg8 : memref<!tpu.dma_semaphore, #tpu.memory_space<semaphore_mem>>) {add = true}
      %add3A_58 = arith.constant 3 : i32
      %add3A_59 = arith.addi %add3A_34, %add3A_58 : i32
      %dma_start3A_60 = arith.constant 0 : i32
      %dma_start3A_61 = tpu.memref_slice %arg4[%add3A_59, %dma_start3A_60] : memref<84x128xi32, #tpu.memory_space<vmem>> -> memref<1x128xi32, #tpu.memory_space<vmem>>
      %dma_start3A_62 = tpu.memref_squeeze %dma_start3A_61 : memref<1x128xi32, #tpu.memory_space<vmem>> -> memref<128xi32, #tpu.memory_space<vmem>>
      %dma_start3A_63 = arith.constant 0 : i32
      %dma_start3A_64 = arith.constant 0 : i32
      %dma_start3A_65 = tpu.memref_slice %arg7[%dma_start3A_63, %dma_start3A_64] : memref<10112x16xf32, #tpu.memory_space<vmem_shared>> -> memref<10112x16xf32, #tpu.memory_space<vmem_shared>>
      tpu.enqueue_indirect_dma source(%arg5 : memref<128x16xf32, #tpu.memory_space<vmem>>) target(%dma_start3A_65 : memref<10112x16xf32, #tpu.memory_space<vmem_shared>>) offsets(%dma_start3A_62 : memref<128xi32, #tpu.memory_space<vmem>>) semaphore(%arg8 : memref<!tpu.dma_semaphore, #tpu.memory_space<semaphore_mem>>) {add = true}
      %add3A_66 = arith.constant 4 : i32
      %add3A_67 = arith.addi %add3A_34, %add3A_66 : i32
      %dma_start3A_68 = arith.constant 0 : i32
      %dma_start3A_69 = tpu.memref_slice %arg4[%add3A_67, %dma_start3A_68] : memref<84x128xi32, #tpu.memory_space<vmem>> -> memref<1x128xi32, #tpu.memory_space<vmem>>
      %dma_start3A_70 = tpu.memref_squeeze %dma_start3A_69 : memref<1x128xi32, #tpu.memory_space<vmem>> -> memref<128xi32, #tpu.memory_space<vmem>>
      %dma_start3A_71 = arith.constant 0 : i32
      %dma_start3A_72 = arith.constant 0 : i32
      %dma_start3A_73 = tpu.memref_slice %arg7[%dma_start3A_71, %dma_start3A_72] : memref<10112x16xf32, #tpu.memory_space<vmem_shared>> -> memref<10112x16xf32, #tpu.memory_space<vmem_shared>>
      tpu.enqueue_indirect_dma source(%arg5 : memref<128x16xf32, #tpu.memory_space<vmem>>) target(%dma_start3A_73 : memref<10112x16xf32, #tpu.memory_space<vmem_shared>>) offsets(%dma_start3A_70 : memref<128xi32, #tpu.memory_space<vmem>>) semaphore(%arg8 : memref<!tpu.dma_semaphore, #tpu.memory_space<semaphore_mem>>) {add = true}
      %add3A_74 = arith.constant 5 : i32
      %add3A_75 = arith.addi %add3A_34, %add3A_74 : i32
      %dma_start3A_76 = arith.constant 0 : i32
      %dma_start3A_77 = tpu.memref_slice %arg4[%add3A_75, %dma_start3A_76] : memref<84x128xi32, #tpu.memory_space<vmem>> -> memref<1x128xi32, #tpu.memory_space<vmem>>
      %dma_start3A_78 = tpu.memref_squeeze %dma_start3A_77 : memref<1x128xi32, #tpu.memory_space<vmem>> -> memref<128xi32, #tpu.memory_space<vmem>>
      %dma_start3A_79 = arith.constant 0 : i32
      %dma_start3A_80 = arith.constant 0 : i32
      %dma_start3A_81 = tpu.memref_slice %arg7[%dma_start3A_79, %dma_start3A_80] : memref<10112x16xf32, #tpu.memory_space<vmem_shared>> -> memref<10112x16xf32, #tpu.memory_space<vmem_shared>>
      tpu.enqueue_indirect_dma source(%arg5 : memref<128x16xf32, #tpu.memory_space<vmem>>) target(%dma_start3A_81 : memref<10112x16xf32, #tpu.memory_space<vmem_shared>>) offsets(%dma_start3A_78 : memref<128xi32, #tpu.memory_space<vmem>>) semaphore(%arg8 : memref<!tpu.dma_semaphore, #tpu.memory_space<semaphore_mem>>) {add = true}
      %add3A_82 = arith.constant 6 : i32
      %add3A_83 = arith.addi %add3A_34, %add3A_82 : i32
      %dma_start3A_84 = arith.constant 0 : i32
      %dma_start3A_85 = tpu.memref_slice %arg4[%add3A_83, %dma_start3A_84] : memref<84x128xi32, #tpu.memory_space<vmem>> -> memref<1x128xi32, #tpu.memory_space<vmem>>
      %dma_start3A_86 = tpu.memref_squeeze %dma_start3A_85 : memref<1x128xi32, #tpu.memory_space<vmem>> -> memref<128xi32, #tpu.memory_space<vmem>>
      %dma_start3A_87 = arith.constant 0 : i32
      %dma_start3A_88 = arith.constant 0 : i32
      %dma_start3A_89 = tpu.memref_slice %arg7[%dma_start3A_87, %dma_start3A_88] : memref<10112x16xf32, #tpu.memory_space<vmem_shared>> -> memref<10112x16xf32, #tpu.memory_space<vmem_shared>>
      tpu.enqueue_indirect_dma source(%arg5 : memref<128x16xf32, #tpu.memory_space<vmem>>) target(%dma_start3A_89 : memref<10112x16xf32, #tpu.memory_space<vmem_shared>>) offsets(%dma_start3A_86 : memref<128xi32, #tpu.memory_space<vmem>>) semaphore(%arg8 : memref<!tpu.dma_semaphore, #tpu.memory_space<semaphore_mem>>) {add = true}
      %add3A_90 = arith.constant 7 : i32
      %add3A_91 = arith.addi %add3A_34, %add3A_90 : i32
      %dma_start3A_92 = arith.constant 0 : i32
      %dma_start3A_93 = tpu.memref_slice %arg4[%add3A_91, %dma_start3A_92] : memref<84x128xi32, #tpu.memory_space<vmem>> -> memref<1x128xi32, #tpu.memory_space<vmem>>
      %dma_start3A_94 = tpu.memref_squeeze %dma_start3A_93 : memref<1x128xi32, #tpu.memory_space<vmem>> -> memref<128xi32, #tpu.memory_space<vmem>>
      %dma_start3A_95 = arith.constant 0 : i32
      %dma_start3A_96 = arith.constant 0 : i32
      %dma_start3A_97 = tpu.memref_slice %arg7[%dma_start3A_95, %dma_start3A_96] : memref<10112x16xf32, #tpu.memory_space<vmem_shared>> -> memref<10112x16xf32, #tpu.memory_space<vmem_shared>>
      tpu.enqueue_indirect_dma source(%arg5 : memref<128x16xf32, #tpu.memory_space<vmem>>) target(%dma_start3A_97 : memref<10112x16xf32, #tpu.memory_space<vmem_shared>>) offsets(%dma_start3A_94 : memref<128xi32, #tpu.memory_space<vmem>>) semaphore(%arg8 : memref<!tpu.dma_semaphore, #tpu.memory_space<semaphore_mem>>) {add = true}
      %add3A_98 = arith.constant 8 : i32
      %add3A_99 = arith.addi %add3A_34, %add3A_98 : i32
      %dma_start3A_100 = arith.constant 0 : i32
      %dma_start3A_101 = tpu.memref_slice %arg4[%add3A_99, %dma_start3A_100] : memref<84x128xi32, #tpu.memory_space<vmem>> -> memref<1x128xi32, #tpu.memory_space<vmem>>
      %dma_start3A_102 = tpu.memref_squeeze %dma_start3A_101 : memref<1x128xi32, #tpu.memory_space<vmem>> -> memref<128xi32, #tpu.memory_space<vmem>>
      %dma_start3A_103 = arith.constant 0 : i32
      %dma_start3A_104 = arith.constant 0 : i32
      %dma_start3A_105 = tpu.memref_slice %arg7[%dma_start3A_103, %dma_start3A_104] : memref<10112x16xf32, #tpu.memory_space<vmem_shared>> -> memref<10112x16xf32, #tpu.memory_space<vmem_shared>>
      tpu.enqueue_indirect_dma source(%arg5 : memref<128x16xf32, #tpu.memory_space<vmem>>) target(%dma_start3A_105 : memref<10112x16xf32, #tpu.memory_space<vmem_shared>>) offsets(%dma_start3A_102 : memref<128xi32, #tpu.memory_space<vmem>>) semaphore(%arg8 : memref<!tpu.dma_semaphore, #tpu.memory_space<semaphore_mem>>) {add = true}
      %add3A_106 = arith.constant 9 : i32
      %add3A_107 = arith.addi %add3A_34, %add3A_106 : i32
      %dma_start3A_108 = arith.constant 0 : i32
      %dma_start3A_109 = tpu.memref_slice %arg4[%add3A_107, %dma_start3A_108] : memref<84x128xi32, #tpu.memory_space<vmem>> -> memref<1x128xi32, #tpu.memory_space<vmem>>
      %dma_start3A_110 = tpu.memref_squeeze %dma_start3A_109 : memref<1x128xi32, #tpu.memory_space<vmem>> -> memref<128xi32, #tpu.memory_space<vmem>>
      %dma_start3A_111 = arith.constant 0 : i32
      %dma_start3A_112 = arith.constant 0 : i32
      %dma_start3A_113 = tpu.memref_slice %arg7[%dma_start3A_111, %dma_start3A_112] : memref<10112x16xf32, #tpu.memory_space<vmem_shared>> -> memref<10112x16xf32, #tpu.memory_space<vmem_shared>>
      tpu.enqueue_indirect_dma source(%arg5 : memref<128x16xf32, #tpu.memory_space<vmem>>) target(%dma_start3A_113 : memref<10112x16xf32, #tpu.memory_space<vmem_shared>>) offsets(%dma_start3A_110 : memref<128xi32, #tpu.memory_space<vmem>>) semaphore(%arg8 : memref<!tpu.dma_semaphore, #tpu.memory_space<semaphore_mem>>) {add = true}
      %add3A_114 = arith.constant 10 : i32
      %add3A_115 = arith.addi %add3A_34, %add3A_114 : i32
      %dma_start3A_116 = arith.constant 0 : i32
      %dma_start3A_117 = tpu.memref_slice %arg4[%add3A_115, %dma_start3A_116] : memref<84x128xi32, #tpu.memory_space<vmem>> -> memref<1x128xi32, #tpu.memory_space<vmem>>
      %dma_start3A_118 = tpu.memref_squeeze %dma_start3A_117 : memref<1x128xi32, #tpu.memory_space<vmem>> -> memref<128xi32, #tpu.memory_space<vmem>>
      %dma_start3A_119 = arith.constant 0 : i32
      %dma_start3A_120 = arith.constant 0 : i32
      %dma_start3A_121 = tpu.memref_slice %arg7[%dma_start3A_119, %dma_start3A_120] : memref<10112x16xf32, #tpu.memory_space<vmem_shared>> -> memref<10112x16xf32, #tpu.memory_space<vmem_shared>>
      tpu.enqueue_indirect_dma source(%arg5 : memref<128x16xf32, #tpu.memory_space<vmem>>) target(%dma_start3A_121 : memref<10112x16xf32, #tpu.memory_space<vmem_shared>>) offsets(%dma_start3A_118 : memref<128xi32, #tpu.memory_space<vmem>>) semaphore(%arg8 : memref<!tpu.dma_semaphore, #tpu.memory_space<semaphore_mem>>) {add = true}
      %add3A_122 = arith.constant 11 : i32
      %add3A_123 = arith.addi %add3A_34, %add3A_122 : i32
      %dma_start3A_124 = arith.constant 0 : i32
      %dma_start3A_125 = tpu.memref_slice %arg4[%add3A_123, %dma_start3A_124] : memref<84x128xi32, #tpu.memory_space<vmem>> -> memref<1x128xi32, #tpu.memory_space<vmem>>
      %dma_start3A_126 = tpu.memref_squeeze %dma_start3A_125 : memref<1x128xi32, #tpu.memory_space<vmem>> -> memref<128xi32, #tpu.memory_space<vmem>>
      %dma_start3A_127 = arith.constant 0 : i32
      %dma_start3A_128 = arith.constant 0 : i32
      %dma_start3A_129 = tpu.memref_slice %arg7[%dma_start3A_127, %dma_start3A_128] : memref<10112x16xf32, #tpu.memory_space<vmem_shared>> -> memref<10112x16xf32, #tpu.memory_space<vmem_shared>>
      tpu.enqueue_indirect_dma source(%arg5 : memref<128x16xf32, #tpu.memory_space<vmem>>) target(%dma_start3A_129 : memref<10112x16xf32, #tpu.memory_space<vmem_shared>>) offsets(%dma_start3A_126 : memref<128xi32, #tpu.memory_space<vmem>>) semaphore(%arg8 : memref<!tpu.dma_semaphore, #tpu.memory_space<semaphore_mem>>) {add = true}
      %dma_wait3A = arith.constant 0 : i32
      %dma_wait3A_130 = tpu.memref_slice %arg4[%add3A_34, %dma_wait3A] : memref<84x128xi32, #tpu.memory_space<vmem>> -> memref<1x128xi32, #tpu.memory_space<vmem>>
      %dma_wait3A_131 = tpu.memref_squeeze %dma_wait3A_130 : memref<1x128xi32, #tpu.memory_space<vmem>> -> memref<128xi32, #tpu.memory_space<vmem>>
      %dma_wait3A_132 = arith.constant 0 : i32
      %dma_wait3A_133 = arith.constant 0 : i32
      %dma_wait3A_134 = tpu.memref_slice %arg7[%dma_wait3A_132, %dma_wait3A_133] : memref<10112x16xf32, #tpu.memory_space<vmem_shared>> -> memref<10112x16xf32, #tpu.memory_space<vmem_shared>>
      tpu.wait_indirect_dma semaphore(%arg8 : memref<!tpu.dma_semaphore, #tpu.memory_space<semaphore_mem>>) src(%arg5 : memref<128x16xf32, #tpu.memory_space<vmem>>) dst(%dma_wait3A_134 : memref<10112x16xf32, #tpu.memory_space<vmem_shared>>)
      %dma_wait3A_135 = arith.constant 0 : i32
      %dma_wait3A_136 = tpu.memref_slice %arg4[%add3A_34, %dma_wait3A_135] : memref<84x128xi32, #tpu.memory_space<vmem>> -> memref<1x128xi32, #tpu.memory_space<vmem>>
      %dma_wait3A_137 = tpu.memref_squeeze %dma_wait3A_136 : memref<1x128xi32, #tpu.memory_space<vmem>> -> memref<128xi32, #tpu.memory_space<vmem>>
      %dma_wait3A_138 = arith.constant 0 : i32
      %dma_wait3A_139 = arith.constant 0 : i32
      %dma_wait3A_140 = tpu.memref_slice %arg7[%dma_wait3A_138, %dma_wait3A_139] : memref<10112x16xf32, #tpu.memory_space<vmem_shared>> -> memref<10112x16xf32, #tpu.memory_space<vmem_shared>>
      tpu.wait_indirect_dma semaphore(%arg8 : memref<!tpu.dma_semaphore, #tpu.memory_space<semaphore_mem>>) src(%arg5 : memref<128x16xf32, #tpu.memory_space<vmem>>) dst(%dma_wait3A_140 : memref<10112x16xf32, #tpu.memory_space<vmem_shared>>)
      %dma_wait3A_141 = arith.constant 0 : i32
      %dma_wait3A_142 = tpu.memref_slice %arg4[%add3A_34, %dma_wait3A_141] : memref<84x128xi32, #tpu.memory_space<vmem>> -> memref<1x128xi32, #tpu.memory_space<vmem>>
      %dma_wait3A_143 = tpu.memref_squeeze %dma_wait3A_142 : memref<1x128xi32, #tpu.memory_space<vmem>> -> memref<128xi32, #tpu.memory_space<vmem>>
      %dma_wait3A_144 = arith.constant 0 : i32
      %dma_wait3A_145 = arith.constant 0 : i32
      %dma_wait3A_146 = tpu.memref_slice %arg7[%dma_wait3A_144, %dma_wait3A_145] : memref<10112x16xf32, #tpu.memory_space<vmem_shared>> -> memref<10112x16xf32, #tpu.memory_space<vmem_shared>>
      tpu.wait_indirect_dma semaphore(%arg8 : memref<!tpu.dma_semaphore, #tpu.memory_space<semaphore_mem>>) src(%arg5 : memref<128x16xf32, #tpu.memory_space<vmem>>) dst(%dma_wait3A_146 : memref<10112x16xf32, #tpu.memory_space<vmem_shared>>)
      %dma_wait3A_147 = arith.constant 0 : i32
      %dma_wait3A_148 = tpu.memref_slice %arg4[%add3A_34, %dma_wait3A_147] : memref<84x128xi32, #tpu.memory_space<vmem>> -> memref<1x128xi32, #tpu.memory_space<vmem>>
      %dma_wait3A_149 = tpu.memref_squeeze %dma_wait3A_148 : memref<1x128xi32, #tpu.memory_space<vmem>> -> memref<128xi32, #tpu.memory_space<vmem>>
      %dma_wait3A_150 = arith.constant 0 : i32
      %dma_wait3A_151 = arith.constant 0 : i32
      %dma_wait3A_152 = tpu.memref_slice %arg7[%dma_wait3A_150, %dma_wait3A_151] : memref<10112x16xf32, #tpu.memory_space<vmem_shared>> -> memref<10112x16xf32, #tpu.memory_space<vmem_shared>>
      tpu.wait_indirect_dma semaphore(%arg8 : memref<!tpu.dma_semaphore, #tpu.memory_space<semaphore_mem>>) src(%arg5 : memref<128x16xf32, #tpu.memory_space<vmem>>) dst(%dma_wait3A_152 : memref<10112x16xf32, #tpu.memory_space<vmem_shared>>)
      %dma_wait3A_153 = arith.constant 0 : i32
      %dma_wait3A_154 = tpu.memref_slice %arg4[%add3A_34, %dma_wait3A_153] : memref<84x128xi32, #tpu.memory_space<vmem>> -> memref<1x128xi32, #tpu.memory_space<vmem>>
      %dma_wait3A_155 = tpu.memref_squeeze %dma_wait3A_154 : memref<1x128xi32, #tpu.memory_space<vmem>> -> memref<128xi32, #tpu.memory_space<vmem>>
      %dma_wait3A_156 = arith.constant 0 : i32
      %dma_wait3A_157 = arith.constant 0 : i32
      %dma_wait3A_158 = tpu.memref_slice %arg7[%dma_wait3A_156, %dma_wait3A_157] : memref<10112x16xf32, #tpu.memory_space<vmem_shared>> -> memref<10112x16xf32, #tpu.memory_space<vmem_shared>>
      tpu.wait_indirect_dma semaphore(%arg8 : memref<!tpu.dma_semaphore, #tpu.memory_space<semaphore_mem>>) src(%arg5 : memref<128x16xf32, #tpu.memory_space<vmem>>) dst(%dma_wait3A_158 : memref<10112x16xf32, #tpu.memory_space<vmem_shared>>)
      %dma_wait3A_159 = arith.constant 0 : i32
      %dma_wait3A_160 = tpu.memref_slice %arg4[%add3A_34, %dma_wait3A_159] : memref<84x128xi32, #tpu.memory_space<vmem>> -> memref<1x128xi32, #tpu.memory_space<vmem>>
      %dma_wait3A_161 = tpu.memref_squeeze %dma_wait3A_160 : memref<1x128xi32, #tpu.memory_space<vmem>> -> memref<128xi32, #tpu.memory_space<vmem>>
      %dma_wait3A_162 = arith.constant 0 : i32
      %dma_wait3A_163 = arith.constant 0 : i32
      %dma_wait3A_164 = tpu.memref_slice %arg7[%dma_wait3A_162, %dma_wait3A_163] : memref<10112x16xf32, #tpu.memory_space<vmem_shared>> -> memref<10112x16xf32, #tpu.memory_space<vmem_shared>>
      tpu.wait_indirect_dma semaphore(%arg8 : memref<!tpu.dma_semaphore, #tpu.memory_space<semaphore_mem>>) src(%arg5 : memref<128x16xf32, #tpu.memory_space<vmem>>) dst(%dma_wait3A_164 : memref<10112x16xf32, #tpu.memory_space<vmem_shared>>)
      %dma_wait3A_165 = arith.constant 0 : i32
      %dma_wait3A_166 = tpu.memref_slice %arg4[%add3A_34, %dma_wait3A_165] : memref<84x128xi32, #tpu.memory_space<vmem>> -> memref<1x128xi32, #tpu.memory_space<vmem>>
      %dma_wait3A_167 = tpu.memref_squeeze %dma_wait3A_166 : memref<1x128xi32, #tpu.memory_space<vmem>> -> memref<128xi32, #tpu.memory_space<vmem>>
      %dma_wait3A_168 = arith.constant 0 : i32
      %dma_wait3A_169 = arith.constant 0 : i32
      %dma_wait3A_170 = tpu.memref_slice %arg7[%dma_wait3A_168, %dma_wait3A_169] : memref<10112x16xf32, #tpu.memory_space<vmem_shared>> -> memref<10112x16xf32, #tpu.memory_space<vmem_shared>>
      tpu.wait_indirect_dma semaphore(%arg8 : memref<!tpu.dma_semaphore, #tpu.memory_space<semaphore_mem>>) src(%arg5 : memref<128x16xf32, #tpu.memory_space<vmem>>) dst(%dma_wait3A_170 : memref<10112x16xf32, #tpu.memory_space<vmem_shared>>)
      %dma_wait3A_171 = arith.constant 0 : i32
      %dma_wait3A_172 = tpu.memref_slice %arg4[%add3A_34, %dma_wait3A_171] : memref<84x128xi32, #tpu.memory_space<vmem>> -> memref<1x128xi32, #tpu.memory_space<vmem>>
      %dma_wait3A_173 = tpu.memref_squeeze %dma_wait3A_172 : memref<1x128xi32, #tpu.memory_space<vmem>> -> memref<128xi32, #tpu.memory_space<vmem>>
      %dma_wait3A_174 = arith.constant 0 : i32
      %dma_wait3A_175 = arith.constant 0 : i32
      %dma_wait3A_176 = tpu.memref_slice %arg7[%dma_wait3A_174, %dma_wait3A_175] : memref<10112x16xf32, #tpu.memory_space<vmem_shared>> -> memref<10112x16xf32, #tpu.memory_space<vmem_shared>>
      tpu.wait_indirect_dma semaphore(%arg8 : memref<!tpu.dma_semaphore, #tpu.memory_space<semaphore_mem>>) src(%arg5 : memref<128x16xf32, #tpu.memory_space<vmem>>) dst(%dma_wait3A_176 : memref<10112x16xf32, #tpu.memory_space<vmem_shared>>)
      %dma_wait3A_177 = arith.constant 0 : i32
      %dma_wait3A_178 = tpu.memref_slice %arg4[%add3A_34, %dma_wait3A_177] : memref<84x128xi32, #tpu.memory_space<vmem>> -> memref<1x128xi32, #tpu.memory_space<vmem>>
      %dma_wait3A_179 = tpu.memref_squeeze %dma_wait3A_178 : memref<1x128xi32, #tpu.memory_space<vmem>> -> memref<128xi32, #tpu.memory_space<vmem>>
      %dma_wait3A_180 = arith.constant 0 : i32
      %dma_wait3A_181 = arith.constant 0 : i32
      %dma_wait3A_182 = tpu.memref_slice %arg7[%dma_wait3A_180, %dma_wait3A_181] : memref<10112x16xf32, #tpu.memory_space<vmem_shared>> -> memref<10112x16xf32, #tpu.memory_space<vmem_shared>>
      tpu.wait_indirect_dma semaphore(%arg8 : memref<!tpu.dma_semaphore, #tpu.memory_space<semaphore_mem>>) src(%arg5 : memref<128x16xf32, #tpu.memory_space<vmem>>) dst(%dma_wait3A_182 : memref<10112x16xf32, #tpu.memory_space<vmem_shared>>)
      %dma_wait3A_183 = arith.constant 0 : i32
      %dma_wait3A_184 = tpu.memref_slice %arg4[%add3A_34, %dma_wait3A_183] : memref<84x128xi32, #tpu.memory_space<vmem>> -> memref<1x128xi32, #tpu.memory_space<vmem>>
      %dma_wait3A_185 = tpu.memref_squeeze %dma_wait3A_184 : memref<1x128xi32, #tpu.memory_space<vmem>> -> memref<128xi32, #tpu.memory_space<vmem>>
      %dma_wait3A_186 = arith.constant 0 : i32
      %dma_wait3A_187 = arith.constant 0 : i32
      %dma_wait3A_188 = tpu.memref_slice %arg7[%dma_wait3A_186, %dma_wait3A_187] : memref<10112x16xf32, #tpu.memory_space<vmem_shared>> -> memref<10112x16xf32, #tpu.memory_space<vmem_shared>>
      tpu.wait_indirect_dma semaphore(%arg8 : memref<!tpu.dma_semaphore, #tpu.memory_space<semaphore_mem>>) src(%arg5 : memref<128x16xf32, #tpu.memory_space<vmem>>) dst(%dma_wait3A_188 : memref<10112x16xf32, #tpu.memory_space<vmem_shared>>)
      %dma_wait3A_189 = arith.constant 0 : i32
      %dma_wait3A_190 = tpu.memref_slice %arg4[%add3A_34, %dma_wait3A_189] : memref<84x128xi32, #tpu.memory_space<vmem>> -> memref<1x128xi32, #tpu.memory_space<vmem>>
      %dma_wait3A_191 = tpu.memref_squeeze %dma_wait3A_190 : memref<1x128xi32, #tpu.memory_space<vmem>> -> memref<128xi32, #tpu.memory_space<vmem>>
      %dma_wait3A_192 = arith.constant 0 : i32
      %dma_wait3A_193 = arith.constant 0 : i32
      %dma_wait3A_194 = tpu.memref_slice %arg7[%dma_wait3A_192, %dma_wait3A_193] : memref<10112x16xf32, #tpu.memory_space<vmem_shared>> -> memref<10112x16xf32, #tpu.memory_space<vmem_shared>>
      tpu.wait_indirect_dma semaphore(%arg8 : memref<!tpu.dma_semaphore, #tpu.memory_space<semaphore_mem>>) src(%arg5 : memref<128x16xf32, #tpu.memory_space<vmem>>) dst(%dma_wait3A_194 : memref<10112x16xf32, #tpu.memory_space<vmem_shared>>)
      %dma_wait3A_195 = arith.constant 0 : i32
      %dma_wait3A_196 = tpu.memref_slice %arg4[%add3A_34, %dma_wait3A_195] : memref<84x128xi32, #tpu.memory_space<vmem>> -> memref<1x128xi32, #tpu.memory_space<vmem>>
      %dma_wait3A_197 = tpu.memref_squeeze %dma_wait3A_196 : memref<1x128xi32, #tpu.memory_space<vmem>> -> memref<128xi32, #tpu.memory_space<vmem>>
      %dma_wait3A_198 = arith.constant 0 : i32
      %dma_wait3A_199 = arith.constant 0 : i32
      %dma_wait3A_200 = tpu.memref_slice %arg7[%dma_wait3A_198, %dma_wait3A_199] : memref<10112x16xf32, #tpu.memory_space<vmem_shared>> -> memref<10112x16xf32, #tpu.memory_space<vmem_shared>>
      tpu.wait_indirect_dma semaphore(%arg8 : memref<!tpu.dma_semaphore, #tpu.memory_space<semaphore_mem>>) src(%arg5 : memref<128x16xf32, #tpu.memory_space<vmem>>) dst(%dma_wait3A_200 : memref<10112x16xf32, #tpu.memory_space<vmem_shared>>)
    }
    %scan3A_24 = arith.constant 7 : i32
    %barrier3A_25 = arith.constant 0 : index
    tpu.barrier barrier_id(%barrier3A_25)
    %mul3A_26 = arith.constant 632 : i32
    %mul3A_27 = arith.muli %arg1, %mul3A_26 : i32
    %mul3A_28 = arith.constant 632 : i32
    %mul3A_29 = arith.muli %arg1, %mul3A_28 : i32
    "tpu.region"() ({
      %run_scoped3A = tpu.sem_alloc : memref<!tpu.dma_semaphore, #tpu.memory_space<semaphore_mem>>
      %dma_start3A = arith.constant 0 : i32
      %dma_start3A_30 = tpu.memref_slice %arg3[%arg0, %mul3A_29, %dma_start3A] : memref<2x10112x16xf32, #tpu.memory_space<hbm>> -> memref<1x632x16xf32, #tpu.memory_space<hbm>>
      %dma_start3A_31 = tpu.memref_squeeze %dma_start3A_30 : memref<1x632x16xf32, #tpu.memory_space<hbm>> -> memref<632x16xf32, #tpu.memory_space<hbm>>
      %dma_start3A_32 = arith.constant 0 : i32
      %dma_start3A_33 = tpu.memref_slice %arg7[%mul3A_27, %dma_start3A_32] : memref<10112x16xf32, #tpu.memory_space<vmem_shared>> -> memref<632x16xf32, #tpu.memory_space<vmem_shared>>
      tpu.enqueue_dma source(%dma_start3A_33 : memref<632x16xf32, #tpu.memory_space<vmem_shared>>) target(%dma_start3A_31 : memref<632x16xf32, #tpu.memory_space<hbm>>) target_semaphore(%run_scoped3A : memref<!tpu.dma_semaphore, #tpu.memory_space<semaphore_mem>>)
      %dma_wait3A = arith.constant 0 : i32
      %dma_wait3A_34 = tpu.memref_slice %arg3[%arg0, %mul3A_29, %dma_wait3A] : memref<2x10112x16xf32, #tpu.memory_space<hbm>> -> memref<1x632x16xf32, #tpu.memory_space<hbm>>
      %dma_wait3A_35 = tpu.memref_squeeze %dma_wait3A_34 : memref<1x632x16xf32, #tpu.memory_space<hbm>> -> memref<632x16xf32, #tpu.memory_space<hbm>>
      %dma_wait3A_36 = arith.constant 0 : i32
      %dma_wait3A_37 = tpu.memref_slice %arg7[%mul3A_27, %dma_wait3A_36] : memref<10112x16xf32, #tpu.memory_space<vmem_shared>> -> memref<632x16xf32, #tpu.memory_space<vmem_shared>>
      tpu.wait_dma2 semaphore(%run_scoped3A : memref<!tpu.dma_semaphore, #tpu.memory_space<semaphore_mem>>) src(%dma_wait3A_37 : memref<632x16xf32, #tpu.memory_space<vmem_shared>>) dst(%dma_wait3A_35 : memref<632x16xf32, #tpu.memory_space<hbm>>)
      tpu.yield
    }) : () -> ()
    return
  }
}

#map = affine_map<(d0, d1) -> (0, 0, 0)>
#map1 = affine_map<(d0, d1) -> (0, 0)>
#map2 = affine_map<(d0, d1) -> (0, 0, 0, 0)>
module attributes {stable_mosaic.version = 14 : i64} {
  func.func @_edge_kernel(%arg0: i32, %arg1: i32, %arg2: memref<32x84x128xi32, #tpu.memory_space<hbm>>, %arg3: memref<32x84x128xi32, #tpu.memory_space<hbm>>, %arg4: memref<32x84x128xi32, #tpu.memory_space<hbm>>, %arg5: memref<20224x64xf32, #tpu.memory_space<hbm>>, %arg6: memref<2x2x10112x64xf32, #tpu.memory_space<hbm>>, %arg7: memref<84x128xi32, #tpu.memory_space<vmem>>, %arg8: memref<84x128xi32, #tpu.memory_space<vmem>>, %arg9: memref<128x64xf32, #tpu.memory_space<vmem>>, %arg10: memref<128x64xf32, #tpu.memory_space<vmem>>, %arg11: memref<128x64xf32, #tpu.memory_space<vmem>>, %arg12: memref<128x64xf32, #tpu.memory_space<vmem>>, %arg13: memref<316x64xf32, #tpu.memory_space<vmem>>, %arg14: memref<10112x64xf32, #tpu.memory_space<vmem_shared>>, %arg15: memref<!tpu.dma_semaphore, #tpu.memory_space<semaphore_mem>>, %arg16: memref<!tpu.dma_semaphore, #tpu.memory_space<semaphore_mem>>, %arg17: memref<!tpu.dma_semaphore, #tpu.memory_space<semaphore_mem>>, %arg18: memref<!tpu.dma_semaphore, #tpu.memory_space<semaphore_mem>>, %arg19: memref<!tpu.dma_semaphore, #tpu.memory_space<semaphore_mem>>, %arg20: memref<!tpu.dma_semaphore, #tpu.memory_space<semaphore_mem>>, %arg21: memref<!tpu.dma_semaphore, #tpu.memory_space<semaphore_mem>>, %arg22: memref<!tpu.dma_semaphore, #tpu.memory_space<semaphore_mem>>) attributes {dimension_semantics = [#tpu.dimension_semantics<core_parallel>, #tpu.dimension_semantics<subcore_parallel>], iteration_bounds = array<i64: 2, 16>, scalar_prefetch = 0 : i64, scratch_operands = 16 : i64, tpu.core_type = #tpu.core_type<sc_vector_subcore>, window_params = [{transform_indices = #map}, {transform_indices = #map}, {transform_indices = #map}, {transform_indices = #map1}, {transform_indices = #map2}]} {
    %mul3A = arith.constant 16 : i32
    %mul3A_0 = arith.muli %arg0, %mul3A : i32
    %add3A = arith.addi %mul3A_0, %arg1 : i32
    %scan3A = arith.constant 0 : i32
    %scan3A_1 = arith.constant 0 : i32
    %scan3A_2 = arith.constant 1264 : i32
    %scan3A_3 = arith.addi %scan3A_1, %scan3A_2 : i32
    %scan3A_4 = arith.constant 1 : i32
    %scan3A_5 = scf.for %scan3A_123 = %scan3A_1 to %scan3A_3 step %scan3A_4 iter_args(%scan3A_124 = %scan3A) -> (i32)  : i32 {
      %broadcast_in_dim3A = arith.constant 0.000000e+00 : f32
      %broadcast_in_dim3A_125 = vector.broadcast %broadcast_in_dim3A : f32 to vector<16xf32>
      %jit3A = arith.constant 4 : i32
      %div3A = arith.divsi %scan3A_123, %jit3A : i32
      %sign3A = arith.constant 0 : i32
      %sign3A_126 = arith.cmpi sgt, %scan3A_123, %sign3A : i32
      %sign3A_127 = arith.extui %sign3A_126 : i1 to i32
      %sign3A_128 = arith.constant 0 : i32
      %sign3A_129 = arith.cmpi slt, %scan3A_123, %sign3A_128 : i32
      %sign3A_130 = arith.extui %sign3A_129 : i1 to i32
      %sign3A_131 = arith.subi %sign3A_127, %sign3A_130 : i32
      %sign3A_132 = arith.constant 0 : i32
      %sign3A_133 = arith.cmpi sgt, %jit3A, %sign3A_132 : i32
      %sign3A_134 = arith.extui %sign3A_133 : i1 to i32
      %sign3A_135 = arith.constant 0 : i32
      %sign3A_136 = arith.cmpi slt, %jit3A, %sign3A_135 : i32
      %sign3A_137 = arith.extui %sign3A_136 : i1 to i32
      %sign3A_138 = arith.subi %sign3A_134, %sign3A_137 : i32
      %ne3A = arith.cmpi ne, %sign3A_131, %sign3A_138 : i32
      %rem3A = arith.remsi %scan3A_123, %jit3A : i32
      %ne3A_139 = arith.constant 0 : i32
      %ne3A_140 = arith.cmpi ne, %rem3A, %ne3A_139 : i32
      %and3A = arith.andi %ne3A, %ne3A_140 : i1
      %sub3A = arith.constant 1 : i32
      %sub3A_141 = arith.subi %div3A, %sub3A : i32
      %select_n3A = arith.select %and3A, %sub3A_141, %div3A : i32
      %jit3A_142 = arith.constant 4 : i32
      %eq3A = arith.constant 0 : i32
      %eq3A_143 = arith.cmpi eq, %jit3A_142, %eq3A : i32
      %jit3A_144 = arith.constant 1 : i32
      %select_n3A_145 = arith.select %eq3A_143, %jit3A_144, %jit3A_142 : i32
      %rem3A_146 = arith.remsi %scan3A_123, %select_n3A_145 : i32
      %ne3A_147 = arith.constant 0 : i32
      %ne3A_148 = arith.cmpi ne, %rem3A_146, %ne3A_147 : i32
      %lt3A = arith.constant 0 : i32
      %lt3A_149 = arith.cmpi slt, %rem3A_146, %lt3A : i32
      %lt3A_150 = arith.constant 0 : i32
      %lt3A_151 = arith.cmpi slt, %select_n3A_145, %lt3A_150 : i32
      %ne3A_152 = arith.xori %lt3A_149, %lt3A_151 : i1
      %and3A_153 = arith.andi %ne3A_152, %ne3A_148 : i1
      %add3A_154 = arith.addi %rem3A_146, %select_n3A_145 : i32
      %select_n3A_155 = arith.select %and3A_153, %add3A_154, %rem3A_146 : i32
      %mul3A_156 = arith.constant 16 : i32
      %mul3A_157 = arith.muli %select_n3A_155, %mul3A_156 : i32
      %swap3A = arith.index_cast %select_n3A : i32 to index
      %swap3A_158 = arith.index_cast %mul3A_157 : i32 to index
      %swap3A_159 = tpu.vector_load %arg13[%swap3A, %swap3A_158] {strides = array<i32>} : memref<316x64xf32, #tpu.memory_space<vmem>>, vector<1x16xf32>,
      %swap3A_160 = vector.shape_cast %swap3A_159 : vector<1x16xf32> to vector<16xf32>
      %swap3A_161 = vector.shape_cast %broadcast_in_dim3A_125 : vector<16xf32> to vector<1x16xf32>
      tpu.vector_store %arg13[%swap3A, %swap3A_158], %swap3A_161 {strides = array<i32>} : memref<316x64xf32, #tpu.memory_space<vmem>>, vector<1x16xf32>,
      %scan3A_162 = arith.constant 0 : i32
      scf.yield %scan3A_162 : i32
    }
    %scan3A_6 = arith.constant 1264 : i32
    "tpu.region"() ({
      %run_scoped3A_123 = tpu.sem_alloc : memref<!tpu.dma_semaphore, #tpu.memory_space<semaphore_mem>>
      %dma_start3A_124 = arith.constant 0 : i32
      %dma_start3A_125 = arith.constant 0 : i32
      %dma_start3A_126 = tpu.memref_slice %arg4[%add3A, %dma_start3A_124, %dma_start3A_125] : memref<32x84x128xi32, #tpu.memory_space<hbm>> -> memref<1x84x128xi32, #tpu.memory_space<hbm>>
      %dma_start3A_127 = tpu.memref_squeeze %dma_start3A_126 : memref<1x84x128xi32, #tpu.memory_space<hbm>> -> memref<84x128xi32, #tpu.memory_space<hbm>>
      %dma_start3A_128 = arith.constant 0 : i32
      %dma_start3A_129 = arith.constant 0 : i32
      %dma_start3A_130 = tpu.memref_slice %arg4[%add3A, %dma_start3A_128, %dma_start3A_129] : memref<32x84x128xi32, #tpu.memory_space<hbm>> -> memref<1x84x128xi32, #tpu.memory_space<hbm>>
      %dma_start3A_131 = tpu.memref_squeeze %dma_start3A_130 : memref<1x84x128xi32, #tpu.memory_space<hbm>> -> memref<84x128xi32, #tpu.memory_space<hbm>>
      tpu.enqueue_dma source(%dma_start3A_131 : memref<84x128xi32, #tpu.memory_space<hbm>>) target(%arg8 : memref<84x128xi32, #tpu.memory_space<vmem>>) target_semaphore(%run_scoped3A_123 : memref<!tpu.dma_semaphore, #tpu.memory_space<semaphore_mem>>)
      %dma_wait3A_132 = arith.constant 0 : i32
      %dma_wait3A_133 = arith.constant 0 : i32
      %dma_wait3A_134 = tpu.memref_slice %arg4[%add3A, %dma_wait3A_132, %dma_wait3A_133] : memref<32x84x128xi32, #tpu.memory_space<hbm>> -> memref<1x84x128xi32, #tpu.memory_space<hbm>>
      %dma_wait3A_135 = tpu.memref_squeeze %dma_wait3A_134 : memref<1x84x128xi32, #tpu.memory_space<hbm>> -> memref<84x128xi32, #tpu.memory_space<hbm>>
      %dma_wait3A_136 = arith.constant 0 : i32
      %dma_wait3A_137 = arith.constant 0 : i32
      %dma_wait3A_138 = tpu.memref_slice %arg4[%add3A, %dma_wait3A_136, %dma_wait3A_137] : memref<32x84x128xi32, #tpu.memory_space<hbm>> -> memref<1x84x128xi32, #tpu.memory_space<hbm>>
      %dma_wait3A_139 = tpu.memref_squeeze %dma_wait3A_138 : memref<1x84x128xi32, #tpu.memory_space<hbm>> -> memref<84x128xi32, #tpu.memory_space<hbm>>
      tpu.wait_dma2 semaphore(%run_scoped3A_123 : memref<!tpu.dma_semaphore, #tpu.memory_space<semaphore_mem>>) src(%dma_wait3A_139 : memref<84x128xi32, #tpu.memory_space<hbm>>) dst(%arg8 : memref<84x128xi32, #tpu.memory_space<vmem>>)
      tpu.yield
    }) : () -> ()
    %mul3A_7 = arith.constant 632 : i32
    %mul3A_8 = arith.muli %arg1, %mul3A_7 : i32
    "tpu.region"() ({
      %run_scoped3A_123 = tpu.sem_alloc : memref<!tpu.dma_semaphore, #tpu.memory_space<semaphore_mem>>
      %dma_start3A_124 = arith.constant 0 : i32
      %dma_start3A_125 = tpu.memref_slice %arg14[%mul3A_8, %dma_start3A_124] : memref<10112x64xf32, #tpu.memory_space<vmem_shared>> -> memref<316x64xf32, #tpu.memory_space<vmem_shared>>
      %dma_start3A_126 = arith.constant 0 : i32
      %dma_start3A_127 = tpu.memref_slice %arg14[%mul3A_8, %dma_start3A_126] : memref<10112x64xf32, #tpu.memory_space<vmem_shared>> -> memref<316x64xf32, #tpu.memory_space<vmem_shared>>
      tpu.enqueue_dma source(%arg13 : memref<316x64xf32, #tpu.memory_space<vmem>>) target(%dma_start3A_127 : memref<316x64xf32, #tpu.memory_space<vmem_shared>>) target_semaphore(%run_scoped3A_123 : memref<!tpu.dma_semaphore, #tpu.memory_space<semaphore_mem>>)
      %dma_wait3A_128 = arith.constant 0 : i32
      %dma_wait3A_129 = tpu.memref_slice %arg14[%mul3A_8, %dma_wait3A_128] : memref<10112x64xf32, #tpu.memory_space<vmem_shared>> -> memref<316x64xf32, #tpu.memory_space<vmem_shared>>
      %dma_wait3A_130 = arith.constant 0 : i32
      %dma_wait3A_131 = tpu.memref_slice %arg14[%mul3A_8, %dma_wait3A_130] : memref<10112x64xf32, #tpu.memory_space<vmem_shared>> -> memref<316x64xf32, #tpu.memory_space<vmem_shared>>
      tpu.wait_dma2 semaphore(%run_scoped3A_123 : memref<!tpu.dma_semaphore, #tpu.memory_space<semaphore_mem>>) src(%arg13 : memref<316x64xf32, #tpu.memory_space<vmem>>) dst(%dma_wait3A_131 : memref<316x64xf32, #tpu.memory_space<vmem_shared>>)
      tpu.yield
    }) : () -> ()
    %mul3A_9 = arith.constant 632 : i32
    %mul3A_10 = arith.muli %arg1, %mul3A_9 : i32
    %add3A_11 = arith.constant 316 : i32
    %add3A_12 = arith.addi %mul3A_10, %add3A_11 : i32
    "tpu.region"() ({
      %run_scoped3A_123 = tpu.sem_alloc : memref<!tpu.dma_semaphore, #tpu.memory_space<semaphore_mem>>
      %dma_start3A_124 = arith.constant 0 : i32
      %dma_start3A_125 = tpu.memref_slice %arg14[%add3A_12, %dma_start3A_124] : memref<10112x64xf32, #tpu.memory_space<vmem_shared>> -> memref<316x64xf32, #tpu.memory_space<vmem_shared>>
      %dma_start3A_126 = arith.constant 0 : i32
      %dma_start3A_127 = tpu.memref_slice %arg14[%add3A_12, %dma_start3A_126] : memref<10112x64xf32, #tpu.memory_space<vmem_shared>> -> memref<316x64xf32, #tpu.memory_space<vmem_shared>>
      tpu.enqueue_dma source(%arg13 : memref<316x64xf32, #tpu.memory_space<vmem>>) target(%dma_start3A_127 : memref<316x64xf32, #tpu.memory_space<vmem_shared>>) target_semaphore(%run_scoped3A_123 : memref<!tpu.dma_semaphore, #tpu.memory_space<semaphore_mem>>)
      %dma_wait3A_128 = arith.constant 0 : i32
      %dma_wait3A_129 = tpu.memref_slice %arg14[%add3A_12, %dma_wait3A_128] : memref<10112x64xf32, #tpu.memory_space<vmem_shared>> -> memref<316x64xf32, #tpu.memory_space<vmem_shared>>
      %dma_wait3A_130 = arith.constant 0 : i32
      %dma_wait3A_131 = tpu.memref_slice %arg14[%add3A_12, %dma_wait3A_130] : memref<10112x64xf32, #tpu.memory_space<vmem_shared>> -> memref<316x64xf32, #tpu.memory_space<vmem_shared>>
      tpu.wait_dma2 semaphore(%run_scoped3A_123 : memref<!tpu.dma_semaphore, #tpu.memory_space<semaphore_mem>>) src(%arg13 : memref<316x64xf32, #tpu.memory_space<vmem>>) dst(%dma_wait3A_131 : memref<316x64xf32, #tpu.memory_space<vmem_shared>>)
      tpu.yield
    }) : () -> ()
    "tpu.region"() ({
      %run_scoped3A_123 = tpu.sem_alloc : memref<!tpu.dma_semaphore, #tpu.memory_space<semaphore_mem>>
      %dma_start3A_124 = arith.constant 0 : i32
      %dma_start3A_125 = arith.constant 0 : i32
      %dma_start3A_126 = tpu.memref_slice %arg2[%add3A, %dma_start3A_124, %dma_start3A_125] : memref<32x84x128xi32, #tpu.memory_space<hbm>> -> memref<1x84x128xi32, #tpu.memory_space<hbm>>
      %dma_start3A_127 = tpu.memref_squeeze %dma_start3A_126 : memref<1x84x128xi32, #tpu.memory_space<hbm>> -> memref<84x128xi32, #tpu.memory_space<hbm>>
      %dma_start3A_128 = arith.constant 0 : i32
      %dma_start3A_129 = arith.constant 0 : i32
      %dma_start3A_130 = tpu.memref_slice %arg2[%add3A, %dma_start3A_128, %dma_start3A_129] : memref<32x84x128xi32, #tpu.memory_space<hbm>> -> memref<1x84x128xi32, #tpu.memory_space<hbm>>
      %dma_start3A_131 = tpu.memref_squeeze %dma_start3A_130 : memref<1x84x128xi32, #tpu.memory_space<hbm>> -> memref<84x128xi32, #tpu.memory_space<hbm>>
      tpu.enqueue_dma source(%dma_start3A_131 : memref<84x128xi32, #tpu.memory_space<hbm>>) target(%arg7 : memref<84x128xi32, #tpu.memory_space<vmem>>) target_semaphore(%run_scoped3A_123 : memref<!tpu.dma_semaphore, #tpu.memory_space<semaphore_mem>>)
      %dma_wait3A_132 = arith.constant 0 : i32
      %dma_wait3A_133 = arith.constant 0 : i32
      %dma_wait3A_134 = tpu.memref_slice %arg2[%add3A, %dma_wait3A_132, %dma_wait3A_133] : memref<32x84x128xi32, #tpu.memory_space<hbm>> -> memref<1x84x128xi32, #tpu.memory_space<hbm>>
      %dma_wait3A_135 = tpu.memref_squeeze %dma_wait3A_134 : memref<1x84x128xi32, #tpu.memory_space<hbm>> -> memref<84x128xi32, #tpu.memory_space<hbm>>
      %dma_wait3A_136 = arith.constant 0 : i32
      %dma_wait3A_137 = arith.constant 0 : i32
      %dma_wait3A_138 = tpu.memref_slice %arg2[%add3A, %dma_wait3A_136, %dma_wait3A_137] : memref<32x84x128xi32, #tpu.memory_space<hbm>> -> memref<1x84x128xi32, #tpu.memory_space<hbm>>
      %dma_wait3A_139 = tpu.memref_squeeze %dma_wait3A_138 : memref<1x84x128xi32, #tpu.memory_space<hbm>> -> memref<84x128xi32, #tpu.memory_space<hbm>>
      tpu.wait_dma2 semaphore(%run_scoped3A_123 : memref<!tpu.dma_semaphore, #tpu.memory_space<semaphore_mem>>) src(%dma_wait3A_139 : memref<84x128xi32, #tpu.memory_space<hbm>>) dst(%arg7 : memref<84x128xi32, #tpu.memory_space<vmem>>)
      tpu.yield
    }) : () -> ()
    %barrier3A = arith.constant 0 : index
    tpu.barrier barrier_id(%barrier3A)
    %dma_start3A = arith.constant 0 : i32
    %dma_start3A_13 = arith.constant 0 : i32
    %dma_start3A_14 = tpu.memref_slice %arg7[%dma_start3A, %dma_start3A_13] : memref<84x128xi32, #tpu.memory_space<vmem>> -> memref<1x128xi32, #tpu.memory_space<vmem>>
    %dma_start3A_15 = tpu.memref_squeeze %dma_start3A_14 : memref<1x128xi32, #tpu.memory_space<vmem>> -> memref<128xi32, #tpu.memory_space<vmem>>
    %dma_start3A_16 = arith.constant 0 : i32
    %dma_start3A_17 = arith.constant 0 : i32
    %dma_start3A_18 = tpu.memref_slice %arg5[%dma_start3A_16, %dma_start3A_17] : memref<20224x64xf32, #tpu.memory_space<hbm>> -> memref<20224x64xf32, #tpu.memory_space<hbm>>
    tpu.enqueue_indirect_dma source(%dma_start3A_18 : memref<20224x64xf32, #tpu.memory_space<hbm>>) target(%arg9 : memref<128x64xf32, #tpu.memory_space<vmem>>) offsets(%dma_start3A_15 : memref<128xi32, #tpu.memory_space<vmem>>) semaphore(%arg15 : memref<!tpu.dma_semaphore, #tpu.memory_space<semaphore_mem>>)
    %dma_start3A_19 = arith.constant 1 : i32
    %dma_start3A_20 = arith.constant 0 : i32
    %dma_start3A_21 = tpu.memref_slice %arg7[%dma_start3A_19, %dma_start3A_20] : memref<84x128xi32, #tpu.memory_space<vmem>> -> memref<1x128xi32, #tpu.memory_space<vmem>>
    %dma_start3A_22 = tpu.memref_squeeze %dma_start3A_21 : memref<1x128xi32, #tpu.memory_space<vmem>> -> memref<128xi32, #tpu.memory_space<vmem>>
    %dma_start3A_23 = arith.constant 0 : i32
    %dma_start3A_24 = arith.constant 0 : i32
    %dma_start3A_25 = tpu.memref_slice %arg5[%dma_start3A_23, %dma_start3A_24] : memref<20224x64xf32, #tpu.memory_space<hbm>> -> memref<20224x64xf32, #tpu.memory_space<hbm>>
    tpu.enqueue_indirect_dma source(%dma_start3A_25 : memref<20224x64xf32, #tpu.memory_space<hbm>>) target(%arg10 : memref<128x64xf32, #tpu.memory_space<vmem>>) offsets(%dma_start3A_22 : memref<128xi32, #tpu.memory_space<vmem>>) semaphore(%arg16 : memref<!tpu.dma_semaphore, #tpu.memory_space<semaphore_mem>>)
    %scan3A_26 = arith.constant 0 : i32
    %scan3A_27 = arith.constant 21 : i32
    %scan3A_28 = arith.addi %scan3A_26, %scan3A_27 : i32
    %scan3A_29 = arith.constant 1 : i32
    scf.for %scan3A_123 = %scan3A_26 to %scan3A_28 step %scan3A_29  : i32 {
      %mul3A_124 = arith.constant 4 : i32
      %mul3A_125 = arith.muli %scan3A_123, %mul3A_124 : i32
      %add3A_126 = arith.constant 0 : i32
      %add3A_127 = arith.addi %add3A_126, %mul3A_125 : i32
      %add3A_128 = arith.constant 0 : i32
      %add3A_129 = arith.addi %add3A_127, %add3A_128 : i32
      %dma_wait3A_130 = arith.constant 0 : i32
      %dma_wait3A_131 = tpu.memref_slice %arg7[%add3A_129, %dma_wait3A_130] : memref<84x128xi32, #tpu.memory_space<vmem>> -> memref<1x128xi32, #tpu.memory_space<vmem>>
      %dma_wait3A_132 = tpu.memref_squeeze %dma_wait3A_131 : memref<1x128xi32, #tpu.memory_space<vmem>> -> memref<128xi32, #tpu.memory_space<vmem>>
      %dma_wait3A_133 = arith.constant 0 : i32
      %dma_wait3A_134 = arith.constant 0 : i32
      %dma_wait3A_135 = tpu.memref_slice %arg5[%dma_wait3A_133, %dma_wait3A_134] : memref<20224x64xf32, #tpu.memory_space<hbm>> -> memref<20224x64xf32, #tpu.memory_space<hbm>>
      tpu.wait_indirect_dma semaphore(%arg15 : memref<!tpu.dma_semaphore, #tpu.memory_space<semaphore_mem>>) src(%dma_wait3A_135 : memref<20224x64xf32, #tpu.memory_space<hbm>>) dst(%arg9 : memref<128x64xf32, #tpu.memory_space<vmem>>)
      %dma_start3A_136 = arith.constant 0 : i32
      %dma_start3A_137 = tpu.memref_slice %arg8[%add3A_129, %dma_start3A_136] : memref<84x128xi32, #tpu.memory_space<vmem>> -> memref<1x128xi32, #tpu.memory_space<vmem>>
      %dma_start3A_138 = tpu.memref_squeeze %dma_start3A_137 : memref<1x128xi32, #tpu.memory_space<vmem>> -> memref<128xi32, #tpu.memory_space<vmem>>
      %dma_start3A_139 = arith.constant 0 : i32
      %dma_start3A_140 = arith.constant 0 : i32
      %dma_start3A_141 = tpu.memref_slice %arg14[%dma_start3A_139, %dma_start3A_140] : memref<10112x64xf32, #tpu.memory_space<vmem_shared>> -> memref<10112x64xf32, #tpu.memory_space<vmem_shared>>
      tpu.enqueue_indirect_dma source(%arg9 : memref<128x64xf32, #tpu.memory_space<vmem>>) target(%dma_start3A_141 : memref<10112x64xf32, #tpu.memory_space<vmem_shared>>) offsets(%dma_start3A_138 : memref<128xi32, #tpu.memory_space<vmem>>) semaphore(%arg19 : memref<!tpu.dma_semaphore, #tpu.memory_space<semaphore_mem>>) {add = true}
      %ge3A = arith.constant 2 : i32
      %ge3A_142 = arith.cmpi sge, %add3A_129, %ge3A : i32
      %add3A_143 = arith.constant 2 : i32
      %add3A_144 = arith.addi %add3A_129, %add3A_143 : i32
      %lt3A = arith.constant 84 : i32
      %lt3A_145 = arith.cmpi slt, %add3A_144, %lt3A : i32
      %and3A = arith.andi %ge3A_142, %lt3A_145 : i1
      %convert_element_type3A = arith.extui %and3A : i1 to i32
      %cond3A = arith.constant 0 : i32
      %cond3A_146 = arith.cmpi ne, %convert_element_type3A, %cond3A : i32
      scf.if %cond3A_146 {
        %dma_wait3A_247 = arith.constant 0 : i32
        %dma_wait3A_248 = tpu.memref_slice %arg8[%add3A_129, %dma_wait3A_247] : memref<84x128xi32, #tpu.memory_space<vmem>> -> memref<1x128xi32, #tpu.memory_space<vmem>>
        %dma_wait3A_249 = tpu.memref_squeeze %dma_wait3A_248 : memref<1x128xi32, #tpu.memory_space<vmem>> -> memref<128xi32, #tpu.memory_space<vmem>>
        %dma_wait3A_250 = arith.constant 0 : i32
        %dma_wait3A_251 = arith.constant 0 : i32
        %dma_wait3A_252 = tpu.memref_slice %arg14[%dma_wait3A_250, %dma_wait3A_251] : memref<10112x64xf32, #tpu.memory_space<vmem_shared>> -> memref<10112x64xf32, #tpu.memory_space<vmem_shared>>
        tpu.wait_indirect_dma semaphore(%arg21 : memref<!tpu.dma_semaphore, #tpu.memory_space<semaphore_mem>>) src(%arg11 : memref<128x64xf32, #tpu.memory_space<vmem>>) dst(%dma_wait3A_252 : memref<10112x64xf32, #tpu.memory_space<vmem_shared>>)
      } else {
      }
      %add3A_147 = arith.constant 2 : i32
      %add3A_148 = arith.addi %add3A_129, %add3A_147 : i32
      %lt3A_149 = arith.constant 84 : i32
      %lt3A_150 = arith.cmpi slt, %add3A_148, %lt3A_149 : i32
      %convert_element_type3A_151 = arith.extui %lt3A_150 : i1 to i32
      %cond3A_152 = arith.constant 0 : i32
      %cond3A_153 = arith.cmpi ne, %convert_element_type3A_151, %cond3A_152 : i32
      scf.if %cond3A_153 {
        %add3A_247 = arith.constant 2 : i32
        %add3A_248 = arith.addi %add3A_129, %add3A_247 : i32
        %dma_start3A_249 = arith.constant 0 : i32
        %dma_start3A_250 = tpu.memref_slice %arg7[%add3A_248, %dma_start3A_249] : memref<84x128xi32, #tpu.memory_space<vmem>> -> memref<1x128xi32, #tpu.memory_space<vmem>>
        %dma_start3A_251 = tpu.memref_squeeze %dma_start3A_250 : memref<1x128xi32, #tpu.memory_space<vmem>> -> memref<128xi32, #tpu.memory_space<vmem>>
        %dma_start3A_252 = arith.constant 0 : i32
        %dma_start3A_253 = arith.constant 0 : i32
        %dma_start3A_254 = tpu.memref_slice %arg5[%dma_start3A_252, %dma_start3A_253] : memref<20224x64xf32, #tpu.memory_space<hbm>> -> memref<20224x64xf32, #tpu.memory_space<hbm>>
        tpu.enqueue_indirect_dma source(%dma_start3A_254 : memref<20224x64xf32, #tpu.memory_space<hbm>>) target(%arg11 : memref<128x64xf32, #tpu.memory_space<vmem>>) offsets(%dma_start3A_251 : memref<128xi32, #tpu.memory_space<vmem>>) semaphore(%arg17 : memref<!tpu.dma_semaphore, #tpu.memory_space<semaphore_mem>>)
      } else {
      }
      %add3A_154 = arith.constant 1 : i32
      %add3A_155 = arith.addi %add3A_127, %add3A_154 : i32
      %dma_wait3A_156 = arith.constant 0 : i32
      %dma_wait3A_157 = tpu.memref_slice %arg7[%add3A_155, %dma_wait3A_156] : memref<84x128xi32, #tpu.memory_space<vmem>> -> memref<1x128xi32, #tpu.memory_space<vmem>>
      %dma_wait3A_158 = tpu.memref_squeeze %dma_wait3A_157 : memref<1x128xi32, #tpu.memory_space<vmem>> -> memref<128xi32, #tpu.memory_space<vmem>>
      %dma_wait3A_159 = arith.constant 0 : i32
      %dma_wait3A_160 = arith.constant 0 : i32
      %dma_wait3A_161 = tpu.memref_slice %arg5[%dma_wait3A_159, %dma_wait3A_160] : memref<20224x64xf32, #tpu.memory_space<hbm>> -> memref<20224x64xf32, #tpu.memory_space<hbm>>
      tpu.wait_indirect_dma semaphore(%arg16 : memref<!tpu.dma_semaphore, #tpu.memory_space<semaphore_mem>>) src(%dma_wait3A_161 : memref<20224x64xf32, #tpu.memory_space<hbm>>) dst(%arg10 : memref<128x64xf32, #tpu.memory_space<vmem>>)
      %dma_start3A_162 = arith.constant 0 : i32
      %dma_start3A_163 = tpu.memref_slice %arg8[%add3A_155, %dma_start3A_162] : memref<84x128xi32, #tpu.memory_space<vmem>> -> memref<1x128xi32, #tpu.memory_space<vmem>>
      %dma_start3A_164 = tpu.memref_squeeze %dma_start3A_163 : memref<1x128xi32, #tpu.memory_space<vmem>> -> memref<128xi32, #tpu.memory_space<vmem>>
      %dma_start3A_165 = arith.constant 0 : i32
      %dma_start3A_166 = arith.constant 0 : i32
      %dma_start3A_167 = tpu.memref_slice %arg14[%dma_start3A_165, %dma_start3A_166] : memref<10112x64xf32, #tpu.memory_space<vmem_shared>> -> memref<10112x64xf32, #tpu.memory_space<vmem_shared>>
      tpu.enqueue_indirect_dma source(%arg10 : memref<128x64xf32, #tpu.memory_space<vmem>>) target(%dma_start3A_167 : memref<10112x64xf32, #tpu.memory_space<vmem_shared>>) offsets(%dma_start3A_164 : memref<128xi32, #tpu.memory_space<vmem>>) semaphore(%arg20 : memref<!tpu.dma_semaphore, #tpu.memory_space<semaphore_mem>>) {add = true}
      %ge3A_168 = arith.constant 2 : i32
      %ge3A_169 = arith.cmpi sge, %add3A_155, %ge3A_168 : i32
      %add3A_170 = arith.constant 2 : i32
      %add3A_171 = arith.addi %add3A_155, %add3A_170 : i32
      %lt3A_172 = arith.constant 84 : i32
      %lt3A_173 = arith.cmpi slt, %add3A_171, %lt3A_172 : i32
      %and3A_174 = arith.andi %ge3A_169, %lt3A_173 : i1
      %convert_element_type3A_175 = arith.extui %and3A_174 : i1 to i32
      %cond3A_176 = arith.constant 0 : i32
      %cond3A_177 = arith.cmpi ne, %convert_element_type3A_175, %cond3A_176 : i32
      scf.if %cond3A_177 {
        %dma_wait3A_247 = arith.constant 0 : i32
        %dma_wait3A_248 = tpu.memref_slice %arg8[%add3A_155, %dma_wait3A_247] : memref<84x128xi32, #tpu.memory_space<vmem>> -> memref<1x128xi32, #tpu.memory_space<vmem>>
        %dma_wait3A_249 = tpu.memref_squeeze %dma_wait3A_248 : memref<1x128xi32, #tpu.memory_space<vmem>> -> memref<128xi32, #tpu.memory_space<vmem>>
        %dma_wait3A_250 = arith.constant 0 : i32
        %dma_wait3A_251 = arith.constant 0 : i32
        %dma_wait3A_252 = tpu.memref_slice %arg14[%dma_wait3A_250, %dma_wait3A_251] : memref<10112x64xf32, #tpu.memory_space<vmem_shared>> -> memref<10112x64xf32, #tpu.memory_space<vmem_shared>>
        tpu.wait_indirect_dma semaphore(%arg22 : memref<!tpu.dma_semaphore, #tpu.memory_space<semaphore_mem>>) src(%arg12 : memref<128x64xf32, #tpu.memory_space<vmem>>) dst(%dma_wait3A_252 : memref<10112x64xf32, #tpu.memory_space<vmem_shared>>)
      } else {
      }
      %add3A_178 = arith.constant 2 : i32
      %add3A_179 = arith.addi %add3A_155, %add3A_178 : i32
      %lt3A_180 = arith.constant 84 : i32
      %lt3A_181 = arith.cmpi slt, %add3A_179, %lt3A_180 : i32
      %convert_element_type3A_182 = arith.extui %lt3A_181 : i1 to i32
      %cond3A_183 = arith.constant 0 : i32
      %cond3A_184 = arith.cmpi ne, %convert_element_type3A_182, %cond3A_183 : i32
      scf.if %cond3A_184 {
        %add3A_247 = arith.constant 2 : i32
        %add3A_248 = arith.addi %add3A_155, %add3A_247 : i32
        %dma_start3A_249 = arith.constant 0 : i32
        %dma_start3A_250 = tpu.memref_slice %arg7[%add3A_248, %dma_start3A_249] : memref<84x128xi32, #tpu.memory_space<vmem>> -> memref<1x128xi32, #tpu.memory_space<vmem>>
        %dma_start3A_251 = tpu.memref_squeeze %dma_start3A_250 : memref<1x128xi32, #tpu.memory_space<vmem>> -> memref<128xi32, #tpu.memory_space<vmem>>
        %dma_start3A_252 = arith.constant 0 : i32
        %dma_start3A_253 = arith.constant 0 : i32
        %dma_start3A_254 = tpu.memref_slice %arg5[%dma_start3A_252, %dma_start3A_253] : memref<20224x64xf32, #tpu.memory_space<hbm>> -> memref<20224x64xf32, #tpu.memory_space<hbm>>
        tpu.enqueue_indirect_dma source(%dma_start3A_254 : memref<20224x64xf32, #tpu.memory_space<hbm>>) target(%arg12 : memref<128x64xf32, #tpu.memory_space<vmem>>) offsets(%dma_start3A_251 : memref<128xi32, #tpu.memory_space<vmem>>) semaphore(%arg18 : memref<!tpu.dma_semaphore, #tpu.memory_space<semaphore_mem>>)
      } else {
      }
      %add3A_185 = arith.constant 2 : i32
      %add3A_186 = arith.addi %add3A_127, %add3A_185 : i32
      %dma_wait3A_187 = arith.constant 0 : i32
      %dma_wait3A_188 = tpu.memref_slice %arg7[%add3A_186, %dma_wait3A_187] : memref<84x128xi32, #tpu.memory_space<vmem>> -> memref<1x128xi32, #tpu.memory_space<vmem>>
      %dma_wait3A_189 = tpu.memref_squeeze %dma_wait3A_188 : memref<1x128xi32, #tpu.memory_space<vmem>> -> memref<128xi32, #tpu.memory_space<vmem>>
      %dma_wait3A_190 = arith.constant 0 : i32
      %dma_wait3A_191 = arith.constant 0 : i32
      %dma_wait3A_192 = tpu.memref_slice %arg5[%dma_wait3A_190, %dma_wait3A_191] : memref<20224x64xf32, #tpu.memory_space<hbm>> -> memref<20224x64xf32, #tpu.memory_space<hbm>>
      tpu.wait_indirect_dma semaphore(%arg17 : memref<!tpu.dma_semaphore, #tpu.memory_space<semaphore_mem>>) src(%dma_wait3A_192 : memref<20224x64xf32, #tpu.memory_space<hbm>>) dst(%arg11 : memref<128x64xf32, #tpu.memory_space<vmem>>)
      %dma_start3A_193 = arith.constant 0 : i32
      %dma_start3A_194 = tpu.memref_slice %arg8[%add3A_186, %dma_start3A_193] : memref<84x128xi32, #tpu.memory_space<vmem>> -> memref<1x128xi32, #tpu.memory_space<vmem>>
      %dma_start3A_195 = tpu.memref_squeeze %dma_start3A_194 : memref<1x128xi32, #tpu.memory_space<vmem>> -> memref<128xi32, #tpu.memory_space<vmem>>
      %dma_start3A_196 = arith.constant 0 : i32
      %dma_start3A_197 = arith.constant 0 : i32
      %dma_start3A_198 = tpu.memref_slice %arg14[%dma_start3A_196, %dma_start3A_197] : memref<10112x64xf32, #tpu.memory_space<vmem_shared>> -> memref<10112x64xf32, #tpu.memory_space<vmem_shared>>
      tpu.enqueue_indirect_dma source(%arg11 : memref<128x64xf32, #tpu.memory_space<vmem>>) target(%dma_start3A_198 : memref<10112x64xf32, #tpu.memory_space<vmem_shared>>) offsets(%dma_start3A_195 : memref<128xi32, #tpu.memory_space<vmem>>) semaphore(%arg21 : memref<!tpu.dma_semaphore, #tpu.memory_space<semaphore_mem>>) {add = true}
      %ge3A_199 = arith.constant 2 : i32
      %ge3A_200 = arith.cmpi sge, %add3A_186, %ge3A_199 : i32
      %add3A_201 = arith.constant 2 : i32
      %add3A_202 = arith.addi %add3A_186, %add3A_201 : i32
      %lt3A_203 = arith.constant 84 : i32
      %lt3A_204 = arith.cmpi slt, %add3A_202, %lt3A_203 : i32
      %and3A_205 = arith.andi %ge3A_200, %lt3A_204 : i1
      %convert_element_type3A_206 = arith.extui %and3A_205 : i1 to i32
      %cond3A_207 = arith.constant 0 : i32
      %cond3A_208 = arith.cmpi ne, %convert_element_type3A_206, %cond3A_207 : i32
      scf.if %cond3A_208 {
        %dma_wait3A_247 = arith.constant 0 : i32
        %dma_wait3A_248 = tpu.memref_slice %arg8[%add3A_186, %dma_wait3A_247] : memref<84x128xi32, #tpu.memory_space<vmem>> -> memref<1x128xi32, #tpu.memory_space<vmem>>
        %dma_wait3A_249 = tpu.memref_squeeze %dma_wait3A_248 : memref<1x128xi32, #tpu.memory_space<vmem>> -> memref<128xi32, #tpu.memory_space<vmem>>
        %dma_wait3A_250 = arith.constant 0 : i32
        %dma_wait3A_251 = arith.constant 0 : i32
        %dma_wait3A_252 = tpu.memref_slice %arg14[%dma_wait3A_250, %dma_wait3A_251] : memref<10112x64xf32, #tpu.memory_space<vmem_shared>> -> memref<10112x64xf32, #tpu.memory_space<vmem_shared>>
        tpu.wait_indirect_dma semaphore(%arg19 : memref<!tpu.dma_semaphore, #tpu.memory_space<semaphore_mem>>) src(%arg9 : memref<128x64xf32, #tpu.memory_space<vmem>>) dst(%dma_wait3A_252 : memref<10112x64xf32, #tpu.memory_space<vmem_shared>>)
      } else {
      }
      %add3A_209 = arith.constant 2 : i32
      %add3A_210 = arith.addi %add3A_186, %add3A_209 : i32
      %lt3A_211 = arith.constant 84 : i32
      %lt3A_212 = arith.cmpi slt, %add3A_210, %lt3A_211 : i32
      %convert_element_type3A_213 = arith.extui %lt3A_212 : i1 to i32
      %cond3A_214 = arith.constant 0 : i32
      %cond3A_215 = arith.cmpi ne, %convert_element_type3A_213, %cond3A_214 : i32
      scf.if %cond3A_215 {
        %add3A_247 = arith.constant 2 : i32
        %add3A_248 = arith.addi %add3A_186, %add3A_247 : i32
        %dma_start3A_249 = arith.constant 0 : i32
        %dma_start3A_250 = tpu.memref_slice %arg7[%add3A_248, %dma_start3A_249] : memref<84x128xi32, #tpu.memory_space<vmem>> -> memref<1x128xi32, #tpu.memory_space<vmem>>
        %dma_start3A_251 = tpu.memref_squeeze %dma_start3A_250 : memref<1x128xi32, #tpu.memory_space<vmem>> -> memref<128xi32, #tpu.memory_space<vmem>>
        %dma_start3A_252 = arith.constant 0 : i32
        %dma_start3A_253 = arith.constant 0 : i32
        %dma_start3A_254 = tpu.memref_slice %arg5[%dma_start3A_252, %dma_start3A_253] : memref<20224x64xf32, #tpu.memory_space<hbm>> -> memref<20224x64xf32, #tpu.memory_space<hbm>>
        tpu.enqueue_indirect_dma source(%dma_start3A_254 : memref<20224x64xf32, #tpu.memory_space<hbm>>) target(%arg9 : memref<128x64xf32, #tpu.memory_space<vmem>>) offsets(%dma_start3A_251 : memref<128xi32, #tpu.memory_space<vmem>>) semaphore(%arg15 : memref<!tpu.dma_semaphore, #tpu.memory_space<semaphore_mem>>)
      } else {
      }
      %add3A_216 = arith.constant 3 : i32
      %add3A_217 = arith.addi %add3A_127, %add3A_216 : i32
      %dma_wait3A_218 = arith.constant 0 : i32
      %dma_wait3A_219 = tpu.memref_slice %arg7[%add3A_217, %dma_wait3A_218] : memref<84x128xi32, #tpu.memory_space<vmem>> -> memref<1x128xi32, #tpu.memory_space<vmem>>
      %dma_wait3A_220 = tpu.memref_squeeze %dma_wait3A_219 : memref<1x128xi32, #tpu.memory_space<vmem>> -> memref<128xi32, #tpu.memory_space<vmem>>
      %dma_wait3A_221 = arith.constant 0 : i32
      %dma_wait3A_222 = arith.constant 0 : i32
      %dma_wait3A_223 = tpu.memref_slice %arg5[%dma_wait3A_221, %dma_wait3A_222] : memref<20224x64xf32, #tpu.memory_space<hbm>> -> memref<20224x64xf32, #tpu.memory_space<hbm>>
      tpu.wait_indirect_dma semaphore(%arg18 : memref<!tpu.dma_semaphore, #tpu.memory_space<semaphore_mem>>) src(%dma_wait3A_223 : memref<20224x64xf32, #tpu.memory_space<hbm>>) dst(%arg12 : memref<128x64xf32, #tpu.memory_space<vmem>>)
      %dma_start3A_224 = arith.constant 0 : i32
      %dma_start3A_225 = tpu.memref_slice %arg8[%add3A_217, %dma_start3A_224] : memref<84x128xi32, #tpu.memory_space<vmem>> -> memref<1x128xi32, #tpu.memory_space<vmem>>
      %dma_start3A_226 = tpu.memref_squeeze %dma_start3A_225 : memref<1x128xi32, #tpu.memory_space<vmem>> -> memref<128xi32, #tpu.memory_space<vmem>>
      %dma_start3A_227 = arith.constant 0 : i32
      %dma_start3A_228 = arith.constant 0 : i32
      %dma_start3A_229 = tpu.memref_slice %arg14[%dma_start3A_227, %dma_start3A_228] : memref<10112x64xf32, #tpu.memory_space<vmem_shared>> -> memref<10112x64xf32, #tpu.memory_space<vmem_shared>>
      tpu.enqueue_indirect_dma source(%arg12 : memref<128x64xf32, #tpu.memory_space<vmem>>) target(%dma_start3A_229 : memref<10112x64xf32, #tpu.memory_space<vmem_shared>>) offsets(%dma_start3A_226 : memref<128xi32, #tpu.memory_space<vmem>>) semaphore(%arg22 : memref<!tpu.dma_semaphore, #tpu.memory_space<semaphore_mem>>) {add = true}
      %ge3A_230 = arith.constant 2 : i32
      %ge3A_231 = arith.cmpi sge, %add3A_217, %ge3A_230 : i32
      %add3A_232 = arith.constant 2 : i32
      %add3A_233 = arith.addi %add3A_217, %add3A_232 : i32
      %lt3A_234 = arith.constant 84 : i32
      %lt3A_235 = arith.cmpi slt, %add3A_233, %lt3A_234 : i32
      %and3A_236 = arith.andi %ge3A_231, %lt3A_235 : i1
      %convert_element_type3A_237 = arith.extui %and3A_236 : i1 to i32
      %cond3A_238 = arith.constant 0 : i32
      %cond3A_239 = arith.cmpi ne, %convert_element_type3A_237, %cond3A_238 : i32
      scf.if %cond3A_239 {
        %dma_wait3A_247 = arith.constant 0 : i32
        %dma_wait3A_248 = tpu.memref_slice %arg8[%add3A_217, %dma_wait3A_247] : memref<84x128xi32, #tpu.memory_space<vmem>> -> memref<1x128xi32, #tpu.memory_space<vmem>>
        %dma_wait3A_249 = tpu.memref_squeeze %dma_wait3A_248 : memref<1x128xi32, #tpu.memory_space<vmem>> -> memref<128xi32, #tpu.memory_space<vmem>>
        %dma_wait3A_250 = arith.constant 0 : i32
        %dma_wait3A_251 = arith.constant 0 : i32
        %dma_wait3A_252 = tpu.memref_slice %arg14[%dma_wait3A_250, %dma_wait3A_251] : memref<10112x64xf32, #tpu.memory_space<vmem_shared>> -> memref<10112x64xf32, #tpu.memory_space<vmem_shared>>
        tpu.wait_indirect_dma semaphore(%arg20 : memref<!tpu.dma_semaphore, #tpu.memory_space<semaphore_mem>>) src(%arg10 : memref<128x64xf32, #tpu.memory_space<vmem>>) dst(%dma_wait3A_252 : memref<10112x64xf32, #tpu.memory_space<vmem_shared>>)
      } else {
      }
      %add3A_240 = arith.constant 2 : i32
      %add3A_241 = arith.addi %add3A_217, %add3A_240 : i32
      %lt3A_242 = arith.constant 84 : i32
      %lt3A_243 = arith.cmpi slt, %add3A_241, %lt3A_242 : i32
      %convert_element_type3A_244 = arith.extui %lt3A_243 : i1 to i32
      %cond3A_245 = arith.constant 0 : i32
      %cond3A_246 = arith.cmpi ne, %convert_element_type3A_244, %cond3A_245 : i32
      scf.if %cond3A_246 {
        %add3A_247 = arith.constant 2 : i32
        %add3A_248 = arith.addi %add3A_217, %add3A_247 : i32
        %dma_start3A_249 = arith.constant 0 : i32
        %dma_start3A_250 = tpu.memref_slice %arg7[%add3A_248, %dma_start3A_249] : memref<84x128xi32, #tpu.memory_space<vmem>> -> memref<1x128xi32, #tpu.memory_space<vmem>>
        %dma_start3A_251 = tpu.memref_squeeze %dma_start3A_250 : memref<1x128xi32, #tpu.memory_space<vmem>> -> memref<128xi32, #tpu.memory_space<vmem>>
        %dma_start3A_252 = arith.constant 0 : i32
        %dma_start3A_253 = arith.constant 0 : i32
        %dma_start3A_254 = tpu.memref_slice %arg5[%dma_start3A_252, %dma_start3A_253] : memref<20224x64xf32, #tpu.memory_space<hbm>> -> memref<20224x64xf32, #tpu.memory_space<hbm>>
        tpu.enqueue_indirect_dma source(%dma_start3A_254 : memref<20224x64xf32, #tpu.memory_space<hbm>>) target(%arg10 : memref<128x64xf32, #tpu.memory_space<vmem>>) offsets(%dma_start3A_251 : memref<128xi32, #tpu.memory_space<vmem>>) semaphore(%arg16 : memref<!tpu.dma_semaphore, #tpu.memory_space<semaphore_mem>>)
      } else {
      }
    }
    %scan3A_30 = arith.constant 21 : i32
    %dma_wait3A = arith.constant 0 : i32
    %dma_wait3A_31 = arith.constant 0 : i32
    %dma_wait3A_32 = tpu.memref_slice %arg8[%dma_wait3A, %dma_wait3A_31] : memref<84x128xi32, #tpu.memory_space<vmem>> -> memref<1x128xi32, #tpu.memory_space<vmem>>
    %dma_wait3A_33 = tpu.memref_squeeze %dma_wait3A_32 : memref<1x128xi32, #tpu.memory_space<vmem>> -> memref<128xi32, #tpu.memory_space<vmem>>
    %dma_wait3A_34 = arith.constant 0 : i32
    %dma_wait3A_35 = arith.constant 0 : i32
    %dma_wait3A_36 = tpu.memref_slice %arg14[%dma_wait3A_34, %dma_wait3A_35] : memref<10112x64xf32, #tpu.memory_space<vmem_shared>> -> memref<10112x64xf32, #tpu.memory_space<vmem_shared>>
    tpu.wait_indirect_dma semaphore(%arg19 : memref<!tpu.dma_semaphore, #tpu.memory_space<semaphore_mem>>) src(%arg9 : memref<128x64xf32, #tpu.memory_space<vmem>>) dst(%dma_wait3A_36 : memref<10112x64xf32, #tpu.memory_space<vmem_shared>>)
    %dma_wait3A_37 = arith.constant 0 : i32
    %dma_wait3A_38 = arith.constant 0 : i32
    %dma_wait3A_39 = tpu.memref_slice %arg8[%dma_wait3A_37, %dma_wait3A_38] : memref<84x128xi32, #tpu.memory_space<vmem>> -> memref<1x128xi32, #tpu.memory_space<vmem>>
    %dma_wait3A_40 = tpu.memref_squeeze %dma_wait3A_39 : memref<1x128xi32, #tpu.memory_space<vmem>> -> memref<128xi32, #tpu.memory_space<vmem>>
    %dma_wait3A_41 = arith.constant 0 : i32
    %dma_wait3A_42 = arith.constant 0 : i32
    %dma_wait3A_43 = tpu.memref_slice %arg14[%dma_wait3A_41, %dma_wait3A_42] : memref<10112x64xf32, #tpu.memory_space<vmem_shared>> -> memref<10112x64xf32, #tpu.memory_space<vmem_shared>>
    tpu.wait_indirect_dma semaphore(%arg20 : memref<!tpu.dma_semaphore, #tpu.memory_space<semaphore_mem>>) src(%arg10 : memref<128x64xf32, #tpu.memory_space<vmem>>) dst(%dma_wait3A_43 : memref<10112x64xf32, #tpu.memory_space<vmem_shared>>)
    %dma_wait3A_44 = arith.constant 0 : i32
    %dma_wait3A_45 = arith.constant 0 : i32
    %dma_wait3A_46 = tpu.memref_slice %arg8[%dma_wait3A_44, %dma_wait3A_45] : memref<84x128xi32, #tpu.memory_space<vmem>> -> memref<1x128xi32, #tpu.memory_space<vmem>>
    %dma_wait3A_47 = tpu.memref_squeeze %dma_wait3A_46 : memref<1x128xi32, #tpu.memory_space<vmem>> -> memref<128xi32, #tpu.memory_space<vmem>>
    %dma_wait3A_48 = arith.constant 0 : i32
    %dma_wait3A_49 = arith.constant 0 : i32
    %dma_wait3A_50 = tpu.memref_slice %arg14[%dma_wait3A_48, %dma_wait3A_49] : memref<10112x64xf32, #tpu.memory_space<vmem_shared>> -> memref<10112x64xf32, #tpu.memory_space<vmem_shared>>
    tpu.wait_indirect_dma semaphore(%arg21 : memref<!tpu.dma_semaphore, #tpu.memory_space<semaphore_mem>>) src(%arg11 : memref<128x64xf32, #tpu.memory_space<vmem>>) dst(%dma_wait3A_50 : memref<10112x64xf32, #tpu.memory_space<vmem_shared>>)
    %dma_wait3A_51 = arith.constant 0 : i32
    %dma_wait3A_52 = arith.constant 0 : i32
    %dma_wait3A_53 = tpu.memref_slice %arg8[%dma_wait3A_51, %dma_wait3A_52] : memref<84x128xi32, #tpu.memory_space<vmem>> -> memref<1x128xi32, #tpu.memory_space<vmem>>
    %dma_wait3A_54 = tpu.memref_squeeze %dma_wait3A_53 : memref<1x128xi32, #tpu.memory_space<vmem>> -> memref<128xi32, #tpu.memory_space<vmem>>
    %dma_wait3A_55 = arith.constant 0 : i32
    %dma_wait3A_56 = arith.constant 0 : i32
    %dma_wait3A_57 = tpu.memref_slice %arg14[%dma_wait3A_55, %dma_wait3A_56] : memref<10112x64xf32, #tpu.memory_space<vmem_shared>> -> memref<10112x64xf32, #tpu.memory_space<vmem_shared>>
    tpu.wait_indirect_dma semaphore(%arg22 : memref<!tpu.dma_semaphore, #tpu.memory_space<semaphore_mem>>) src(%arg12 : memref<128x64xf32, #tpu.memory_space<vmem>>) dst(%dma_wait3A_57 : memref<10112x64xf32, #tpu.memory_space<vmem_shared>>)
    %barrier3A_58 = arith.constant 0 : index
    tpu.barrier barrier_id(%barrier3A_58)
    %mul3A_59 = arith.constant 632 : i32
    %mul3A_60 = arith.muli %arg1, %mul3A_59 : i32
    %mul3A_61 = arith.constant 632 : i32
    %mul3A_62 = arith.muli %arg1, %mul3A_61 : i32
    %run_scoped3A = arith.constant 0 : i32
    "tpu.region"() ({
      %run_scoped3A_123 = tpu.sem_alloc : memref<!tpu.dma_semaphore, #tpu.memory_space<semaphore_mem>>
      %dma_start3A_124 = arith.constant 0 : i32
      %dma_start3A_125 = tpu.memref_slice %arg6[%arg0, %run_scoped3A, %mul3A_62, %dma_start3A_124] : memref<2x2x10112x64xf32, #tpu.memory_space<hbm>> -> memref<1x1x632x64xf32, #tpu.memory_space<hbm>>
      %dma_start3A_126 = tpu.memref_squeeze %dma_start3A_125 : memref<1x1x632x64xf32, #tpu.memory_space<hbm>> -> memref<632x64xf32, #tpu.memory_space<hbm>>
      %dma_start3A_127 = arith.constant 0 : i32
      %dma_start3A_128 = tpu.memref_slice %arg14[%mul3A_60, %dma_start3A_127] : memref<10112x64xf32, #tpu.memory_space<vmem_shared>> -> memref<632x64xf32, #tpu.memory_space<vmem_shared>>
      tpu.enqueue_dma source(%dma_start3A_128 : memref<632x64xf32, #tpu.memory_space<vmem_shared>>) target(%dma_start3A_126 : memref<632x64xf32, #tpu.memory_space<hbm>>) target_semaphore(%run_scoped3A_123 : memref<!tpu.dma_semaphore, #tpu.memory_space<semaphore_mem>>)
      %dma_wait3A_129 = arith.constant 0 : i32
      %dma_wait3A_130 = tpu.memref_slice %arg6[%arg0, %run_scoped3A, %mul3A_62, %dma_wait3A_129] : memref<2x2x10112x64xf32, #tpu.memory_space<hbm>> -> memref<1x1x632x64xf32, #tpu.memory_space<hbm>>
      %dma_wait3A_131 = tpu.memref_squeeze %dma_wait3A_130 : memref<1x1x632x64xf32, #tpu.memory_space<hbm>> -> memref<632x64xf32, #tpu.memory_space<hbm>>
      %dma_wait3A_132 = arith.constant 0 : i32
      %dma_wait3A_133 = tpu.memref_slice %arg14[%mul3A_60, %dma_wait3A_132] : memref<10112x64xf32, #tpu.memory_space<vmem_shared>> -> memref<632x64xf32, #tpu.memory_space<vmem_shared>>
      tpu.wait_dma2 semaphore(%run_scoped3A_123 : memref<!tpu.dma_semaphore, #tpu.memory_space<semaphore_mem>>) src(%dma_wait3A_133 : memref<632x64xf32, #tpu.memory_space<vmem_shared>>) dst(%dma_wait3A_131 : memref<632x64xf32, #tpu.memory_space<hbm>>)
      tpu.yield
    }) : () -> ()
    %mul3A_63 = arith.constant 632 : i32
    %mul3A_64 = arith.muli %arg1, %mul3A_63 : i32
    "tpu.region"() ({
      %run_scoped3A_123 = tpu.sem_alloc : memref<!tpu.dma_semaphore, #tpu.memory_space<semaphore_mem>>
      %dma_start3A_124 = arith.constant 0 : i32
      %dma_start3A_125 = tpu.memref_slice %arg14[%mul3A_64, %dma_start3A_124] : memref<10112x64xf32, #tpu.memory_space<vmem_shared>> -> memref<316x64xf32, #tpu.memory_space<vmem_shared>>
      %dma_start3A_126 = arith.constant 0 : i32
      %dma_start3A_127 = tpu.memref_slice %arg14[%mul3A_64, %dma_start3A_126] : memref<10112x64xf32, #tpu.memory_space<vmem_shared>> -> memref<316x64xf32, #tpu.memory_space<vmem_shared>>
      tpu.enqueue_dma source(%arg13 : memref<316x64xf32, #tpu.memory_space<vmem>>) target(%dma_start3A_127 : memref<316x64xf32, #tpu.memory_space<vmem_shared>>) target_semaphore(%run_scoped3A_123 : memref<!tpu.dma_semaphore, #tpu.memory_space<semaphore_mem>>)
      %dma_wait3A_128 = arith.constant 0 : i32
      %dma_wait3A_129 = tpu.memref_slice %arg14[%mul3A_64, %dma_wait3A_128] : memref<10112x64xf32, #tpu.memory_space<vmem_shared>> -> memref<316x64xf32, #tpu.memory_space<vmem_shared>>
      %dma_wait3A_130 = arith.constant 0 : i32
      %dma_wait3A_131 = tpu.memref_slice %arg14[%mul3A_64, %dma_wait3A_130] : memref<10112x64xf32, #tpu.memory_space<vmem_shared>> -> memref<316x64xf32, #tpu.memory_space<vmem_shared>>
      tpu.wait_dma2 semaphore(%run_scoped3A_123 : memref<!tpu.dma_semaphore, #tpu.memory_space<semaphore_mem>>) src(%arg13 : memref<316x64xf32, #tpu.memory_space<vmem>>) dst(%dma_wait3A_131 : memref<316x64xf32, #tpu.memory_space<vmem_shared>>)
      tpu.yield
    }) : () -> ()
    %mul3A_65 = arith.constant 632 : i32
    %mul3A_66 = arith.muli %arg1, %mul3A_65 : i32
    %add3A_67 = arith.constant 316 : i32
    %add3A_68 = arith.addi %mul3A_66, %add3A_67 : i32
    "tpu.region"() ({
      %run_scoped3A_123 = tpu.sem_alloc : memref<!tpu.dma_semaphore, #tpu.memory_space<semaphore_mem>>
      %dma_start3A_124 = arith.constant 0 : i32
      %dma_start3A_125 = tpu.memref_slice %arg14[%add3A_68, %dma_start3A_124] : memref<10112x64xf32, #tpu.memory_space<vmem_shared>> -> memref<316x64xf32, #tpu.memory_space<vmem_shared>>
      %dma_start3A_126 = arith.constant 0 : i32
      %dma_start3A_127 = tpu.memref_slice %arg14[%add3A_68, %dma_start3A_126] : memref<10112x64xf32, #tpu.memory_space<vmem_shared>> -> memref<316x64xf32, #tpu.memory_space<vmem_shared>>
      tpu.enqueue_dma source(%arg13 : memref<316x64xf32, #tpu.memory_space<vmem>>) target(%dma_start3A_127 : memref<316x64xf32, #tpu.memory_space<vmem_shared>>) target_semaphore(%run_scoped3A_123 : memref<!tpu.dma_semaphore, #tpu.memory_space<semaphore_mem>>)
      %dma_wait3A_128 = arith.constant 0 : i32
      %dma_wait3A_129 = tpu.memref_slice %arg14[%add3A_68, %dma_wait3A_128] : memref<10112x64xf32, #tpu.memory_space<vmem_shared>> -> memref<316x64xf32, #tpu.memory_space<vmem_shared>>
      %dma_wait3A_130 = arith.constant 0 : i32
      %dma_wait3A_131 = tpu.memref_slice %arg14[%add3A_68, %dma_wait3A_130] : memref<10112x64xf32, #tpu.memory_space<vmem_shared>> -> memref<316x64xf32, #tpu.memory_space<vmem_shared>>
      tpu.wait_dma2 semaphore(%run_scoped3A_123 : memref<!tpu.dma_semaphore, #tpu.memory_space<semaphore_mem>>) src(%arg13 : memref<316x64xf32, #tpu.memory_space<vmem>>) dst(%dma_wait3A_131 : memref<316x64xf32, #tpu.memory_space<vmem_shared>>)
      tpu.yield
    }) : () -> ()
    "tpu.region"() ({
      %run_scoped3A_123 = tpu.sem_alloc : memref<!tpu.dma_semaphore, #tpu.memory_space<semaphore_mem>>
      %dma_start3A_124 = arith.constant 0 : i32
      %dma_start3A_125 = arith.constant 0 : i32
      %dma_start3A_126 = tpu.memref_slice %arg3[%add3A, %dma_start3A_124, %dma_start3A_125] : memref<32x84x128xi32, #tpu.memory_space<hbm>> -> memref<1x84x128xi32, #tpu.memory_space<hbm>>
      %dma_start3A_127 = tpu.memref_squeeze %dma_start3A_126 : memref<1x84x128xi32, #tpu.memory_space<hbm>> -> memref<84x128xi32, #tpu.memory_space<hbm>>
      %dma_start3A_128 = arith.constant 0 : i32
      %dma_start3A_129 = arith.constant 0 : i32
      %dma_start3A_130 = tpu.memref_slice %arg3[%add3A, %dma_start3A_128, %dma_start3A_129] : memref<32x84x128xi32, #tpu.memory_space<hbm>> -> memref<1x84x128xi32, #tpu.memory_space<hbm>>
      %dma_start3A_131 = tpu.memref_squeeze %dma_start3A_130 : memref<1x84x128xi32, #tpu.memory_space<hbm>> -> memref<84x128xi32, #tpu.memory_space<hbm>>
      tpu.enqueue_dma source(%dma_start3A_131 : memref<84x128xi32, #tpu.memory_space<hbm>>) target(%arg7 : memref<84x128xi32, #tpu.memory_space<vmem>>) target_semaphore(%run_scoped3A_123 : memref<!tpu.dma_semaphore, #tpu.memory_space<semaphore_mem>>)
      %dma_wait3A_132 = arith.constant 0 : i32
      %dma_wait3A_133 = arith.constant 0 : i32
      %dma_wait3A_134 = tpu.memref_slice %arg3[%add3A, %dma_wait3A_132, %dma_wait3A_133] : memref<32x84x128xi32, #tpu.memory_space<hbm>> -> memref<1x84x128xi32, #tpu.memory_space<hbm>>
      %dma_wait3A_135 = tpu.memref_squeeze %dma_wait3A_134 : memref<1x84x128xi32, #tpu.memory_space<hbm>> -> memref<84x128xi32, #tpu.memory_space<hbm>>
      %dma_wait3A_136 = arith.constant 0 : i32
      %dma_wait3A_137 = arith.constant 0 : i32
      %dma_wait3A_138 = tpu.memref_slice %arg3[%add3A, %dma_wait3A_136, %dma_wait3A_137] : memref<32x84x128xi32, #tpu.memory_space<hbm>> -> memref<1x84x128xi32, #tpu.memory_space<hbm>>
      %dma_wait3A_139 = tpu.memref_squeeze %dma_wait3A_138 : memref<1x84x128xi32, #tpu.memory_space<hbm>> -> memref<84x128xi32, #tpu.memory_space<hbm>>
      tpu.wait_dma2 semaphore(%run_scoped3A_123 : memref<!tpu.dma_semaphore, #tpu.memory_space<semaphore_mem>>) src(%dma_wait3A_139 : memref<84x128xi32, #tpu.memory_space<hbm>>) dst(%arg7 : memref<84x128xi32, #tpu.memory_space<vmem>>)
      tpu.yield
    }) : () -> ()
    %barrier3A_69 = arith.constant 0 : index
    tpu.barrier barrier_id(%barrier3A_69)
    %dma_start3A_70 = arith.constant 0 : i32
    %dma_start3A_71 = arith.constant 0 : i32
    %dma_start3A_72 = tpu.memref_slice %arg7[%dma_start3A_70, %dma_start3A_71] : memref<84x128xi32, #tpu.memory_space<vmem>> -> memref<1x128xi32, #tpu.memory_space<vmem>>
    %dma_start3A_73 = tpu.memref_squeeze %dma_start3A_72 : memref<1x128xi32, #tpu.memory_space<vmem>> -> memref<128xi32, #tpu.memory_space<vmem>>
    %dma_start3A_74 = arith.constant 0 : i32
    %dma_start3A_75 = arith.constant 0 : i32
    %dma_start3A_76 = tpu.memref_slice %arg5[%dma_start3A_74, %dma_start3A_75] : memref<20224x64xf32, #tpu.memory_space<hbm>> -> memref<20224x64xf32, #tpu.memory_space<hbm>>
    tpu.enqueue_indirect_dma source(%dma_start3A_76 : memref<20224x64xf32, #tpu.memory_space<hbm>>) target(%arg9 : memref<128x64xf32, #tpu.memory_space<vmem>>) offsets(%dma_start3A_73 : memref<128xi32, #tpu.memory_space<vmem>>) semaphore(%arg15 : memref<!tpu.dma_semaphore, #tpu.memory_space<semaphore_mem>>)
    %dma_start3A_77 = arith.constant 1 : i32
    %dma_start3A_78 = arith.constant 0 : i32
    %dma_start3A_79 = tpu.memref_slice %arg7[%dma_start3A_77, %dma_start3A_78] : memref<84x128xi32, #tpu.memory_space<vmem>> -> memref<1x128xi32, #tpu.memory_space<vmem>>
    %dma_start3A_80 = tpu.memref_squeeze %dma_start3A_79 : memref<1x128xi32, #tpu.memory_space<vmem>> -> memref<128xi32, #tpu.memory_space<vmem>>
    %dma_start3A_81 = arith.constant 0 : i32
    %dma_start3A_82 = arith.constant 0 : i32
    %dma_start3A_83 = tpu.memref_slice %arg5[%dma_start3A_81, %dma_start3A_82] : memref<20224x64xf32, #tpu.memory_space<hbm>> -> memref<20224x64xf32, #tpu.memory_space<hbm>>
    tpu.enqueue_indirect_dma source(%dma_start3A_83 : memref<20224x64xf32, #tpu.memory_space<hbm>>) target(%arg10 : memref<128x64xf32, #tpu.memory_space<vmem>>) offsets(%dma_start3A_80 : memref<128xi32, #tpu.memory_space<vmem>>) semaphore(%arg16 : memref<!tpu.dma_semaphore, #tpu.memory_space<semaphore_mem>>)
    %scan3A_84 = arith.constant 0 : i32
    %scan3A_85 = arith.constant 21 : i32
    %scan3A_86 = arith.addi %scan3A_84, %scan3A_85 : i32
    %scan3A_87 = arith.constant 1 : i32
    scf.for %scan3A_123 = %scan3A_84 to %scan3A_86 step %scan3A_87  : i32 {
      %mul3A_124 = arith.constant 4 : i32
      %mul3A_125 = arith.muli %scan3A_123, %mul3A_124 : i32
      %add3A_126 = arith.constant 0 : i32
      %add3A_127 = arith.addi %add3A_126, %mul3A_125 : i32
      %add3A_128 = arith.constant 0 : i32
      %add3A_129 = arith.addi %add3A_127, %add3A_128 : i32
      %dma_wait3A_130 = arith.constant 0 : i32
      %dma_wait3A_131 = tpu.memref_slice %arg7[%add3A_129, %dma_wait3A_130] : memref<84x128xi32, #tpu.memory_space<vmem>> -> memref<1x128xi32, #tpu.memory_space<vmem>>
      %dma_wait3A_132 = tpu.memref_squeeze %dma_wait3A_131 : memref<1x128xi32, #tpu.memory_space<vmem>> -> memref<128xi32, #tpu.memory_space<vmem>>
      %dma_wait3A_133 = arith.constant 0 : i32
      %dma_wait3A_134 = arith.constant 0 : i32
      %dma_wait3A_135 = tpu.memref_slice %arg5[%dma_wait3A_133, %dma_wait3A_134] : memref<20224x64xf32, #tpu.memory_space<hbm>> -> memref<20224x64xf32, #tpu.memory_space<hbm>>
      tpu.wait_indirect_dma semaphore(%arg15 : memref<!tpu.dma_semaphore, #tpu.memory_space<semaphore_mem>>) src(%dma_wait3A_135 : memref<20224x64xf32, #tpu.memory_space<hbm>>) dst(%arg9 : memref<128x64xf32, #tpu.memory_space<vmem>>)
      %dma_start3A_136 = arith.constant 0 : i32
      %dma_start3A_137 = tpu.memref_slice %arg8[%add3A_129, %dma_start3A_136] : memref<84x128xi32, #tpu.memory_space<vmem>> -> memref<1x128xi32, #tpu.memory_space<vmem>>
      %dma_start3A_138 = tpu.memref_squeeze %dma_start3A_137 : memref<1x128xi32, #tpu.memory_space<vmem>> -> memref<128xi32, #tpu.memory_space<vmem>>
      %dma_start3A_139 = arith.constant 0 : i32
      %dma_start3A_140 = arith.constant 0 : i32
      %dma_start3A_141 = tpu.memref_slice %arg14[%dma_start3A_139, %dma_start3A_140] : memref<10112x64xf32, #tpu.memory_space<vmem_shared>> -> memref<10112x64xf32, #tpu.memory_space<vmem_shared>>
      tpu.enqueue_indirect_dma source(%arg9 : memref<128x64xf32, #tpu.memory_space<vmem>>) target(%dma_start3A_141 : memref<10112x64xf32, #tpu.memory_space<vmem_shared>>) offsets(%dma_start3A_138 : memref<128xi32, #tpu.memory_space<vmem>>) semaphore(%arg19 : memref<!tpu.dma_semaphore, #tpu.memory_space<semaphore_mem>>) {add = true}
      %ge3A = arith.constant 2 : i32
      %ge3A_142 = arith.cmpi sge, %add3A_129, %ge3A : i32
      %add3A_143 = arith.constant 2 : i32
      %add3A_144 = arith.addi %add3A_129, %add3A_143 : i32
      %lt3A = arith.constant 84 : i32
      %lt3A_145 = arith.cmpi slt, %add3A_144, %lt3A : i32
      %and3A = arith.andi %ge3A_142, %lt3A_145 : i1
      %convert_element_type3A = arith.extui %and3A : i1 to i32
      %cond3A = arith.constant 0 : i32
      %cond3A_146 = arith.cmpi ne, %convert_element_type3A, %cond3A : i32
      scf.if %cond3A_146 {
        %dma_wait3A_247 = arith.constant 0 : i32
        %dma_wait3A_248 = tpu.memref_slice %arg8[%add3A_129, %dma_wait3A_247] : memref<84x128xi32, #tpu.memory_space<vmem>> -> memref<1x128xi32, #tpu.memory_space<vmem>>
        %dma_wait3A_249 = tpu.memref_squeeze %dma_wait3A_248 : memref<1x128xi32, #tpu.memory_space<vmem>> -> memref<128xi32, #tpu.memory_space<vmem>>
        %dma_wait3A_250 = arith.constant 0 : i32
        %dma_wait3A_251 = arith.constant 0 : i32
        %dma_wait3A_252 = tpu.memref_slice %arg14[%dma_wait3A_250, %dma_wait3A_251] : memref<10112x64xf32, #tpu.memory_space<vmem_shared>> -> memref<10112x64xf32, #tpu.memory_space<vmem_shared>>
        tpu.wait_indirect_dma semaphore(%arg21 : memref<!tpu.dma_semaphore, #tpu.memory_space<semaphore_mem>>) src(%arg11 : memref<128x64xf32, #tpu.memory_space<vmem>>) dst(%dma_wait3A_252 : memref<10112x64xf32, #tpu.memory_space<vmem_shared>>)
      } else {
      }
      %add3A_147 = arith.constant 2 : i32
      %add3A_148 = arith.addi %add3A_129, %add3A_147 : i32
      %lt3A_149 = arith.constant 84 : i32
      %lt3A_150 = arith.cmpi slt, %add3A_148, %lt3A_149 : i32
      %convert_element_type3A_151 = arith.extui %lt3A_150 : i1 to i32
      %cond3A_152 = arith.constant 0 : i32
      %cond3A_153 = arith.cmpi ne, %convert_element_type3A_151, %cond3A_152 : i32
      scf.if %cond3A_153 {
        %add3A_247 = arith.constant 2 : i32
        %add3A_248 = arith.addi %add3A_129, %add3A_247 : i32
        %dma_start3A_249 = arith.constant 0 : i32
        %dma_start3A_250 = tpu.memref_slice %arg7[%add3A_248, %dma_start3A_249] : memref<84x128xi32, #tpu.memory_space<vmem>> -> memref<1x128xi32, #tpu.memory_space<vmem>>
        %dma_start3A_251 = tpu.memref_squeeze %dma_start3A_250 : memref<1x128xi32, #tpu.memory_space<vmem>> -> memref<128xi32, #tpu.memory_space<vmem>>
        %dma_start3A_252 = arith.constant 0 : i32
        %dma_start3A_253 = arith.constant 0 : i32
        %dma_start3A_254 = tpu.memref_slice %arg5[%dma_start3A_252, %dma_start3A_253] : memref<20224x64xf32, #tpu.memory_space<hbm>> -> memref<20224x64xf32, #tpu.memory_space<hbm>>
        tpu.enqueue_indirect_dma source(%dma_start3A_254 : memref<20224x64xf32, #tpu.memory_space<hbm>>) target(%arg11 : memref<128x64xf32, #tpu.memory_space<vmem>>) offsets(%dma_start3A_251 : memref<128xi32, #tpu.memory_space<vmem>>) semaphore(%arg17 : memref<!tpu.dma_semaphore, #tpu.memory_space<semaphore_mem>>)
      } else {
      }
      %add3A_154 = arith.constant 1 : i32
      %add3A_155 = arith.addi %add3A_127, %add3A_154 : i32
      %dma_wait3A_156 = arith.constant 0 : i32
      %dma_wait3A_157 = tpu.memref_slice %arg7[%add3A_155, %dma_wait3A_156] : memref<84x128xi32, #tpu.memory_space<vmem>> -> memref<1x128xi32, #tpu.memory_space<vmem>>
      %dma_wait3A_158 = tpu.memref_squeeze %dma_wait3A_157 : memref<1x128xi32, #tpu.memory_space<vmem>> -> memref<128xi32, #tpu.memory_space<vmem>>
      %dma_wait3A_159 = arith.constant 0 : i32
      %dma_wait3A_160 = arith.constant 0 : i32
      %dma_wait3A_161 = tpu.memref_slice %arg5[%dma_wait3A_159, %dma_wait3A_160] : memref<20224x64xf32, #tpu.memory_space<hbm>> -> memref<20224x64xf32, #tpu.memory_space<hbm>>
      tpu.wait_indirect_dma semaphore(%arg16 : memref<!tpu.dma_semaphore, #tpu.memory_space<semaphore_mem>>) src(%dma_wait3A_161 : memref<20224x64xf32, #tpu.memory_space<hbm>>) dst(%arg10 : memref<128x64xf32, #tpu.memory_space<vmem>>)
      %dma_start3A_162 = arith.constant 0 : i32
      %dma_start3A_163 = tpu.memref_slice %arg8[%add3A_155, %dma_start3A_162] : memref<84x128xi32, #tpu.memory_space<vmem>> -> memref<1x128xi32, #tpu.memory_space<vmem>>
      %dma_start3A_164 = tpu.memref_squeeze %dma_start3A_163 : memref<1x128xi32, #tpu.memory_space<vmem>> -> memref<128xi32, #tpu.memory_space<vmem>>
      %dma_start3A_165 = arith.constant 0 : i32
      %dma_start3A_166 = arith.constant 0 : i32
      %dma_start3A_167 = tpu.memref_slice %arg14[%dma_start3A_165, %dma_start3A_166] : memref<10112x64xf32, #tpu.memory_space<vmem_shared>> -> memref<10112x64xf32, #tpu.memory_space<vmem_shared>>
      tpu.enqueue_indirect_dma source(%arg10 : memref<128x64xf32, #tpu.memory_space<vmem>>) target(%dma_start3A_167 : memref<10112x64xf32, #tpu.memory_space<vmem_shared>>) offsets(%dma_start3A_164 : memref<128xi32, #tpu.memory_space<vmem>>) semaphore(%arg20 : memref<!tpu.dma_semaphore, #tpu.memory_space<semaphore_mem>>) {add = true}
      %ge3A_168 = arith.constant 2 : i32
      %ge3A_169 = arith.cmpi sge, %add3A_155, %ge3A_168 : i32
      %add3A_170 = arith.constant 2 : i32
      %add3A_171 = arith.addi %add3A_155, %add3A_170 : i32
      %lt3A_172 = arith.constant 84 : i32
      %lt3A_173 = arith.cmpi slt, %add3A_171, %lt3A_172 : i32
      %and3A_174 = arith.andi %ge3A_169, %lt3A_173 : i1
      %convert_element_type3A_175 = arith.extui %and3A_174 : i1 to i32
      %cond3A_176 = arith.constant 0 : i32
      %cond3A_177 = arith.cmpi ne, %convert_element_type3A_175, %cond3A_176 : i32
      scf.if %cond3A_177 {
        %dma_wait3A_247 = arith.constant 0 : i32
        %dma_wait3A_248 = tpu.memref_slice %arg8[%add3A_155, %dma_wait3A_247] : memref<84x128xi32, #tpu.memory_space<vmem>> -> memref<1x128xi32, #tpu.memory_space<vmem>>
        %dma_wait3A_249 = tpu.memref_squeeze %dma_wait3A_248 : memref<1x128xi32, #tpu.memory_space<vmem>> -> memref<128xi32, #tpu.memory_space<vmem>>
        %dma_wait3A_250 = arith.constant 0 : i32
        %dma_wait3A_251 = arith.constant 0 : i32
        %dma_wait3A_252 = tpu.memref_slice %arg14[%dma_wait3A_250, %dma_wait3A_251] : memref<10112x64xf32, #tpu.memory_space<vmem_shared>> -> memref<10112x64xf32, #tpu.memory_space<vmem_shared>>
        tpu.wait_indirect_dma semaphore(%arg22 : memref<!tpu.dma_semaphore, #tpu.memory_space<semaphore_mem>>) src(%arg12 : memref<128x64xf32, #tpu.memory_space<vmem>>) dst(%dma_wait3A_252 : memref<10112x64xf32, #tpu.memory_space<vmem_shared>>)
      } else {
      }
      %add3A_178 = arith.constant 2 : i32
      %add3A_179 = arith.addi %add3A_155, %add3A_178 : i32
      %lt3A_180 = arith.constant 84 : i32
      %lt3A_181 = arith.cmpi slt, %add3A_179, %lt3A_180 : i32
      %convert_element_type3A_182 = arith.extui %lt3A_181 : i1 to i32
      %cond3A_183 = arith.constant 0 : i32
      %cond3A_184 = arith.cmpi ne, %convert_element_type3A_182, %cond3A_183 : i32
      scf.if %cond3A_184 {
        %add3A_247 = arith.constant 2 : i32
        %add3A_248 = arith.addi %add3A_155, %add3A_247 : i32
        %dma_start3A_249 = arith.constant 0 : i32
        %dma_start3A_250 = tpu.memref_slice %arg7[%add3A_248, %dma_start3A_249] : memref<84x128xi32, #tpu.memory_space<vmem>> -> memref<1x128xi32, #tpu.memory_space<vmem>>
        %dma_start3A_251 = tpu.memref_squeeze %dma_start3A_250 : memref<1x128xi32, #tpu.memory_space<vmem>> -> memref<128xi32, #tpu.memory_space<vmem>>
        %dma_start3A_252 = arith.constant 0 : i32
        %dma_start3A_253 = arith.constant 0 : i32
        %dma_start3A_254 = tpu.memref_slice %arg5[%dma_start3A_252, %dma_start3A_253] : memref<20224x64xf32, #tpu.memory_space<hbm>> -> memref<20224x64xf32, #tpu.memory_space<hbm>>
        tpu.enqueue_indirect_dma source(%dma_start3A_254 : memref<20224x64xf32, #tpu.memory_space<hbm>>) target(%arg12 : memref<128x64xf32, #tpu.memory_space<vmem>>) offsets(%dma_start3A_251 : memref<128xi32, #tpu.memory_space<vmem>>) semaphore(%arg18 : memref<!tpu.dma_semaphore, #tpu.memory_space<semaphore_mem>>)
      } else {
      }
      %add3A_185 = arith.constant 2 : i32
      %add3A_186 = arith.addi %add3A_127, %add3A_185 : i32
      %dma_wait3A_187 = arith.constant 0 : i32
      %dma_wait3A_188 = tpu.memref_slice %arg7[%add3A_186, %dma_wait3A_187] : memref<84x128xi32, #tpu.memory_space<vmem>> -> memref<1x128xi32, #tpu.memory_space<vmem>>
      %dma_wait3A_189 = tpu.memref_squeeze %dma_wait3A_188 : memref<1x128xi32, #tpu.memory_space<vmem>> -> memref<128xi32, #tpu.memory_space<vmem>>
      %dma_wait3A_190 = arith.constant 0 : i32
      %dma_wait3A_191 = arith.constant 0 : i32
      %dma_wait3A_192 = tpu.memref_slice %arg5[%dma_wait3A_190, %dma_wait3A_191] : memref<20224x64xf32, #tpu.memory_space<hbm>> -> memref<20224x64xf32, #tpu.memory_space<hbm>>
      tpu.wait_indirect_dma semaphore(%arg17 : memref<!tpu.dma_semaphore, #tpu.memory_space<semaphore_mem>>) src(%dma_wait3A_192 : memref<20224x64xf32, #tpu.memory_space<hbm>>) dst(%arg11 : memref<128x64xf32, #tpu.memory_space<vmem>>)
      %dma_start3A_193 = arith.constant 0 : i32
      %dma_start3A_194 = tpu.memref_slice %arg8[%add3A_186, %dma_start3A_193] : memref<84x128xi32, #tpu.memory_space<vmem>> -> memref<1x128xi32, #tpu.memory_space<vmem>>
      %dma_start3A_195 = tpu.memref_squeeze %dma_start3A_194 : memref<1x128xi32, #tpu.memory_space<vmem>> -> memref<128xi32, #tpu.memory_space<vmem>>
      %dma_start3A_196 = arith.constant 0 : i32
      %dma_start3A_197 = arith.constant 0 : i32
      %dma_start3A_198 = tpu.memref_slice %arg14[%dma_start3A_196, %dma_start3A_197] : memref<10112x64xf32, #tpu.memory_space<vmem_shared>> -> memref<10112x64xf32, #tpu.memory_space<vmem_shared>>
      tpu.enqueue_indirect_dma source(%arg11 : memref<128x64xf32, #tpu.memory_space<vmem>>) target(%dma_start3A_198 : memref<10112x64xf32, #tpu.memory_space<vmem_shared>>) offsets(%dma_start3A_195 : memref<128xi32, #tpu.memory_space<vmem>>) semaphore(%arg21 : memref<!tpu.dma_semaphore, #tpu.memory_space<semaphore_mem>>) {add = true}
      %ge3A_199 = arith.constant 2 : i32
      %ge3A_200 = arith.cmpi sge, %add3A_186, %ge3A_199 : i32
      %add3A_201 = arith.constant 2 : i32
      %add3A_202 = arith.addi %add3A_186, %add3A_201 : i32
      %lt3A_203 = arith.constant 84 : i32
      %lt3A_204 = arith.cmpi slt, %add3A_202, %lt3A_203 : i32
      %and3A_205 = arith.andi %ge3A_200, %lt3A_204 : i1
      %convert_element_type3A_206 = arith.extui %and3A_205 : i1 to i32
      %cond3A_207 = arith.constant 0 : i32
      %cond3A_208 = arith.cmpi ne, %convert_element_type3A_206, %cond3A_207 : i32
      scf.if %cond3A_208 {
        %dma_wait3A_247 = arith.constant 0 : i32
        %dma_wait3A_248 = tpu.memref_slice %arg8[%add3A_186, %dma_wait3A_247] : memref<84x128xi32, #tpu.memory_space<vmem>> -> memref<1x128xi32, #tpu.memory_space<vmem>>
        %dma_wait3A_249 = tpu.memref_squeeze %dma_wait3A_248 : memref<1x128xi32, #tpu.memory_space<vmem>> -> memref<128xi32, #tpu.memory_space<vmem>>
        %dma_wait3A_250 = arith.constant 0 : i32
        %dma_wait3A_251 = arith.constant 0 : i32
        %dma_wait3A_252 = tpu.memref_slice %arg14[%dma_wait3A_250, %dma_wait3A_251] : memref<10112x64xf32, #tpu.memory_space<vmem_shared>> -> memref<10112x64xf32, #tpu.memory_space<vmem_shared>>
        tpu.wait_indirect_dma semaphore(%arg19 : memref<!tpu.dma_semaphore, #tpu.memory_space<semaphore_mem>>) src(%arg9 : memref<128x64xf32, #tpu.memory_space<vmem>>) dst(%dma_wait3A_252 : memref<10112x64xf32, #tpu.memory_space<vmem_shared>>)
      } else {
      }
      %add3A_209 = arith.constant 2 : i32
      %add3A_210 = arith.addi %add3A_186, %add3A_209 : i32
      %lt3A_211 = arith.constant 84 : i32
      %lt3A_212 = arith.cmpi slt, %add3A_210, %lt3A_211 : i32
      %convert_element_type3A_213 = arith.extui %lt3A_212 : i1 to i32
      %cond3A_214 = arith.constant 0 : i32
      %cond3A_215 = arith.cmpi ne, %convert_element_type3A_213, %cond3A_214 : i32
      scf.if %cond3A_215 {
        %add3A_247 = arith.constant 2 : i32
        %add3A_248 = arith.addi %add3A_186, %add3A_247 : i32
        %dma_start3A_249 = arith.constant 0 : i32
        %dma_start3A_250 = tpu.memref_slice %arg7[%add3A_248, %dma_start3A_249] : memref<84x128xi32, #tpu.memory_space<vmem>> -> memref<1x128xi32, #tpu.memory_space<vmem>>
        %dma_start3A_251 = tpu.memref_squeeze %dma_start3A_250 : memref<1x128xi32, #tpu.memory_space<vmem>> -> memref<128xi32, #tpu.memory_space<vmem>>
        %dma_start3A_252 = arith.constant 0 : i32
        %dma_start3A_253 = arith.constant 0 : i32
        %dma_start3A_254 = tpu.memref_slice %arg5[%dma_start3A_252, %dma_start3A_253] : memref<20224x64xf32, #tpu.memory_space<hbm>> -> memref<20224x64xf32, #tpu.memory_space<hbm>>
        tpu.enqueue_indirect_dma source(%dma_start3A_254 : memref<20224x64xf32, #tpu.memory_space<hbm>>) target(%arg9 : memref<128x64xf32, #tpu.memory_space<vmem>>) offsets(%dma_start3A_251 : memref<128xi32, #tpu.memory_space<vmem>>) semaphore(%arg15 : memref<!tpu.dma_semaphore, #tpu.memory_space<semaphore_mem>>)
      } else {
      }
      %add3A_216 = arith.constant 3 : i32
      %add3A_217 = arith.addi %add3A_127, %add3A_216 : i32
      %dma_wait3A_218 = arith.constant 0 : i32
      %dma_wait3A_219 = tpu.memref_slice %arg7[%add3A_217, %dma_wait3A_218] : memref<84x128xi32, #tpu.memory_space<vmem>> -> memref<1x128xi32, #tpu.memory_space<vmem>>
      %dma_wait3A_220 = tpu.memref_squeeze %dma_wait3A_219 : memref<1x128xi32, #tpu.memory_space<vmem>> -> memref<128xi32, #tpu.memory_space<vmem>>
      %dma_wait3A_221 = arith.constant 0 : i32
      %dma_wait3A_222 = arith.constant 0 : i32
      %dma_wait3A_223 = tpu.memref_slice %arg5[%dma_wait3A_221, %dma_wait3A_222] : memref<20224x64xf32, #tpu.memory_space<hbm>> -> memref<20224x64xf32, #tpu.memory_space<hbm>>
      tpu.wait_indirect_dma semaphore(%arg18 : memref<!tpu.dma_semaphore, #tpu.memory_space<semaphore_mem>>) src(%dma_wait3A_223 : memref<20224x64xf32, #tpu.memory_space<hbm>>) dst(%arg12 : memref<128x64xf32, #tpu.memory_space<vmem>>)
      %dma_start3A_224 = arith.constant 0 : i32
      %dma_start3A_225 = tpu.memref_slice %arg8[%add3A_217, %dma_start3A_224] : memref<84x128xi32, #tpu.memory_space<vmem>> -> memref<1x128xi32, #tpu.memory_space<vmem>>
      %dma_start3A_226 = tpu.memref_squeeze %dma_start3A_225 : memref<1x128xi32, #tpu.memory_space<vmem>> -> memref<128xi32, #tpu.memory_space<vmem>>
      %dma_start3A_227 = arith.constant 0 : i32
      %dma_start3A_228 = arith.constant 0 : i32
      %dma_start3A_229 = tpu.memref_slice %arg14[%dma_start3A_227, %dma_start3A_228] : memref<10112x64xf32, #tpu.memory_space<vmem_shared>> -> memref<10112x64xf32, #tpu.memory_space<vmem_shared>>
      tpu.enqueue_indirect_dma source(%arg12 : memref<128x64xf32, #tpu.memory_space<vmem>>) target(%dma_start3A_229 : memref<10112x64xf32, #tpu.memory_space<vmem_shared>>) offsets(%dma_start3A_226 : memref<128xi32, #tpu.memory_space<vmem>>) semaphore(%arg22 : memref<!tpu.dma_semaphore, #tpu.memory_space<semaphore_mem>>) {add = true}
      %ge3A_230 = arith.constant 2 : i32
      %ge3A_231 = arith.cmpi sge, %add3A_217, %ge3A_230 : i32
      %add3A_232 = arith.constant 2 : i32
      %add3A_233 = arith.addi %add3A_217, %add3A_232 : i32
      %lt3A_234 = arith.constant 84 : i32
      %lt3A_235 = arith.cmpi slt, %add3A_233, %lt3A_234 : i32
      %and3A_236 = arith.andi %ge3A_231, %lt3A_235 : i1
      %convert_element_type3A_237 = arith.extui %and3A_236 : i1 to i32
      %cond3A_238 = arith.constant 0 : i32
      %cond3A_239 = arith.cmpi ne, %convert_element_type3A_237, %cond3A_238 : i32
      scf.if %cond3A_239 {
        %dma_wait3A_247 = arith.constant 0 : i32
        %dma_wait3A_248 = tpu.memref_slice %arg8[%add3A_217, %dma_wait3A_247] : memref<84x128xi32, #tpu.memory_space<vmem>> -> memref<1x128xi32, #tpu.memory_space<vmem>>
        %dma_wait3A_249 = tpu.memref_squeeze %dma_wait3A_248 : memref<1x128xi32, #tpu.memory_space<vmem>> -> memref<128xi32, #tpu.memory_space<vmem>>
        %dma_wait3A_250 = arith.constant 0 : i32
        %dma_wait3A_251 = arith.constant 0 : i32
        %dma_wait3A_252 = tpu.memref_slice %arg14[%dma_wait3A_250, %dma_wait3A_251] : memref<10112x64xf32, #tpu.memory_space<vmem_shared>> -> memref<10112x64xf32, #tpu.memory_space<vmem_shared>>
        tpu.wait_indirect_dma semaphore(%arg20 : memref<!tpu.dma_semaphore, #tpu.memory_space<semaphore_mem>>) src(%arg10 : memref<128x64xf32, #tpu.memory_space<vmem>>) dst(%dma_wait3A_252 : memref<10112x64xf32, #tpu.memory_space<vmem_shared>>)
      } else {
      }
      %add3A_240 = arith.constant 2 : i32
      %add3A_241 = arith.addi %add3A_217, %add3A_240 : i32
      %lt3A_242 = arith.constant 84 : i32
      %lt3A_243 = arith.cmpi slt, %add3A_241, %lt3A_242 : i32
      %convert_element_type3A_244 = arith.extui %lt3A_243 : i1 to i32
      %cond3A_245 = arith.constant 0 : i32
      %cond3A_246 = arith.cmpi ne, %convert_element_type3A_244, %cond3A_245 : i32
      scf.if %cond3A_246 {
        %add3A_247 = arith.constant 2 : i32
        %add3A_248 = arith.addi %add3A_217, %add3A_247 : i32
        %dma_start3A_249 = arith.constant 0 : i32
        %dma_start3A_250 = tpu.memref_slice %arg7[%add3A_248, %dma_start3A_249] : memref<84x128xi32, #tpu.memory_space<vmem>> -> memref<1x128xi32, #tpu.memory_space<vmem>>
        %dma_start3A_251 = tpu.memref_squeeze %dma_start3A_250 : memref<1x128xi32, #tpu.memory_space<vmem>> -> memref<128xi32, #tpu.memory_space<vmem>>
        %dma_start3A_252 = arith.constant 0 : i32
        %dma_start3A_253 = arith.constant 0 : i32
        %dma_start3A_254 = tpu.memref_slice %arg5[%dma_start3A_252, %dma_start3A_253] : memref<20224x64xf32, #tpu.memory_space<hbm>> -> memref<20224x64xf32, #tpu.memory_space<hbm>>
        tpu.enqueue_indirect_dma source(%dma_start3A_254 : memref<20224x64xf32, #tpu.memory_space<hbm>>) target(%arg10 : memref<128x64xf32, #tpu.memory_space<vmem>>) offsets(%dma_start3A_251 : memref<128xi32, #tpu.memory_space<vmem>>) semaphore(%arg16 : memref<!tpu.dma_semaphore, #tpu.memory_space<semaphore_mem>>)
      } else {
      }
    }
    %scan3A_88 = arith.constant 21 : i32
    %dma_wait3A_89 = arith.constant 0 : i32
    %dma_wait3A_90 = arith.constant 0 : i32
    %dma_wait3A_91 = tpu.memref_slice %arg8[%dma_wait3A_89, %dma_wait3A_90] : memref<84x128xi32, #tpu.memory_space<vmem>> -> memref<1x128xi32, #tpu.memory_space<vmem>>
    %dma_wait3A_92 = tpu.memref_squeeze %dma_wait3A_91 : memref<1x128xi32, #tpu.memory_space<vmem>> -> memref<128xi32, #tpu.memory_space<vmem>>
    %dma_wait3A_93 = arith.constant 0 : i32
    %dma_wait3A_94 = arith.constant 0 : i32
    %dma_wait3A_95 = tpu.memref_slice %arg14[%dma_wait3A_93, %dma_wait3A_94] : memref<10112x64xf32, #tpu.memory_space<vmem_shared>> -> memref<10112x64xf32, #tpu.memory_space<vmem_shared>>
    tpu.wait_indirect_dma semaphore(%arg19 : memref<!tpu.dma_semaphore, #tpu.memory_space<semaphore_mem>>) src(%arg9 : memref<128x64xf32, #tpu.memory_space<vmem>>) dst(%dma_wait3A_95 : memref<10112x64xf32, #tpu.memory_space<vmem_shared>>)
    %dma_wait3A_96 = arith.constant 0 : i32
    %dma_wait3A_97 = arith.constant 0 : i32
    %dma_wait3A_98 = tpu.memref_slice %arg8[%dma_wait3A_96, %dma_wait3A_97] : memref<84x128xi32, #tpu.memory_space<vmem>> -> memref<1x128xi32, #tpu.memory_space<vmem>>
    %dma_wait3A_99 = tpu.memref_squeeze %dma_wait3A_98 : memref<1x128xi32, #tpu.memory_space<vmem>> -> memref<128xi32, #tpu.memory_space<vmem>>
    %dma_wait3A_100 = arith.constant 0 : i32
    %dma_wait3A_101 = arith.constant 0 : i32
    %dma_wait3A_102 = tpu.memref_slice %arg14[%dma_wait3A_100, %dma_wait3A_101] : memref<10112x64xf32, #tpu.memory_space<vmem_shared>> -> memref<10112x64xf32, #tpu.memory_space<vmem_shared>>
    tpu.wait_indirect_dma semaphore(%arg20 : memref<!tpu.dma_semaphore, #tpu.memory_space<semaphore_mem>>) src(%arg10 : memref<128x64xf32, #tpu.memory_space<vmem>>) dst(%dma_wait3A_102 : memref<10112x64xf32, #tpu.memory_space<vmem_shared>>)
    %dma_wait3A_103 = arith.constant 0 : i32
    %dma_wait3A_104 = arith.constant 0 : i32
    %dma_wait3A_105 = tpu.memref_slice %arg8[%dma_wait3A_103, %dma_wait3A_104] : memref<84x128xi32, #tpu.memory_space<vmem>> -> memref<1x128xi32, #tpu.memory_space<vmem>>
    %dma_wait3A_106 = tpu.memref_squeeze %dma_wait3A_105 : memref<1x128xi32, #tpu.memory_space<vmem>> -> memref<128xi32, #tpu.memory_space<vmem>>
    %dma_wait3A_107 = arith.constant 0 : i32
    %dma_wait3A_108 = arith.constant 0 : i32
    %dma_wait3A_109 = tpu.memref_slice %arg14[%dma_wait3A_107, %dma_wait3A_108] : memref<10112x64xf32, #tpu.memory_space<vmem_shared>> -> memref<10112x64xf32, #tpu.memory_space<vmem_shared>>
    tpu.wait_indirect_dma semaphore(%arg21 : memref<!tpu.dma_semaphore, #tpu.memory_space<semaphore_mem>>) src(%arg11 : memref<128x64xf32, #tpu.memory_space<vmem>>) dst(%dma_wait3A_109 : memref<10112x64xf32, #tpu.memory_space<vmem_shared>>)
    %dma_wait3A_110 = arith.constant 0 : i32
    %dma_wait3A_111 = arith.constant 0 : i32
    %dma_wait3A_112 = tpu.memref_slice %arg8[%dma_wait3A_110, %dma_wait3A_111] : memref<84x128xi32, #tpu.memory_space<vmem>> -> memref<1x128xi32, #tpu.memory_space<vmem>>
    %dma_wait3A_113 = tpu.memref_squeeze %dma_wait3A_112 : memref<1x128xi32, #tpu.memory_space<vmem>> -> memref<128xi32, #tpu.memory_space<vmem>>
    %dma_wait3A_114 = arith.constant 0 : i32
    %dma_wait3A_115 = arith.constant 0 : i32
    %dma_wait3A_116 = tpu.memref_slice %arg14[%dma_wait3A_114, %dma_wait3A_115] : memref<10112x64xf32, #tpu.memory_space<vmem_shared>> -> memref<10112x64xf32, #tpu.memory_space<vmem_shared>>
    tpu.wait_indirect_dma semaphore(%arg22 : memref<!tpu.dma_semaphore, #tpu.memory_space<semaphore_mem>>) src(%arg12 : memref<128x64xf32, #tpu.memory_space<vmem>>) dst(%dma_wait3A_116 : memref<10112x64xf32, #tpu.memory_space<vmem_shared>>)
    %barrier3A_117 = arith.constant 0 : index
    tpu.barrier barrier_id(%barrier3A_117)
    %mul3A_118 = arith.constant 632 : i32
    %mul3A_119 = arith.muli %arg1, %mul3A_118 : i32
    %mul3A_120 = arith.constant 632 : i32
    %mul3A_121 = arith.muli %arg1, %mul3A_120 : i32
    %run_scoped3A_122 = arith.constant 1 : i32
    "tpu.region"() ({
      %run_scoped3A_123 = tpu.sem_alloc : memref<!tpu.dma_semaphore, #tpu.memory_space<semaphore_mem>>
      %dma_start3A_124 = arith.constant 0 : i32
      %dma_start3A_125 = tpu.memref_slice %arg6[%arg0, %run_scoped3A_122, %mul3A_121, %dma_start3A_124] : memref<2x2x10112x64xf32, #tpu.memory_space<hbm>> -> memref<1x1x632x64xf32, #tpu.memory_space<hbm>>
      %dma_start3A_126 = tpu.memref_squeeze %dma_start3A_125 : memref<1x1x632x64xf32, #tpu.memory_space<hbm>> -> memref<632x64xf32, #tpu.memory_space<hbm>>
      %dma_start3A_127 = arith.constant 0 : i32
      %dma_start3A_128 = tpu.memref_slice %arg14[%mul3A_119, %dma_start3A_127] : memref<10112x64xf32, #tpu.memory_space<vmem_shared>> -> memref<632x64xf32, #tpu.memory_space<vmem_shared>>
      tpu.enqueue_dma source(%dma_start3A_128 : memref<632x64xf32, #tpu.memory_space<vmem_shared>>) target(%dma_start3A_126 : memref<632x64xf32, #tpu.memory_space<hbm>>) target_semaphore(%run_scoped3A_123 : memref<!tpu.dma_semaphore, #tpu.memory_space<semaphore_mem>>)
      %dma_wait3A_129 = arith.constant 0 : i32
      %dma_wait3A_130 = tpu.memref_slice %arg6[%arg0, %run_scoped3A_122, %mul3A_121, %dma_wait3A_129] : memref<2x2x10112x64xf32, #tpu.memory_space<hbm>> -> memref<1x1x632x64xf32, #tpu.memory_space<hbm>>
      %dma_wait3A_131 = tpu.memref_squeeze %dma_wait3A_130 : memref<1x1x632x64xf32, #tpu.memory_space<hbm>> -> memref<632x64xf32, #tpu.memory_space<hbm>>
      %dma_wait3A_132 = arith.constant 0 : i32
      %dma_wait3A_133 = tpu.memref_slice %arg14[%mul3A_119, %dma_wait3A_132] : memref<10112x64xf32, #tpu.memory_space<vmem_shared>> -> memref<632x64xf32, #tpu.memory_space<vmem_shared>>
      tpu.wait_dma2 semaphore(%run_scoped3A_123 : memref<!tpu.dma_semaphore, #tpu.memory_space<semaphore_mem>>) src(%dma_wait3A_133 : memref<632x64xf32, #tpu.memory_space<vmem_shared>>) dst(%dma_wait3A_131 : memref<632x64xf32, #tpu.memory_space<hbm>>)
      tpu.yield
    }) : () -> ()
    return
  }
}

#map = affine_map<(d0, d1) -> (0, 0, 0)>
#map1 = affine_map<(d0, d1) -> (0, 0)>
#map2 = affine_map<(d0, d1) -> (0, 0, 0, 0)>
module attributes {stable_mosaic.version = 14 : i64} {
  func.func @_edge_kernel(%arg0: i32, %arg1: i32, %arg2: memref<32x84x128xi32, #tpu.memory_space<hbm>>, %arg3: memref<32x84x128xi32, #tpu.memory_space<hbm>>, %arg4: memref<32x84x128xi32, #tpu.memory_space<hbm>>, %arg5: memref<20224x64xf32, #tpu.memory_space<hbm>>, %arg6: memref<2x2x10112x64xf32, #tpu.memory_space<hbm>>, %arg7: memref<84x128xi32, #tpu.memory_space<vmem>>, %arg8: memref<84x128xi32, #tpu.memory_space<vmem>>, %arg9: memref<128x64xf32, #tpu.memory_space<vmem>>, %arg10: memref<128x64xf32, #tpu.memory_space<vmem>>, %arg11: memref<128x64xf32, #tpu.memory_space<vmem>>, %arg12: memref<128x64xf32, #tpu.memory_space<vmem>>, %arg13: memref<316x64xf32, #tpu.memory_space<vmem>>, %arg14: memref<10112x64xf32, #tpu.memory_space<vmem_shared>>, %arg15: memref<!tpu.dma_semaphore, #tpu.memory_space<semaphore_mem>>, %arg16: memref<!tpu.dma_semaphore, #tpu.memory_space<semaphore_mem>>, %arg17: memref<!tpu.dma_semaphore, #tpu.memory_space<semaphore_mem>>, %arg18: memref<!tpu.dma_semaphore, #tpu.memory_space<semaphore_mem>>, %arg19: memref<!tpu.dma_semaphore, #tpu.memory_space<semaphore_mem>>, %arg20: memref<!tpu.dma_semaphore, #tpu.memory_space<semaphore_mem>>, %arg21: memref<!tpu.dma_semaphore, #tpu.memory_space<semaphore_mem>>, %arg22: memref<!tpu.dma_semaphore, #tpu.memory_space<semaphore_mem>>) attributes {dimension_semantics = [#tpu.dimension_semantics<core_parallel>, #tpu.dimension_semantics<subcore_parallel>], iteration_bounds = array<i64: 2, 16>, scalar_prefetch = 0 : i64, scratch_operands = 16 : i64, tpu.core_type = #tpu.core_type<sc_vector_subcore>, window_params = [{transform_indices = #map}, {transform_indices = #map}, {transform_indices = #map}, {transform_indices = #map1}, {transform_indices = #map2}]} {
    %mul3A = arith.constant 16 : i32
    %mul3A_0 = arith.muli %arg0, %mul3A : i32
    %add3A = arith.addi %mul3A_0, %arg1 : i32
    %scan3A = arith.constant 0 : i32
    %scan3A_1 = arith.constant 0 : i32
    %scan3A_2 = arith.constant 1264 : i32
    %scan3A_3 = arith.addi %scan3A_1, %scan3A_2 : i32
    %scan3A_4 = arith.constant 1 : i32
    %scan3A_5 = scf.for %scan3A_123 = %scan3A_1 to %scan3A_3 step %scan3A_4 iter_args(%scan3A_124 = %scan3A) -> (i32)  : i32 {
      %broadcast_in_dim3A = arith.constant 0.000000e+00 : f32
      %broadcast_in_dim3A_125 = vector.broadcast %broadcast_in_dim3A : f32 to vector<16xf32>
      %jit3A = arith.constant 4 : i32
      %div3A = arith.divsi %scan3A_123, %jit3A : i32
      %sign3A = arith.constant 0 : i32
      %sign3A_126 = arith.cmpi sgt, %scan3A_123, %sign3A : i32
      %sign3A_127 = arith.extui %sign3A_126 : i1 to i32
      %sign3A_128 = arith.constant 0 : i32
      %sign3A_129 = arith.cmpi slt, %scan3A_123, %sign3A_128 : i32
      %sign3A_130 = arith.extui %sign3A_129 : i1 to i32
      %sign3A_131 = arith.subi %sign3A_127, %sign3A_130 : i32
      %sign3A_132 = arith.constant 0 : i32
      %sign3A_133 = arith.cmpi sgt, %jit3A, %sign3A_132 : i32
      %sign3A_134 = arith.extui %sign3A_133 : i1 to i32
      %sign3A_135 = arith.constant 0 : i32
      %sign3A_136 = arith.cmpi slt, %jit3A, %sign3A_135 : i32
      %sign3A_137 = arith.extui %sign3A_136 : i1 to i32
      %sign3A_138 = arith.subi %sign3A_134, %sign3A_137 : i32
      %ne3A = arith.cmpi ne, %sign3A_131, %sign3A_138 : i32
      %rem3A = arith.remsi %scan3A_123, %jit3A : i32
      %ne3A_139 = arith.constant 0 : i32
      %ne3A_140 = arith.cmpi ne, %rem3A, %ne3A_139 : i32
      %and3A = arith.andi %ne3A, %ne3A_140 : i1
      %sub3A = arith.constant 1 : i32
      %sub3A_141 = arith.subi %div3A, %sub3A : i32
      %select_n3A = arith.select %and3A, %sub3A_141, %div3A : i32
      %jit3A_142 = arith.constant 4 : i32
      %eq3A = arith.constant 0 : i32
      %eq3A_143 = arith.cmpi eq, %jit3A_142, %eq3A : i32
      %jit3A_144 = arith.constant 1 : i32
      %select_n3A_145 = arith.select %eq3A_143, %jit3A_144, %jit3A_142 : i32
      %rem3A_146 = arith.remsi %scan3A_123, %select_n3A_145 : i32
      %ne3A_147 = arith.constant 0 : i32
      %ne3A_148 = arith.cmpi ne, %rem3A_146, %ne3A_147 : i32
      %lt3A = arith.constant 0 : i32
      %lt3A_149 = arith.cmpi slt, %rem3A_146, %lt3A : i32
      %lt3A_150 = arith.constant 0 : i32
      %lt3A_151 = arith.cmpi slt, %select_n3A_145, %lt3A_150 : i32
      %ne3A_152 = arith.xori %lt3A_149, %lt3A_151 : i1
      %and3A_153 = arith.andi %ne3A_152, %ne3A_148 : i1
      %add3A_154 = arith.addi %rem3A_146, %select_n3A_145 : i32
      %select_n3A_155 = arith.select %and3A_153, %add3A_154, %rem3A_146 : i32
      %mul3A_156 = arith.constant 16 : i32
      %mul3A_157 = arith.muli %select_n3A_155, %mul3A_156 : i32
      %swap3A = arith.index_cast %select_n3A : i32 to index
      %swap3A_158 = arith.index_cast %mul3A_157 : i32 to index
      %swap3A_159 = tpu.vector_load %arg13[%swap3A, %swap3A_158] {strides = array<i32>} : memref<316x64xf32, #tpu.memory_space<vmem>>, vector<1x16xf32>,
      %swap3A_160 = vector.shape_cast %swap3A_159 : vector<1x16xf32> to vector<16xf32>
      %swap3A_161 = vector.shape_cast %broadcast_in_dim3A_125 : vector<16xf32> to vector<1x16xf32>
      tpu.vector_store %arg13[%swap3A, %swap3A_158], %swap3A_161 {strides = array<i32>} : memref<316x64xf32, #tpu.memory_space<vmem>>, vector<1x16xf32>,
      %scan3A_162 = arith.constant 0 : i32
      scf.yield %scan3A_162 : i32
    }
    %scan3A_6 = arith.constant 1264 : i32
    "tpu.region"() ({
      %run_scoped3A_123 = tpu.sem_alloc : memref<!tpu.dma_semaphore, #tpu.memory_space<semaphore_mem>>
      %dma_start3A_124 = arith.constant 0 : i32
      %dma_start3A_125 = arith.constant 0 : i32
      %dma_start3A_126 = tpu.memref_slice %arg4[%add3A, %dma_start3A_124, %dma_start3A_125] : memref<32x84x128xi32, #tpu.memory_space<hbm>> -> memref<1x84x128xi32, #tpu.memory_space<hbm>>
      %dma_start3A_127 = tpu.memref_squeeze %dma_start3A_126 : memref<1x84x128xi32, #tpu.memory_space<hbm>> -> memref<84x128xi32, #tpu.memory_space<hbm>>
      %dma_start3A_128 = arith.constant 0 : i32
      %dma_start3A_129 = arith.constant 0 : i32
      %dma_start3A_130 = tpu.memref_slice %arg4[%add3A, %dma_start3A_128, %dma_start3A_129] : memref<32x84x128xi32, #tpu.memory_space<hbm>> -> memref<1x84x128xi32, #tpu.memory_space<hbm>>
      %dma_start3A_131 = tpu.memref_squeeze %dma_start3A_130 : memref<1x84x128xi32, #tpu.memory_space<hbm>> -> memref<84x128xi32, #tpu.memory_space<hbm>>
      tpu.enqueue_dma source(%dma_start3A_131 : memref<84x128xi32, #tpu.memory_space<hbm>>) target(%arg8 : memref<84x128xi32, #tpu.memory_space<vmem>>) target_semaphore(%run_scoped3A_123 : memref<!tpu.dma_semaphore, #tpu.memory_space<semaphore_mem>>)
      %dma_wait3A_132 = arith.constant 0 : i32
      %dma_wait3A_133 = arith.constant 0 : i32
      %dma_wait3A_134 = tpu.memref_slice %arg4[%add3A, %dma_wait3A_132, %dma_wait3A_133] : memref<32x84x128xi32, #tpu.memory_space<hbm>> -> memref<1x84x128xi32, #tpu.memory_space<hbm>>
      %dma_wait3A_135 = tpu.memref_squeeze %dma_wait3A_134 : memref<1x84x128xi32, #tpu.memory_space<hbm>> -> memref<84x128xi32, #tpu.memory_space<hbm>>
      %dma_wait3A_136 = arith.constant 0 : i32
      %dma_wait3A_137 = arith.constant 0 : i32
      %dma_wait3A_138 = tpu.memref_slice %arg4[%add3A, %dma_wait3A_136, %dma_wait3A_137] : memref<32x84x128xi32, #tpu.memory_space<hbm>> -> memref<1x84x128xi32, #tpu.memory_space<hbm>>
      %dma_wait3A_139 = tpu.memref_squeeze %dma_wait3A_138 : memref<1x84x128xi32, #tpu.memory_space<hbm>> -> memref<84x128xi32, #tpu.memory_space<hbm>>
      tpu.wait_dma2 semaphore(%run_scoped3A_123 : memref<!tpu.dma_semaphore, #tpu.memory_space<semaphore_mem>>) src(%dma_wait3A_139 : memref<84x128xi32, #tpu.memory_space<hbm>>) dst(%arg8 : memref<84x128xi32, #tpu.memory_space<vmem>>)
      tpu.yield
    }) : () -> ()
    %mul3A_7 = arith.constant 632 : i32
    %mul3A_8 = arith.muli %arg1, %mul3A_7 : i32
    "tpu.region"() ({
      %run_scoped3A_123 = tpu.sem_alloc : memref<!tpu.dma_semaphore, #tpu.memory_space<semaphore_mem>>
      %dma_start3A_124 = arith.constant 0 : i32
      %dma_start3A_125 = tpu.memref_slice %arg14[%mul3A_8, %dma_start3A_124] : memref<10112x64xf32, #tpu.memory_space<vmem_shared>> -> memref<316x64xf32, #tpu.memory_space<vmem_shared>>
      %dma_start3A_126 = arith.constant 0 : i32
      %dma_start3A_127 = tpu.memref_slice %arg14[%mul3A_8, %dma_start3A_126] : memref<10112x64xf32, #tpu.memory_space<vmem_shared>> -> memref<316x64xf32, #tpu.memory_space<vmem_shared>>
      tpu.enqueue_dma source(%arg13 : memref<316x64xf32, #tpu.memory_space<vmem>>) target(%dma_start3A_127 : memref<316x64xf32, #tpu.memory_space<vmem_shared>>) target_semaphore(%run_scoped3A_123 : memref<!tpu.dma_semaphore, #tpu.memory_space<semaphore_mem>>)
      %dma_wait3A_128 = arith.constant 0 : i32
      %dma_wait3A_129 = tpu.memref_slice %arg14[%mul3A_8, %dma_wait3A_128] : memref<10112x64xf32, #tpu.memory_space<vmem_shared>> -> memref<316x64xf32, #tpu.memory_space<vmem_shared>>
      %dma_wait3A_130 = arith.constant 0 : i32
      %dma_wait3A_131 = tpu.memref_slice %arg14[%mul3A_8, %dma_wait3A_130] : memref<10112x64xf32, #tpu.memory_space<vmem_shared>> -> memref<316x64xf32, #tpu.memory_space<vmem_shared>>
      tpu.wait_dma2 semaphore(%run_scoped3A_123 : memref<!tpu.dma_semaphore, #tpu.memory_space<semaphore_mem>>) src(%arg13 : memref<316x64xf32, #tpu.memory_space<vmem>>) dst(%dma_wait3A_131 : memref<316x64xf32, #tpu.memory_space<vmem_shared>>)
      tpu.yield
    }) : () -> ()
    %mul3A_9 = arith.constant 632 : i32
    %mul3A_10 = arith.muli %arg1, %mul3A_9 : i32
    %add3A_11 = arith.constant 316 : i32
    %add3A_12 = arith.addi %mul3A_10, %add3A_11 : i32
    "tpu.region"() ({
      %run_scoped3A_123 = tpu.sem_alloc : memref<!tpu.dma_semaphore, #tpu.memory_space<semaphore_mem>>
      %dma_start3A_124 = arith.constant 0 : i32
      %dma_start3A_125 = tpu.memref_slice %arg14[%add3A_12, %dma_start3A_124] : memref<10112x64xf32, #tpu.memory_space<vmem_shared>> -> memref<316x64xf32, #tpu.memory_space<vmem_shared>>
      %dma_start3A_126 = arith.constant 0 : i32
      %dma_start3A_127 = tpu.memref_slice %arg14[%add3A_12, %dma_start3A_126] : memref<10112x64xf32, #tpu.memory_space<vmem_shared>> -> memref<316x64xf32, #tpu.memory_space<vmem_shared>>
      tpu.enqueue_dma source(%arg13 : memref<316x64xf32, #tpu.memory_space<vmem>>) target(%dma_start3A_127 : memref<316x64xf32, #tpu.memory_space<vmem_shared>>) target_semaphore(%run_scoped3A_123 : memref<!tpu.dma_semaphore, #tpu.memory_space<semaphore_mem>>)
      %dma_wait3A_128 = arith.constant 0 : i32
      %dma_wait3A_129 = tpu.memref_slice %arg14[%add3A_12, %dma_wait3A_128] : memref<10112x64xf32, #tpu.memory_space<vmem_shared>> -> memref<316x64xf32, #tpu.memory_space<vmem_shared>>
      %dma_wait3A_130 = arith.constant 0 : i32
      %dma_wait3A_131 = tpu.memref_slice %arg14[%add3A_12, %dma_wait3A_130] : memref<10112x64xf32, #tpu.memory_space<vmem_shared>> -> memref<316x64xf32, #tpu.memory_space<vmem_shared>>
      tpu.wait_dma2 semaphore(%run_scoped3A_123 : memref<!tpu.dma_semaphore, #tpu.memory_space<semaphore_mem>>) src(%arg13 : memref<316x64xf32, #tpu.memory_space<vmem>>) dst(%dma_wait3A_131 : memref<316x64xf32, #tpu.memory_space<vmem_shared>>)
      tpu.yield
    }) : () -> ()
    "tpu.region"() ({
      %run_scoped3A_123 = tpu.sem_alloc : memref<!tpu.dma_semaphore, #tpu.memory_space<semaphore_mem>>
      %dma_start3A_124 = arith.constant 0 : i32
      %dma_start3A_125 = arith.constant 0 : i32
      %dma_start3A_126 = tpu.memref_slice %arg2[%add3A, %dma_start3A_124, %dma_start3A_125] : memref<32x84x128xi32, #tpu.memory_space<hbm>> -> memref<1x84x128xi32, #tpu.memory_space<hbm>>
      %dma_start3A_127 = tpu.memref_squeeze %dma_start3A_126 : memref<1x84x128xi32, #tpu.memory_space<hbm>> -> memref<84x128xi32, #tpu.memory_space<hbm>>
      %dma_start3A_128 = arith.constant 0 : i32
      %dma_start3A_129 = arith.constant 0 : i32
      %dma_start3A_130 = tpu.memref_slice %arg2[%add3A, %dma_start3A_128, %dma_start3A_129] : memref<32x84x128xi32, #tpu.memory_space<hbm>> -> memref<1x84x128xi32, #tpu.memory_space<hbm>>
      %dma_start3A_131 = tpu.memref_squeeze %dma_start3A_130 : memref<1x84x128xi32, #tpu.memory_space<hbm>> -> memref<84x128xi32, #tpu.memory_space<hbm>>
      tpu.enqueue_dma source(%dma_start3A_131 : memref<84x128xi32, #tpu.memory_space<hbm>>) target(%arg7 : memref<84x128xi32, #tpu.memory_space<vmem>>) target_semaphore(%run_scoped3A_123 : memref<!tpu.dma_semaphore, #tpu.memory_space<semaphore_mem>>)
      %dma_wait3A_132 = arith.constant 0 : i32
      %dma_wait3A_133 = arith.constant 0 : i32
      %dma_wait3A_134 = tpu.memref_slice %arg2[%add3A, %dma_wait3A_132, %dma_wait3A_133] : memref<32x84x128xi32, #tpu.memory_space<hbm>> -> memref<1x84x128xi32, #tpu.memory_space<hbm>>
      %dma_wait3A_135 = tpu.memref_squeeze %dma_wait3A_134 : memref<1x84x128xi32, #tpu.memory_space<hbm>> -> memref<84x128xi32, #tpu.memory_space<hbm>>
      %dma_wait3A_136 = arith.constant 0 : i32
      %dma_wait3A_137 = arith.constant 0 : i32
      %dma_wait3A_138 = tpu.memref_slice %arg2[%add3A, %dma_wait3A_136, %dma_wait3A_137] : memref<32x84x128xi32, #tpu.memory_space<hbm>> -> memref<1x84x128xi32, #tpu.memory_space<hbm>>
      %dma_wait3A_139 = tpu.memref_squeeze %dma_wait3A_138 : memref<1x84x128xi32, #tpu.memory_space<hbm>> -> memref<84x128xi32, #tpu.memory_space<hbm>>
      tpu.wait_dma2 semaphore(%run_scoped3A_123 : memref<!tpu.dma_semaphore, #tpu.memory_space<semaphore_mem>>) src(%dma_wait3A_139 : memref<84x128xi32, #tpu.memory_space<hbm>>) dst(%arg7 : memref<84x128xi32, #tpu.memory_space<vmem>>)
      tpu.yield
    }) : () -> ()
    %barrier3A = arith.constant 0 : index
    tpu.barrier barrier_id(%barrier3A)
    %dma_start3A = arith.constant 0 : i32
    %dma_start3A_13 = arith.constant 0 : i32
    %dma_start3A_14 = tpu.memref_slice %arg7[%dma_start3A, %dma_start3A_13] : memref<84x128xi32, #tpu.memory_space<vmem>> -> memref<1x128xi32, #tpu.memory_space<vmem>>
    %dma_start3A_15 = tpu.memref_squeeze %dma_start3A_14 : memref<1x128xi32, #tpu.memory_space<vmem>> -> memref<128xi32, #tpu.memory_space<vmem>>
    %dma_start3A_16 = arith.constant 0 : i32
    %dma_start3A_17 = arith.constant 0 : i32
    %dma_start3A_18 = tpu.memref_slice %arg5[%dma_start3A_16, %dma_start3A_17] : memref<20224x64xf32, #tpu.memory_space<hbm>> -> memref<20224x64xf32, #tpu.memory_space<hbm>>
    tpu.enqueue_indirect_dma source(%dma_start3A_18 : memref<20224x64xf32, #tpu.memory_space<hbm>>) target(%arg9 : memref<128x64xf32, #tpu.memory_space<vmem>>) offsets(%dma_start3A_15 : memref<128xi32, #tpu.memory_space<vmem>>) semaphore(%arg15 : memref<!tpu.dma_semaphore, #tpu.memory_space<semaphore_mem>>)
    %dma_start3A_19 = arith.constant 1 : i32
    %dma_start3A_20 = arith.constant 0 : i32
    %dma_start3A_21 = tpu.memref_slice %arg7[%dma_start3A_19, %dma_start3A_20] : memref<84x128xi32, #tpu.memory_space<vmem>> -> memref<1x128xi32, #tpu.memory_space<vmem>>
    %dma_start3A_22 = tpu.memref_squeeze %dma_start3A_21 : memref<1x128xi32, #tpu.memory_space<vmem>> -> memref<128xi32, #tpu.memory_space<vmem>>
    %dma_start3A_23 = arith.constant 0 : i32
    %dma_start3A_24 = arith.constant 0 : i32
    %dma_start3A_25 = tpu.memref_slice %arg5[%dma_start3A_23, %dma_start3A_24] : memref<20224x64xf32, #tpu.memory_space<hbm>> -> memref<20224x64xf32, #tpu.memory_space<hbm>>
    tpu.enqueue_indirect_dma source(%dma_start3A_25 : memref<20224x64xf32, #tpu.memory_space<hbm>>) target(%arg10 : memref<128x64xf32, #tpu.memory_space<vmem>>) offsets(%dma_start3A_22 : memref<128xi32, #tpu.memory_space<vmem>>) semaphore(%arg16 : memref<!tpu.dma_semaphore, #tpu.memory_space<semaphore_mem>>)
    %scan3A_26 = arith.constant 0 : i32
    %scan3A_27 = arith.constant 21 : i32
    %scan3A_28 = arith.addi %scan3A_26, %scan3A_27 : i32
    %scan3A_29 = arith.constant 1 : i32
    scf.for %scan3A_123 = %scan3A_26 to %scan3A_28 step %scan3A_29  : i32 {
      %mul3A_124 = arith.constant 4 : i32
      %mul3A_125 = arith.muli %scan3A_123, %mul3A_124 : i32
      %add3A_126 = arith.constant 0 : i32
      %add3A_127 = arith.addi %add3A_126, %mul3A_125 : i32
      %add3A_128 = arith.constant 0 : i32
      %add3A_129 = arith.addi %add3A_127, %add3A_128 : i32
      %dma_wait3A_130 = arith.constant 0 : i32
      %dma_wait3A_131 = tpu.memref_slice %arg7[%add3A_129, %dma_wait3A_130] : memref<84x128xi32, #tpu.memory_space<vmem>> -> memref<1x128xi32, #tpu.memory_space<vmem>>
      %dma_wait3A_132 = tpu.memref_squeeze %dma_wait3A_131 : memref<1x128xi32, #tpu.memory_space<vmem>> -> memref<128xi32, #tpu.memory_space<vmem>>
      %dma_wait3A_133 = arith.constant 0 : i32
      %dma_wait3A_134 = arith.constant 0 : i32
      %dma_wait3A_135 = tpu.memref_slice %arg5[%dma_wait3A_133, %dma_wait3A_134] : memref<20224x64xf32, #tpu.memory_space<hbm>> -> memref<20224x64xf32, #tpu.memory_space<hbm>>
      tpu.wait_indirect_dma semaphore(%arg15 : memref<!tpu.dma_semaphore, #tpu.memory_space<semaphore_mem>>) src(%dma_wait3A_135 : memref<20224x64xf32, #tpu.memory_space<hbm>>) dst(%arg9 : memref<128x64xf32, #tpu.memory_space<vmem>>)
      %dma_start3A_136 = arith.constant 0 : i32
      %dma_start3A_137 = tpu.memref_slice %arg8[%add3A_129, %dma_start3A_136] : memref<84x128xi32, #tpu.memory_space<vmem>> -> memref<1x128xi32, #tpu.memory_space<vmem>>
      %dma_start3A_138 = tpu.memref_squeeze %dma_start3A_137 : memref<1x128xi32, #tpu.memory_space<vmem>> -> memref<128xi32, #tpu.memory_space<vmem>>
      %dma_start3A_139 = arith.constant 0 : i32
      %dma_start3A_140 = arith.constant 0 : i32
      %dma_start3A_141 = tpu.memref_slice %arg14[%dma_start3A_139, %dma_start3A_140] : memref<10112x64xf32, #tpu.memory_space<vmem_shared>> -> memref<10112x64xf32, #tpu.memory_space<vmem_shared>>
      tpu.enqueue_indirect_dma source(%arg9 : memref<128x64xf32, #tpu.memory_space<vmem>>) target(%dma_start3A_141 : memref<10112x64xf32, #tpu.memory_space<vmem_shared>>) offsets(%dma_start3A_138 : memref<128xi32, #tpu.memory_space<vmem>>) semaphore(%arg19 : memref<!tpu.dma_semaphore, #tpu.memory_space<semaphore_mem>>) {add = true}
      %ge3A = arith.constant 2 : i32
      %ge3A_142 = arith.cmpi sge, %add3A_129, %ge3A : i32
      %add3A_143 = arith.constant 2 : i32
      %add3A_144 = arith.addi %add3A_129, %add3A_143 : i32
      %lt3A = arith.constant 84 : i32
      %lt3A_145 = arith.cmpi slt, %add3A_144, %lt3A : i32
      %and3A = arith.andi %ge3A_142, %lt3A_145 : i1
      %convert_element_type3A = arith.extui %and3A : i1 to i32
      %cond3A = arith.constant 0 : i32
      %cond3A_146 = arith.cmpi ne, %convert_element_type3A, %cond3A : i32
      scf.if %cond3A_146 {
        %dma_wait3A_247 = arith.constant 0 : i32
        %dma_wait3A_248 = tpu.memref_slice %arg8[%add3A_129, %dma_wait3A_247] : memref<84x128xi32, #tpu.memory_space<vmem>> -> memref<1x128xi32, #tpu.memory_space<vmem>>
        %dma_wait3A_249 = tpu.memref_squeeze %dma_wait3A_248 : memref<1x128xi32, #tpu.memory_space<vmem>> -> memref<128xi32, #tpu.memory_space<vmem>>
        %dma_wait3A_250 = arith.constant 0 : i32
        %dma_wait3A_251 = arith.constant 0 : i32
        %dma_wait3A_252 = tpu.memref_slice %arg14[%dma_wait3A_250, %dma_wait3A_251] : memref<10112x64xf32, #tpu.memory_space<vmem_shared>> -> memref<10112x64xf32, #tpu.memory_space<vmem_shared>>
        tpu.wait_indirect_dma semaphore(%arg21 : memref<!tpu.dma_semaphore, #tpu.memory_space<semaphore_mem>>) src(%arg11 : memref<128x64xf32, #tpu.memory_space<vmem>>) dst(%dma_wait3A_252 : memref<10112x64xf32, #tpu.memory_space<vmem_shared>>)
      } else {
      }
      %add3A_147 = arith.constant 2 : i32
      %add3A_148 = arith.addi %add3A_129, %add3A_147 : i32
      %lt3A_149 = arith.constant 84 : i32
      %lt3A_150 = arith.cmpi slt, %add3A_148, %lt3A_149 : i32
      %convert_element_type3A_151 = arith.extui %lt3A_150 : i1 to i32
      %cond3A_152 = arith.constant 0 : i32
      %cond3A_153 = arith.cmpi ne, %convert_element_type3A_151, %cond3A_152 : i32
      scf.if %cond3A_153 {
        %add3A_247 = arith.constant 2 : i32
        %add3A_248 = arith.addi %add3A_129, %add3A_247 : i32
        %dma_start3A_249 = arith.constant 0 : i32
        %dma_start3A_250 = tpu.memref_slice %arg7[%add3A_248, %dma_start3A_249] : memref<84x128xi32, #tpu.memory_space<vmem>> -> memref<1x128xi32, #tpu.memory_space<vmem>>
        %dma_start3A_251 = tpu.memref_squeeze %dma_start3A_250 : memref<1x128xi32, #tpu.memory_space<vmem>> -> memref<128xi32, #tpu.memory_space<vmem>>
        %dma_start3A_252 = arith.constant 0 : i32
        %dma_start3A_253 = arith.constant 0 : i32
        %dma_start3A_254 = tpu.memref_slice %arg5[%dma_start3A_252, %dma_start3A_253] : memref<20224x64xf32, #tpu.memory_space<hbm>> -> memref<20224x64xf32, #tpu.memory_space<hbm>>
        tpu.enqueue_indirect_dma source(%dma_start3A_254 : memref<20224x64xf32, #tpu.memory_space<hbm>>) target(%arg11 : memref<128x64xf32, #tpu.memory_space<vmem>>) offsets(%dma_start3A_251 : memref<128xi32, #tpu.memory_space<vmem>>) semaphore(%arg17 : memref<!tpu.dma_semaphore, #tpu.memory_space<semaphore_mem>>)
      } else {
      }
      %add3A_154 = arith.constant 1 : i32
      %add3A_155 = arith.addi %add3A_127, %add3A_154 : i32
      %dma_wait3A_156 = arith.constant 0 : i32
      %dma_wait3A_157 = tpu.memref_slice %arg7[%add3A_155, %dma_wait3A_156] : memref<84x128xi32, #tpu.memory_space<vmem>> -> memref<1x128xi32, #tpu.memory_space<vmem>>
      %dma_wait3A_158 = tpu.memref_squeeze %dma_wait3A_157 : memref<1x128xi32, #tpu.memory_space<vmem>> -> memref<128xi32, #tpu.memory_space<vmem>>
      %dma_wait3A_159 = arith.constant 0 : i32
      %dma_wait3A_160 = arith.constant 0 : i32
      %dma_wait3A_161 = tpu.memref_slice %arg5[%dma_wait3A_159, %dma_wait3A_160] : memref<20224x64xf32, #tpu.memory_space<hbm>> -> memref<20224x64xf32, #tpu.memory_space<hbm>>
      tpu.wait_indirect_dma semaphore(%arg16 : memref<!tpu.dma_semaphore, #tpu.memory_space<semaphore_mem>>) src(%dma_wait3A_161 : memref<20224x64xf32, #tpu.memory_space<hbm>>) dst(%arg10 : memref<128x64xf32, #tpu.memory_space<vmem>>)
      %dma_start3A_162 = arith.constant 0 : i32
      %dma_start3A_163 = tpu.memref_slice %arg8[%add3A_155, %dma_start3A_162] : memref<84x128xi32, #tpu.memory_space<vmem>> -> memref<1x128xi32, #tpu.memory_space<vmem>>
      %dma_start3A_164 = tpu.memref_squeeze %dma_start3A_163 : memref<1x128xi32, #tpu.memory_space<vmem>> -> memref<128xi32, #tpu.memory_space<vmem>>
      %dma_start3A_165 = arith.constant 0 : i32
      %dma_start3A_166 = arith.constant 0 : i32
      %dma_start3A_167 = tpu.memref_slice %arg14[%dma_start3A_165, %dma_start3A_166] : memref<10112x64xf32, #tpu.memory_space<vmem_shared>> -> memref<10112x64xf32, #tpu.memory_space<vmem_shared>>
      tpu.enqueue_indirect_dma source(%arg10 : memref<128x64xf32, #tpu.memory_space<vmem>>) target(%dma_start3A_167 : memref<10112x64xf32, #tpu.memory_space<vmem_shared>>) offsets(%dma_start3A_164 : memref<128xi32, #tpu.memory_space<vmem>>) semaphore(%arg20 : memref<!tpu.dma_semaphore, #tpu.memory_space<semaphore_mem>>) {add = true}
      %ge3A_168 = arith.constant 2 : i32
      %ge3A_169 = arith.cmpi sge, %add3A_155, %ge3A_168 : i32
      %add3A_170 = arith.constant 2 : i32
      %add3A_171 = arith.addi %add3A_155, %add3A_170 : i32
      %lt3A_172 = arith.constant 84 : i32
      %lt3A_173 = arith.cmpi slt, %add3A_171, %lt3A_172 : i32
      %and3A_174 = arith.andi %ge3A_169, %lt3A_173 : i1
      %convert_element_type3A_175 = arith.extui %and3A_174 : i1 to i32
      %cond3A_176 = arith.constant 0 : i32
      %cond3A_177 = arith.cmpi ne, %convert_element_type3A_175, %cond3A_176 : i32
      scf.if %cond3A_177 {
        %dma_wait3A_247 = arith.constant 0 : i32
        %dma_wait3A_248 = tpu.memref_slice %arg8[%add3A_155, %dma_wait3A_247] : memref<84x128xi32, #tpu.memory_space<vmem>> -> memref<1x128xi32, #tpu.memory_space<vmem>>
        %dma_wait3A_249 = tpu.memref_squeeze %dma_wait3A_248 : memref<1x128xi32, #tpu.memory_space<vmem>> -> memref<128xi32, #tpu.memory_space<vmem>>
        %dma_wait3A_250 = arith.constant 0 : i32
        %dma_wait3A_251 = arith.constant 0 : i32
        %dma_wait3A_252 = tpu.memref_slice %arg14[%dma_wait3A_250, %dma_wait3A_251] : memref<10112x64xf32, #tpu.memory_space<vmem_shared>> -> memref<10112x64xf32, #tpu.memory_space<vmem_shared>>
        tpu.wait_indirect_dma semaphore(%arg22 : memref<!tpu.dma_semaphore, #tpu.memory_space<semaphore_mem>>) src(%arg12 : memref<128x64xf32, #tpu.memory_space<vmem>>) dst(%dma_wait3A_252 : memref<10112x64xf32, #tpu.memory_space<vmem_shared>>)
      } else {
      }
      %add3A_178 = arith.constant 2 : i32
      %add3A_179 = arith.addi %add3A_155, %add3A_178 : i32
      %lt3A_180 = arith.constant 84 : i32
      %lt3A_181 = arith.cmpi slt, %add3A_179, %lt3A_180 : i32
      %convert_element_type3A_182 = arith.extui %lt3A_181 : i1 to i32
      %cond3A_183 = arith.constant 0 : i32
      %cond3A_184 = arith.cmpi ne, %convert_element_type3A_182, %cond3A_183 : i32
      scf.if %cond3A_184 {
        %add3A_247 = arith.constant 2 : i32
        %add3A_248 = arith.addi %add3A_155, %add3A_247 : i32
        %dma_start3A_249 = arith.constant 0 : i32
        %dma_start3A_250 = tpu.memref_slice %arg7[%add3A_248, %dma_start3A_249] : memref<84x128xi32, #tpu.memory_space<vmem>> -> memref<1x128xi32, #tpu.memory_space<vmem>>
        %dma_start3A_251 = tpu.memref_squeeze %dma_start3A_250 : memref<1x128xi32, #tpu.memory_space<vmem>> -> memref<128xi32, #tpu.memory_space<vmem>>
        %dma_start3A_252 = arith.constant 0 : i32
        %dma_start3A_253 = arith.constant 0 : i32
        %dma_start3A_254 = tpu.memref_slice %arg5[%dma_start3A_252, %dma_start3A_253] : memref<20224x64xf32, #tpu.memory_space<hbm>> -> memref<20224x64xf32, #tpu.memory_space<hbm>>
        tpu.enqueue_indirect_dma source(%dma_start3A_254 : memref<20224x64xf32, #tpu.memory_space<hbm>>) target(%arg12 : memref<128x64xf32, #tpu.memory_space<vmem>>) offsets(%dma_start3A_251 : memref<128xi32, #tpu.memory_space<vmem>>) semaphore(%arg18 : memref<!tpu.dma_semaphore, #tpu.memory_space<semaphore_mem>>)
      } else {
      }
      %add3A_185 = arith.constant 2 : i32
      %add3A_186 = arith.addi %add3A_127, %add3A_185 : i32
      %dma_wait3A_187 = arith.constant 0 : i32
      %dma_wait3A_188 = tpu.memref_slice %arg7[%add3A_186, %dma_wait3A_187] : memref<84x128xi32, #tpu.memory_space<vmem>> -> memref<1x128xi32, #tpu.memory_space<vmem>>
      %dma_wait3A_189 = tpu.memref_squeeze %dma_wait3A_188 : memref<1x128xi32, #tpu.memory_space<vmem>> -> memref<128xi32, #tpu.memory_space<vmem>>
      %dma_wait3A_190 = arith.constant 0 : i32
      %dma_wait3A_191 = arith.constant 0 : i32
      %dma_wait3A_192 = tpu.memref_slice %arg5[%dma_wait3A_190, %dma_wait3A_191] : memref<20224x64xf32, #tpu.memory_space<hbm>> -> memref<20224x64xf32, #tpu.memory_space<hbm>>
      tpu.wait_indirect_dma semaphore(%arg17 : memref<!tpu.dma_semaphore, #tpu.memory_space<semaphore_mem>>) src(%dma_wait3A_192 : memref<20224x64xf32, #tpu.memory_space<hbm>>) dst(%arg11 : memref<128x64xf32, #tpu.memory_space<vmem>>)
      %dma_start3A_193 = arith.constant 0 : i32
      %dma_start3A_194 = tpu.memref_slice %arg8[%add3A_186, %dma_start3A_193] : memref<84x128xi32, #tpu.memory_space<vmem>> -> memref<1x128xi32, #tpu.memory_space<vmem>>
      %dma_start3A_195 = tpu.memref_squeeze %dma_start3A_194 : memref<1x128xi32, #tpu.memory_space<vmem>> -> memref<128xi32, #tpu.memory_space<vmem>>
      %dma_start3A_196 = arith.constant 0 : i32
      %dma_start3A_197 = arith.constant 0 : i32
      %dma_start3A_198 = tpu.memref_slice %arg14[%dma_start3A_196, %dma_start3A_197] : memref<10112x64xf32, #tpu.memory_space<vmem_shared>> -> memref<10112x64xf32, #tpu.memory_space<vmem_shared>>
      tpu.enqueue_indirect_dma source(%arg11 : memref<128x64xf32, #tpu.memory_space<vmem>>) target(%dma_start3A_198 : memref<10112x64xf32, #tpu.memory_space<vmem_shared>>) offsets(%dma_start3A_195 : memref<128xi32, #tpu.memory_space<vmem>>) semaphore(%arg21 : memref<!tpu.dma_semaphore, #tpu.memory_space<semaphore_mem>>) {add = true}
      %ge3A_199 = arith.constant 2 : i32
      %ge3A_200 = arith.cmpi sge, %add3A_186, %ge3A_199 : i32
      %add3A_201 = arith.constant 2 : i32
      %add3A_202 = arith.addi %add3A_186, %add3A_201 : i32
      %lt3A_203 = arith.constant 84 : i32
      %lt3A_204 = arith.cmpi slt, %add3A_202, %lt3A_203 : i32
      %and3A_205 = arith.andi %ge3A_200, %lt3A_204 : i1
      %convert_element_type3A_206 = arith.extui %and3A_205 : i1 to i32
      %cond3A_207 = arith.constant 0 : i32
      %cond3A_208 = arith.cmpi ne, %convert_element_type3A_206, %cond3A_207 : i32
      scf.if %cond3A_208 {
        %dma_wait3A_247 = arith.constant 0 : i32
        %dma_wait3A_248 = tpu.memref_slice %arg8[%add3A_186, %dma_wait3A_247] : memref<84x128xi32, #tpu.memory_space<vmem>> -> memref<1x128xi32, #tpu.memory_space<vmem>>
        %dma_wait3A_249 = tpu.memref_squeeze %dma_wait3A_248 : memref<1x128xi32, #tpu.memory_space<vmem>> -> memref<128xi32, #tpu.memory_space<vmem>>
        %dma_wait3A_250 = arith.constant 0 : i32
        %dma_wait3A_251 = arith.constant 0 : i32
        %dma_wait3A_252 = tpu.memref_slice %arg14[%dma_wait3A_250, %dma_wait3A_251] : memref<10112x64xf32, #tpu.memory_space<vmem_shared>> -> memref<10112x64xf32, #tpu.memory_space<vmem_shared>>
        tpu.wait_indirect_dma semaphore(%arg19 : memref<!tpu.dma_semaphore, #tpu.memory_space<semaphore_mem>>) src(%arg9 : memref<128x64xf32, #tpu.memory_space<vmem>>) dst(%dma_wait3A_252 : memref<10112x64xf32, #tpu.memory_space<vmem_shared>>)
      } else {
      }
      %add3A_209 = arith.constant 2 : i32
      %add3A_210 = arith.addi %add3A_186, %add3A_209 : i32
      %lt3A_211 = arith.constant 84 : i32
      %lt3A_212 = arith.cmpi slt, %add3A_210, %lt3A_211 : i32
      %convert_element_type3A_213 = arith.extui %lt3A_212 : i1 to i32
      %cond3A_214 = arith.constant 0 : i32
      %cond3A_215 = arith.cmpi ne, %convert_element_type3A_213, %cond3A_214 : i32
      scf.if %cond3A_215 {
        %add3A_247 = arith.constant 2 : i32
        %add3A_248 = arith.addi %add3A_186, %add3A_247 : i32
        %dma_start3A_249 = arith.constant 0 : i32
        %dma_start3A_250 = tpu.memref_slice %arg7[%add3A_248, %dma_start3A_249] : memref<84x128xi32, #tpu.memory_space<vmem>> -> memref<1x128xi32, #tpu.memory_space<vmem>>
        %dma_start3A_251 = tpu.memref_squeeze %dma_start3A_250 : memref<1x128xi32, #tpu.memory_space<vmem>> -> memref<128xi32, #tpu.memory_space<vmem>>
        %dma_start3A_252 = arith.constant 0 : i32
        %dma_start3A_253 = arith.constant 0 : i32
        %dma_start3A_254 = tpu.memref_slice %arg5[%dma_start3A_252, %dma_start3A_253] : memref<20224x64xf32, #tpu.memory_space<hbm>> -> memref<20224x64xf32, #tpu.memory_space<hbm>>
        tpu.enqueue_indirect_dma source(%dma_start3A_254 : memref<20224x64xf32, #tpu.memory_space<hbm>>) target(%arg9 : memref<128x64xf32, #tpu.memory_space<vmem>>) offsets(%dma_start3A_251 : memref<128xi32, #tpu.memory_space<vmem>>) semaphore(%arg15 : memref<!tpu.dma_semaphore, #tpu.memory_space<semaphore_mem>>)
      } else {
      }
      %add3A_216 = arith.constant 3 : i32
      %add3A_217 = arith.addi %add3A_127, %add3A_216 : i32
      %dma_wait3A_218 = arith.constant 0 : i32
      %dma_wait3A_219 = tpu.memref_slice %arg7[%add3A_217, %dma_wait3A_218] : memref<84x128xi32, #tpu.memory_space<vmem>> -> memref<1x128xi32, #tpu.memory_space<vmem>>
      %dma_wait3A_220 = tpu.memref_squeeze %dma_wait3A_219 : memref<1x128xi32, #tpu.memory_space<vmem>> -> memref<128xi32, #tpu.memory_space<vmem>>
      %dma_wait3A_221 = arith.constant 0 : i32
      %dma_wait3A_222 = arith.constant 0 : i32
      %dma_wait3A_223 = tpu.memref_slice %arg5[%dma_wait3A_221, %dma_wait3A_222] : memref<20224x64xf32, #tpu.memory_space<hbm>> -> memref<20224x64xf32, #tpu.memory_space<hbm>>
      tpu.wait_indirect_dma semaphore(%arg18 : memref<!tpu.dma_semaphore, #tpu.memory_space<semaphore_mem>>) src(%dma_wait3A_223 : memref<20224x64xf32, #tpu.memory_space<hbm>>) dst(%arg12 : memref<128x64xf32, #tpu.memory_space<vmem>>)
      %dma_start3A_224 = arith.constant 0 : i32
      %dma_start3A_225 = tpu.memref_slice %arg8[%add3A_217, %dma_start3A_224] : memref<84x128xi32, #tpu.memory_space<vmem>> -> memref<1x128xi32, #tpu.memory_space<vmem>>
      %dma_start3A_226 = tpu.memref_squeeze %dma_start3A_225 : memref<1x128xi32, #tpu.memory_space<vmem>> -> memref<128xi32, #tpu.memory_space<vmem>>
      %dma_start3A_227 = arith.constant 0 : i32
      %dma_start3A_228 = arith.constant 0 : i32
      %dma_start3A_229 = tpu.memref_slice %arg14[%dma_start3A_227, %dma_start3A_228] : memref<10112x64xf32, #tpu.memory_space<vmem_shared>> -> memref<10112x64xf32, #tpu.memory_space<vmem_shared>>
      tpu.enqueue_indirect_dma source(%arg12 : memref<128x64xf32, #tpu.memory_space<vmem>>) target(%dma_start3A_229 : memref<10112x64xf32, #tpu.memory_space<vmem_shared>>) offsets(%dma_start3A_226 : memref<128xi32, #tpu.memory_space<vmem>>) semaphore(%arg22 : memref<!tpu.dma_semaphore, #tpu.memory_space<semaphore_mem>>) {add = true}
      %ge3A_230 = arith.constant 2 : i32
      %ge3A_231 = arith.cmpi sge, %add3A_217, %ge3A_230 : i32
      %add3A_232 = arith.constant 2 : i32
      %add3A_233 = arith.addi %add3A_217, %add3A_232 : i32
      %lt3A_234 = arith.constant 84 : i32
      %lt3A_235 = arith.cmpi slt, %add3A_233, %lt3A_234 : i32
      %and3A_236 = arith.andi %ge3A_231, %lt3A_235 : i1
      %convert_element_type3A_237 = arith.extui %and3A_236 : i1 to i32
      %cond3A_238 = arith.constant 0 : i32
      %cond3A_239 = arith.cmpi ne, %convert_element_type3A_237, %cond3A_238 : i32
      scf.if %cond3A_239 {
        %dma_wait3A_247 = arith.constant 0 : i32
        %dma_wait3A_248 = tpu.memref_slice %arg8[%add3A_217, %dma_wait3A_247] : memref<84x128xi32, #tpu.memory_space<vmem>> -> memref<1x128xi32, #tpu.memory_space<vmem>>
        %dma_wait3A_249 = tpu.memref_squeeze %dma_wait3A_248 : memref<1x128xi32, #tpu.memory_space<vmem>> -> memref<128xi32, #tpu.memory_space<vmem>>
        %dma_wait3A_250 = arith.constant 0 : i32
        %dma_wait3A_251 = arith.constant 0 : i32
        %dma_wait3A_252 = tpu.memref_slice %arg14[%dma_wait3A_250, %dma_wait3A_251] : memref<10112x64xf32, #tpu.memory_space<vmem_shared>> -> memref<10112x64xf32, #tpu.memory_space<vmem_shared>>
        tpu.wait_indirect_dma semaphore(%arg20 : memref<!tpu.dma_semaphore, #tpu.memory_space<semaphore_mem>>) src(%arg10 : memref<128x64xf32, #tpu.memory_space<vmem>>) dst(%dma_wait3A_252 : memref<10112x64xf32, #tpu.memory_space<vmem_shared>>)
      } else {
      }
      %add3A_240 = arith.constant 2 : i32
      %add3A_241 = arith.addi %add3A_217, %add3A_240 : i32
      %lt3A_242 = arith.constant 84 : i32
      %lt3A_243 = arith.cmpi slt, %add3A_241, %lt3A_242 : i32
      %convert_element_type3A_244 = arith.extui %lt3A_243 : i1 to i32
      %cond3A_245 = arith.constant 0 : i32
      %cond3A_246 = arith.cmpi ne, %convert_element_type3A_244, %cond3A_245 : i32
      scf.if %cond3A_246 {
        %add3A_247 = arith.constant 2 : i32
        %add3A_248 = arith.addi %add3A_217, %add3A_247 : i32
        %dma_start3A_249 = arith.constant 0 : i32
        %dma_start3A_250 = tpu.memref_slice %arg7[%add3A_248, %dma_start3A_249] : memref<84x128xi32, #tpu.memory_space<vmem>> -> memref<1x128xi32, #tpu.memory_space<vmem>>
        %dma_start3A_251 = tpu.memref_squeeze %dma_start3A_250 : memref<1x128xi32, #tpu.memory_space<vmem>> -> memref<128xi32, #tpu.memory_space<vmem>>
        %dma_start3A_252 = arith.constant 0 : i32
        %dma_start3A_253 = arith.constant 0 : i32
        %dma_start3A_254 = tpu.memref_slice %arg5[%dma_start3A_252, %dma_start3A_253] : memref<20224x64xf32, #tpu.memory_space<hbm>> -> memref<20224x64xf32, #tpu.memory_space<hbm>>
        tpu.enqueue_indirect_dma source(%dma_start3A_254 : memref<20224x64xf32, #tpu.memory_space<hbm>>) target(%arg10 : memref<128x64xf32, #tpu.memory_space<vmem>>) offsets(%dma_start3A_251 : memref<128xi32, #tpu.memory_space<vmem>>) semaphore(%arg16 : memref<!tpu.dma_semaphore, #tpu.memory_space<semaphore_mem>>)
      } else {
      }
    }
    %scan3A_30 = arith.constant 21 : i32
    %dma_wait3A = arith.constant 0 : i32
    %dma_wait3A_31 = arith.constant 0 : i32
    %dma_wait3A_32 = tpu.memref_slice %arg8[%dma_wait3A, %dma_wait3A_31] : memref<84x128xi32, #tpu.memory_space<vmem>> -> memref<1x128xi32, #tpu.memory_space<vmem>>
    %dma_wait3A_33 = tpu.memref_squeeze %dma_wait3A_32 : memref<1x128xi32, #tpu.memory_space<vmem>> -> memref<128xi32, #tpu.memory_space<vmem>>
    %dma_wait3A_34 = arith.constant 0 : i32
    %dma_wait3A_35 = arith.constant 0 : i32
    %dma_wait3A_36 = tpu.memref_slice %arg14[%dma_wait3A_34, %dma_wait3A_35] : memref<10112x64xf32, #tpu.memory_space<vmem_shared>> -> memref<10112x64xf32, #tpu.memory_space<vmem_shared>>
    tpu.wait_indirect_dma semaphore(%arg19 : memref<!tpu.dma_semaphore, #tpu.memory_space<semaphore_mem>>) src(%arg9 : memref<128x64xf32, #tpu.memory_space<vmem>>) dst(%dma_wait3A_36 : memref<10112x64xf32, #tpu.memory_space<vmem_shared>>)
    %dma_wait3A_37 = arith.constant 0 : i32
    %dma_wait3A_38 = arith.constant 0 : i32
    %dma_wait3A_39 = tpu.memref_slice %arg8[%dma_wait3A_37, %dma_wait3A_38] : memref<84x128xi32, #tpu.memory_space<vmem>> -> memref<1x128xi32, #tpu.memory_space<vmem>>
    %dma_wait3A_40 = tpu.memref_squeeze %dma_wait3A_39 : memref<1x128xi32, #tpu.memory_space<vmem>> -> memref<128xi32, #tpu.memory_space<vmem>>
    %dma_wait3A_41 = arith.constant 0 : i32
    %dma_wait3A_42 = arith.constant 0 : i32
    %dma_wait3A_43 = tpu.memref_slice %arg14[%dma_wait3A_41, %dma_wait3A_42] : memref<10112x64xf32, #tpu.memory_space<vmem_shared>> -> memref<10112x64xf32, #tpu.memory_space<vmem_shared>>
    tpu.wait_indirect_dma semaphore(%arg20 : memref<!tpu.dma_semaphore, #tpu.memory_space<semaphore_mem>>) src(%arg10 : memref<128x64xf32, #tpu.memory_space<vmem>>) dst(%dma_wait3A_43 : memref<10112x64xf32, #tpu.memory_space<vmem_shared>>)
    %dma_wait3A_44 = arith.constant 0 : i32
    %dma_wait3A_45 = arith.constant 0 : i32
    %dma_wait3A_46 = tpu.memref_slice %arg8[%dma_wait3A_44, %dma_wait3A_45] : memref<84x128xi32, #tpu.memory_space<vmem>> -> memref<1x128xi32, #tpu.memory_space<vmem>>
    %dma_wait3A_47 = tpu.memref_squeeze %dma_wait3A_46 : memref<1x128xi32, #tpu.memory_space<vmem>> -> memref<128xi32, #tpu.memory_space<vmem>>
    %dma_wait3A_48 = arith.constant 0 : i32
    %dma_wait3A_49 = arith.constant 0 : i32
    %dma_wait3A_50 = tpu.memref_slice %arg14[%dma_wait3A_48, %dma_wait3A_49] : memref<10112x64xf32, #tpu.memory_space<vmem_shared>> -> memref<10112x64xf32, #tpu.memory_space<vmem_shared>>
    tpu.wait_indirect_dma semaphore(%arg21 : memref<!tpu.dma_semaphore, #tpu.memory_space<semaphore_mem>>) src(%arg11 : memref<128x64xf32, #tpu.memory_space<vmem>>) dst(%dma_wait3A_50 : memref<10112x64xf32, #tpu.memory_space<vmem_shared>>)
    %dma_wait3A_51 = arith.constant 0 : i32
    %dma_wait3A_52 = arith.constant 0 : i32
    %dma_wait3A_53 = tpu.memref_slice %arg8[%dma_wait3A_51, %dma_wait3A_52] : memref<84x128xi32, #tpu.memory_space<vmem>> -> memref<1x128xi32, #tpu.memory_space<vmem>>
    %dma_wait3A_54 = tpu.memref_squeeze %dma_wait3A_53 : memref<1x128xi32, #tpu.memory_space<vmem>> -> memref<128xi32, #tpu.memory_space<vmem>>
    %dma_wait3A_55 = arith.constant 0 : i32
    %dma_wait3A_56 = arith.constant 0 : i32
    %dma_wait3A_57 = tpu.memref_slice %arg14[%dma_wait3A_55, %dma_wait3A_56] : memref<10112x64xf32, #tpu.memory_space<vmem_shared>> -> memref<10112x64xf32, #tpu.memory_space<vmem_shared>>
    tpu.wait_indirect_dma semaphore(%arg22 : memref<!tpu.dma_semaphore, #tpu.memory_space<semaphore_mem>>) src(%arg12 : memref<128x64xf32, #tpu.memory_space<vmem>>) dst(%dma_wait3A_57 : memref<10112x64xf32, #tpu.memory_space<vmem_shared>>)
    %barrier3A_58 = arith.constant 0 : index
    tpu.barrier barrier_id(%barrier3A_58)
    %mul3A_59 = arith.constant 632 : i32
    %mul3A_60 = arith.muli %arg1, %mul3A_59 : i32
    %mul3A_61 = arith.constant 632 : i32
    %mul3A_62 = arith.muli %arg1, %mul3A_61 : i32
    %run_scoped3A = arith.constant 0 : i32
    "tpu.region"() ({
      %run_scoped3A_123 = tpu.sem_alloc : memref<!tpu.dma_semaphore, #tpu.memory_space<semaphore_mem>>
      %dma_start3A_124 = arith.constant 0 : i32
      %dma_start3A_125 = tpu.memref_slice %arg6[%arg0, %run_scoped3A, %mul3A_62, %dma_start3A_124] : memref<2x2x10112x64xf32, #tpu.memory_space<hbm>> -> memref<1x1x632x64xf32, #tpu.memory_space<hbm>>
      %dma_start3A_126 = tpu.memref_squeeze %dma_start3A_125 : memref<1x1x632x64xf32, #tpu.memory_space<hbm>> -> memref<632x64xf32, #tpu.memory_space<hbm>>
      %dma_start3A_127 = arith.constant 0 : i32
      %dma_start3A_128 = tpu.memref_slice %arg14[%mul3A_60, %dma_start3A_127] : memref<10112x64xf32, #tpu.memory_space<vmem_shared>> -> memref<632x64xf32, #tpu.memory_space<vmem_shared>>
      tpu.enqueue_dma source(%dma_start3A_128 : memref<632x64xf32, #tpu.memory_space<vmem_shared>>) target(%dma_start3A_126 : memref<632x64xf32, #tpu.memory_space<hbm>>) target_semaphore(%run_scoped3A_123 : memref<!tpu.dma_semaphore, #tpu.memory_space<semaphore_mem>>)
      %dma_wait3A_129 = arith.constant 0 : i32
      %dma_wait3A_130 = tpu.memref_slice %arg6[%arg0, %run_scoped3A, %mul3A_62, %dma_wait3A_129] : memref<2x2x10112x64xf32, #tpu.memory_space<hbm>> -> memref<1x1x632x64xf32, #tpu.memory_space<hbm>>
      %dma_wait3A_131 = tpu.memref_squeeze %dma_wait3A_130 : memref<1x1x632x64xf32, #tpu.memory_space<hbm>> -> memref<632x64xf32, #tpu.memory_space<hbm>>
      %dma_wait3A_132 = arith.constant 0 : i32
      %dma_wait3A_133 = tpu.memref_slice %arg14[%mul3A_60, %dma_wait3A_132] : memref<10112x64xf32, #tpu.memory_space<vmem_shared>> -> memref<632x64xf32, #tpu.memory_space<vmem_shared>>
      tpu.wait_dma2 semaphore(%run_scoped3A_123 : memref<!tpu.dma_semaphore, #tpu.memory_space<semaphore_mem>>) src(%dma_wait3A_133 : memref<632x64xf32, #tpu.memory_space<vmem_shared>>) dst(%dma_wait3A_131 : memref<632x64xf32, #tpu.memory_space<hbm>>)
      tpu.yield
    }) : () -> ()
    %mul3A_63 = arith.constant 632 : i32
    %mul3A_64 = arith.muli %arg1, %mul3A_63 : i32
    "tpu.region"() ({
      %run_scoped3A_123 = tpu.sem_alloc : memref<!tpu.dma_semaphore, #tpu.memory_space<semaphore_mem>>
      %dma_start3A_124 = arith.constant 0 : i32
      %dma_start3A_125 = tpu.memref_slice %arg14[%mul3A_64, %dma_start3A_124] : memref<10112x64xf32, #tpu.memory_space<vmem_shared>> -> memref<316x64xf32, #tpu.memory_space<vmem_shared>>
      %dma_start3A_126 = arith.constant 0 : i32
      %dma_start3A_127 = tpu.memref_slice %arg14[%mul3A_64, %dma_start3A_126] : memref<10112x64xf32, #tpu.memory_space<vmem_shared>> -> memref<316x64xf32, #tpu.memory_space<vmem_shared>>
      tpu.enqueue_dma source(%arg13 : memref<316x64xf32, #tpu.memory_space<vmem>>) target(%dma_start3A_127 : memref<316x64xf32, #tpu.memory_space<vmem_shared>>) target_semaphore(%run_scoped3A_123 : memref<!tpu.dma_semaphore, #tpu.memory_space<semaphore_mem>>)
      %dma_wait3A_128 = arith.constant 0 : i32
      %dma_wait3A_129 = tpu.memref_slice %arg14[%mul3A_64, %dma_wait3A_128] : memref<10112x64xf32, #tpu.memory_space<vmem_shared>> -> memref<316x64xf32, #tpu.memory_space<vmem_shared>>
      %dma_wait3A_130 = arith.constant 0 : i32
      %dma_wait3A_131 = tpu.memref_slice %arg14[%mul3A_64, %dma_wait3A_130] : memref<10112x64xf32, #tpu.memory_space<vmem_shared>> -> memref<316x64xf32, #tpu.memory_space<vmem_shared>>
      tpu.wait_dma2 semaphore(%run_scoped3A_123 : memref<!tpu.dma_semaphore, #tpu.memory_space<semaphore_mem>>) src(%arg13 : memref<316x64xf32, #tpu.memory_space<vmem>>) dst(%dma_wait3A_131 : memref<316x64xf32, #tpu.memory_space<vmem_shared>>)
      tpu.yield
    }) : () -> ()
    %mul3A_65 = arith.constant 632 : i32
    %mul3A_66 = arith.muli %arg1, %mul3A_65 : i32
    %add3A_67 = arith.constant 316 : i32
    %add3A_68 = arith.addi %mul3A_66, %add3A_67 : i32
    "tpu.region"() ({
      %run_scoped3A_123 = tpu.sem_alloc : memref<!tpu.dma_semaphore, #tpu.memory_space<semaphore_mem>>
      %dma_start3A_124 = arith.constant 0 : i32
      %dma_start3A_125 = tpu.memref_slice %arg14[%add3A_68, %dma_start3A_124] : memref<10112x64xf32, #tpu.memory_space<vmem_shared>> -> memref<316x64xf32, #tpu.memory_space<vmem_shared>>
      %dma_start3A_126 = arith.constant 0 : i32
      %dma_start3A_127 = tpu.memref_slice %arg14[%add3A_68, %dma_start3A_126] : memref<10112x64xf32, #tpu.memory_space<vmem_shared>> -> memref<316x64xf32, #tpu.memory_space<vmem_shared>>
      tpu.enqueue_dma source(%arg13 : memref<316x64xf32, #tpu.memory_space<vmem>>) target(%dma_start3A_127 : memref<316x64xf32, #tpu.memory_space<vmem_shared>>) target_semaphore(%run_scoped3A_123 : memref<!tpu.dma_semaphore, #tpu.memory_space<semaphore_mem>>)
      %dma_wait3A_128 = arith.constant 0 : i32
      %dma_wait3A_129 = tpu.memref_slice %arg14[%add3A_68, %dma_wait3A_128] : memref<10112x64xf32, #tpu.memory_space<vmem_shared>> -> memref<316x64xf32, #tpu.memory_space<vmem_shared>>
      %dma_wait3A_130 = arith.constant 0 : i32
      %dma_wait3A_131 = tpu.memref_slice %arg14[%add3A_68, %dma_wait3A_130] : memref<10112x64xf32, #tpu.memory_space<vmem_shared>> -> memref<316x64xf32, #tpu.memory_space<vmem_shared>>
      tpu.wait_dma2 semaphore(%run_scoped3A_123 : memref<!tpu.dma_semaphore, #tpu.memory_space<semaphore_mem>>) src(%arg13 : memref<316x64xf32, #tpu.memory_space<vmem>>) dst(%dma_wait3A_131 : memref<316x64xf32, #tpu.memory_space<vmem_shared>>)
      tpu.yield
    }) : () -> ()
    "tpu.region"() ({
      %run_scoped3A_123 = tpu.sem_alloc : memref<!tpu.dma_semaphore, #tpu.memory_space<semaphore_mem>>
      %dma_start3A_124 = arith.constant 0 : i32
      %dma_start3A_125 = arith.constant 0 : i32
      %dma_start3A_126 = tpu.memref_slice %arg3[%add3A, %dma_start3A_124, %dma_start3A_125] : memref<32x84x128xi32, #tpu.memory_space<hbm>> -> memref<1x84x128xi32, #tpu.memory_space<hbm>>
      %dma_start3A_127 = tpu.memref_squeeze %dma_start3A_126 : memref<1x84x128xi32, #tpu.memory_space<hbm>> -> memref<84x128xi32, #tpu.memory_space<hbm>>
      %dma_start3A_128 = arith.constant 0 : i32
      %dma_start3A_129 = arith.constant 0 : i32
      %dma_start3A_130 = tpu.memref_slice %arg3[%add3A, %dma_start3A_128, %dma_start3A_129] : memref<32x84x128xi32, #tpu.memory_space<hbm>> -> memref<1x84x128xi32, #tpu.memory_space<hbm>>
      %dma_start3A_131 = tpu.memref_squeeze %dma_start3A_130 : memref<1x84x128xi32, #tpu.memory_space<hbm>> -> memref<84x128xi32, #tpu.memory_space<hbm>>
      tpu.enqueue_dma source(%dma_start3A_131 : memref<84x128xi32, #tpu.memory_space<hbm>>) target(%arg7 : memref<84x128xi32, #tpu.memory_space<vmem>>) target_semaphore(%run_scoped3A_123 : memref<!tpu.dma_semaphore, #tpu.memory_space<semaphore_mem>>)
      %dma_wait3A_132 = arith.constant 0 : i32
      %dma_wait3A_133 = arith.constant 0 : i32
      %dma_wait3A_134 = tpu.memref_slice %arg3[%add3A, %dma_wait3A_132, %dma_wait3A_133] : memref<32x84x128xi32, #tpu.memory_space<hbm>> -> memref<1x84x128xi32, #tpu.memory_space<hbm>>
      %dma_wait3A_135 = tpu.memref_squeeze %dma_wait3A_134 : memref<1x84x128xi32, #tpu.memory_space<hbm>> -> memref<84x128xi32, #tpu.memory_space<hbm>>
      %dma_wait3A_136 = arith.constant 0 : i32
      %dma_wait3A_137 = arith.constant 0 : i32
      %dma_wait3A_138 = tpu.memref_slice %arg3[%add3A, %dma_wait3A_136, %dma_wait3A_137] : memref<32x84x128xi32, #tpu.memory_space<hbm>> -> memref<1x84x128xi32, #tpu.memory_space<hbm>>
      %dma_wait3A_139 = tpu.memref_squeeze %dma_wait3A_138 : memref<1x84x128xi32, #tpu.memory_space<hbm>> -> memref<84x128xi32, #tpu.memory_space<hbm>>
      tpu.wait_dma2 semaphore(%run_scoped3A_123 : memref<!tpu.dma_semaphore, #tpu.memory_space<semaphore_mem>>) src(%dma_wait3A_139 : memref<84x128xi32, #tpu.memory_space<hbm>>) dst(%arg7 : memref<84x128xi32, #tpu.memory_space<vmem>>)
      tpu.yield
    }) : () -> ()
    %barrier3A_69 = arith.constant 0 : index
    tpu.barrier barrier_id(%barrier3A_69)
    %dma_start3A_70 = arith.constant 0 : i32
    %dma_start3A_71 = arith.constant 0 : i32
    %dma_start3A_72 = tpu.memref_slice %arg7[%dma_start3A_70, %dma_start3A_71] : memref<84x128xi32, #tpu.memory_space<vmem>> -> memref<1x128xi32, #tpu.memory_space<vmem>>
    %dma_start3A_73 = tpu.memref_squeeze %dma_start3A_72 : memref<1x128xi32, #tpu.memory_space<vmem>> -> memref<128xi32, #tpu.memory_space<vmem>>
    %dma_start3A_74 = arith.constant 0 : i32
    %dma_start3A_75 = arith.constant 0 : i32
    %dma_start3A_76 = tpu.memref_slice %arg5[%dma_start3A_74, %dma_start3A_75] : memref<20224x64xf32, #tpu.memory_space<hbm>> -> memref<20224x64xf32, #tpu.memory_space<hbm>>
    tpu.enqueue_indirect_dma source(%dma_start3A_76 : memref<20224x64xf32, #tpu.memory_space<hbm>>) target(%arg9 : memref<128x64xf32, #tpu.memory_space<vmem>>) offsets(%dma_start3A_73 : memref<128xi32, #tpu.memory_space<vmem>>) semaphore(%arg15 : memref<!tpu.dma_semaphore, #tpu.memory_space<semaphore_mem>>)
    %dma_start3A_77 = arith.constant 1 : i32
    %dma_start3A_78 = arith.constant 0 : i32
    %dma_start3A_79 = tpu.memref_slice %arg7[%dma_start3A_77, %dma_start3A_78] : memref<84x128xi32, #tpu.memory_space<vmem>> -> memref<1x128xi32, #tpu.memory_space<vmem>>
    %dma_start3A_80 = tpu.memref_squeeze %dma_start3A_79 : memref<1x128xi32, #tpu.memory_space<vmem>> -> memref<128xi32, #tpu.memory_space<vmem>>
    %dma_start3A_81 = arith.constant 0 : i32
    %dma_start3A_82 = arith.constant 0 : i32
    %dma_start3A_83 = tpu.memref_slice %arg5[%dma_start3A_81, %dma_start3A_82] : memref<20224x64xf32, #tpu.memory_space<hbm>> -> memref<20224x64xf32, #tpu.memory_space<hbm>>
    tpu.enqueue_indirect_dma source(%dma_start3A_83 : memref<20224x64xf32, #tpu.memory_space<hbm>>) target(%arg10 : memref<128x64xf32, #tpu.memory_space<vmem>>) offsets(%dma_start3A_80 : memref<128xi32, #tpu.memory_space<vmem>>) semaphore(%arg16 : memref<!tpu.dma_semaphore, #tpu.memory_space<semaphore_mem>>)
    %scan3A_84 = arith.constant 0 : i32
    %scan3A_85 = arith.constant 21 : i32
    %scan3A_86 = arith.addi %scan3A_84, %scan3A_85 : i32
    %scan3A_87 = arith.constant 1 : i32
    scf.for %scan3A_123 = %scan3A_84 to %scan3A_86 step %scan3A_87  : i32 {
      %mul3A_124 = arith.constant 4 : i32
      %mul3A_125 = arith.muli %scan3A_123, %mul3A_124 : i32
      %add3A_126 = arith.constant 0 : i32
      %add3A_127 = arith.addi %add3A_126, %mul3A_125 : i32
      %add3A_128 = arith.constant 0 : i32
      %add3A_129 = arith.addi %add3A_127, %add3A_128 : i32
      %dma_wait3A_130 = arith.constant 0 : i32
      %dma_wait3A_131 = tpu.memref_slice %arg7[%add3A_129, %dma_wait3A_130] : memref<84x128xi32, #tpu.memory_space<vmem>> -> memref<1x128xi32, #tpu.memory_space<vmem>>
      %dma_wait3A_132 = tpu.memref_squeeze %dma_wait3A_131 : memref<1x128xi32, #tpu.memory_space<vmem>> -> memref<128xi32, #tpu.memory_space<vmem>>
      %dma_wait3A_133 = arith.constant 0 : i32
      %dma_wait3A_134 = arith.constant 0 : i32
      %dma_wait3A_135 = tpu.memref_slice %arg5[%dma_wait3A_133, %dma_wait3A_134] : memref<20224x64xf32, #tpu.memory_space<hbm>> -> memref<20224x64xf32, #tpu.memory_space<hbm>>
      tpu.wait_indirect_dma semaphore(%arg15 : memref<!tpu.dma_semaphore, #tpu.memory_space<semaphore_mem>>) src(%dma_wait3A_135 : memref<20224x64xf32, #tpu.memory_space<hbm>>) dst(%arg9 : memref<128x64xf32, #tpu.memory_space<vmem>>)
      %dma_start3A_136 = arith.constant 0 : i32
      %dma_start3A_137 = tpu.memref_slice %arg8[%add3A_129, %dma_start3A_136] : memref<84x128xi32, #tpu.memory_space<vmem>> -> memref<1x128xi32, #tpu.memory_space<vmem>>
      %dma_start3A_138 = tpu.memref_squeeze %dma_start3A_137 : memref<1x128xi32, #tpu.memory_space<vmem>> -> memref<128xi32, #tpu.memory_space<vmem>>
      %dma_start3A_139 = arith.constant 0 : i32
      %dma_start3A_140 = arith.constant 0 : i32
      %dma_start3A_141 = tpu.memref_slice %arg14[%dma_start3A_139, %dma_start3A_140] : memref<10112x64xf32, #tpu.memory_space<vmem_shared>> -> memref<10112x64xf32, #tpu.memory_space<vmem_shared>>
      tpu.enqueue_indirect_dma source(%arg9 : memref<128x64xf32, #tpu.memory_space<vmem>>) target(%dma_start3A_141 : memref<10112x64xf32, #tpu.memory_space<vmem_shared>>) offsets(%dma_start3A_138 : memref<128xi32, #tpu.memory_space<vmem>>) semaphore(%arg19 : memref<!tpu.dma_semaphore, #tpu.memory_space<semaphore_mem>>) {add = true}
      %ge3A = arith.constant 2 : i32
      %ge3A_142 = arith.cmpi sge, %add3A_129, %ge3A : i32
      %add3A_143 = arith.constant 2 : i32
      %add3A_144 = arith.addi %add3A_129, %add3A_143 : i32
      %lt3A = arith.constant 84 : i32
      %lt3A_145 = arith.cmpi slt, %add3A_144, %lt3A : i32
      %and3A = arith.andi %ge3A_142, %lt3A_145 : i1
      %convert_element_type3A = arith.extui %and3A : i1 to i32
      %cond3A = arith.constant 0 : i32
      %cond3A_146 = arith.cmpi ne, %convert_element_type3A, %cond3A : i32
      scf.if %cond3A_146 {
        %dma_wait3A_247 = arith.constant 0 : i32
        %dma_wait3A_248 = tpu.memref_slice %arg8[%add3A_129, %dma_wait3A_247] : memref<84x128xi32, #tpu.memory_space<vmem>> -> memref<1x128xi32, #tpu.memory_space<vmem>>
        %dma_wait3A_249 = tpu.memref_squeeze %dma_wait3A_248 : memref<1x128xi32, #tpu.memory_space<vmem>> -> memref<128xi32, #tpu.memory_space<vmem>>
        %dma_wait3A_250 = arith.constant 0 : i32
        %dma_wait3A_251 = arith.constant 0 : i32
        %dma_wait3A_252 = tpu.memref_slice %arg14[%dma_wait3A_250, %dma_wait3A_251] : memref<10112x64xf32, #tpu.memory_space<vmem_shared>> -> memref<10112x64xf32, #tpu.memory_space<vmem_shared>>
        tpu.wait_indirect_dma semaphore(%arg21 : memref<!tpu.dma_semaphore, #tpu.memory_space<semaphore_mem>>) src(%arg11 : memref<128x64xf32, #tpu.memory_space<vmem>>) dst(%dma_wait3A_252 : memref<10112x64xf32, #tpu.memory_space<vmem_shared>>)
      } else {
      }
      %add3A_147 = arith.constant 2 : i32
      %add3A_148 = arith.addi %add3A_129, %add3A_147 : i32
      %lt3A_149 = arith.constant 84 : i32
      %lt3A_150 = arith.cmpi slt, %add3A_148, %lt3A_149 : i32
      %convert_element_type3A_151 = arith.extui %lt3A_150 : i1 to i32
      %cond3A_152 = arith.constant 0 : i32
      %cond3A_153 = arith.cmpi ne, %convert_element_type3A_151, %cond3A_152 : i32
      scf.if %cond3A_153 {
        %add3A_247 = arith.constant 2 : i32
        %add3A_248 = arith.addi %add3A_129, %add3A_247 : i32
        %dma_start3A_249 = arith.constant 0 : i32
        %dma_start3A_250 = tpu.memref_slice %arg7[%add3A_248, %dma_start3A_249] : memref<84x128xi32, #tpu.memory_space<vmem>> -> memref<1x128xi32, #tpu.memory_space<vmem>>
        %dma_start3A_251 = tpu.memref_squeeze %dma_start3A_250 : memref<1x128xi32, #tpu.memory_space<vmem>> -> memref<128xi32, #tpu.memory_space<vmem>>
        %dma_start3A_252 = arith.constant 0 : i32
        %dma_start3A_253 = arith.constant 0 : i32
        %dma_start3A_254 = tpu.memref_slice %arg5[%dma_start3A_252, %dma_start3A_253] : memref<20224x64xf32, #tpu.memory_space<hbm>> -> memref<20224x64xf32, #tpu.memory_space<hbm>>
        tpu.enqueue_indirect_dma source(%dma_start3A_254 : memref<20224x64xf32, #tpu.memory_space<hbm>>) target(%arg11 : memref<128x64xf32, #tpu.memory_space<vmem>>) offsets(%dma_start3A_251 : memref<128xi32, #tpu.memory_space<vmem>>) semaphore(%arg17 : memref<!tpu.dma_semaphore, #tpu.memory_space<semaphore_mem>>)
      } else {
      }
      %add3A_154 = arith.constant 1 : i32
      %add3A_155 = arith.addi %add3A_127, %add3A_154 : i32
      %dma_wait3A_156 = arith.constant 0 : i32
      %dma_wait3A_157 = tpu.memref_slice %arg7[%add3A_155, %dma_wait3A_156] : memref<84x128xi32, #tpu.memory_space<vmem>> -> memref<1x128xi32, #tpu.memory_space<vmem>>
      %dma_wait3A_158 = tpu.memref_squeeze %dma_wait3A_157 : memref<1x128xi32, #tpu.memory_space<vmem>> -> memref<128xi32, #tpu.memory_space<vmem>>
      %dma_wait3A_159 = arith.constant 0 : i32
      %dma_wait3A_160 = arith.constant 0 : i32
      %dma_wait3A_161 = tpu.memref_slice %arg5[%dma_wait3A_159, %dma_wait3A_160] : memref<20224x64xf32, #tpu.memory_space<hbm>> -> memref<20224x64xf32, #tpu.memory_space<hbm>>
      tpu.wait_indirect_dma semaphore(%arg16 : memref<!tpu.dma_semaphore, #tpu.memory_space<semaphore_mem>>) src(%dma_wait3A_161 : memref<20224x64xf32, #tpu.memory_space<hbm>>) dst(%arg10 : memref<128x64xf32, #tpu.memory_space<vmem>>)
      %dma_start3A_162 = arith.constant 0 : i32
      %dma_start3A_163 = tpu.memref_slice %arg8[%add3A_155, %dma_start3A_162] : memref<84x128xi32, #tpu.memory_space<vmem>> -> memref<1x128xi32, #tpu.memory_space<vmem>>
      %dma_start3A_164 = tpu.memref_squeeze %dma_start3A_163 : memref<1x128xi32, #tpu.memory_space<vmem>> -> memref<128xi32, #tpu.memory_space<vmem>>
      %dma_start3A_165 = arith.constant 0 : i32
      %dma_start3A_166 = arith.constant 0 : i32
      %dma_start3A_167 = tpu.memref_slice %arg14[%dma_start3A_165, %dma_start3A_166] : memref<10112x64xf32, #tpu.memory_space<vmem_shared>> -> memref<10112x64xf32, #tpu.memory_space<vmem_shared>>
      tpu.enqueue_indirect_dma source(%arg10 : memref<128x64xf32, #tpu.memory_space<vmem>>) target(%dma_start3A_167 : memref<10112x64xf32, #tpu.memory_space<vmem_shared>>) offsets(%dma_start3A_164 : memref<128xi32, #tpu.memory_space<vmem>>) semaphore(%arg20 : memref<!tpu.dma_semaphore, #tpu.memory_space<semaphore_mem>>) {add = true}
      %ge3A_168 = arith.constant 2 : i32
      %ge3A_169 = arith.cmpi sge, %add3A_155, %ge3A_168 : i32
      %add3A_170 = arith.constant 2 : i32
      %add3A_171 = arith.addi %add3A_155, %add3A_170 : i32
      %lt3A_172 = arith.constant 84 : i32
      %lt3A_173 = arith.cmpi slt, %add3A_171, %lt3A_172 : i32
      %and3A_174 = arith.andi %ge3A_169, %lt3A_173 : i1
      %convert_element_type3A_175 = arith.extui %and3A_174 : i1 to i32
      %cond3A_176 = arith.constant 0 : i32
      %cond3A_177 = arith.cmpi ne, %convert_element_type3A_175, %cond3A_176 : i32
      scf.if %cond3A_177 {
        %dma_wait3A_247 = arith.constant 0 : i32
        %dma_wait3A_248 = tpu.memref_slice %arg8[%add3A_155, %dma_wait3A_247] : memref<84x128xi32, #tpu.memory_space<vmem>> -> memref<1x128xi32, #tpu.memory_space<vmem>>
        %dma_wait3A_249 = tpu.memref_squeeze %dma_wait3A_248 : memref<1x128xi32, #tpu.memory_space<vmem>> -> memref<128xi32, #tpu.memory_space<vmem>>
        %dma_wait3A_250 = arith.constant 0 : i32
        %dma_wait3A_251 = arith.constant 0 : i32
        %dma_wait3A_252 = tpu.memref_slice %arg14[%dma_wait3A_250, %dma_wait3A_251] : memref<10112x64xf32, #tpu.memory_space<vmem_shared>> -> memref<10112x64xf32, #tpu.memory_space<vmem_shared>>
        tpu.wait_indirect_dma semaphore(%arg22 : memref<!tpu.dma_semaphore, #tpu.memory_space<semaphore_mem>>) src(%arg12 : memref<128x64xf32, #tpu.memory_space<vmem>>) dst(%dma_wait3A_252 : memref<10112x64xf32, #tpu.memory_space<vmem_shared>>)
      } else {
      }
      %add3A_178 = arith.constant 2 : i32
      %add3A_179 = arith.addi %add3A_155, %add3A_178 : i32
      %lt3A_180 = arith.constant 84 : i32
      %lt3A_181 = arith.cmpi slt, %add3A_179, %lt3A_180 : i32
      %convert_element_type3A_182 = arith.extui %lt3A_181 : i1 to i32
      %cond3A_183 = arith.constant 0 : i32
      %cond3A_184 = arith.cmpi ne, %convert_element_type3A_182, %cond3A_183 : i32
      scf.if %cond3A_184 {
        %add3A_247 = arith.constant 2 : i32
        %add3A_248 = arith.addi %add3A_155, %add3A_247 : i32
        %dma_start3A_249 = arith.constant 0 : i32
        %dma_start3A_250 = tpu.memref_slice %arg7[%add3A_248, %dma_start3A_249] : memref<84x128xi32, #tpu.memory_space<vmem>> -> memref<1x128xi32, #tpu.memory_space<vmem>>
        %dma_start3A_251 = tpu.memref_squeeze %dma_start3A_250 : memref<1x128xi32, #tpu.memory_space<vmem>> -> memref<128xi32, #tpu.memory_space<vmem>>
        %dma_start3A_252 = arith.constant 0 : i32
        %dma_start3A_253 = arith.constant 0 : i32
        %dma_start3A_254 = tpu.memref_slice %arg5[%dma_start3A_252, %dma_start3A_253] : memref<20224x64xf32, #tpu.memory_space<hbm>> -> memref<20224x64xf32, #tpu.memory_space<hbm>>
        tpu.enqueue_indirect_dma source(%dma_start3A_254 : memref<20224x64xf32, #tpu.memory_space<hbm>>) target(%arg12 : memref<128x64xf32, #tpu.memory_space<vmem>>) offsets(%dma_start3A_251 : memref<128xi32, #tpu.memory_space<vmem>>) semaphore(%arg18 : memref<!tpu.dma_semaphore, #tpu.memory_space<semaphore_mem>>)
      } else {
      }
      %add3A_185 = arith.constant 2 : i32
      %add3A_186 = arith.addi %add3A_127, %add3A_185 : i32
      %dma_wait3A_187 = arith.constant 0 : i32
      %dma_wait3A_188 = tpu.memref_slice %arg7[%add3A_186, %dma_wait3A_187] : memref<84x128xi32, #tpu.memory_space<vmem>> -> memref<1x128xi32, #tpu.memory_space<vmem>>
      %dma_wait3A_189 = tpu.memref_squeeze %dma_wait3A_188 : memref<1x128xi32, #tpu.memory_space<vmem>> -> memref<128xi32, #tpu.memory_space<vmem>>
      %dma_wait3A_190 = arith.constant 0 : i32
      %dma_wait3A_191 = arith.constant 0 : i32
      %dma_wait3A_192 = tpu.memref_slice %arg5[%dma_wait3A_190, %dma_wait3A_191] : memref<20224x64xf32, #tpu.memory_space<hbm>> -> memref<20224x64xf32, #tpu.memory_space<hbm>>
      tpu.wait_indirect_dma semaphore(%arg17 : memref<!tpu.dma_semaphore, #tpu.memory_space<semaphore_mem>>) src(%dma_wait3A_192 : memref<20224x64xf32, #tpu.memory_space<hbm>>) dst(%arg11 : memref<128x64xf32, #tpu.memory_space<vmem>>)
      %dma_start3A_193 = arith.constant 0 : i32
      %dma_start3A_194 = tpu.memref_slice %arg8[%add3A_186, %dma_start3A_193] : memref<84x128xi32, #tpu.memory_space<vmem>> -> memref<1x128xi32, #tpu.memory_space<vmem>>
      %dma_start3A_195 = tpu.memref_squeeze %dma_start3A_194 : memref<1x128xi32, #tpu.memory_space<vmem>> -> memref<128xi32, #tpu.memory_space<vmem>>
      %dma_start3A_196 = arith.constant 0 : i32
      %dma_start3A_197 = arith.constant 0 : i32
      %dma_start3A_198 = tpu.memref_slice %arg14[%dma_start3A_196, %dma_start3A_197] : memref<10112x64xf32, #tpu.memory_space<vmem_shared>> -> memref<10112x64xf32, #tpu.memory_space<vmem_shared>>
      tpu.enqueue_indirect_dma source(%arg11 : memref<128x64xf32, #tpu.memory_space<vmem>>) target(%dma_start3A_198 : memref<10112x64xf32, #tpu.memory_space<vmem_shared>>) offsets(%dma_start3A_195 : memref<128xi32, #tpu.memory_space<vmem>>) semaphore(%arg21 : memref<!tpu.dma_semaphore, #tpu.memory_space<semaphore_mem>>) {add = true}
      %ge3A_199 = arith.constant 2 : i32
      %ge3A_200 = arith.cmpi sge, %add3A_186, %ge3A_199 : i32
      %add3A_201 = arith.constant 2 : i32
      %add3A_202 = arith.addi %add3A_186, %add3A_201 : i32
      %lt3A_203 = arith.constant 84 : i32
      %lt3A_204 = arith.cmpi slt, %add3A_202, %lt3A_203 : i32
      %and3A_205 = arith.andi %ge3A_200, %lt3A_204 : i1
      %convert_element_type3A_206 = arith.extui %and3A_205 : i1 to i32
      %cond3A_207 = arith.constant 0 : i32
      %cond3A_208 = arith.cmpi ne, %convert_element_type3A_206, %cond3A_207 : i32
      scf.if %cond3A_208 {
        %dma_wait3A_247 = arith.constant 0 : i32
        %dma_wait3A_248 = tpu.memref_slice %arg8[%add3A_186, %dma_wait3A_247] : memref<84x128xi32, #tpu.memory_space<vmem>> -> memref<1x128xi32, #tpu.memory_space<vmem>>
        %dma_wait3A_249 = tpu.memref_squeeze %dma_wait3A_248 : memref<1x128xi32, #tpu.memory_space<vmem>> -> memref<128xi32, #tpu.memory_space<vmem>>
        %dma_wait3A_250 = arith.constant 0 : i32
        %dma_wait3A_251 = arith.constant 0 : i32
        %dma_wait3A_252 = tpu.memref_slice %arg14[%dma_wait3A_250, %dma_wait3A_251] : memref<10112x64xf32, #tpu.memory_space<vmem_shared>> -> memref<10112x64xf32, #tpu.memory_space<vmem_shared>>
        tpu.wait_indirect_dma semaphore(%arg19 : memref<!tpu.dma_semaphore, #tpu.memory_space<semaphore_mem>>) src(%arg9 : memref<128x64xf32, #tpu.memory_space<vmem>>) dst(%dma_wait3A_252 : memref<10112x64xf32, #tpu.memory_space<vmem_shared>>)
      } else {
      }
      %add3A_209 = arith.constant 2 : i32
      %add3A_210 = arith.addi %add3A_186, %add3A_209 : i32
      %lt3A_211 = arith.constant 84 : i32
      %lt3A_212 = arith.cmpi slt, %add3A_210, %lt3A_211 : i32
      %convert_element_type3A_213 = arith.extui %lt3A_212 : i1 to i32
      %cond3A_214 = arith.constant 0 : i32
      %cond3A_215 = arith.cmpi ne, %convert_element_type3A_213, %cond3A_214 : i32
      scf.if %cond3A_215 {
        %add3A_247 = arith.constant 2 : i32
        %add3A_248 = arith.addi %add3A_186, %add3A_247 : i32
        %dma_start3A_249 = arith.constant 0 : i32
        %dma_start3A_250 = tpu.memref_slice %arg7[%add3A_248, %dma_start3A_249] : memref<84x128xi32, #tpu.memory_space<vmem>> -> memref<1x128xi32, #tpu.memory_space<vmem>>
        %dma_start3A_251 = tpu.memref_squeeze %dma_start3A_250 : memref<1x128xi32, #tpu.memory_space<vmem>> -> memref<128xi32, #tpu.memory_space<vmem>>
        %dma_start3A_252 = arith.constant 0 : i32
        %dma_start3A_253 = arith.constant 0 : i32
        %dma_start3A_254 = tpu.memref_slice %arg5[%dma_start3A_252, %dma_start3A_253] : memref<20224x64xf32, #tpu.memory_space<hbm>> -> memref<20224x64xf32, #tpu.memory_space<hbm>>
        tpu.enqueue_indirect_dma source(%dma_start3A_254 : memref<20224x64xf32, #tpu.memory_space<hbm>>) target(%arg9 : memref<128x64xf32, #tpu.memory_space<vmem>>) offsets(%dma_start3A_251 : memref<128xi32, #tpu.memory_space<vmem>>) semaphore(%arg15 : memref<!tpu.dma_semaphore, #tpu.memory_space<semaphore_mem>>)
      } else {
      }
      %add3A_216 = arith.constant 3 : i32
      %add3A_217 = arith.addi %add3A_127, %add3A_216 : i32
      %dma_wait3A_218 = arith.constant 0 : i32
      %dma_wait3A_219 = tpu.memref_slice %arg7[%add3A_217, %dma_wait3A_218] : memref<84x128xi32, #tpu.memory_space<vmem>> -> memref<1x128xi32, #tpu.memory_space<vmem>>
      %dma_wait3A_220 = tpu.memref_squeeze %dma_wait3A_219 : memref<1x128xi32, #tpu.memory_space<vmem>> -> memref<128xi32, #tpu.memory_space<vmem>>
      %dma_wait3A_221 = arith.constant 0 : i32
      %dma_wait3A_222 = arith.constant 0 : i32
      %dma_wait3A_223 = tpu.memref_slice %arg5[%dma_wait3A_221, %dma_wait3A_222] : memref<20224x64xf32, #tpu.memory_space<hbm>> -> memref<20224x64xf32, #tpu.memory_space<hbm>>
      tpu.wait_indirect_dma semaphore(%arg18 : memref<!tpu.dma_semaphore, #tpu.memory_space<semaphore_mem>>) src(%dma_wait3A_223 : memref<20224x64xf32, #tpu.memory_space<hbm>>) dst(%arg12 : memref<128x64xf32, #tpu.memory_space<vmem>>)
      %dma_start3A_224 = arith.constant 0 : i32
      %dma_start3A_225 = tpu.memref_slice %arg8[%add3A_217, %dma_start3A_224] : memref<84x128xi32, #tpu.memory_space<vmem>> -> memref<1x128xi32, #tpu.memory_space<vmem>>
      %dma_start3A_226 = tpu.memref_squeeze %dma_start3A_225 : memref<1x128xi32, #tpu.memory_space<vmem>> -> memref<128xi32, #tpu.memory_space<vmem>>
      %dma_start3A_227 = arith.constant 0 : i32
      %dma_start3A_228 = arith.constant 0 : i32
      %dma_start3A_229 = tpu.memref_slice %arg14[%dma_start3A_227, %dma_start3A_228] : memref<10112x64xf32, #tpu.memory_space<vmem_shared>> -> memref<10112x64xf32, #tpu.memory_space<vmem_shared>>
      tpu.enqueue_indirect_dma source(%arg12 : memref<128x64xf32, #tpu.memory_space<vmem>>) target(%dma_start3A_229 : memref<10112x64xf32, #tpu.memory_space<vmem_shared>>) offsets(%dma_start3A_226 : memref<128xi32, #tpu.memory_space<vmem>>) semaphore(%arg22 : memref<!tpu.dma_semaphore, #tpu.memory_space<semaphore_mem>>) {add = true}
      %ge3A_230 = arith.constant 2 : i32
      %ge3A_231 = arith.cmpi sge, %add3A_217, %ge3A_230 : i32
      %add3A_232 = arith.constant 2 : i32
      %add3A_233 = arith.addi %add3A_217, %add3A_232 : i32
      %lt3A_234 = arith.constant 84 : i32
      %lt3A_235 = arith.cmpi slt, %add3A_233, %lt3A_234 : i32
      %and3A_236 = arith.andi %ge3A_231, %lt3A_235 : i1
      %convert_element_type3A_237 = arith.extui %and3A_236 : i1 to i32
      %cond3A_238 = arith.constant 0 : i32
      %cond3A_239 = arith.cmpi ne, %convert_element_type3A_237, %cond3A_238 : i32
      scf.if %cond3A_239 {
        %dma_wait3A_247 = arith.constant 0 : i32
        %dma_wait3A_248 = tpu.memref_slice %arg8[%add3A_217, %dma_wait3A_247] : memref<84x128xi32, #tpu.memory_space<vmem>> -> memref<1x128xi32, #tpu.memory_space<vmem>>
        %dma_wait3A_249 = tpu.memref_squeeze %dma_wait3A_248 : memref<1x128xi32, #tpu.memory_space<vmem>> -> memref<128xi32, #tpu.memory_space<vmem>>
        %dma_wait3A_250 = arith.constant 0 : i32
        %dma_wait3A_251 = arith.constant 0 : i32
        %dma_wait3A_252 = tpu.memref_slice %arg14[%dma_wait3A_250, %dma_wait3A_251] : memref<10112x64xf32, #tpu.memory_space<vmem_shared>> -> memref<10112x64xf32, #tpu.memory_space<vmem_shared>>
        tpu.wait_indirect_dma semaphore(%arg20 : memref<!tpu.dma_semaphore, #tpu.memory_space<semaphore_mem>>) src(%arg10 : memref<128x64xf32, #tpu.memory_space<vmem>>) dst(%dma_wait3A_252 : memref<10112x64xf32, #tpu.memory_space<vmem_shared>>)
      } else {
      }
      %add3A_240 = arith.constant 2 : i32
      %add3A_241 = arith.addi %add3A_217, %add3A_240 : i32
      %lt3A_242 = arith.constant 84 : i32
      %lt3A_243 = arith.cmpi slt, %add3A_241, %lt3A_242 : i32
      %convert_element_type3A_244 = arith.extui %lt3A_243 : i1 to i32
      %cond3A_245 = arith.constant 0 : i32
      %cond3A_246 = arith.cmpi ne, %convert_element_type3A_244, %cond3A_245 : i32
      scf.if %cond3A_246 {
        %add3A_247 = arith.constant 2 : i32
        %add3A_248 = arith.addi %add3A_217, %add3A_247 : i32
        %dma_start3A_249 = arith.constant 0 : i32
        %dma_start3A_250 = tpu.memref_slice %arg7[%add3A_248, %dma_start3A_249] : memref<84x128xi32, #tpu.memory_space<vmem>> -> memref<1x128xi32, #tpu.memory_space<vmem>>
        %dma_start3A_251 = tpu.memref_squeeze %dma_start3A_250 : memref<1x128xi32, #tpu.memory_space<vmem>> -> memref<128xi32, #tpu.memory_space<vmem>>
        %dma_start3A_252 = arith.constant 0 : i32
        %dma_start3A_253 = arith.constant 0 : i32
        %dma_start3A_254 = tpu.memref_slice %arg5[%dma_start3A_252, %dma_start3A_253] : memref<20224x64xf32, #tpu.memory_space<hbm>> -> memref<20224x64xf32, #tpu.memory_space<hbm>>
        tpu.enqueue_indirect_dma source(%dma_start3A_254 : memref<20224x64xf32, #tpu.memory_space<hbm>>) target(%arg10 : memref<128x64xf32, #tpu.memory_space<vmem>>) offsets(%dma_start3A_251 : memref<128xi32, #tpu.memory_space<vmem>>) semaphore(%arg16 : memref<!tpu.dma_semaphore, #tpu.memory_space<semaphore_mem>>)
      } else {
      }
    }
    %scan3A_88 = arith.constant 21 : i32
    %dma_wait3A_89 = arith.constant 0 : i32
    %dma_wait3A_90 = arith.constant 0 : i32
    %dma_wait3A_91 = tpu.memref_slice %arg8[%dma_wait3A_89, %dma_wait3A_90] : memref<84x128xi32, #tpu.memory_space<vmem>> -> memref<1x128xi32, #tpu.memory_space<vmem>>
    %dma_wait3A_92 = tpu.memref_squeeze %dma_wait3A_91 : memref<1x128xi32, #tpu.memory_space<vmem>> -> memref<128xi32, #tpu.memory_space<vmem>>
    %dma_wait3A_93 = arith.constant 0 : i32
    %dma_wait3A_94 = arith.constant 0 : i32
    %dma_wait3A_95 = tpu.memref_slice %arg14[%dma_wait3A_93, %dma_wait3A_94] : memref<10112x64xf32, #tpu.memory_space<vmem_shared>> -> memref<10112x64xf32, #tpu.memory_space<vmem_shared>>
    tpu.wait_indirect_dma semaphore(%arg19 : memref<!tpu.dma_semaphore, #tpu.memory_space<semaphore_mem>>) src(%arg9 : memref<128x64xf32, #tpu.memory_space<vmem>>) dst(%dma_wait3A_95 : memref<10112x64xf32, #tpu.memory_space<vmem_shared>>)
    %dma_wait3A_96 = arith.constant 0 : i32
    %dma_wait3A_97 = arith.constant 0 : i32
    %dma_wait3A_98 = tpu.memref_slice %arg8[%dma_wait3A_96, %dma_wait3A_97] : memref<84x128xi32, #tpu.memory_space<vmem>> -> memref<1x128xi32, #tpu.memory_space<vmem>>
    %dma_wait3A_99 = tpu.memref_squeeze %dma_wait3A_98 : memref<1x128xi32, #tpu.memory_space<vmem>> -> memref<128xi32, #tpu.memory_space<vmem>>
    %dma_wait3A_100 = arith.constant 0 : i32
    %dma_wait3A_101 = arith.constant 0 : i32
    %dma_wait3A_102 = tpu.memref_slice %arg14[%dma_wait3A_100, %dma_wait3A_101] : memref<10112x64xf32, #tpu.memory_space<vmem_shared>> -> memref<10112x64xf32, #tpu.memory_space<vmem_shared>>
    tpu.wait_indirect_dma semaphore(%arg20 : memref<!tpu.dma_semaphore, #tpu.memory_space<semaphore_mem>>) src(%arg10 : memref<128x64xf32, #tpu.memory_space<vmem>>) dst(%dma_wait3A_102 : memref<10112x64xf32, #tpu.memory_space<vmem_shared>>)
    %dma_wait3A_103 = arith.constant 0 : i32
    %dma_wait3A_104 = arith.constant 0 : i32
    %dma_wait3A_105 = tpu.memref_slice %arg8[%dma_wait3A_103, %dma_wait3A_104] : memref<84x128xi32, #tpu.memory_space<vmem>> -> memref<1x128xi32, #tpu.memory_space<vmem>>
    %dma_wait3A_106 = tpu.memref_squeeze %dma_wait3A_105 : memref<1x128xi32, #tpu.memory_space<vmem>> -> memref<128xi32, #tpu.memory_space<vmem>>
    %dma_wait3A_107 = arith.constant 0 : i32
    %dma_wait3A_108 = arith.constant 0 : i32
    %dma_wait3A_109 = tpu.memref_slice %arg14[%dma_wait3A_107, %dma_wait3A_108] : memref<10112x64xf32, #tpu.memory_space<vmem_shared>> -> memref<10112x64xf32, #tpu.memory_space<vmem_shared>>
    tpu.wait_indirect_dma semaphore(%arg21 : memref<!tpu.dma_semaphore, #tpu.memory_space<semaphore_mem>>) src(%arg11 : memref<128x64xf32, #tpu.memory_space<vmem>>) dst(%dma_wait3A_109 : memref<10112x64xf32, #tpu.memory_space<vmem_shared>>)
    %dma_wait3A_110 = arith.constant 0 : i32
    %dma_wait3A_111 = arith.constant 0 : i32
    %dma_wait3A_112 = tpu.memref_slice %arg8[%dma_wait3A_110, %dma_wait3A_111] : memref<84x128xi32, #tpu.memory_space<vmem>> -> memref<1x128xi32, #tpu.memory_space<vmem>>
    %dma_wait3A_113 = tpu.memref_squeeze %dma_wait3A_112 : memref<1x128xi32, #tpu.memory_space<vmem>> -> memref<128xi32, #tpu.memory_space<vmem>>
    %dma_wait3A_114 = arith.constant 0 : i32
    %dma_wait3A_115 = arith.constant 0 : i32
    %dma_wait3A_116 = tpu.memref_slice %arg14[%dma_wait3A_114, %dma_wait3A_115] : memref<10112x64xf32, #tpu.memory_space<vmem_shared>> -> memref<10112x64xf32, #tpu.memory_space<vmem_shared>>
    tpu.wait_indirect_dma semaphore(%arg22 : memref<!tpu.dma_semaphore, #tpu.memory_space<semaphore_mem>>) src(%arg12 : memref<128x64xf32, #tpu.memory_space<vmem>>) dst(%dma_wait3A_116 : memref<10112x64xf32, #tpu.memory_space<vmem_shared>>)
    %barrier3A_117 = arith.constant 0 : index
    tpu.barrier barrier_id(%barrier3A_117)
    %mul3A_118 = arith.constant 632 : i32
    %mul3A_119 = arith.muli %arg1, %mul3A_118 : i32
    %mul3A_120 = arith.constant 632 : i32
    %mul3A_121 = arith.muli %arg1, %mul3A_120 : i32
    %run_scoped3A_122 = arith.constant 1 : i32
    "tpu.region"() ({
      %run_scoped3A_123 = tpu.sem_alloc : memref<!tpu.dma_semaphore, #tpu.memory_space<semaphore_mem>>
      %dma_start3A_124 = arith.constant 0 : i32
      %dma_start3A_125 = tpu.memref_slice %arg6[%arg0, %run_scoped3A_122, %mul3A_121, %dma_start3A_124] : memref<2x2x10112x64xf32, #tpu.memory_space<hbm>> -> memref<1x1x632x64xf32, #tpu.memory_space<hbm>>
      %dma_start3A_126 = tpu.memref_squeeze %dma_start3A_125 : memref<1x1x632x64xf32, #tpu.memory_space<hbm>> -> memref<632x64xf32, #tpu.memory_space<hbm>>
      %dma_start3A_127 = arith.constant 0 : i32
      %dma_start3A_128 = tpu.memref_slice %arg14[%mul3A_119, %dma_start3A_127] : memref<10112x64xf32, #tpu.memory_space<vmem_shared>> -> memref<632x64xf32, #tpu.memory_space<vmem_shared>>
      tpu.enqueue_dma source(%dma_start3A_128 : memref<632x64xf32, #tpu.memory_space<vmem_shared>>) target(%dma_start3A_126 : memref<632x64xf32, #tpu.memory_space<hbm>>) target_semaphore(%run_scoped3A_123 : memref<!tpu.dma_semaphore, #tpu.memory_space<semaphore_mem>>)
      %dma_wait3A_129 = arith.constant 0 : i32
      %dma_wait3A_130 = tpu.memref_slice %arg6[%arg0, %run_scoped3A_122, %mul3A_121, %dma_wait3A_129] : memref<2x2x10112x64xf32, #tpu.memory_space<hbm>> -> memref<1x1x632x64xf32, #tpu.memory_space<hbm>>
      %dma_wait3A_131 = tpu.memref_squeeze %dma_wait3A_130 : memref<1x1x632x64xf32, #tpu.memory_space<hbm>> -> memref<632x64xf32, #tpu.memory_space<hbm>>
      %dma_wait3A_132 = arith.constant 0 : i32
      %dma_wait3A_133 = tpu.memref_slice %arg14[%mul3A_119, %dma_wait3A_132] : memref<10112x64xf32, #tpu.memory_space<vmem_shared>> -> memref<632x64xf32, #tpu.memory_space<vmem_shared>>
      tpu.wait_dma2 semaphore(%run_scoped3A_123 : memref<!tpu.dma_semaphore, #tpu.memory_space<semaphore_mem>>) src(%dma_wait3A_133 : memref<632x64xf32, #tpu.memory_space<vmem_shared>>) dst(%dma_wait3A_131 : memref<632x64xf32, #tpu.memory_space<hbm>>)
      tpu.yield
    }) : () -> ()
    return
  }
}

module attributes {stable_mosaic.version = 14 : i64} {
  func.func @_tc_first_body(%arg0: i32, %arg1: memref<2528x128xf32, #tpu.memory_space<vmem>>, %arg2: memref<128x128xf32, #tpu.memory_space<vmem>>, %arg3: memref<2528x16xf32, #tpu.memory_space<vmem>>, %arg4: memref<2528x16xf32, #tpu.memory_space<vmem>>, %arg5: memref<2528x128xf32, #tpu.memory_space<vmem>>) attributes {dimension_semantics = [#tpu.dimension_semantics<arbitrary>], iteration_bounds = array<i64: 4>, scalar_prefetch = 0 : i64, scratch_operands = 0 : i64, tpu.core_type = #tpu.core_type<tc>, window_params = [{transform_indices = @transform_0, window_bounds = array<i64: 2528, 128>}, {pipeline_mode = #tpu.pipeline_mode<synchronous>, transform_indices = @transform_1, window_bounds = array<i64: 128, 128>}, {transform_indices = @transform_2, window_bounds = array<i64: 2528, 16>}, {transform_indices = @transform_3, window_bounds = array<i64: 2528, 16>}, {transform_indices = @transform_4, window_bounds = array<i64: 2528, 128>}]} {
    %get3A = arith.constant 0 : index
    %get3A_0 = arith.constant 0 : index
    %get3A_1 = vector.load %arg3[%get3A, %get3A_0] : memref<2528x16xf32, #tpu.memory_space<vmem>>, vector<2528x1xf32>
    %get3A_2 = arith.constant 0 : index
    %get3A_3 = arith.constant 0 : index
    %get3A_4 = vector.load %arg4[%get3A_2, %get3A_3] : memref<2528x16xf32, #tpu.memory_space<vmem>>, vector<2528x1xf32>
    %add3A = arith.addf %get3A_1, %get3A_4 : vector<2528x1xf32>
    %gt3A = arith.constant 0.000000e+00 : f32
    %gt3A_5 = vector.broadcast %gt3A : f32 to vector<2528x1xf32>
    %gt3A_6 = arith.cmpf ogt, %add3A, %gt3A_5 : vector<2528x1xf32>
    %rsqrt3A = math.rsqrt %add3A : vector<2528x1xf32>
    %jit3A = arith.constant 0.000000e+00 : f32
    %broadcast_in_dim3A = vector.broadcast %jit3A : f32 to vector<2528x1xf32>
    %select_n3A = arith.select %gt3A_6, %rsqrt3A, %broadcast_in_dim3A : vector<2528x1xi1>, vector<2528x1xf32>
    %get3A_7 = arith.constant 0 : index
    %get3A_8 = arith.constant 0 : index
    %get3A_9 = vector.load %arg1[%get3A_7, %get3A_8] : memref<2528x128xf32, #tpu.memory_space<vmem>>, vector<2528x128xf32>
    %get3A_10 = arith.constant 0 : index
    %get3A_11 = arith.constant 0 : index
    %get3A_12 = vector.load %arg2[%get3A_10, %get3A_11] : memref<128x128xf32, #tpu.memory_space<vmem>>, vector<128x128xf32>
    %dot_general3A = arith.constant dense<0.000000e+00> : vector<2528x128xf32>
    %dot_general3A_13 = tpu.matmul %get3A_9, %get3A_12, %dot_general3A {dimension_numbers = #tpu.dot_dimension_numbers<[1], [0], [0], [1], [0, 0, 1, 1], [], []>, transpose_lhs_hint = false} : vector<2528x128xf32>, vector<128x128xf32>, vector<2528x128xf32> -> vector<2528x128xf32>
    %mul3A = vector.broadcast %select_n3A : vector<2528x1xf32> to vector<2528x128xf32>
    %mul3A_14 = arith.mulf %mul3A, %dot_general3A_13 : vector<2528x128xf32>
    %swap3A = arith.constant 0 : index
    %swap3A_15 = arith.constant 0 : index
    %swap3A_16 = vector.load %arg5[%swap3A, %swap3A_15] : memref<2528x128xf32, #tpu.memory_space<vmem>>, vector<2528x128xf32>
    tpu.vector_store %arg5[%swap3A, %swap3A_15], %mul3A_14 {strides = array<i32>} : memref<2528x128xf32, #tpu.memory_space<vmem>>, vector<2528x128xf32>,
    return
  }
  func.func @transform_0(%arg0: i32) -> (i32, i32) {
    %c0_i32 = arith.constant 0 : i32
    %c0_i32_0 = arith.constant 0 : i32
    return %arg0, %c0_i32 : i32, i32
  }
  func.func @transform_1(%arg0: i32) -> (i32, i32) {
    %c0_i32 = arith.constant 0 : i32
    %c0_i32_0 = arith.constant 0 : i32
    %c0_i32_1 = arith.constant 0 : i32
    return %c0_i32, %c0_i32_0 : i32, i32
  }
  func.func @transform_2(%arg0: i32) -> (i32, i32) {
    %c0_i32 = arith.constant 0 : i32
    %c0_i32_0 = arith.constant 0 : i32
    return %arg0, %c0_i32 : i32, i32
  }
  func.func @transform_3(%arg0: i32) -> (i32, i32) {
    %c0_i32 = arith.constant 0 : i32
    %c0_i32_0 = arith.constant 0 : i32
    return %arg0, %c0_i32 : i32, i32
  }
  func.func @transform_4(%arg0: i32) -> (i32, i32) {
    %c0_i32 = arith.constant 0 : i32
    %c0_i32_0 = arith.constant 0 : i32
    return %arg0, %c0_i32 : i32, i32
  }
}

module attributes {stable_mosaic.version = 14 : i64} {
  func.func @_tc_mid_body(%arg0: i32, %arg1: memref<2528x64xf32, #tpu.memory_space<vmem>>, %arg2: memref<2528x64xf32, #tpu.memory_space<vmem>>, %arg3: memref<2528x64xf32, #tpu.memory_space<vmem>>, %arg4: memref<2528x64xf32, #tpu.memory_space<vmem>>, %arg5: memref<2528x16xf32, #tpu.memory_space<vmem>>, %arg6: memref<2528x16xf32, #tpu.memory_space<vmem>>, %arg7: memref<1x128xf32, #tpu.memory_space<vmem>>, %arg8: memref<128x128xf32, #tpu.memory_space<vmem>>, %arg9: memref<2528x128xf32, #tpu.memory_space<vmem>>) attributes {dimension_semantics = [#tpu.dimension_semantics<arbitrary>], iteration_bounds = array<i64: 4>, scalar_prefetch = 0 : i64, scratch_operands = 0 : i64, tpu.core_type = #tpu.core_type<tc>, window_params = [{transform_indices = @transform_0, window_bounds = array<i64: 2528, 64>}, {transform_indices = @transform_1, window_bounds = array<i64: 2528, 64>}, {transform_indices = @transform_2, window_bounds = array<i64: 2528, 64>}, {transform_indices = @transform_3, window_bounds = array<i64: 2528, 64>}, {transform_indices = @transform_4, window_bounds = array<i64: 2528, 16>}, {transform_indices = @transform_5, window_bounds = array<i64: 2528, 16>}, {pipeline_mode = #tpu.pipeline_mode<synchronous>, transform_indices = @transform_6, window_bounds = array<i64: 1, 128>}, {pipeline_mode = #tpu.pipeline_mode<synchronous>, transform_indices = @transform_7, window_bounds = array<i64: 128, 128>}, {transform_indices = @transform_8, window_bounds = array<i64: 2528, 128>}]} {
    %get3A = arith.constant 0 : index
    %get3A_0 = arith.constant 0 : index
    %get3A_1 = vector.load %arg5[%get3A, %get3A_0] : memref<2528x16xf32, #tpu.memory_space<vmem>>, vector<2528x1xf32>
    %get3A_2 = arith.constant 0 : index
    %get3A_3 = arith.constant 0 : index
    %get3A_4 = vector.load %arg6[%get3A_2, %get3A_3] : memref<2528x16xf32, #tpu.memory_space<vmem>>, vector<2528x1xf32>
    %add3A = arith.addf %get3A_1, %get3A_4 : vector<2528x1xf32>
    %gt3A = arith.constant 0.000000e+00 : f32
    %gt3A_5 = vector.broadcast %gt3A : f32 to vector<2528x1xf32>
    %gt3A_6 = arith.cmpf ogt, %add3A, %gt3A_5 : vector<2528x1xf32>
    %rsqrt3A = math.rsqrt %add3A : vector<2528x1xf32>
    %jit3A = arith.constant 0.000000e+00 : f32
    %broadcast_in_dim3A = vector.broadcast %jit3A : f32 to vector<2528x1xf32>
    %select_n3A = arith.select %gt3A_6, %rsqrt3A, %broadcast_in_dim3A : vector<2528x1xi1>, vector<2528x1xf32>
    %get3A_7 = arith.constant 0 : index
    %get3A_8 = arith.constant 0 : index
    %get3A_9 = vector.load %arg1[%get3A_7, %get3A_8] : memref<2528x64xf32, #tpu.memory_space<vmem>>, vector<2528x64xf32>
    %get3A_10 = arith.constant 0 : index
    %get3A_11 = arith.constant 0 : index
    %get3A_12 = vector.load %arg2[%get3A_10, %get3A_11] : memref<2528x64xf32, #tpu.memory_space<vmem>>, vector<2528x64xf32>
    %add3A_13 = arith.addf %get3A_9, %get3A_12 : vector<2528x64xf32>
    %mul3A = vector.broadcast %select_n3A : vector<2528x1xf32> to vector<2528x64xf32>
    %mul3A_14 = arith.mulf %mul3A, %add3A_13 : vector<2528x64xf32>
    %get3A_15 = arith.constant 0 : index
    %get3A_16 = arith.constant 0 : index
    %get3A_17 = vector.load %arg7[%get3A_15, %get3A_16] : memref<1x128xf32, #tpu.memory_space<vmem>>, vector<1x64xf32>
    %add3A_18 = vector.broadcast %get3A_17 : vector<1x64xf32> to vector<2528x64xf32>
    %add3A_19 = arith.addf %mul3A_14, %add3A_18 : vector<2528x64xf32>
    %max3A = arith.constant 0.000000e+00 : f32
    %max3A_20 = vector.broadcast %max3A : f32 to vector<2528x64xf32>
    %max3A_21 = arith.maximumf %add3A_19, %max3A_20 : vector<2528x64xf32>
    %get3A_22 = arith.constant 0 : index
    %get3A_23 = arith.constant 0 : index
    %get3A_24 = vector.load %arg3[%get3A_22, %get3A_23] : memref<2528x64xf32, #tpu.memory_space<vmem>>, vector<2528x64xf32>
    %get3A_25 = arith.constant 0 : index
    %get3A_26 = arith.constant 0 : index
    %get3A_27 = vector.load %arg4[%get3A_25, %get3A_26] : memref<2528x64xf32, #tpu.memory_space<vmem>>, vector<2528x64xf32>
    %add3A_28 = arith.addf %get3A_24, %get3A_27 : vector<2528x64xf32>
    %mul3A_29 = vector.broadcast %select_n3A : vector<2528x1xf32> to vector<2528x64xf32>
    %mul3A_30 = arith.mulf %mul3A_29, %add3A_28 : vector<2528x64xf32>
    %get3A_31 = arith.constant 0 : index
    %get3A_32 = arith.constant 64 : index
    %get3A_33 = vector.load %arg7[%get3A_31, %get3A_32] : memref<1x128xf32, #tpu.memory_space<vmem>>, vector<1x64xf32>
    %add3A_34 = vector.broadcast %get3A_33 : vector<1x64xf32> to vector<2528x64xf32>
    %add3A_35 = arith.addf %mul3A_30, %add3A_34 : vector<2528x64xf32>
    %max3A_36 = arith.constant 0.000000e+00 : f32
    %max3A_37 = vector.broadcast %max3A_36 : f32 to vector<2528x64xf32>
    %max3A_38 = arith.maximumf %add3A_35, %max3A_37 : vector<2528x64xf32>
    %concatenate3A = tpu.concatenate %max3A_21, %max3A_38 in 1 : vector<2528x64xf32>, vector<2528x64xf32> -> vector<2528x128xf32>
    %get3A_39 = arith.constant 0 : index
    %get3A_40 = arith.constant 0 : index
    %get3A_41 = vector.load %arg8[%get3A_39, %get3A_40] : memref<128x128xf32, #tpu.memory_space<vmem>>, vector<128x128xf32>
    %dot_general3A = arith.constant dense<0.000000e+00> : vector<2528x128xf32>
    %dot_general3A_42 = tpu.matmul %concatenate3A, %get3A_41, %dot_general3A {dimension_numbers = #tpu.dot_dimension_numbers<[1], [0], [0], [1], [0, 0, 1, 1], [], []>, transpose_lhs_hint = false} : vector<2528x128xf32>, vector<128x128xf32>, vector<2528x128xf32> -> vector<2528x128xf32>
    %mul3A_43 = vector.broadcast %select_n3A : vector<2528x1xf32> to vector<2528x128xf32>
    %mul3A_44 = arith.mulf %mul3A_43, %dot_general3A_42 : vector<2528x128xf32>
    %swap3A = arith.constant 0 : index
    %swap3A_45 = arith.constant 0 : index
    %swap3A_46 = vector.load %arg9[%swap3A, %swap3A_45] : memref<2528x128xf32, #tpu.memory_space<vmem>>, vector<2528x128xf32>
    tpu.vector_store %arg9[%swap3A, %swap3A_45], %mul3A_44 {strides = array<i32>} : memref<2528x128xf32, #tpu.memory_space<vmem>>, vector<2528x128xf32>,
    return
  }
  func.func @transform_0(%arg0: i32) -> (i32, i32) {
    %c0_i32 = arith.constant 0 : i32
    %c0_i32_0 = arith.constant 0 : i32
    return %arg0, %c0_i32 : i32, i32
  }
  func.func @transform_1(%arg0: i32) -> (i32, i32) {
    %c0_i32 = arith.constant 0 : i32
    %c0_i32_0 = arith.constant 0 : i32
    return %arg0, %c0_i32 : i32, i32
  }
  func.func @transform_2(%arg0: i32) -> (i32, i32) {
    %c0_i32 = arith.constant 0 : i32
    %c0_i32_0 = arith.constant 0 : i32
    return %arg0, %c0_i32 : i32, i32
  }
  func.func @transform_3(%arg0: i32) -> (i32, i32) {
    %c0_i32 = arith.constant 0 : i32
    %c0_i32_0 = arith.constant 0 : i32
    return %arg0, %c0_i32 : i32, i32
  }
  func.func @transform_4(%arg0: i32) -> (i32, i32) {
    %c0_i32 = arith.constant 0 : i32
    %c0_i32_0 = arith.constant 0 : i32
    return %arg0, %c0_i32 : i32, i32
  }
  func.func @transform_5(%arg0: i32) -> (i32, i32) {
    %c0_i32 = arith.constant 0 : i32
    %c0_i32_0 = arith.constant 0 : i32
    return %arg0, %c0_i32 : i32, i32
  }
  func.func @transform_6(%arg0: i32) -> (i32, i32) {
    %c0_i32 = arith.constant 0 : i32
    %c0_i32_0 = arith.constant 0 : i32
    %c0_i32_1 = arith.constant 0 : i32
    return %c0_i32, %c0_i32_0 : i32, i32
  }
  func.func @transform_7(%arg0: i32) -> (i32, i32) {
    %c0_i32 = arith.constant 0 : i32
    %c0_i32_0 = arith.constant 0 : i32
    %c0_i32_1 = arith.constant 0 : i32
    return %c0_i32, %c0_i32_0 : i32, i32
  }
  func.func @transform_8(%arg0: i32) -> (i32, i32) {
    %c0_i32 = arith.constant 0 : i32
    %c0_i32_0 = arith.constant 0 : i32
    return %arg0, %c0_i32 : i32, i32
  }
}

module attributes {stable_mosaic.version = 14 : i64} {
  func.func @_tc_last_body(%arg0: i32, %arg1: memref<2528x64xf32, #tpu.memory_space<vmem>>, %arg2: memref<2528x64xf32, #tpu.memory_space<vmem>>, %arg3: memref<2528x64xf32, #tpu.memory_space<vmem>>, %arg4: memref<2528x64xf32, #tpu.memory_space<vmem>>, %arg5: memref<2528x16xf32, #tpu.memory_space<vmem>>, %arg6: memref<2528x16xf32, #tpu.memory_space<vmem>>, %arg7: memref<1x128xf32, #tpu.memory_space<vmem>>, %arg8: memref<128x128xf32, #tpu.memory_space<vmem>>, %arg9: memref<1x128xf32, #tpu.memory_space<vmem>>, %arg10: memref<2528x128xf32, #tpu.memory_space<vmem>>) attributes {dimension_semantics = [#tpu.dimension_semantics<arbitrary>], iteration_bounds = array<i64: 4>, scalar_prefetch = 0 : i64, scratch_operands = 0 : i64, tpu.core_type = #tpu.core_type<tc>, window_params = [{transform_indices = @transform_0, window_bounds = array<i64: 2528, 64>}, {transform_indices = @transform_1, window_bounds = array<i64: 2528, 64>}, {transform_indices = @transform_2, window_bounds = array<i64: 2528, 64>}, {transform_indices = @transform_3, window_bounds = array<i64: 2528, 64>}, {transform_indices = @transform_4, window_bounds = array<i64: 2528, 16>}, {transform_indices = @transform_5, window_bounds = array<i64: 2528, 16>}, {pipeline_mode = #tpu.pipeline_mode<synchronous>, transform_indices = @transform_6, window_bounds = array<i64: 1, 128>}, {pipeline_mode = #tpu.pipeline_mode<synchronous>, transform_indices = @transform_7, window_bounds = array<i64: 128, 128>}, {pipeline_mode = #tpu.pipeline_mode<synchronous>, transform_indices = @transform_8, window_bounds = array<i64: 1, 128>}, {transform_indices = @transform_9, window_bounds = array<i64: 2528, 128>}]} {
    %get3A = arith.constant 0 : index
    %get3A_0 = arith.constant 0 : index
    %get3A_1 = vector.load %arg5[%get3A, %get3A_0] : memref<2528x16xf32, #tpu.memory_space<vmem>>, vector<2528x1xf32>
    %get3A_2 = arith.constant 0 : index
    %get3A_3 = arith.constant 0 : index
    %get3A_4 = vector.load %arg6[%get3A_2, %get3A_3] : memref<2528x16xf32, #tpu.memory_space<vmem>>, vector<2528x1xf32>
    %add3A = arith.addf %get3A_1, %get3A_4 : vector<2528x1xf32>
    %gt3A = arith.constant 0.000000e+00 : f32
    %gt3A_5 = vector.broadcast %gt3A : f32 to vector<2528x1xf32>
    %gt3A_6 = arith.cmpf ogt, %add3A, %gt3A_5 : vector<2528x1xf32>
    %rsqrt3A = math.rsqrt %add3A : vector<2528x1xf32>
    %jit3A = arith.constant 0.000000e+00 : f32
    %broadcast_in_dim3A = vector.broadcast %jit3A : f32 to vector<2528x1xf32>
    %select_n3A = arith.select %gt3A_6, %rsqrt3A, %broadcast_in_dim3A : vector<2528x1xi1>, vector<2528x1xf32>
    %get3A_7 = arith.constant 0 : index
    %get3A_8 = arith.constant 0 : index
    %get3A_9 = vector.load %arg1[%get3A_7, %get3A_8] : memref<2528x64xf32, #tpu.memory_space<vmem>>, vector<2528x64xf32>
    %get3A_10 = arith.constant 0 : index
    %get3A_11 = arith.constant 0 : index
    %get3A_12 = vector.load %arg2[%get3A_10, %get3A_11] : memref<2528x64xf32, #tpu.memory_space<vmem>>, vector<2528x64xf32>
    %add3A_13 = arith.addf %get3A_9, %get3A_12 : vector<2528x64xf32>
    %mul3A = vector.broadcast %select_n3A : vector<2528x1xf32> to vector<2528x64xf32>
    %mul3A_14 = arith.mulf %mul3A, %add3A_13 : vector<2528x64xf32>
    %get3A_15 = arith.constant 0 : index
    %get3A_16 = arith.constant 0 : index
    %get3A_17 = vector.load %arg7[%get3A_15, %get3A_16] : memref<1x128xf32, #tpu.memory_space<vmem>>, vector<1x64xf32>
    %add3A_18 = vector.broadcast %get3A_17 : vector<1x64xf32> to vector<2528x64xf32>
    %add3A_19 = arith.addf %mul3A_14, %add3A_18 : vector<2528x64xf32>
    %max3A = arith.constant 0.000000e+00 : f32
    %max3A_20 = vector.broadcast %max3A : f32 to vector<2528x64xf32>
    %max3A_21 = arith.maximumf %add3A_19, %max3A_20 : vector<2528x64xf32>
    %get3A_22 = arith.constant 0 : index
    %get3A_23 = arith.constant 0 : index
    %get3A_24 = vector.load %arg3[%get3A_22, %get3A_23] : memref<2528x64xf32, #tpu.memory_space<vmem>>, vector<2528x64xf32>
    %get3A_25 = arith.constant 0 : index
    %get3A_26 = arith.constant 0 : index
    %get3A_27 = vector.load %arg4[%get3A_25, %get3A_26] : memref<2528x64xf32, #tpu.memory_space<vmem>>, vector<2528x64xf32>
    %add3A_28 = arith.addf %get3A_24, %get3A_27 : vector<2528x64xf32>
    %mul3A_29 = vector.broadcast %select_n3A : vector<2528x1xf32> to vector<2528x64xf32>
    %mul3A_30 = arith.mulf %mul3A_29, %add3A_28 : vector<2528x64xf32>
    %get3A_31 = arith.constant 0 : index
    %get3A_32 = arith.constant 64 : index
    %get3A_33 = vector.load %arg7[%get3A_31, %get3A_32] : memref<1x128xf32, #tpu.memory_space<vmem>>, vector<1x64xf32>
    %add3A_34 = vector.broadcast %get3A_33 : vector<1x64xf32> to vector<2528x64xf32>
    %add3A_35 = arith.addf %mul3A_30, %add3A_34 : vector<2528x64xf32>
    %max3A_36 = arith.constant 0.000000e+00 : f32
    %max3A_37 = vector.broadcast %max3A_36 : f32 to vector<2528x64xf32>
    %max3A_38 = arith.maximumf %add3A_35, %max3A_37 : vector<2528x64xf32>
    %concatenate3A = tpu.concatenate %max3A_21, %max3A_38 in 1 : vector<2528x64xf32>, vector<2528x64xf32> -> vector<2528x128xf32>
    %get3A_39 = arith.constant 0 : index
    %get3A_40 = arith.constant 0 : index
    %get3A_41 = vector.load %arg8[%get3A_39, %get3A_40] : memref<128x128xf32, #tpu.memory_space<vmem>>, vector<128x128xf32>
    %dot_general3A = arith.constant dense<0.000000e+00> : vector<2528x128xf32>
    %dot_general3A_42 = tpu.matmul %concatenate3A, %get3A_41, %dot_general3A {dimension_numbers = #tpu.dot_dimension_numbers<[1], [0], [0], [1], [0, 0, 1, 1], [], []>, transpose_lhs_hint = false} : vector<2528x128xf32>, vector<128x128xf32>, vector<2528x128xf32> -> vector<2528x128xf32>
    %get3A_43 = arith.constant 0 : index
    %get3A_44 = arith.constant 0 : index
    %get3A_45 = vector.load %arg9[%get3A_43, %get3A_44] : memref<1x128xf32, #tpu.memory_space<vmem>>, vector<1x128xf32>
    %add3A_46 = vector.broadcast %get3A_45 : vector<1x128xf32> to vector<2528x128xf32>
    %add3A_47 = arith.addf %dot_general3A_42, %add3A_46 : vector<2528x128xf32>
    %swap3A = arith.constant 0 : index
    %swap3A_48 = arith.constant 0 : index
    %swap3A_49 = vector.load %arg10[%swap3A, %swap3A_48] : memref<2528x128xf32, #tpu.memory_space<vmem>>, vector<2528x128xf32>
    tpu.vector_store %arg10[%swap3A, %swap3A_48], %add3A_47 {strides = array<i32>} : memref<2528x128xf32, #tpu.memory_space<vmem>>, vector<2528x128xf32>,
    return
  }
  func.func @transform_0(%arg0: i32) -> (i32, i32) {
    %c0_i32 = arith.constant 0 : i32
    %c0_i32_0 = arith.constant 0 : i32
    return %arg0, %c0_i32 : i32, i32
  }
  func.func @transform_1(%arg0: i32) -> (i32, i32) {
    %c0_i32 = arith.constant 0 : i32
    %c0_i32_0 = arith.constant 0 : i32
    return %arg0, %c0_i32 : i32, i32
  }
  func.func @transform_2(%arg0: i32) -> (i32, i32) {
    %c0_i32 = arith.constant 0 : i32
    %c0_i32_0 = arith.constant 0 : i32
    return %arg0, %c0_i32 : i32, i32
  }
  func.func @transform_3(%arg0: i32) -> (i32, i32) {
    %c0_i32 = arith.constant 0 : i32
    %c0_i32_0 = arith.constant 0 : i32
    return %arg0, %c0_i32 : i32, i32
  }
  func.func @transform_4(%arg0: i32) -> (i32, i32) {
    %c0_i32 = arith.constant 0 : i32
    %c0_i32_0 = arith.constant 0 : i32
    return %arg0, %c0_i32 : i32, i32
  }
  func.func @transform_5(%arg0: i32) -> (i32, i32) {
    %c0_i32 = arith.constant 0 : i32
    %c0_i32_0 = arith.constant 0 : i32
    return %arg0, %c0_i32 : i32, i32
  }
  func.func @transform_6(%arg0: i32) -> (i32, i32) {
    %c0_i32 = arith.constant 0 : i32
    %c0_i32_0 = arith.constant 0 : i32
    %c0_i32_1 = arith.constant 0 : i32
    return %c0_i32, %c0_i32_0 : i32, i32
  }
  func.func @transform_7(%arg0: i32) -> (i32, i32) {
    %c0_i32 = arith.constant 0 : i32
    %c0_i32_0 = arith.constant 0 : i32
    %c0_i32_1 = arith.constant 0 : i32
    return %c0_i32, %c0_i32_0 : i32, i32
  }
  func.func @transform_8(%arg0: i32) -> (i32, i32) {
    %c0_i32 = arith.constant 0 : i32
    %c0_i32_0 = arith.constant 0 : i32
    %c0_i32_1 = arith.constant 0 : i32
    return %c0_i32, %c0_i32_0 : i32, i32
  }
  func.func @transform_9(%arg0: i32) -> (i32, i32) {
    %c0_i32 = arith.constant 0 : i32
    %c0_i32_0 = arith.constant 0 : i32
    return %arg0, %c0_i32 : i32, i32
  }
}

</mosaic_0001>

<sc_bundles>
// kernel: kernel.10.cloned.1.call-start
scs
__scs_entry_jumppad:
0x0: {  	(pc) =	sbr.rel $0x88, $3  }
0x1: {  	(tag) =	ssettag $0x0;
	lr =	simm.s32 $0x1  }
0x2: {  	[smem:$0x3F97] =	sst lr;
	_ =	strace $0xD0000000  }
0x3: {  	_ = 	snop  }
0x4: {  	_ = 	snop  }
0x5: {  	_ = 	snop  }
0x6: {  	_ = 	snop  }
0x7: {  	_ = 	snop  }
__scs_overlays_trampoline_lowered:
0x8: {  	[smem:$0x3FA6] =	sst s0  }
0x9: {  	[smem:$0x3FA7] =	sst s1  }
0xa: {  	[smem:$0x3FA8] =	sst s2  }
0xb: {  	[smem:$0x3FA9] =	sst s3  }
0xc: {  	[smem:$0x3FAA] =	sst s4  }
0xd: {  	[smem:$0x3FAB] =	sst s5  }
0xe: {  	[smem:$0x3FAC] =	sst s6  }
0xf: {  	[smem:$0x3FAD] =	sst s7  }
0x10: {  	[smem:$0x3FAE] =	sst s8  }
0x11: {  	[smem:$0x3FAF] =	sst s9;
	s0 =	simm.s32 @!p0 $0x0  }
0x12: {  	s1 =	sld [smem:$0x3F95];
	s0 =	simm.s32 @p0 $0x1  }
0x13: {  	[smem:$0x3FB0] =	sst s0;
	s0 =	simm.s32 @!p1 $0x0  }
0x14: {  	s2 =	sld [smem:$0x3F94];
	s0 =	simm.s32 @p1 $0x1  }
0x15: {  	[smem:$0x3FB1] =	sst s0;
	s0 =	simm.s32 @!p2 $0x0  }
0x16: {  	s3 =	sld [smem:$0x3FDB];
	s0 =	simm.s32 @p2 $0x1  }
0x17: {  	s4 =	simm.s32 $0x1BF5;
	[smem:$0x3FB3] =	sst s0  }
0x18: {  	s0 =	sld [smem:$0x3F96];
	_ =	swait.ge [sflag:s4], $0x0  }
0x19: {  	s7 =	sld [smem:$0x3F97]  }
0x1a: {  	s8 =	sadd.s32 $0xFFFFE003, lr  }
0x1b: {  	s9 =	sadd.s32 $0xFFFFFEF7, lr;
	s5 =	simm.s32 $0xFFFFFFFF;
	p2 =	slt.u32 s8, $0xFFFFF086  }
0x1c: {  	p1 =	slt.u32 s9, $0xF7A;
	s5 =	simm.s32 @!p2 $0x0  }
0x1d: {  	s5 =	simm.s32 @p1 $0x1;
	p0 =	seq.s32 s7, s2  }
0x1e: {  	s7 =	smul.u32 @!p0 $0xF7A, s2;
	p2 =	seq.s32 @!p0 s5, $0x0  }
0x1f: {  	s9 =	smul.u32 $0xF7A, s1;
	s8 =	simm.s32 @!p0 $0x1BF5;
	p2 =	por !p2, p0  }
0x20: {  	[sflag:s8] =	ssyncset.s32 @!p0 $0xFFFFF086;
	s6 =	sadd.s32 @!p0 s3, s7;
	s7 =	simm.s32 @!p0 $0x108  }
0x21: {  	s3 =	sadd.s32 s3, s9;
	s6 =	sadd.s32 @!p0 $0x88, s6;
	s7 =	simm.s32 @p2 $0x1082  }
0x22: {  	[simem:s7], [sflag:s8] =	dma.local @!p0 [hbm:s6], $0xF7A  }
0x23: {  	s9 =	sor.u32 $0xD0000000, s2;
	s6 =	simm.s32 $0x108;
	_ =	swait.ge @!p0 [sflag:s8], $0x0  }
0x24: {  	s3 =	sadd.s32 $0x88, s3;
	s6 =	simm.s32 @!p1 $0x1082;
	[sflag:s4] =	ssyncset.s32 $0xFFFFF086  }
0x25: {  	[simem:s6], [sflag:s4] =	dma.local [hbm:s3], $0xF7A  }
0x26: {  	[smem:$0x3F97] =	sst s1;
	(tag) =	ssettag s2;
	_ =	strace s9  }
0x27: {  	s1 =	sld [smem:$0x3FA7]  }
0x28: {  	s2 =	sld [smem:$0x3FA8]  }
0x29: {  	s4 =	sld [smem:$0x3FAA]  }
0x2a: {  	p0 =	seq.s32 s5, $0x0;
	s5 =	sld [smem:$0x3FAB]  }
0x2b: {  	s6 =	sld [smem:$0x3FAC]  }
0x2c: {  	s7 =	sld [smem:$0x3FAD]  }
0x2d: {  	s3 =	simm.s32 $0x108;
	s8 =	sld [smem:$0x3FAE]  }
0x2e: {  	s3 =	simm.s32 @!p0 $0x1082;
	s9 =	sld [smem:$0x3FAF]  }
0x2f: {  	lr =	sadd.s32 s0, s3;
	s0 =	sld [smem:$0x3FA6]  }
0x30: {  	s3 =	sld [smem:$0x3FA9]  }
0x31: {  	[smem:$0x3FB2] =	sst s10  }
0x32: {  	s10 =	sld [smem:$0x3FB0];
	_ =	sdelay $0x3  }
0x33: {  	p0 =	seq.s32 s10, $0x1;
	s10 =	sld [smem:$0x3FB2];
	_ =	sdelay $0x3  }
0x34: {  	[smem:$0x3FB2] =	sst s10  }
0x35: {  	s10 =	sld [smem:$0x3FB1];
	_ =	sdelay $0x3  }
0x36: {  	p1 =	seq.s32 s10, $0x1;
	s10 =	sld [smem:$0x3FB2];
	_ =	sdelay $0x3  }
0x37: {  	[smem:$0x3FB2] =	sst s10  }
0x38: {  	s10 =	sld [smem:$0x3FB3]  }
0x39: {  	_ = 	snop;
	(pc) =	sbr.ind lr, $3  }
0x3a: {  	_ = 	snop  }
0x3b: {  	_ = 	snop  }
0x3c: {  	p2 =	seq.s32 s10, $0x1;
	s10 =	sld [smem:$0x3FB2]  }
0x3d: {  	_ =	shalt  }
0x3e: {  	_ =	shalt  }
0x3f: {  	_ =	shalt  }
0x40: {  	_ =	shalt  }
0x41: {  	_ =	shalt  }
0x42: {  	_ =	shalt  }
0x43: {  	_ =	shalt  }
0x44: {  	_ =	shalt  }
0x45: {  	_ =	shalt  }
0x46: {  	_ =	shalt  }
0x47: {  	_ =	shalt  }
0x48: {  	_ =	shalt  }
0x49: {  	_ =	shalt  }
0x4a: {  	_ =	shalt  }
0x4b: {  	_ =	shalt  }
0x4c: {  	_ =	shalt  }
0x4d: {  	_ =	shalt  }
0x4e: {  	_ =	shalt  }
0x4f: {  	_ =	shalt  }
0x50: {  	_ =	shalt  }
0x51: {  	_ =	shalt  }
0x52: {  	_ =	shalt  }
0x53: {  	_ =	shalt  }
0x54: {  	_ =	shalt  }
0x55: {  	_ =	shalt  }
0x56: {  	_ =	shalt  }
0x57: {  	_ =	shalt  }
0x58: {  	_ =	shalt  }
0x59: {  	_ =	shalt  }
0x5a: {  	_ =	shalt  }
0x5b: {  	_ =	shalt  }
0x5c: {  	_ =	shalt  }
0x5d: {  	_ =	shalt  }
0x5e: {  	_ =	shalt  }
0x5f: {  	_ =	shalt  }
0x60: {  	_ =	shalt  }
0x61: {  	_ =	shalt  }
0x62: {  	_ =	shalt  }
0x63: {  	_ =	shalt  }
0x64: {  	_ =	shalt  }
0x65: {  	_ =	shalt  }
0x66: {  	_ =	shalt  }
0x67: {  	_ =	shalt  }
0x68: {  	_ =	shalt  }
0x69: {  	_ =	shalt  }
0x6a: {  	_ =	shalt  }
0x6b: {  	_ =	shalt  }
0x6c: {  	_ =	shalt  }
0x6d: {  	_ =	shalt  }
0x6e: {  	_ =	shalt  }
0x6f: {  	_ =	shalt  }
0x70: {  	_ =	shalt  }
0x71: {  	_ =	shalt  }
0x72: {  	_ =	shalt  }
0x73: {  	_ =	shalt  }
0x74: {  	_ =	shalt  }
0x75: {  	_ =	shalt  }
0x76: {  	_ =	shalt  }
0x77: {  	_ =	shalt  }
0x78: {  	_ =	shalt  }
0x79: {  	_ =	shalt  }
0x7a: {  	_ =	shalt  }
0x7b: {  	_ =	shalt  }
0x7c: {  	_ =	shalt  }
0x7d: {  	_ =	shalt  }
0x7e: {  	_ =	shalt  }
0x7f: {  	_ =	shalt  }
0x80: {  	_ =	shalt  }
0x81: {  	_ =	shalt  }
0x82: {  	_ =	shalt  }
0x83: {  	_ =	shalt  }
0x84: {  	_ =	shalt  }
0x85: {  	_ =	shalt  }
0x86: {  	_ =	shalt  }
0x87: {  	_ =	shalt  }
.Lfunc_end0:
.L_simem_size_0:
called_computation_lowered:
.L_overlay_start_0:
0x88: {  	s2 =	sld [smem:$0x3FD9]  }
0x89: {  	s3 =	sld [smem:$0x3FFE];
	_ =	sdelay $0x1  }
0x8a: {  	s1 =	srdreg.scid  }
0x8b: {  	s0 =	sand.u32 $0x1, s1  }
0x8c: {  	s16 =	sshll.u32 s0, $0xA;
	s2 =	sadd.s32 s3, s2  }
0x8d: {  	s2 =	sadd.s32 s2, s16  }
0x8e: {  	[smem:$0x3FBE] =	sst s2  }
0x8f: {  	_ = 	snop  }
0x90: {  	(tm) =	ssettm $0x1  }
0x91: {  	s17 =	sld [smem:$0x3FFB];
	_ =	sdelay $0x3  }
0x92: {  	_ =	strace s17  }
0x93: {  	s2 =	sld [smem:$0x3FFC];
	_ =	sdelay $0x3  }
0x94: {  	_ =	strace s2  }
0x95: {  	s2 =	sld [smem:$0x3FFD];
	_ =	sdelay $0x3  }
0x96: {  	_ =	strace s2  }
0x97: {  	_ =	strace $0x8FFFFFFF  }
0x98: {  	s18 =	sld [smem:$0x3FDB];
	_ =	sdelay $0x1  }
0x99: {  	s19 =	simm.s32 $_scs_section_size  }
0x9a: {  	s4 =	simm.s32 $_size__tile_overlayer_lowered;
	s5 =	simm.s32 $_tile_overlayer_lowered  }
0x9b: {  	s22 =	simm.s32 $0x1BFF;
	s21 =	sshll.u32 s5, $0x1;
	s2 =	sadd.s32 s19, s18  }
0x9c: {  	s6 =	simm.s32 $0x0;
	s20 =	sshll.u32 s4, $0x1;
	s4 =	sadd.s32 s21, s2  }
0x9d: {  	[timem:s6], [sflag:s22] =	dma.local [hbm:s4], s20  }
0x9e: {  	_ =	swait.ge [sflag:s22], s20  }
0x9f: {  	s3 =	ssub.s32 $0x0, s20;
	[sflag:s22] =	ssyncset.done $0x0  }
0xa0: {  	[sflag:s22] =	ssyncadd.s32 s3;
	_ =	sdelay $0x1  }
0xa1: {  	s23 =	simm.s32 $0x1B8B  }
0xa2: {  	_ =	swait.ge [sflag:s23], $0x1  }
0xa3: {  	[sflag:s23] =	ssyncset.done $0x0  }
0xa4: {  	s25 =	simm.s32 $0x1B8E;
	s24 =	sld [smem:$0x3FFE];
	[sflag:s23] =	ssyncadd.s32 $0xFFFFFFFF  }
0xa5: {  	s26 =	simm.s32 $execute0_lowered;
	[smem:$0x3FD2] =	sst s25  }
0xa6: {  	s4 =	sshll.u32 s26, $0x1;
	_ =	strace $0x80000046;
	[dreg:$0x1] =	wrdreg $0xFFFFFFFF  }
0xa7: {  	s28 =	simm.s32 $_size_execute0_lowered;
	s2 =	sadd.s32 s2, s4;
	[dreg:$0x0] =	wrdreg $0x0  }
0xa8: {  	s4 =	sshll.u32 s28, $0x1;
	[dreg:$0x2] =	wrdreg s2  }
0xa9: {  	[dreg:$0x3] =	wrdreg s4  }
0xaa: {  	[dreg:$0x4] =	wrdreg $0xC0  }
0xab: {  	_ =	task [dreg:s6], $0x5FFFF  }
0xac: {  	[dreg:$0x1] =	wrdreg $0xFFFFFFFF  }
0xad: {  	[dreg:$0x0] =	wrdreg $0x60  }
0xae: {  	[dreg:$0x2] =	wrdreg s24  }
0xaf: {  	[dreg:$0x3] =	wrdreg $0x45C00  }
0xb0: {  	[dreg:$0x4] =	wrdreg $0x9  }
0xb1: {  	_ =	task.clear_ibuf [dreg:s6], $0x5FFFF;
	_ =	strace $0x90000046  }
0xb2: {  	s29 =	simm.s32 $0x9;
	_ =	strace $0x80000048  }
0xb3: {  	_ =	swait.ge [sflag:s29], $0x1  }
0xb4: {  	[sflag:s29] =	ssyncadd.s32 $0xFFFFFFFF  }
0xb5: {  	_ =	strace $0x90000048  }
0xb6: {  	_ =	sfence  }
0xb7: {  	s30 =	sld [smem:$0x0];
	_ =	sdelay $0x2  }
0xb8: {  	s31 =	sshll.u32 s1, $0xD;
	s1 =	sshrl.u32 s1, $0x2  }
0xb9: {  	s3 =	sand.u32 $0x4000, s31;
	s1 =	sadd.s32 s1, s30  }
0xba: {  	s0 =	sor.u32 s3, s0;
	s1 =	sshll.u32 s1, $0x11  }
0xbb: {  	s0 =	sor.u32 s1, s0  }
0xbc: {  	s0 =	sadd.s32 $0x8F2B, s0  }
0xbd: {  	[sflag:s0] =	ssyncadd.remote.s32 $0x1  }
0xbe: {  	_ =	sfence.sel $0xFFFF  }
0xbf: {  	[dreg:$0x0] =	wrdreg $0xFFFFFFFF;
	(pc) =	sbr.abs _section_cstart, $3  }
0xc0: {  	[dreg:$0x1] =	wrdreg $0xFFFFFFFF  }
0xc1: {  	_ =	task.clear_ibuf [dreg:s6], $0x2FFFF;
	_ =	strace $0x9FFFFFFF  }
0xc2: {  	(tm) =	ssettm $0x7FFFFFFF  }
0xc3: {  	_ =	shalt  }
tec
execute0_lowered:
.L_overlay_start_1:
0x0: {  	(tag) =	ssettag $0x1  }
0x1: {  	s4 =	rddreg [dreg:$0x0];
	s0 =	srdreg.scid  }
0x2: {  	s2 =	rddreg [dreg:$0x1];
	s1 =	stileid.u32  }
0x3: {  	s3 =	simm.s32 $0x0;
	s11 =	simm.s32 $0x80;
	s12 =	simm.s32 $0x2A00  }
0x4: {  	s5 =	sand.u32 $0x1, s0;
	s0 =	rddreg [dreg:$0x2];
	s7 =	smul.u32 $0x2780, s1  }
0x5: {  	s13 =	simm.s32 $0x1;
	[smem:$0x7FF] =	sst s3;
	s9 =	smul.u32 $0x9E00, s1  }
0x6: {  	s14 =	sshll.u32 s1, $0x6;
	s6 =	sshll.u32 s5, $0x4;
	s8 =	smul.u32 $0x27800, s5  }
0x7: {  	_ =	strace $0x80000047;
	s5 =	ssub.s32 $0x2, s5;
	s14 =	sor.u32 $0x1C02, s14  }
0x8: {  	s6 =	sor.u32 s1, s6;
	s30 =	sshrl.u32 s5, $0x1;
	s9 =	sshrl.u32 s9, $0x2  }
0x9: {  	s6 =	smul.u32 $0x540, s6;
	s8 =	sadd.s32 s7, s8;
	s10 =	ssub.s32 s5, s30  }
0xa: {  	s31 =	sadd.s32 s9, s2;
	s5 =	sadd.s32 s7, s2;
	s9 =	simm.s32 $0x2  }
0xb: {  	s8 =	sshrl.u32 s8, $0x3;
	s15 =	sshrl.u32 s5, $0x3;
	s6 =	sadd.s32 s6, s4  }
0xc: {  	s8 =	sadd.s32 s8, s4;
	s4 =	sadd.s32 $0x3400, s6;
	s6 =	sadd.s32 $0x13C0, s31  }
0xd: {  	v0 =	vimm.f32 $1.000000000e+00;
	v1 =	vimm.f32 $0.0e+00;
	s7 =	sadd.s32 $0xDC00, s8;
	s8 =	smax.u32 s10, $0x1;
	s10 =	simm.s32 $0x3200  }
.LBB2_1:
0xe: {  	s16 =	simm.s32 $0x0  }
.LBB2_2:
0xf: {  	p0 =	sne.s32 s16, $0x1FC0  }
.Ltmp0:
0x10: {  	_ = 	snop;
	(pc) =	sbr.rel @p0 .LBB2_2-.Ltmp0, $3  }
0x11: {  	_ =	sdelay $0x1  }
0x12: {  	s17 =	sshra.s32 s16, $0x2  }
0x13: {  	s16 =	sadd.s32 $0x40, s16;
	[tilespmem:s17+$0x2A00] =	vst v0  }
0x14: {  	s16 =	simm.s32 $0x40;
	s17 =	simm.s32 $0x0  }
.LBB2_4:
0x15: {  	p0 =	sne.s32 s16, $0x4EC0;
	[tilespmem:s17+$0x3200] =	vst v1;
	s17 =	smov.u32 s16;
	s16 =	sadd.s32 $0x40, s16  }
.Ltmp1:
0x16: {  	(pc) =	sbr.rel @p0 .LBB2_4-.Ltmp1, $2  }
0x17: {  	_ =	sdelay $0x2  }
0x18: {  	s17 =	sshra.s32 s17, $0x2  }
0x19: {  	[tilespmem:s17+$0x3200] =	vst v1;
	s16 =	simm.s32 $0x0  }
0x1a: {  	[tilespmem:s16], [sflag:$0x2] =	stream.linear.gather [hbm4b:s4+s16], $0x2A00, $0x38;
	[tilespmem:$0x6D40] =	vst v63  }
0x1b: {  	_ =	swait.ge [sflag:s9], $0x2A00  }
0x1c: {  	[sflag:s9] =	ssyncset.done $0x0  }
0x1d: {  	[sflag:s9] =	ssyncadd.s32 $0xFFFFD600  }
0x1e: {  	[spmem:s5] =	stream.linear.scatter [tilespmem:s10], [sflag:$0x2], $0x13C0, $0x38;
	[tilespmem:$0x6D40] =	vst v63  }
0x1f: {  	_ =	swait.ge [sflag:s9], $0x13C0  }
0x20: {  	[sflag:s9] =	ssyncset.done $0x0  }
0x21: {  	[sflag:s9] =	ssyncadd.s32 $0xFFFFEC40  }
0x22: {  	[spmem:s6] =	stream.linear.scatter [tilespmem:s10], [sflag:$0x2], $0x13C0, $0x38;
	[tilespmem:$0x6D40] =	vst v63  }
0x23: {  	_ =	swait.ge [sflag:s9], $0x13C0  }
0x24: {  	[sflag:s9] =	ssyncset.done $0x0  }
0x25: {  	[sflag:s9] =	ssyncadd.s32 $0xFFFFEC40  }
0x26: {  	s19 =	simm.s32 $0x0;
	[bflag:$0x0] =	sbarrier.arrive $0xFFFF  }
0x27: {  	[spmem:s2] =	stream.indirect.scatter.add.f32 [tilespmem:s12], [sflag:$0x1], $0x10, s19, s11, $0xb8;
	[tilespmem:$0x6D40] =	vst v63  }
0x28: {  	s20 =	simm.s32 $0x80  }
0x29: {  	[spmem:s2] =	stream.indirect.scatter.add.f32 [tilespmem:s12], [sflag:$0x1], $0x10, s20, s11, $0xb8;
	[tilespmem:$0x6D40] =	vst v63  }
0x2a: {  	s21 =	simm.s32 $0x100  }
0x2b: {  	[spmem:s2] =	stream.indirect.scatter.add.f32 [tilespmem:s12], [sflag:$0x1], $0x10, s21, s11, $0xb8;
	[tilespmem:$0x6D40] =	vst v63  }
0x2c: {  	s22 =	simm.s32 $0x180  }
0x2d: {  	[spmem:s2] =	stream.indirect.scatter.add.f32 [tilespmem:s12], [sflag:$0x1], $0x10, s22, s11, $0xb8;
	[tilespmem:$0x6D40] =	vst v63  }
0x2e: {  	s23 =	simm.s32 $0x200  }
0x2f: {  	[spmem:s2] =	stream.indirect.scatter.add.f32 [tilespmem:s12], [sflag:$0x1], $0x10, s23, s11, $0xb8;
	[tilespmem:$0x6D40] =	vst v63  }
0x30: {  	s24 =	simm.s32 $0x280  }
0x31: {  	[spmem:s2] =	stream.indirect.scatter.add.f32 [tilespmem:s12], [sflag:$0x1], $0x10, s24, s11, $0xb8;
	[tilespmem:$0x6D40] =	vst v63  }
0x32: {  	s25 =	simm.s32 $0x300  }
0x33: {  	[spmem:s2] =	stream.indirect.scatter.add.f32 [tilespmem:s12], [sflag:$0x1], $0x10, s25, s11, $0xb8;
	[tilespmem:$0x6D40] =	vst v63  }
0x34: {  	s26 =	simm.s32 $0x380  }
0x35: {  	[spmem:s2] =	stream.indirect.scatter.add.f32 [tilespmem:s12], [sflag:$0x1], $0x10, s26, s11, $0xb8;
	[tilespmem:$0x6D40] =	vst v63  }
0x36: {  	s28 =	simm.s32 $0x400  }
0x37: {  	[spmem:s2] =	stream.indirect.scatter.add.f32 [tilespmem:s12], [sflag:$0x1], $0x10, s28, s11, $0xb8;
	[tilespmem:$0x6D40] =	vst v63  }
0x38: {  	s29 =	simm.s32 $0x480  }
0x39: {  	[spmem:s2] =	stream.indirect.scatter.add.f32 [tilespmem:s12], [sflag:$0x1], $0x10, s29, s11, $0xb8;
	[tilespmem:$0x6D40] =	vst v63  }
0x3a: {  	s30 =	simm.s32 $0x500  }
0x3b: {  	[spmem:s2] =	stream.indirect.scatter.add.f32 [tilespmem:s12], [sflag:$0x1], $0x10, s30, s11, $0xb8;
	[tilespmem:$0x6D40] =	vst v63  }
0x3c: {  	s31 =	simm.s32 $0x580  }
0x3d: {  	[spmem:s2] =	stream.indirect.scatter.add.f32 [tilespmem:s12], [sflag:$0x1], $0x10, s31, s11, $0xb8;
	[tilespmem:$0x6D40] =	vst v63  }
0x3e: {  	_ =	swait.ge [sflag:s13], $0x800  }
0x3f: {  	[sflag:s13] =	ssyncset.done $0x0  }
0x40: {  	[sflag:s13] =	ssyncadd.s32 $0xFFFFF800  }
0x41: {  	_ =	swait.ge [sflag:s13], $0x800  }
0x42: {  	[sflag:s13] =	ssyncset.done $0x0  }
0x43: {  	[sflag:s13] =	ssyncadd.s32 $0xFFFFF800  }
0x44: {  	_ =	swait.ge [sflag:s13], $0x800  }
0x45: {  	[sflag:s13] =	ssyncset.done $0x0  }
0x46: {  	[sflag:s13] =	ssyncadd.s32 $0xFFFFF800  }
0x47: {  	_ =	swait.ge [sflag:s13], $0x800  }
0x48: {  	[sflag:s13] =	ssyncset.done $0x0  }
0x49: {  	[sflag:s13] =	ssyncadd.s32 $0xFFFFF800  }
0x4a: {  	_ =	swait.ge [sflag:s13], $0x800  }
0x4b: {  	[sflag:s13] =	ssyncset.done $0x0  }
0x4c: {  	[sflag:s13] =	ssyncadd.s32 $0xFFFFF800  }
0x4d: {  	_ =	swait.ge [sflag:s13], $0x800  }
0x4e: {  	[sflag:s13] =	ssyncset.done $0x0  }
0x4f: {  	[sflag:s13] =	ssyncadd.s32 $0xFFFFF800  }
0x50: {  	_ =	swait.ge [sflag:s13], $0x800  }
0x51: {  	[sflag:s13] =	ssyncset.done $0x0  }
0x52: {  	[sflag:s13] =	ssyncadd.s32 $0xFFFFF800  }
0x53: {  	_ =	swait.ge [sflag:s13], $0x800  }
0x54: {  	[sflag:s13] =	ssyncset.done $0x0  }
0x55: {  	[sflag:s13] =	ssyncadd.s32 $0xFFFFF800  }
0x56: {  	_ =	swait.ge [sflag:s13], $0x800  }
0x57: {  	[sflag:s13] =	ssyncset.done $0x0  }
0x58: {  	[sflag:s13] =	ssyncadd.s32 $0xFFFFF800  }
0x59: {  	_ =	swait.ge [sflag:s13], $0x800  }
0x5a: {  	[sflag:s13] =	ssyncset.done $0x0  }
0x5b: {  	[sflag:s13] =	ssyncadd.s32 $0xFFFFF800  }
0x5c: {  	_ =	swait.ge [sflag:s13], $0x800  }
0x5d: {  	[sflag:s13] =	ssyncset.done $0x0  }
0x5e: {  	[sflag:s13] =	ssyncadd.s32 $0xFFFFF800  }
0x5f: {  	_ =	swait.ge [sflag:s13], $0x800  }
0x60: {  	s18 =	simm.s32 $0x3000;
	s16 =	simm.s32 $0x1800;
	[sflag:s13] =	ssyncset.done $0x0  }
.LBB2_6:
0x61: {  	s19 =	sshra.s32 s16, $0x2  }
0x62: {  	[sflag:s13] =	ssyncadd.s32 $0xFFFFF800;
	s16 =	smov.u32 s18;
	s17 =	sadd.s32 $0x1800, s18  }
0x63: {  	[spmem:s2] =	stream.indirect.scatter.add.f32 [tilespmem:s12], [sflag:$0x1], $0x10, s19, s11, $0xb8;
	[tilespmem:$0x6D40] =	vst v63  }
0x64: {  	p0 =	sne.s32 s18, $0x9000;
	s18 =	sadd.s32 $0x80, s19  }
0x65: {  	[spmem:s2] =	stream.indirect.scatter.add.f32 [tilespmem:s12], [sflag:$0x1], $0x10, s18, s11, $0xb8;
	[tilespmem:$0x6D40] =	vst v63  }
0x66: {  	s18 =	sadd.s32 $0x100, s19  }
0x67: {  	[spmem:s2] =	stream.indirect.scatter.add.f32 [tilespmem:s12], [sflag:$0x1], $0x10, s18, s11, $0xb8;
	[tilespmem:$0x6D40] =	vst v63  }
0x68: {  	s18 =	sadd.s32 $0x180, s19  }
0x69: {  	[spmem:s2] =	stream.indirect.scatter.add.f32 [tilespmem:s12], [sflag:$0x1], $0x10, s18, s11, $0xb8;
	[tilespmem:$0x6D40] =	vst v63  }
0x6a: {  	s18 =	sadd.s32 $0x200, s19  }
0x6b: {  	[spmem:s2] =	stream.indirect.scatter.add.f32 [tilespmem:s12], [sflag:$0x1], $0x10, s18, s11, $0xb8;
	[tilespmem:$0x6D40] =	vst v63  }
0x6c: {  	s18 =	sadd.s32 $0x280, s19  }
0x6d: {  	[spmem:s2] =	stream.indirect.scatter.add.f32 [tilespmem:s12], [sflag:$0x1], $0x10, s18, s11, $0xb8;
	[tilespmem:$0x6D40] =	vst v63  }
0x6e: {  	s18 =	sadd.s32 $0x300, s19  }
0x6f: {  	[spmem:s2] =	stream.indirect.scatter.add.f32 [tilespmem:s12], [sflag:$0x1], $0x10, s18, s11, $0xb8;
	[tilespmem:$0x6D40] =	vst v63  }
0x70: {  	s18 =	sadd.s32 $0x380, s19  }
0x71: {  	[spmem:s2] =	stream.indirect.scatter.add.f32 [tilespmem:s12], [sflag:$0x1], $0x10, s18, s11, $0xb8;
	[tilespmem:$0x6D40] =	vst v63  }
0x72: {  	s18 =	sadd.s32 $0x400, s19  }
0x73: {  	[spmem:s2] =	stream.indirect.scatter.add.f32 [tilespmem:s12], [sflag:$0x1], $0x10, s18, s11, $0xb8;
	[tilespmem:$0x6D40] =	vst v63  }
0x74: {  	s18 =	sadd.s32 $0x480, s19  }
0x75: {  	[spmem:s2] =	stream.indirect.scatter.add.f32 [tilespmem:s12], [sflag:$0x1], $0x10, s18, s11, $0xb8;
	[tilespmem:$0x6D40] =	vst v63  }
0x76: {  	s18 =	sadd.s32 $0x500, s19  }
0x77: {  	[spmem:s2] =	stream.indirect.scatter.add.f32 [tilespmem:s12], [sflag:$0x1], $0x10, s18, s11, $0xb8;
	[tilespmem:$0x6D40] =	vst v63  }
0x78: {  	s18 =	sadd.s32 $0x580, s19  }
0x79: {  	[spmem:s2] =	stream.indirect.scatter.add.f32 [tilespmem:s12], [sflag:$0x1], $0x10, s18, s11, $0xb8;
	[tilespmem:$0x6D40] =	vst v63  }
0x7a: {  	_ =	swait.ge [sflag:s13], $0x800  }
0x7b: {  	[sflag:s13] =	ssyncset.done $0x0  }
0x7c: {  	[sflag:s13] =	ssyncadd.s32 $0xFFFFF800  }
0x7d: {  	_ =	swait.ge [sflag:s13], $0x800  }
0x7e: {  	[sflag:s13] =	ssyncset.done $0x0  }
0x7f: {  	[sflag:s13] =	ssyncadd.s32 $0xFFFFF800  }
0x80: {  	_ =	swait.ge [sflag:s13], $0x800  }
0x81: {  	[sflag:s13] =	ssyncset.done $0x0  }
0x82: {  	[sflag:s13] =	ssyncadd.s32 $0xFFFFF800  }
0x83: {  	_ =	swait.ge [sflag:s13], $0x800  }
0x84: {  	[sflag:s13] =	ssyncset.done $0x0  }
0x85: {  	[sflag:s13] =	ssyncadd.s32 $0xFFFFF800  }
0x86: {  	_ =	swait.ge [sflag:s13], $0x800  }
0x87: {  	[sflag:s13] =	ssyncset.done $0x0  }
0x88: {  	[sflag:s13] =	ssyncadd.s32 $0xFFFFF800  }
0x89: {  	_ =	swait.ge [sflag:s13], $0x800  }
0x8a: {  	[sflag:s13] =	ssyncset.done $0x0  }
0x8b: {  	[sflag:s13] =	ssyncadd.s32 $0xFFFFF800  }
0x8c: {  	_ =	swait.ge [sflag:s13], $0x800  }
0x8d: {  	[sflag:s13] =	ssyncset.done $0x0  }
0x8e: {  	[sflag:s13] =	ssyncadd.s32 $0xFFFFF800  }
0x8f: {  	_ =	swait.ge [sflag:s13], $0x800  }
0x90: {  	[sflag:s13] =	ssyncset.done $0x0  }
0x91: {  	[sflag:s13] =	ssyncadd.s32 $0xFFFFF800  }
0x92: {  	_ =	swait.ge [sflag:s13], $0x800  }
0x93: {  	[sflag:s13] =	ssyncset.done $0x0  }
0x94: {  	[sflag:s13] =	ssyncadd.s32 $0xFFFFF800  }
0x95: {  	_ =	swait.ge [sflag:s13], $0x800  }
0x96: {  	[sflag:s13] =	ssyncset.done $0x0  }
0x97: {  	[sflag:s13] =	ssyncadd.s32 $0xFFFFF800  }
.Ltmp2:
0x98: {  	_ =	swait.ge [sflag:s13], $0x800;
	(pc) =	sbr.rel @p0 .LBB2_6-.Ltmp2, $4  }
0x99: {  	[sflag:s13] =	ssyncset.done $0x0  }
0x9a: {  	[sflag:s13] =	ssyncadd.s32 $0xFFFFF800  }
0x9b: {  	_ =	swait.ge [sflag:s13], $0x800  }
0x9c: {  	s18 =	smov.u32 s17;
	[sflag:s13] =	ssyncset.done $0x0  }
0x9d: {  	s16 =	sshra.s32 s16, $0x2;
	[sflag:s13] =	ssyncadd.s32 $0xFFFFF800  }
0x9e: {  	[spmem:s2] =	stream.indirect.scatter.add.f32 [tilespmem:s12], [sflag:$0x1], $0x10, s16, s11, $0xb8;
	[tilespmem:$0x6D40] =	vst v63  }
0x9f: {  	s17 =	sadd.s32 $0x80, s16  }
0xa0: {  	[spmem:s2] =	stream.indirect.scatter.add.f32 [tilespmem:s12], [sflag:$0x1], $0x10, s17, s11, $0xb8;
	[tilespmem:$0x6D40] =	vst v63  }
0xa1: {  	s22 =	sadd.s32 $0x100, s16  }
0xa2: {  	[spmem:s2] =	stream.indirect.scatter.add.f32 [tilespmem:s12], [sflag:$0x1], $0x10, s22, s11, $0xb8;
	[tilespmem:$0x6D40] =	vst v63  }
0xa3: {  	s23 =	sadd.s32 $0x180, s16  }
0xa4: {  	[spmem:s2] =	stream.indirect.scatter.add.f32 [tilespmem:s12], [sflag:$0x1], $0x10, s23, s11, $0xb8;
	[tilespmem:$0x6D40] =	vst v63  }
0xa5: {  	s24 =	sadd.s32 $0x200, s16  }
0xa6: {  	[spmem:s2] =	stream.indirect.scatter.add.f32 [tilespmem:s12], [sflag:$0x1], $0x10, s24, s11, $0xb8;
	[tilespmem:$0x6D40] =	vst v63  }
0xa7: {  	s25 =	sadd.s32 $0x280, s16  }
0xa8: {  	[spmem:s2] =	stream.indirect.scatter.add.f32 [tilespmem:s12], [sflag:$0x1], $0x10, s25, s11, $0xb8;
	[tilespmem:$0x6D40] =	vst v63  }
0xa9: {  	s26 =	sadd.s32 $0x300, s16  }
0xaa: {  	[spmem:s2] =	stream.indirect.scatter.add.f32 [tilespmem:s12], [sflag:$0x1], $0x10, s26, s11, $0xb8;
	[tilespmem:$0x6D40] =	vst v63  }
0xab: {  	s28 =	sadd.s32 $0x380, s16  }
0xac: {  	[spmem:s2] =	stream.indirect.scatter.add.f32 [tilespmem:s12], [sflag:$0x1], $0x10, s28, s11, $0xb8;
	[tilespmem:$0x6D40] =	vst v63  }
0xad: {  	s29 =	sadd.s32 $0x400, s16  }
0xae: {  	[spmem:s2] =	stream.indirect.scatter.add.f32 [tilespmem:s12], [sflag:$0x1], $0x10, s29, s11, $0xb8;
	[tilespmem:$0x6D40] =	vst v63  }
0xaf: {  	s30 =	sadd.s32 $0x480, s16  }
0xb0: {  	[spmem:s2] =	stream.indirect.scatter.add.f32 [tilespmem:s12], [sflag:$0x1], $0x10, s30, s11, $0xb8;
	[tilespmem:$0x6D40] =	vst v63  }
0xb1: {  	s31 =	sadd.s32 $0x500, s16  }
0xb2: {  	[spmem:s2] =	stream.indirect.scatter.add.f32 [tilespmem:s12], [sflag:$0x1], $0x10, s31, s11, $0xb8;
	[tilespmem:$0x6D40] =	vst v63  }
0xb3: {  	s16 =	sadd.s32 $0x580, s16  }
0xb4: {  	[spmem:s2] =	stream.indirect.scatter.add.f32 [tilespmem:s12], [sflag:$0x1], $0x10, s16, s11, $0xb8;
	[tilespmem:$0x6D40] =	vst v63  }
0xb5: {  	_ =	swait.ge [sflag:s13], $0x800  }
0xb6: {  	[sflag:s13] =	ssyncset.done $0x0  }
0xb7: {  	[sflag:s13] =	ssyncadd.s32 $0xFFFFF800  }
0xb8: {  	_ =	swait.ge [sflag:s13], $0x800  }
0xb9: {  	[sflag:s13] =	ssyncset.done $0x0  }
0xba: {  	[sflag:s13] =	ssyncadd.s32 $0xFFFFF800  }
0xbb: {  	_ =	swait.ge [sflag:s13], $0x800  }
0xbc: {  	[sflag:s13] =	ssyncset.done $0x0  }
0xbd: {  	[sflag:s13] =	ssyncadd.s32 $0xFFFFF800  }
0xbe: {  	_ =	swait.ge [sflag:s13], $0x800  }
0xbf: {  	[sflag:s13] =	ssyncset.done $0x0  }
0xc0: {  	[sflag:s13] =	ssyncadd.s32 $0xFFFFF800  }
0xc1: {  	_ =	swait.ge [sflag:s13], $0x800  }
0xc2: {  	[sflag:s13] =	ssyncset.done $0x0  }
0xc3: {  	[sflag:s13] =	ssyncadd.s32 $0xFFFFF800  }
0xc4: {  	_ =	swait.ge [sflag:s13], $0x800  }
0xc5: {  	[sflag:s13] =	ssyncset.done $0x0  }
0xc6: {  	[sflag:s13] =	ssyncadd.s32 $0xFFFFF800  }
0xc7: {  	_ =	swait.ge [sflag:s13], $0x800  }
0xc8: {  	[sflag:s13] =	ssyncset.done $0x0  }
0xc9: {  	[sflag:s13] =	ssyncadd.s32 $0xFFFFF800  }
0xca: {  	_ =	swait.ge [sflag:s13], $0x800  }
0xcb: {  	[sflag:s13] =	ssyncset.done $0x0  }
0xcc: {  	[sflag:s13] =	ssyncadd.s32 $0xFFFFF800  }
0xcd: {  	_ =	swait.ge [sflag:s13], $0x800  }
0xce: {  	[sflag:s13] =	ssyncset.done $0x0  }
0xcf: {  	[sflag:s13] =	ssyncadd.s32 $0xFFFFF800  }
0xd0: {  	_ =	swait.ge [sflag:s13], $0x800  }
0xd1: {  	[sflag:s13] =	ssyncset.done $0x0  }
0xd2: {  	[sflag:s13] =	ssyncadd.s32 $0xFFFFF800  }
0xd3: {  	_ =	swait.ge [sflag:s13], $0x800  }
0xd4: {  	[sflag:s13] =	ssyncset.done $0x0  }
0xd5: {  	[sflag:s13] =	ssyncadd.s32 $0xFFFFF800  }
0xd6: {  	_ =	swait.ge [sflag:s13], $0x800  }
0xd7: {  	s3 =	sadd.s32 $0x1, s3;
	[sflag:s13] =	ssyncset.done $0x0  }
0xd8: {  	p0 =	sne.s32 s3, s8;
	[sflag:s13] =	ssyncadd.s32 $0xFFFFF800  }
.Ltmp3:
0xd9: {  	[bflag:$0x0] =	sbarrier.arrive $0xFFFF;
	(pc) =	sbr.rel @p0 .LBB2_1-.Ltmp3, $4  }
0xda: {  	[hbm:s7], [sflag:s14] =	dma.local [spmem:s15], $0x4F0  }
0xdb: {  	_ =	swait.ge [sflag:s9], $0x4F0  }
0xdc: {  	[sflag:s9] =	ssyncset.done $0x0  }
0xdd: {  	[sflag:s9] =	ssyncadd.s32 $0xFFFFFB10  }
0xde: {  	_ =	sfence.sel $0x180000  }
0xdf: {  	[bflag:$0x0] =	sbarrier.arrive $0xFFFF  }
0xe0: {  	p0 =	sne.s32 s1, $0x0;
	_ =	strace $0x90000047  }
0xe1: {  	s0 =	sadd.s32 @!p0 $0x100000, s0;
	[bflag:$0x2] =	sbarrier.arrive $0xFFFF  }
0xe2: {  	[sflag:s0] =	ssyncadd.tile.s32 @!p0 $0x1;
	_ =	shalt  }
.Lfunc_end2:
_tile_overlayer_lowered:
.L_overlay_start_2:
0xe3: {  	(tag) =	ssettag $0x2  }
0xe4: {  	s0 =	rddreg [dreg:$0x0];
	s2 =	stileid.u32  }
0xe5: {  	s1 =	rddreg [dreg:$0x1];
	p0 =	sne.s32 s2, $0x0  }
0xe6: {  	s3 =	rddreg [dreg:$0x2];
	[bflag:$0x3] =	sbarrier.arrive $0xFFFF;
	s2 =	simm.s32 @!p0 $0x1C02  }
0xe7: {  	[timem:s3], [sflag:s2] =	dma.local @!p0 [hbm:s0], s1  }
0xe8: {  	s0 =	simm.s32 @!p0 $0x2  }
0xe9: {  	_ =	swait.ge @!p0 [sflag:s0], s1  }
0xea: {  	s1 =	ssub.s32 @!p0 $0x0, s1;
	[sflag:s0] =	ssyncset.done @!p0 $0x0  }
0xeb: {  	[sflag:s0] =	ssyncadd.s32 @!p0 s1  }
0xec: {  	[bflag:$0x3] =	sbarrier.arrive $0xFFFF  }
0xed: {  	_ =	shalt  }

// kernel: kernel.13.cloned.1.call-start
scs
__scs_entry_jumppad:
0x0: {  	(pc) =	sbr.rel $0x88, $3  }
0x1: {  	(tag) =	ssettag $0x0;
	lr =	simm.s32 $0x1  }
0x2: {  	[smem:$0x3F97] =	sst lr;
	_ =	strace $0xD0000000  }
0x3: {  	_ = 	snop  }
0x4: {  	_ = 	snop  }
0x5: {  	_ = 	snop  }
0x6: {  	_ = 	snop  }
0x7: {  	_ = 	snop  }
__scs_overlays_trampoline_lowered:
0x8: {  	[smem:$0x3FA6] =	sst s0  }
0x9: {  	[smem:$0x3FA7] =	sst s1  }
0xa: {  	[smem:$0x3FA8] =	sst s2  }
0xb: {  	[smem:$0x3FA9] =	sst s3  }
0xc: {  	[smem:$0x3FAA] =	sst s4  }
0xd: {  	[smem:$0x3FAB] =	sst s5  }
0xe: {  	[smem:$0x3FAC] =	sst s6  }
0xf: {  	[smem:$0x3FAD] =	sst s7  }
0x10: {  	[smem:$0x3FAE] =	sst s8  }
0x11: {  	[smem:$0x3FAF] =	sst s9;
	s0 =	simm.s32 @!p0 $0x0  }
0x12: {  	s1 =	sld [smem:$0x3F95];
	s0 =	simm.s32 @p0 $0x1  }
0x13: {  	[smem:$0x3FB0] =	sst s0;
	s0 =	simm.s32 @!p1 $0x0  }
0x14: {  	s2 =	sld [smem:$0x3F94];
	s0 =	simm.s32 @p1 $0x1  }
0x15: {  	[smem:$0x3FB1] =	sst s0;
	s0 =	simm.s32 @!p2 $0x0  }
0x16: {  	s3 =	sld [smem:$0x3FDB];
	s0 =	simm.s32 @p2 $0x1  }
0x17: {  	s4 =	simm.s32 $0x1BF5;
	[smem:$0x3FB3] =	sst s0  }
0x18: {  	s0 =	sld [smem:$0x3F96];
	_ =	swait.ge [sflag:s4], $0x0  }
0x19: {  	s7 =	sld [smem:$0x3F97]  }
0x1a: {  	s8 =	sadd.s32 $0xFFFFE003, lr  }
0x1b: {  	s9 =	sadd.s32 $0xFFFFFEF7, lr;
	s5 =	simm.s32 $0xFFFFFFFF;
	p2 =	slt.u32 s8, $0xFFFFF086  }
0x1c: {  	p1 =	slt.u32 s9, $0xF7A;
	s5 =	simm.s32 @!p2 $0x0  }
0x1d: {  	s5 =	simm.s32 @p1 $0x1;
	p0 =	seq.s32 s7, s2  }
0x1e: {  	s7 =	smul.u32 @!p0 $0xF7A, s2;
	p2 =	seq.s32 @!p0 s5, $0x0  }
0x1f: {  	s9 =	smul.u32 $0xF7A, s1;
	s8 =	simm.s32 @!p0 $0x1BF5;
	p2 =	por !p2, p0  }
0x20: {  	[sflag:s8] =	ssyncset.s32 @!p0 $0xFFFFF086;
	s6 =	sadd.s32 @!p0 s3, s7;
	s7 =	simm.s32 @!p0 $0x108  }
0x21: {  	s3 =	sadd.s32 s3, s9;
	s6 =	sadd.s32 @!p0 $0x88, s6;
	s7 =	simm.s32 @p2 $0x1082  }
0x22: {  	[simem:s7], [sflag:s8] =	dma.local @!p0 [hbm:s6], $0xF7A  }
0x23: {  	s9 =	sor.u32 $0xD0000000, s2;
	s6 =	simm.s32 $0x108;
	_ =	swait.ge @!p0 [sflag:s8], $0x0  }
0x24: {  	s3 =	sadd.s32 $0x88, s3;
	s6 =	simm.s32 @!p1 $0x1082;
	[sflag:s4] =	ssyncset.s32 $0xFFFFF086  }
0x25: {  	[simem:s6], [sflag:s4] =	dma.local [hbm:s3], $0xF7A  }
0x26: {  	[smem:$0x3F97] =	sst s1;
	(tag) =	ssettag s2;
	_ =	strace s9  }
0x27: {  	s1 =	sld [smem:$0x3FA7]  }
0x28: {  	s2 =	sld [smem:$0x3FA8]  }
0x29: {  	s4 =	sld [smem:$0x3FAA]  }
0x2a: {  	p0 =	seq.s32 s5, $0x0;
	s5 =	sld [smem:$0x3FAB]  }
0x2b: {  	s6 =	sld [smem:$0x3FAC]  }
0x2c: {  	s7 =	sld [smem:$0x3FAD]  }
0x2d: {  	s3 =	simm.s32 $0x108;
	s8 =	sld [smem:$0x3FAE]  }
0x2e: {  	s3 =	simm.s32 @!p0 $0x1082;
	s9 =	sld [smem:$0x3FAF]  }
0x2f: {  	lr =	sadd.s32 s0, s3;
	s0 =	sld [smem:$0x3FA6]  }
0x30: {  	s3 =	sld [smem:$0x3FA9]  }
0x31: {  	[smem:$0x3FB2] =	sst s10  }
0x32: {  	s10 =	sld [smem:$0x3FB0];
	_ =	sdelay $0x3  }
0x33: {  	p0 =	seq.s32 s10, $0x1;
	s10 =	sld [smem:$0x3FB2];
	_ =	sdelay $0x3  }
0x34: {  	[smem:$0x3FB2] =	sst s10  }
0x35: {  	s10 =	sld [smem:$0x3FB1];
	_ =	sdelay $0x3  }
0x36: {  	p1 =	seq.s32 s10, $0x1;
	s10 =	sld [smem:$0x3FB2];
	_ =	sdelay $0x3  }
0x37: {  	[smem:$0x3FB2] =	sst s10  }
0x38: {  	s10 =	sld [smem:$0x3FB3]  }
0x39: {  	_ = 	snop;
	(pc) =	sbr.ind lr, $3  }
0x3a: {  	_ = 	snop  }
0x3b: {  	_ = 	snop  }
0x3c: {  	p2 =	seq.s32 s10, $0x1;
	s10 =	sld [smem:$0x3FB2]  }
0x3d: {  	_ =	shalt  }
0x3e: {  	_ =	shalt  }
0x3f: {  	_ =	shalt  }
0x40: {  	_ =	shalt  }
0x41: {  	_ =	shalt  }
0x42: {  	_ =	shalt  }
0x43: {  	_ =	shalt  }
0x44: {  	_ =	shalt  }
0x45: {  	_ =	shalt  }
0x46: {  	_ =	shalt  }
0x47: {  	_ =	shalt  }
0x48: {  	_ =	shalt  }
0x49: {  	_ =	shalt  }
0x4a: {  	_ =	shalt  }
0x4b: {  	_ =	shalt  }
0x4c: {  	_ =	shalt  }
0x4d: {  	_ =	shalt  }
0x4e: {  	_ =	shalt  }
0x4f: {  	_ =	shalt  }
0x50: {  	_ =	shalt  }
0x51: {  	_ =	shalt  }
0x52: {  	_ =	shalt  }
0x53: {  	_ =	shalt  }
0x54: {  	_ =	shalt  }
0x55: {  	_ =	shalt  }
0x56: {  	_ =	shalt  }
0x57: {  	_ =	shalt  }
0x58: {  	_ =	shalt  }
0x59: {  	_ =	shalt  }
0x5a: {  	_ =	shalt  }
0x5b: {  	_ =	shalt  }
0x5c: {  	_ =	shalt  }
0x5d: {  	_ =	shalt  }
0x5e: {  	_ =	shalt  }
0x5f: {  	_ =	shalt  }
0x60: {  	_ =	shalt  }
0x61: {  	_ =	shalt  }
0x62: {  	_ =	shalt  }
0x63: {  	_ =	shalt  }
0x64: {  	_ =	shalt  }
0x65: {  	_ =	shalt  }
0x66: {  	_ =	shalt  }
0x67: {  	_ =	shalt  }
0x68: {  	_ =	shalt  }
0x69: {  	_ =	shalt  }
0x6a: {  	_ =	shalt  }
0x6b: {  	_ =	shalt  }
0x6c: {  	_ =	shalt  }
0x6d: {  	_ =	shalt  }
0x6e: {  	_ =	shalt  }
0x6f: {  	_ =	shalt  }
0x70: {  	_ =	shalt  }
0x71: {  	_ =	shalt  }
0x72: {  	_ =	shalt  }
0x73: {  	_ =	shalt  }
0x74: {  	_ =	shalt  }
0x75: {  	_ =	shalt  }
0x76: {  	_ =	shalt  }
0x77: {  	_ =	shalt  }
0x78: {  	_ =	shalt  }
0x79: {  	_ =	shalt  }
0x7a: {  	_ =	shalt  }
0x7b: {  	_ =	shalt  }
0x7c: {  	_ =	shalt  }
0x7d: {  	_ =	shalt  }
0x7e: {  	_ =	shalt  }
0x7f: {  	_ =	shalt  }
0x80: {  	_ =	shalt  }
0x81: {  	_ =	shalt  }
0x82: {  	_ =	shalt  }
0x83: {  	_ =	shalt  }
0x84: {  	_ =	shalt  }
0x85: {  	_ =	shalt  }
0x86: {  	_ =	shalt  }
0x87: {  	_ =	shalt  }
.Lfunc_end0:
.L_simem_size_0:
called_computation.1_lowered:
.L_overlay_start_0:
0x88: {  	s2 =	sld [smem:$0x3FD9]  }
0x89: {  	s3 =	sld [smem:$0x3FFE];
	_ =	sdelay $0x1  }
0x8a: {  	s1 =	srdreg.scid  }
0x8b: {  	s0 =	sand.u32 $0x1, s1  }
0x8c: {  	s17 =	sshll.u32 s0, $0xA;
	s2 =	sadd.s32 s3, s2  }
0x8d: {  	s2 =	sadd.s32 s2, s17  }
0x8e: {  	[smem:$0x3FBE] =	sst s2  }
0x8f: {  	_ = 	snop  }
0x90: {  	s2 =	sld [smem:$0x3FD0];
	(tm) =	ssettm $0x1  }
0x91: {  	s18 =	sld [smem:$0x3FFB];
	_ =	sdelay $0x3  }
0x92: {  	_ =	strace s18  }
0x93: {  	s3 =	sld [smem:$0x3FFC];
	_ =	sdelay $0x3  }
0x94: {  	_ =	strace s3  }
0x95: {  	s3 =	sld [smem:$0x3FFD];
	_ =	sdelay $0x3  }
0x96: {  	_ =	strace s3  }
0x97: {  	_ =	strace $0x8FFFFFFF  }
0x98: {  	s19 =	sld [smem:$0x3FDB];
	_ =	sdelay $0x1  }
0x99: {  	s4 =	simm.s32 $_scs_section_size  }
0x9a: {  	s5 =	simm.s32 $_size__tile_overlayer_lowered;
	s6 =	simm.s32 $_tile_overlayer_lowered  }
0x9b: {  	s22 =	simm.s32 $0x1BFF;
	s21 =	sshll.u32 s6, $0x1;
	s3 =	sadd.s32 s4, s19  }
0x9c: {  	s7 =	simm.s32 $0x0;
	s20 =	sshll.u32 s5, $0x1;
	s5 =	sadd.s32 s21, s3  }
0x9d: {  	[timem:s7], [sflag:s22] =	dma.local [hbm:s5], s20  }
0x9e: {  	_ =	swait.ge [sflag:s22], s20  }
0x9f: {  	s4 =	ssub.s32 $0x0, s20;
	[sflag:s22] =	ssyncset.done $0x0  }
0xa0: {  	[sflag:s22] =	ssyncadd.s32 s4;
	_ =	sdelay $0x1  }
0xa1: {  	s23 =	simm.s32 $0x1B8B  }
0xa2: {  	_ =	swait.ge [sflag:s23], $0x1  }
0xa3: {  	[sflag:s23] =	ssyncset.done $0x0  }
0xa4: {  	s25 =	simm.s32 $0x1B8E;
	s24 =	sld [smem:$0x3FFE];
	[sflag:s23] =	ssyncadd.s32 $0xFFFFFFFF  }
0xa5: {  	s26 =	simm.s32 $execute0_lowered;
	[smem:$0x3FD2] =	sst s25  }
0xa6: {  	s5 =	sshll.u32 s26, $0x1;
	_ =	strace $0x80000049;
	[dreg:$0x1] =	wrdreg $0xFFFFFFFF  }
0xa7: {  	s28 =	simm.s32 $_size_execute0_lowered;
	s3 =	sadd.s32 s3, s5;
	[dreg:$0x0] =	wrdreg $0x0  }
0xa8: {  	s5 =	sshll.u32 s28, $0x1;
	[dreg:$0x2] =	wrdreg s3  }
0xa9: {  	[dreg:$0x3] =	wrdreg s5  }
0xaa: {  	[dreg:$0x4] =	wrdreg $0xC0  }
0xab: {  	_ =	task [dreg:s7], $0x5FFFF  }
0xac: {  	[dreg:$0x1] =	wrdreg $0xFFFFFFFF  }
0xad: {  	[dreg:$0x0] =	wrdreg $0x60  }
0xae: {  	[dreg:$0x2] =	wrdreg s2  }
0xaf: {  	[dreg:$0x3] =	wrdreg s24  }
0xb0: {  	[dreg:$0x4] =	wrdreg $0x123000  }
0xb1: {  	[dreg:$0x5] =	wrdreg $0x9  }
0xb2: {  	_ =	task.clear_ibuf [dreg:s7], $0x6FFFF;
	_ =	strace $0x90000049  }
0xb3: {  	s29 =	simm.s32 $0x9;
	_ =	strace $0x8000004B  }
0xb4: {  	_ =	swait.ge [sflag:s29], $0x1  }
0xb5: {  	[sflag:s29] =	ssyncadd.s32 $0xFFFFFFFF  }
0xb6: {  	_ =	strace $0x9000004B  }
0xb7: {  	_ =	sfence  }
0xb8: {  	s30 =	sld [smem:$0x0];
	_ =	sdelay $0x2  }
0xb9: {  	s31 =	sshll.u32 s1, $0xD;
	s1 =	sshrl.u32 s1, $0x2  }
0xba: {  	s3 =	sand.u32 $0x4000, s31;
	s1 =	sadd.s32 s1, s30  }
0xbb: {  	s0 =	sor.u32 s3, s0;
	s1 =	sshll.u32 s1, $0x11  }
0xbc: {  	s0 =	sor.u32 s1, s0  }
0xbd: {  	s0 =	sadd.s32 $0x8F2B, s0  }
0xbe: {  	[sflag:s0] =	ssyncadd.remote.s32 $0x1  }
0xbf: {  	_ =	sfence.sel $0xFFFF  }
0xc0: {  	[dreg:$0x0] =	wrdreg $0xFFFFFFFF;
	(pc) =	sbr.abs _section_cstart, $3  }
0xc1: {  	[dreg:$0x1] =	wrdreg $0xFFFFFFFF  }
0xc2: {  	_ =	task.clear_ibuf [dreg:s7], $0x2FFFF;
	_ =	strace $0x9FFFFFFF  }
0xc3: {  	(tm) =	ssettm $0x7FFFFFFF  }
tec
execute0_lowered:
.L_overlay_start_1:
0x0: {  	(tag) =	ssettag $0x1  }
0x1: {  	s0 =	srdreg.scid;
	s1 =	rddreg [dreg:$0x0]  }
0x2: {  	s9 =	stileid.u32;
	s3 =	rddreg [dreg:$0x1];
	s20 =	simm.s32 $0x0  }
0x3: {  	s13 =	simm.s32 $0x2A00;
	s14 =	simm.s32 $0x9;
	s15 =	simm.s32 $0xD400  }
0x4: {  	s16 =	simm.s32 $0x80;
	s17 =	simm.s32 $0x5400;
	s18 =	simm.s32 $0x7400  }
0x5: {  	s19 =	simm.s32 $0x1;
	s28 =	simm.s32 $0x2B00;
	s29 =	simm.s32 $0x5  }
0x6: {  	s30 =	simm.s32 $0x200;
	s31 =	simm.s32 $0x4;
	s0 =	sand.u32 $0x1, s0  }
0x7: {  	s6 =	smul.u32 $0x9E00, s9;
	[smem:$0x7FF] =	sst s20;
	s2 =	sshll.u32 s0, $0x4  }
0x8: {  	s21 =	smul.u32 $0x13C000, s0;
	s0 =	ssub.s32 $0x2, s0;
	s4 =	sor.u32 s9, s2  }
0x9: {  	s2 =	rddreg [dreg:$0x2];
	_ =	strace $0x8000004A;
	s9 =	smul.u32 $0x27800, s9  }
0xa: {  	s10 =	sshrl.u32 s0, $0x1;
	s5 =	smul.u32 $0x540, s4;
	s7 =	sadd.s32 s6, s21  }
0xb: {  	s4 =	sadd.s32 $0x71200, s3;
	s0 =	ssub.s32 s0, s10;
	s6 =	sadd.s32 s6, s2  }
0xc: {  	s21 =	simm.s32 $0x9400;
	s7 =	sshrl.u32 s7, $0x3;
	s22 =	sshrl.u32 s9, $0x2  }
0xd: {  	s0 =	smax.u32 s0, $0x1;
	s9 =	simm.s32 $0x0;
	s8 =	sadd.s32 s5, s3  }
0xe: {  	s3 =	sadd.s32 s7, s3;
	s7 =	sadd.s32 s22, s2;
	s1 =	sadd.s32 s1, s5  }
0xf: {  	[dreg:$0x9] =	wrdreg s0;
	s22 =	simm.s32 $0x2;
	s0 =	simm.s32 $0x6  }
0x10: {  	s5 =	simm.s32 $0x7;
	s23 =	sadd.s32 $0x3400, s8;
	[dreg:$0x5] =	wrdreg s1  }
.Ltmp0:
0x11: {  	s24 =	sadd.s32 $0x98A00, s3;
	[dreg:$0x4] =	wrdreg s23;
	(pc) =	sbr.rel .LBB2_1-.Ltmp0, $4  }
0x12: {  	s7 =	sadd.s32 $0x4F00, s7;
	s25 =	sadd.s32 $0x17A00, s8;
	[dreg:$0x6] =	wrdreg s24  }
0x13: {  	s26 =	sadd.s32 $0xAC600, s3;
	s1 =	simm.s32 $0x2B80;
	[dreg:$0x7] =	wrdreg s25  }
0x14: {  	s3 =	simm.s32 $0x280;
	s8 =	simm.s32 $0x8;
	[dreg:$0x8] =	wrdreg s26  }
0x15: {  	v0 =	vimm.f32 $0.0e+00;
	s23 =	simm.s32 $0x100;
	s25 =	simm.s32 $0xB400;
	s26 =	simm.s32 $0x3  }
.LBB2_9:
0x16: {  	_ =	swait.ge [sflag:s31], $0x2000  }
0x17: {  	[sflag:s31] =	ssyncset.done $0x0  }
0x18: {  	[sflag:s31] =	ssyncadd.s32 $0xFFFFE000  }
0x19: {  	[spmem:s2] =	stream.indirect.scatter.add.f32 [tilespmem:s25], [sflag:$0x8], $0x40, s23, s16, $0xb8;
	[tilespmem:$0x1C100] =	vst v63  }
0x1a: {  	_ =	swait.ge [sflag:s29], $0x2000  }
0x1b: {  	[sflag:s29] =	ssyncset.done $0x0  }
0x1c: {  	[sflag:s29] =	ssyncadd.s32 $0xFFFFE000  }
0x1d: {  	_ =	swait.ge [sflag:s0], $0x2000  }
0x1e: {  	[sflag:s0] =	ssyncset.done $0x0  }
0x1f: {  	[sflag:s0] =	ssyncadd.s32 $0xFFFFE000  }
0x20: {  	_ =	swait.ge [sflag:s5], $0x2000  }
0x21: {  	[sflag:s5] =	ssyncset.done $0x0  }
0x22: {  	[sflag:s5] =	ssyncadd.s32 $0xFFFFE000  }
0x23: {  	_ =	swait.ge [sflag:s8], $0x2000  }
0x24: {  	[sflag:s8] =	ssyncset.done $0x0  }
0x25: {  	[sflag:s8] =	ssyncadd.s32 $0xFFFFE000  }
0x26: {  	[bflag:$0x0] =	sbarrier.arrive $0xFFFF  }
0x27: {  	s12 =	rddreg [dreg:$0x8]  }
0x28: {  	[hbm:s12], [sflag:s10] =	dma.local [spmem:s11], $0x13C0  }
0x29: {  	_ =	swait.ge [sflag:s14], $0x13C0  }
0x2a: {  	s9 =	sadd.s32 $0x1, s9;
	s24 =	rddreg [dreg:$0x9]  }
0x2b: {  	p0 =	sne.s32 s9, s24  }
.Ltmp1:
0x2c: {  	_ = 	snop;
	(pc) =	sbr.rel @!p0 .LBB2_10-.Ltmp1, $3  }
0x2d: {  	_ =	sdelay $0x1  }
0x2e: {  	[sflag:s14] =	ssyncset.done $0x0  }
0x2f: {  	s23 =	simm.s32 $0x100;
	[sflag:s14] =	ssyncadd.s32 $0xFFFFEC40  }
.LBB2_1:
0x30: {  	s11 =	simm.s32 $0x0  }
0x31: {  	s10 =	sand.u32 $0x1FF00, s11  }
0x32: {  	s11 =	sand.u32 $0x30, s11;
	s12 =	sshrl.u32 s10, $0x2  }
0x33: {  	s10 =	simm.s32 $0x40;
	s12 =	sor.u32 s11, s12;
	s11 =	simm.s32 $0x0  }
.LBB2_2:
0x34: {  	p0 =	sne.s32 s10, $0x13BC0  }
0x35: {  	[tilespmem:s12+$0xD400] =	vst v0;
	s11 =	sadd.s32 $0x10, s11;
	s12 =	smov.u32 s10;
	s10 =	sadd.s32 $0x40, s10  }
.Ltmp2:
0x36: {  	(pc) =	sbr.rel @p0 .LBB2_2-.Ltmp2, $4  }
0x37: {  	_ = 	snop  }
0x38: {  	s12 =	sand.u32 $0x1FF00, s12  }
0x39: {  	s20 =	sand.u32 $0x30, s11;
	s12 =	sshrl.u32 s12, $0x2  }
0x3a: {  	s12 =	sor.u32 s20, s12  }
0x3b: {  	[tilespmem:s12+$0xD400] =	vst v0;
	s10 =	simm.s32 $0x0;
	s11 =	rddreg [dreg:$0x4]  }
0x3c: {  	[tilespmem:s13], [sflag:$0x9] =	stream.linear.gather [hbm4b:s11+s10], $0x2A00, $0x38;
	[tilespmem:$0x1C100] =	vst v63  }
0x3d: {  	_ =	swait.ge [sflag:s14], $0x2A00  }
0x3e: {  	[sflag:s14] =	ssyncset.done $0x0  }
0x3f: {  	[sflag:s14] =	ssyncadd.s32 $0xFFFFD600  }
0x40: {  	[spmem:s6] =	stream.linear.scatter [tilespmem:s15], [sflag:$0x9], $0x4F00, $0x38;
	[tilespmem:$0x1C100] =	vst v63  }
0x41: {  	_ =	swait.ge [sflag:s14], $0x4F00  }
0x42: {  	[sflag:s14] =	ssyncset.done $0x0  }
0x43: {  	[sflag:s14] =	ssyncadd.s32 $0xFFFFB100  }
0x44: {  	[spmem:s7] =	stream.linear.scatter [tilespmem:s15], [sflag:$0x9], $0x4F00, $0x38;
	[tilespmem:$0x1C100] =	vst v63  }
0x45: {  	_ =	swait.ge [sflag:s14], $0x4F00  }
0x46: {  	[sflag:s14] =	ssyncset.done $0x0  }
0x47: {  	s12 =	rddreg [dreg:$0x5];
	[sflag:s14] =	ssyncadd.s32 $0xFFFFB100  }
0x48: {  	[tilespmem:s10], [sflag:$0x9] =	stream.linear.gather [hbm4b:s12+s10], $0x2A00, $0x38;
	[tilespmem:$0x1C100] =	vst v63  }
0x49: {  	_ =	swait.ge [sflag:s14], $0x2A00  }
0x4a: {  	[sflag:s14] =	ssyncset.done $0x0  }
0x4b: {  	[sflag:s14] =	ssyncadd.s32 $0xFFFFD600  }
0x4c: {  	[bflag:$0x0] =	sbarrier.arrive $0xFFFF  }
0x4d: {  	[tilespmem:s17], [sflag:$0x1] =	stream.indirect.gather [hbm4b:s4+s16], $0x40, s10, s16, $0xb8;
	[tilespmem:$0x1C100] =	vst v63  }
0x4e: {  	_ = 	snop  }
0x4f: {  	[tilespmem:s18], [sflag:$0x2] =	stream.indirect.gather [hbm4b:s4+s16], $0x40, s16, s16, $0xb8;
	[tilespmem:$0x1C100] =	vst v63  }
0x50: {  	_ =	swait.ge [sflag:s19], $0x2000  }
0x51: {  	[sflag:s19] =	ssyncset.done $0x0  }
0x52: {  	[sflag:s19] =	ssyncadd.s32 $0xFFFFE000  }
0x53: {  	[spmem:s2] =	stream.indirect.scatter.add.f32 [tilespmem:s17], [sflag:$0x5], $0x40, s13, s16, $0xb8;
	[tilespmem:$0x1C100] =	vst v63  }
0x54: {  	_ = 	snop  }
0x55: {  	[tilespmem:s21], [sflag:$0x3] =	stream.indirect.gather [hbm4b:s4+s16], $0x40, s23, s16, $0xb8;
	[tilespmem:$0x1C100] =	vst v63  }
0x56: {  	_ =	swait.ge [sflag:s22], $0x2000  }
0x57: {  	[sflag:s22] =	ssyncset.done $0x0  }
0x58: {  	s20 =	simm.s32 $0x2A80;
	[sflag:s22] =	ssyncadd.s32 $0xFFFFE000  }
0x59: {  	[spmem:s2] =	stream.indirect.scatter.add.f32 [tilespmem:s18], [sflag:$0x6], $0x40, s20, s16, $0xb8;
	[tilespmem:$0x1C100] =	vst v63  }
0x5a: {  	s24 =	simm.s32 $0x180  }
0x5b: {  	[tilespmem:s25], [sflag:$0x4] =	stream.indirect.gather [hbm4b:s4+s16], $0x40, s24, s16, $0xb8;
	[tilespmem:$0x1C100] =	vst v63  }
0x5c: {  	_ =	swait.ge [sflag:s26], $0x2000  }
0x5d: {  	[sflag:s26] =	ssyncset.done $0x0  }
0x5e: {  	[sflag:s26] =	ssyncadd.s32 $0xFFFFE000  }
0x5f: {  	[spmem:s2] =	stream.indirect.scatter.add.f32 [tilespmem:s21], [sflag:$0x7], $0x40, s28, s16, $0xb8;
	[tilespmem:$0x1C100] =	vst v63  }
0x60: {  	_ =	swait.ge [sflag:s29], $0x2000  }
0x61: {  	[sflag:s29] =	ssyncset.done $0x0  }
0x62: {  	[sflag:s29] =	ssyncadd.s32 $0xFFFFE000  }
0x63: {  	[tilespmem:s17], [sflag:$0x1] =	stream.indirect.gather [hbm4b:s4+s16], $0x40, s30, s16, $0xb8;
	[tilespmem:$0x1C100] =	vst v63  }
0x64: {  	_ =	swait.ge [sflag:s31], $0x2000  }
0x65: {  	[sflag:s31] =	ssyncset.done $0x0  }
0x66: {  	[sflag:s31] =	ssyncadd.s32 $0xFFFFE000  }
0x67: {  	[spmem:s2] =	stream.indirect.scatter.add.f32 [tilespmem:s25], [sflag:$0x8], $0x40, s1, s16, $0xb8;
	[tilespmem:$0x1C100] =	vst v63  }
0x68: {  	_ =	swait.ge [sflag:s0], $0x2000  }
0x69: {  	[sflag:s0] =	ssyncset.done $0x0  }
0x6a: {  	[sflag:s0] =	ssyncadd.s32 $0xFFFFE000  }
0x6b: {  	[tilespmem:s18], [sflag:$0x2] =	stream.indirect.gather [hbm4b:s4+s16], $0x40, s3, s16, $0xb8;
	[tilespmem:$0x1C100] =	vst v63  }
.LBB2_4:
0x6c: {  	_ =	swait.ge [sflag:s19], $0x2000  }
0x6d: {  	s11 =	sshra.s32 s10, $0x2;
	[sflag:s19] =	ssyncset.done $0x0  }
0x6e: {  	s12 =	sadd.s32 $0x2C00, s11;
	[sflag:s19] =	ssyncadd.s32 $0xFFFFE000  }
0x6f: {  	[spmem:s2] =	stream.indirect.scatter.add.f32 [tilespmem:s17], [sflag:$0x5], $0x40, s12, s16, $0xb8;
	[tilespmem:$0x1C100] =	vst v63  }
0x70: {  	_ =	swait.ge [sflag:s5], $0x2000  }
0x71: {  	[sflag:s5] =	ssyncset.done $0x0  }
0x72: {  	s20 =	sadd.s32 $0x300, s11;
	[sflag:s5] =	ssyncadd.s32 $0xFFFFE000  }
0x73: {  	[tilespmem:s21], [sflag:$0x3] =	stream.indirect.gather [hbm4b:s4+s16], $0x40, s20, s16, $0xb8;
	[tilespmem:$0x1C100] =	vst v63  }
0x74: {  	_ =	swait.ge [sflag:s22], $0x2000  }
0x75: {  	[sflag:s22] =	ssyncset.done $0x0  }
0x76: {  	s24 =	sadd.s32 $0x2C80, s11;
	[sflag:s22] =	ssyncadd.s32 $0xFFFFE000  }
0x77: {  	[spmem:s2] =	stream.indirect.scatter.add.f32 [tilespmem:s18], [sflag:$0x6], $0x40, s24, s16, $0xb8;
	[tilespmem:$0x1C100] =	vst v63  }
0x78: {  	_ =	swait.ge [sflag:s8], $0x2000  }
0x79: {  	[sflag:s8] =	ssyncset.done $0x0  }
0x7a: {  	p0 =	seq.s32 s10, $0x9800;
	s20 =	sadd.s32 $0x380, s11;
	[sflag:s8] =	ssyncadd.s32 $0xFFFFE000  }
0x7b: {  	[tilespmem:s25], [sflag:$0x4] =	stream.indirect.gather [hbm4b:s4+s16], $0x40, s20, s16, $0xb8;
	[tilespmem:$0x1C100] =	vst v63  }
.Ltmp3:
0x7c: {  	_ = 	snop;
	(pc) =	sbr.rel @p0 .LBB2_6-.Ltmp3, $4  }
0x7d: {  	_ =	swait.ge [sflag:s26], $0x2000  }
0x7e: {  	[sflag:s26] =	ssyncset.done $0x0  }
0x7f: {  	s12 =	sadd.s32 $0x2D80, s11;
	s24 =	sadd.s32 $0x2D00, s11;
	[sflag:s26] =	ssyncadd.s32 $0xFFFFE000  }
0x80: {  	[spmem:s2] =	stream.indirect.scatter.add.f32 [tilespmem:s21], [sflag:$0x7], $0x40, s24, s16, $0xb8;
	[tilespmem:$0x1C100] =	vst v63  }
0x81: {  	_ =	swait.ge [sflag:s29], $0x2000  }
0x82: {  	[sflag:s29] =	ssyncset.done $0x0  }
0x83: {  	s20 =	sadd.s32 $0x400, s11;
	[sflag:s29] =	ssyncadd.s32 $0xFFFFE000  }
0x84: {  	[tilespmem:s17], [sflag:$0x1] =	stream.indirect.gather [hbm4b:s4+s16], $0x40, s20, s16, $0xb8;
	[tilespmem:$0x1C100] =	vst v63  }
0x85: {  	_ =	swait.ge [sflag:s31], $0x2000  }
0x86: {  	[sflag:s31] =	ssyncset.done $0x0  }
0x87: {  	[sflag:s31] =	ssyncadd.s32 $0xFFFFE000  }
0x88: {  	[spmem:s2] =	stream.indirect.scatter.add.f32 [tilespmem:s25], [sflag:$0x8], $0x40, s12, s16, $0xb8;
	[tilespmem:$0x1C100] =	vst v63  }
.Ltmp4:
0x89: {  	_ = 	snop;
	(pc) =	sbr.rel .LBB2_4-.Ltmp4, $4  }
0x8a: {  	_ =	swait.ge [sflag:s0], $0x2000  }
0x8b: {  	[sflag:s0] =	ssyncset.done $0x0  }
0x8c: {  	s24 =	sadd.s32 $0x480, s11;
	s10 =	sadd.s32 $0x800, s10;
	[sflag:s0] =	ssyncadd.s32 $0xFFFFE000  }
0x8d: {  	[tilespmem:s18], [sflag:$0x2] =	stream.indirect.gather [hbm4b:s4+s16], $0x40, s24, s16, $0xb8;
	[tilespmem:$0x1C100] =	vst v63  }
.LBB2_6:
0x8e: {  	_ =	swait.ge [sflag:s31], $0x2000  }
0x8f: {  	[sflag:s31] =	ssyncset.done $0x0  }
0x90: {  	[sflag:s31] =	ssyncadd.s32 $0xFFFFE000  }
0x91: {  	[spmem:s2] =	stream.indirect.scatter.add.f32 [tilespmem:s25], [sflag:$0x8], $0x40, s12, s16, $0xb8;
	[tilespmem:$0x1C100] =	vst v63  }
0x92: {  	_ =	swait.ge [sflag:s29], $0x2000  }
0x93: {  	[sflag:s29] =	ssyncset.done $0x0  }
0x94: {  	[sflag:s29] =	ssyncadd.s32 $0xFFFFE000  }
0x95: {  	_ =	swait.ge [sflag:s0], $0x2000  }
0x96: {  	[sflag:s0] =	ssyncset.done $0x0  }
0x97: {  	[sflag:s0] =	ssyncadd.s32 $0xFFFFE000  }
0x98: {  	_ =	swait.ge [sflag:s5], $0x2000  }
0x99: {  	[sflag:s5] =	ssyncset.done $0x0  }
0x9a: {  	[sflag:s5] =	ssyncadd.s32 $0xFFFFE000  }
0x9b: {  	_ =	swait.ge [sflag:s8], $0x2000  }
0x9c: {  	[sflag:s8] =	ssyncset.done $0x0  }
0x9d: {  	s10 =	stileid.u32;
	[sflag:s8] =	ssyncadd.s32 $0xFFFFE000  }
0x9e: {  	s10 =	sshll.u32 s10, $0x6;
	[bflag:$0x0] =	sbarrier.arrive $0xFFFF  }
0x9f: {  	s11 =	sshrl.u32 s6, $0x3;
	s10 =	sor.u32 $0x1C09, s10;
	s20 =	rddreg [dreg:$0x6]  }
0xa0: {  	[hbm:s20], [sflag:s10] =	dma.local [spmem:s11], $0x13C0  }
0xa1: {  	_ =	swait.ge [sflag:s14], $0x13C0  }
0xa2: {  	[sflag:s14] =	ssyncset.done $0x0  }
0xa3: {  	[sflag:s14] =	ssyncadd.s32 $0xFFFFEC40  }
0xa4: {  	[spmem:s6] =	stream.linear.scatter [tilespmem:s15], [sflag:$0x9], $0x4F00, $0x38;
	[tilespmem:$0x1C100] =	vst v63  }
0xa5: {  	_ =	swait.ge [sflag:s14], $0x4F00  }
0xa6: {  	[sflag:s14] =	ssyncset.done $0x0  }
0xa7: {  	[sflag:s14] =	ssyncadd.s32 $0xFFFFB100  }
0xa8: {  	[spmem:s7] =	stream.linear.scatter [tilespmem:s15], [sflag:$0x9], $0x4F00, $0x38;
	[tilespmem:$0x1C100] =	vst v63  }
0xa9: {  	_ =	swait.ge [sflag:s14], $0x4F00  }
0xaa: {  	[sflag:s14] =	ssyncset.done $0x0  }
0xab: {  	s12 =	simm.s32 $0x0;
	s20 =	rddreg [dreg:$0x7];
	[sflag:s14] =	ssyncadd.s32 $0xFFFFB100  }
0xac: {  	[tilespmem:s12], [sflag:$0x9] =	stream.linear.gather [hbm4b:s20+s12], $0x2A00, $0x38;
	[tilespmem:$0x1C100] =	vst v63  }
0xad: {  	_ =	swait.ge [sflag:s14], $0x2A00  }
0xae: {  	[sflag:s14] =	ssyncset.done $0x0  }
0xaf: {  	[sflag:s14] =	ssyncadd.s32 $0xFFFFD600  }
0xb0: {  	[bflag:$0x0] =	sbarrier.arrive $0xFFFF  }
0xb1: {  	[tilespmem:s17], [sflag:$0x1] =	stream.indirect.gather [hbm4b:s4+s16], $0x40, s12, s16, $0xb8;
	[tilespmem:$0x1C100] =	vst v63  }
0xb2: {  	_ = 	snop  }
0xb3: {  	[tilespmem:s18], [sflag:$0x2] =	stream.indirect.gather [hbm4b:s4+s16], $0x40, s16, s16, $0xb8;
	[tilespmem:$0x1C100] =	vst v63  }
0xb4: {  	_ =	swait.ge [sflag:s19], $0x2000  }
0xb5: {  	[sflag:s19] =	ssyncset.done $0x0  }
0xb6: {  	[sflag:s19] =	ssyncadd.s32 $0xFFFFE000  }
0xb7: {  	[spmem:s2] =	stream.indirect.scatter.add.f32 [tilespmem:s17], [sflag:$0x5], $0x40, s13, s16, $0xb8;
	[tilespmem:$0x1C100] =	vst v63  }
0xb8: {  	_ = 	snop  }
0xb9: {  	[tilespmem:s21], [sflag:$0x3] =	stream.indirect.gather [hbm4b:s4+s16], $0x40, s23, s16, $0xb8;
	[tilespmem:$0x1C100] =	vst v63  }
0xba: {  	_ =	swait.ge [sflag:s22], $0x2000  }
0xbb: {  	[sflag:s22] =	ssyncset.done $0x0  }
0xbc: {  	s23 =	simm.s32 $0x2A80;
	[sflag:s22] =	ssyncadd.s32 $0xFFFFE000  }
0xbd: {  	[spmem:s2] =	stream.indirect.scatter.add.f32 [tilespmem:s18], [sflag:$0x6], $0x40, s23, s16, $0xb8;
	[tilespmem:$0x1C100] =	vst v63  }
0xbe: {  	s24 =	simm.s32 $0x180  }
0xbf: {  	[tilespmem:s25], [sflag:$0x4] =	stream.indirect.gather [hbm4b:s4+s16], $0x40, s24, s16, $0xb8;
	[tilespmem:$0x1C100] =	vst v63  }
0xc0: {  	_ =	swait.ge [sflag:s26], $0x2000  }
0xc1: {  	[sflag:s26] =	ssyncset.done $0x0  }
0xc2: {  	[sflag:s26] =	ssyncadd.s32 $0xFFFFE000  }
0xc3: {  	[spmem:s2] =	stream.indirect.scatter.add.f32 [tilespmem:s21], [sflag:$0x7], $0x40, s28, s16, $0xb8;
	[tilespmem:$0x1C100] =	vst v63  }
0xc4: {  	_ =	swait.ge [sflag:s29], $0x2000  }
0xc5: {  	[sflag:s29] =	ssyncset.done $0x0  }
0xc6: {  	[sflag:s29] =	ssyncadd.s32 $0xFFFFE000  }
0xc7: {  	[tilespmem:s17], [sflag:$0x1] =	stream.indirect.gather [hbm4b:s4+s16], $0x40, s30, s16, $0xb8;
	[tilespmem:$0x1C100] =	vst v63  }
0xc8: {  	_ =	swait.ge [sflag:s31], $0x2000  }
0xc9: {  	[sflag:s31] =	ssyncset.done $0x0  }
0xca: {  	[sflag:s31] =	ssyncadd.s32 $0xFFFFE000  }
0xcb: {  	[spmem:s2] =	stream.indirect.scatter.add.f32 [tilespmem:s25], [sflag:$0x8], $0x40, s1, s16, $0xb8;
	[tilespmem:$0x1C100] =	vst v63  }
0xcc: {  	_ =	swait.ge [sflag:s0], $0x2000  }
0xcd: {  	[sflag:s0] =	ssyncset.done $0x0  }
0xce: {  	[sflag:s0] =	ssyncadd.s32 $0xFFFFE000  }
0xcf: {  	[tilespmem:s18], [sflag:$0x2] =	stream.indirect.gather [hbm4b:s4+s16], $0x40, s3, s16, $0xb8;
	[tilespmem:$0x1C100] =	vst v63  }
.LBB2_7:
0xd0: {  	_ =	swait.ge [sflag:s19], $0x2000  }
0xd1: {  	s20 =	sshra.s32 s12, $0x2;
	[sflag:s19] =	ssyncset.done $0x0  }
0xd2: {  	s23 =	sadd.s32 $0x2C00, s20;
	[sflag:s19] =	ssyncadd.s32 $0xFFFFE000  }
0xd3: {  	[spmem:s2] =	stream.indirect.scatter.add.f32 [tilespmem:s17], [sflag:$0x5], $0x40, s23, s16, $0xb8;
	[tilespmem:$0x1C100] =	vst v63  }
0xd4: {  	_ =	swait.ge [sflag:s5], $0x2000  }
0xd5: {  	[sflag:s5] =	ssyncset.done $0x0  }
0xd6: {  	s24 =	sadd.s32 $0x300, s20;
	[sflag:s5] =	ssyncadd.s32 $0xFFFFE000  }
0xd7: {  	[tilespmem:s21], [sflag:$0x3] =	stream.indirect.gather [hbm4b:s4+s16], $0x40, s24, s16, $0xb8;
	[tilespmem:$0x1C100] =	vst v63  }
0xd8: {  	_ =	swait.ge [sflag:s22], $0x2000  }
0xd9: {  	[sflag:s22] =	ssyncset.done $0x0  }
0xda: {  	s24 =	sadd.s32 $0x2C80, s20;
	[sflag:s22] =	ssyncadd.s32 $0xFFFFE000  }
0xdb: {  	[spmem:s2] =	stream.indirect.scatter.add.f32 [tilespmem:s18], [sflag:$0x6], $0x40, s24, s16, $0xb8;
	[tilespmem:$0x1C100] =	vst v63  }
0xdc: {  	_ =	swait.ge [sflag:s8], $0x2000  }
0xdd: {  	[sflag:s8] =	ssyncset.done $0x0  }
0xde: {  	p0 =	seq.s32 s12, $0x9800;
	s24 =	sadd.s32 $0x380, s20;
	[sflag:s8] =	ssyncadd.s32 $0xFFFFE000  }
0xdf: {  	[tilespmem:s25], [sflag:$0x4] =	stream.indirect.gather [hbm4b:s4+s16], $0x40, s24, s16, $0xb8;
	[tilespmem:$0x1C100] =	vst v63  }
.Ltmp5:
0xe0: {  	_ = 	snop;
	(pc) =	sbr.rel @p0 .LBB2_9-.Ltmp5, $4  }
0xe1: {  	_ =	swait.ge [sflag:s26], $0x2000  }
0xe2: {  	[sflag:s26] =	ssyncset.done $0x0  }
0xe3: {  	s23 =	sadd.s32 $0x2D80, s20;
	s24 =	sadd.s32 $0x2D00, s20;
	[sflag:s26] =	ssyncadd.s32 $0xFFFFE000  }
0xe4: {  	[spmem:s2] =	stream.indirect.scatter.add.f32 [tilespmem:s21], [sflag:$0x7], $0x40, s24, s16, $0xb8;
	[tilespmem:$0x1C100] =	vst v63  }
0xe5: {  	_ =	swait.ge [sflag:s29], $0x2000  }
0xe6: {  	[sflag:s29] =	ssyncset.done $0x0  }
0xe7: {  	s24 =	sadd.s32 $0x400, s20;
	[sflag:s29] =	ssyncadd.s32 $0xFFFFE000  }
0xe8: {  	[tilespmem:s17], [sflag:$0x1] =	stream.indirect.gather [hbm4b:s4+s16], $0x40, s24, s16, $0xb8;
	[tilespmem:$0x1C100] =	vst v63  }
0xe9: {  	_ =	swait.ge [sflag:s31], $0x2000  }
0xea: {  	[sflag:s31] =	ssyncset.done $0x0  }
0xeb: {  	[sflag:s31] =	ssyncadd.s32 $0xFFFFE000  }
0xec: {  	[spmem:s2] =	stream.indirect.scatter.add.f32 [tilespmem:s25], [sflag:$0x8], $0x40, s23, s16, $0xb8;
	[tilespmem:$0x1C100] =	vst v63  }
.Ltmp6:
0xed: {  	_ = 	snop;
	(pc) =	sbr.rel .LBB2_7-.Ltmp6, $4  }
0xee: {  	_ =	swait.ge [sflag:s0], $0x2000  }
0xef: {  	[sflag:s0] =	ssyncset.done $0x0  }
0xf0: {  	s12 =	sadd.s32 $0x800, s12;
	s24 =	sadd.s32 $0x480, s20;
	[sflag:s0] =	ssyncadd.s32 $0xFFFFE000  }
0xf1: {  	[tilespmem:s18], [sflag:$0x2] =	stream.indirect.gather [hbm4b:s4+s16], $0x40, s24, s16, $0xb8;
	[tilespmem:$0x1C100] =	vst v63  }
.LBB2_10:
0xf2: {  	_ =	sfence.sel $0x180000  }
0xf3: {  	[bflag:$0x0] =	sbarrier.arrive $0xFFFF  }
0xf4: {  	_ =	strace $0x9000004A  }
0xf5: {  	s0 =	stileid.u32;
	[bflag:$0x2] =	sbarrier.arrive $0xFFFF  }
0xf6: {  	p0 =	sne.s32 s0, $0x0;
	s0 =	rddreg [dreg:$0x3]  }
0xf7: {  	s0 =	sadd.s32 @!p0 $0x100000, s0  }
0xf8: {  	[sflag:s0] =	ssyncadd.tile.s32 @!p0 $0x1;
	_ =	shalt  }
.Lfunc_end2:
_tile_overlayer_lowered:
.L_overlay_start_2:
0xf9: {  	(tag) =	ssettag $0x2  }
0xfa: {  	s0 =	rddreg [dreg:$0x0];
	s2 =	stileid.u32  }
0xfb: {  	s1 =	rddreg [dreg:$0x1];
	p0 =	sne.s32 s2, $0x0  }
0xfc: {  	s3 =	rddreg [dreg:$0x2];
	[bflag:$0x3] =	sbarrier.arrive $0xFFFF;
	s2 =	simm.s32 @!p0 $0x1C09  }
0xfd: {  	[timem:s3], [sflag:s2] =	dma.local @!p0 [hbm:s0], s1  }
0xfe: {  	s0 =	simm.s32 @!p0 $0x9  }
0xff: {  	_ =	swait.ge @!p0 [sflag:s0], s1  }
0x100: {  	s1 =	ssub.s32 @!p0 $0x0, s1;
	[sflag:s0] =	ssyncset.done @!p0 $0x0  }
0x101: {  	[sflag:s0] =	ssyncadd.s32 @!p0 s1  }
0x102: {  	[bflag:$0x3] =	sbarrier.arrive $0xFFFF  }
0x103: {  	_ =	shalt  }

// kernel: kernel.16.cloned.1.call-start
scs
__scs_entry_jumppad:
0x0: {  	(pc) =	sbr.rel $0x88, $3  }
0x1: {  	(tag) =	ssettag $0x0;
	lr =	simm.s32 $0x1  }
0x2: {  	[smem:$0x3F97] =	sst lr;
	_ =	strace $0xD0000000  }
0x3: {  	_ = 	snop  }
0x4: {  	_ = 	snop  }
0x5: {  	_ = 	snop  }
0x6: {  	_ = 	snop  }
0x7: {  	_ = 	snop  }
__scs_overlays_trampoline_lowered:
0x8: {  	[smem:$0x3FA6] =	sst s0  }
0x9: {  	[smem:$0x3FA7] =	sst s1  }
0xa: {  	[smem:$0x3FA8] =	sst s2  }
0xb: {  	[smem:$0x3FA9] =	sst s3  }
0xc: {  	[smem:$0x3FAA] =	sst s4  }
0xd: {  	[smem:$0x3FAB] =	sst s5  }
0xe: {  	[smem:$0x3FAC] =	sst s6  }
0xf: {  	[smem:$0x3FAD] =	sst s7  }
0x10: {  	[smem:$0x3FAE] =	sst s8  }
0x11: {  	[smem:$0x3FAF] =	sst s9;
	s0 =	simm.s32 @!p0 $0x0  }
0x12: {  	s1 =	sld [smem:$0x3F95];
	s0 =	simm.s32 @p0 $0x1  }
0x13: {  	[smem:$0x3FB0] =	sst s0;
	s0 =	simm.s32 @!p1 $0x0  }
0x14: {  	s2 =	sld [smem:$0x3F94];
	s0 =	simm.s32 @p1 $0x1  }
0x15: {  	[smem:$0x3FB1] =	sst s0;
	s0 =	simm.s32 @!p2 $0x0  }
0x16: {  	s3 =	sld [smem:$0x3FDB];
	s0 =	simm.s32 @p2 $0x1  }
0x17: {  	s4 =	simm.s32 $0x1BF5;
	[smem:$0x3FB3] =	sst s0  }
0x18: {  	s0 =	sld [smem:$0x3F96];
	_ =	swait.ge [sflag:s4], $0x0  }
0x19: {  	s7 =	sld [smem:$0x3F97]  }
0x1a: {  	s8 =	sadd.s32 $0xFFFFE003, lr  }
0x1b: {  	s9 =	sadd.s32 $0xFFFFFEF7, lr;
	s5 =	simm.s32 $0xFFFFFFFF;
	p2 =	slt.u32 s8, $0xFFFFF086  }
0x1c: {  	p1 =	slt.u32 s9, $0xF7A;
	s5 =	simm.s32 @!p2 $0x0  }
0x1d: {  	s5 =	simm.s32 @p1 $0x1;
	p0 =	seq.s32 s7, s2  }
0x1e: {  	s7 =	smul.u32 @!p0 $0xF7A, s2;
	p2 =	seq.s32 @!p0 s5, $0x0  }
0x1f: {  	s9 =	smul.u32 $0xF7A, s1;
	s8 =	simm.s32 @!p0 $0x1BF5;
	p2 =	por !p2, p0  }
0x20: {  	[sflag:s8] =	ssyncset.s32 @!p0 $0xFFFFF086;
	s6 =	sadd.s32 @!p0 s3, s7;
	s7 =	simm.s32 @!p0 $0x108  }
0x21: {  	s3 =	sadd.s32 s3, s9;
	s6 =	sadd.s32 @!p0 $0x88, s6;
	s7 =	simm.s32 @p2 $0x1082  }
0x22: {  	[simem:s7], [sflag:s8] =	dma.local @!p0 [hbm:s6], $0xF7A  }
0x23: {  	s9 =	sor.u32 $0xD0000000, s2;
	s6 =	simm.s32 $0x108;
	_ =	swait.ge @!p0 [sflag:s8], $0x0  }
0x24: {  	s3 =	sadd.s32 $0x88, s3;
	s6 =	simm.s32 @!p1 $0x1082;
	[sflag:s4] =	ssyncset.s32 $0xFFFFF086  }
0x25: {  	[simem:s6], [sflag:s4] =	dma.local [hbm:s3], $0xF7A  }
0x26: {  	[smem:$0x3F97] =	sst s1;
	(tag) =	ssettag s2;
	_ =	strace s9  }
0x27: {  	s1 =	sld [smem:$0x3FA7]  }
0x28: {  	s2 =	sld [smem:$0x3FA8]  }
0x29: {  	s4 =	sld [smem:$0x3FAA]  }
0x2a: {  	p0 =	seq.s32 s5, $0x0;
	s5 =	sld [smem:$0x3FAB]  }
0x2b: {  	s6 =	sld [smem:$0x3FAC]  }
0x2c: {  	s7 =	sld [smem:$0x3FAD]  }
0x2d: {  	s3 =	simm.s32 $0x108;
	s8 =	sld [smem:$0x3FAE]  }
0x2e: {  	s3 =	simm.s32 @!p0 $0x1082;
	s9 =	sld [smem:$0x3FAF]  }
0x2f: {  	lr =	sadd.s32 s0, s3;
	s0 =	sld [smem:$0x3FA6]  }
0x30: {  	s3 =	sld [smem:$0x3FA9]  }
0x31: {  	[smem:$0x3FB2] =	sst s10  }
0x32: {  	s10 =	sld [smem:$0x3FB0];
	_ =	sdelay $0x3  }
0x33: {  	p0 =	seq.s32 s10, $0x1;
	s10 =	sld [smem:$0x3FB2];
	_ =	sdelay $0x3  }
0x34: {  	[smem:$0x3FB2] =	sst s10  }
0x35: {  	s10 =	sld [smem:$0x3FB1];
	_ =	sdelay $0x3  }
0x36: {  	p1 =	seq.s32 s10, $0x1;
	s10 =	sld [smem:$0x3FB2];
	_ =	sdelay $0x3  }
0x37: {  	[smem:$0x3FB2] =	sst s10  }
0x38: {  	s10 =	sld [smem:$0x3FB3]  }
0x39: {  	_ = 	snop;
	(pc) =	sbr.ind lr, $3  }
0x3a: {  	_ = 	snop  }
0x3b: {  	_ = 	snop  }
0x3c: {  	p2 =	seq.s32 s10, $0x1;
	s10 =	sld [smem:$0x3FB2]  }
0x3d: {  	_ =	shalt  }
0x3e: {  	_ =	shalt  }
0x3f: {  	_ =	shalt  }
0x40: {  	_ =	shalt  }
0x41: {  	_ =	shalt  }
0x42: {  	_ =	shalt  }
0x43: {  	_ =	shalt  }
0x44: {  	_ =	shalt  }
0x45: {  	_ =	shalt  }
0x46: {  	_ =	shalt  }
0x47: {  	_ =	shalt  }
0x48: {  	_ =	shalt  }
0x49: {  	_ =	shalt  }
0x4a: {  	_ =	shalt  }
0x4b: {  	_ =	shalt  }
0x4c: {  	_ =	shalt  }
0x4d: {  	_ =	shalt  }
0x4e: {  	_ =	shalt  }
0x4f: {  	_ =	shalt  }
0x50: {  	_ =	shalt  }
0x51: {  	_ =	shalt  }
0x52: {  	_ =	shalt  }
0x53: {  	_ =	shalt  }
0x54: {  	_ =	shalt  }
0x55: {  	_ =	shalt  }
0x56: {  	_ =	shalt  }
0x57: {  	_ =	shalt  }
0x58: {  	_ =	shalt  }
0x59: {  	_ =	shalt  }
0x5a: {  	_ =	shalt  }
0x5b: {  	_ =	shalt  }
0x5c: {  	_ =	shalt  }
0x5d: {  	_ =	shalt  }
0x5e: {  	_ =	shalt  }
0x5f: {  	_ =	shalt  }
0x60: {  	_ =	shalt  }
0x61: {  	_ =	shalt  }
0x62: {  	_ =	shalt  }
0x63: {  	_ =	shalt  }
0x64: {  	_ =	shalt  }
0x65: {  	_ =	shalt  }
0x66: {  	_ =	shalt  }
0x67: {  	_ =	shalt  }
0x68: {  	_ =	shalt  }
0x69: {  	_ =	shalt  }
0x6a: {  	_ =	shalt  }
0x6b: {  	_ =	shalt  }
0x6c: {  	_ =	shalt  }
0x6d: {  	_ =	shalt  }
0x6e: {  	_ =	shalt  }
0x6f: {  	_ =	shalt  }
0x70: {  	_ =	shalt  }
0x71: {  	_ =	shalt  }
0x72: {  	_ =	shalt  }
0x73: {  	_ =	shalt  }
0x74: {  	_ =	shalt  }
0x75: {  	_ =	shalt  }
0x76: {  	_ =	shalt  }
0x77: {  	_ =	shalt  }
0x78: {  	_ =	shalt  }
0x79: {  	_ =	shalt  }
0x7a: {  	_ =	shalt  }
0x7b: {  	_ =	shalt  }
0x7c: {  	_ =	shalt  }
0x7d: {  	_ =	shalt  }
0x7e: {  	_ =	shalt  }
0x7f: {  	_ =	shalt  }
0x80: {  	_ =	shalt  }
0x81: {  	_ =	shalt  }
0x82: {  	_ =	shalt  }
0x83: {  	_ =	shalt  }
0x84: {  	_ =	shalt  }
0x85: {  	_ =	shalt  }
0x86: {  	_ =	shalt  }
0x87: {  	_ =	shalt  }
.Lfunc_end0:
.L_simem_size_0:
called_computation.2_lowered:
.L_overlay_start_0:
0x88: {  	s2 =	sld [smem:$0x3FD9]  }
0x89: {  	s3 =	sld [smem:$0x3FFE];
	_ =	sdelay $0x1  }
0x8a: {  	s1 =	srdreg.scid  }
0x8b: {  	s0 =	sand.u32 $0x1, s1  }
0x8c: {  	s17 =	sshll.u32 s0, $0xA;
	s2 =	sadd.s32 s3, s2  }
0x8d: {  	s2 =	sadd.s32 s2, s17  }
0x8e: {  	[smem:$0x3FBE] =	sst s2  }
0x8f: {  	_ = 	snop  }
0x90: {  	s2 =	sld [smem:$0x3FD0];
	(tm) =	ssettm $0x1  }
0x91: {  	s18 =	sld [smem:$0x3FFB];
	_ =	sdelay $0x3  }
0x92: {  	_ =	strace s18  }
0x93: {  	s3 =	sld [smem:$0x3FFC];
	_ =	sdelay $0x3  }
0x94: {  	_ =	strace s3  }
0x95: {  	s3 =	sld [smem:$0x3FFD];
	_ =	sdelay $0x3  }
0x96: {  	_ =	strace s3  }
0x97: {  	_ =	strace $0x8FFFFFFF  }
0x98: {  	s19 =	sld [smem:$0x3FDB];
	_ =	sdelay $0x1  }
0x99: {  	s4 =	simm.s32 $_scs_section_size  }
0x9a: {  	s5 =	simm.s32 $_size__tile_overlayer_lowered;
	s6 =	simm.s32 $_tile_overlayer_lowered  }
0x9b: {  	s22 =	simm.s32 $0x1BFF;
	s21 =	sshll.u32 s6, $0x1;
	s3 =	sadd.s32 s4, s19  }
0x9c: {  	s7 =	simm.s32 $0x0;
	s20 =	sshll.u32 s5, $0x1;
	s5 =	sadd.s32 s21, s3  }
0x9d: {  	[timem:s7], [sflag:s22] =	dma.local [hbm:s5], s20  }
0x9e: {  	_ =	swait.ge [sflag:s22], s20  }
0x9f: {  	s4 =	ssub.s32 $0x0, s20;
	[sflag:s22] =	ssyncset.done $0x0  }
0xa0: {  	[sflag:s22] =	ssyncadd.s32 s4;
	_ =	sdelay $0x1  }
0xa1: {  	s23 =	simm.s32 $0x1B8B  }
0xa2: {  	_ =	swait.ge [sflag:s23], $0x1  }
0xa3: {  	[sflag:s23] =	ssyncset.done $0x0  }
0xa4: {  	s25 =	simm.s32 $0x1B8E;
	s24 =	sld [smem:$0x3FFE];
	[sflag:s23] =	ssyncadd.s32 $0xFFFFFFFF  }
0xa5: {  	s26 =	simm.s32 $execute0_lowered;
	[smem:$0x3FD2] =	sst s25  }
0xa6: {  	s5 =	sshll.u32 s26, $0x1;
	_ =	strace $0x8000004C;
	[dreg:$0x1] =	wrdreg $0xFFFFFFFF  }
0xa7: {  	s28 =	simm.s32 $_size_execute0_lowered;
	s3 =	sadd.s32 s3, s5;
	[dreg:$0x0] =	wrdreg $0x0  }
0xa8: {  	s5 =	sshll.u32 s28, $0x1;
	[dreg:$0x2] =	wrdreg s3  }
0xa9: {  	[dreg:$0x3] =	wrdreg s5  }
0xaa: {  	[dreg:$0x4] =	wrdreg $0xC0  }
0xab: {  	_ =	task [dreg:s7], $0x5FFFF  }
0xac: {  	[dreg:$0x1] =	wrdreg $0xFFFFFFFF  }
0xad: {  	[dreg:$0x0] =	wrdreg $0x60  }
0xae: {  	[dreg:$0x2] =	wrdreg s2  }
0xaf: {  	[dreg:$0x3] =	wrdreg s24  }
0xb0: {  	[dreg:$0x4] =	wrdreg $0x123000  }
0xb1: {  	[dreg:$0x5] =	wrdreg $0x9  }
0xb2: {  	_ =	task.clear_ibuf [dreg:s7], $0x6FFFF;
	_ =	strace $0x9000004C  }
0xb3: {  	s29 =	simm.s32 $0x9;
	_ =	strace $0x8000004E  }
0xb4: {  	_ =	swait.ge [sflag:s29], $0x1  }
0xb5: {  	[sflag:s29] =	ssyncadd.s32 $0xFFFFFFFF  }
0xb6: {  	_ =	strace $0x9000004E  }
0xb7: {  	_ =	sfence  }
0xb8: {  	s30 =	sld [smem:$0x0];
	_ =	sdelay $0x2  }
0xb9: {  	s31 =	sshll.u32 s1, $0xD;
	s1 =	sshrl.u32 s1, $0x2  }
0xba: {  	s3 =	sand.u32 $0x4000, s31;
	s1 =	sadd.s32 s1, s30  }
0xbb: {  	s0 =	sor.u32 s3, s0;
	s1 =	sshll.u32 s1, $0x11  }
0xbc: {  	s0 =	sor.u32 s1, s0  }
0xbd: {  	s0 =	sadd.s32 $0x8F2B, s0  }
0xbe: {  	[sflag:s0] =	ssyncadd.remote.s32 $0x1  }
0xbf: {  	_ =	sfence.sel $0xFFFF  }
0xc0: {  	[dreg:$0x0] =	wrdreg $0xFFFFFFFF;
	(pc) =	sbr.abs _section_cstart, $3  }
0xc1: {  	[dreg:$0x1] =	wrdreg $0xFFFFFFFF  }
0xc2: {  	_ =	task.clear_ibuf [dreg:s7], $0x2FFFF;
	_ =	strace $0x9FFFFFFF  }
0xc3: {  	(tm) =	ssettm $0x7FFFFFFF  }
tec
execute0_lowered:
.L_overlay_start_1:
0x0: {  	(tag) =	ssettag $0x1  }
0x1: {  	s0 =	srdreg.scid;
	s1 =	rddreg [dreg:$0x0]  }
0x2: {  	s9 =	stileid.u32;
	s3 =	rddreg [dreg:$0x1];
	s20 =	simm.s32 $0x0  }
0x3: {  	s13 =	simm.s32 $0x2A00;
	s14 =	simm.s32 $0x9;
	s15 =	simm.s32 $0xD400  }
0x4: {  	s16 =	simm.s32 $0x80;
	s17 =	simm.s32 $0x5400;
	s18 =	simm.s32 $0x7400  }
0x5: {  	s19 =	simm.s32 $0x1;
	s28 =	simm.s32 $0x2B00;
	s29 =	simm.s32 $0x5  }
0x6: {  	s30 =	simm.s32 $0x200;
	s31 =	simm.s32 $0x4;
	s0 =	sand.u32 $0x1, s0  }
0x7: {  	s6 =	smul.u32 $0x9E00, s9;
	[smem:$0x7FF] =	sst s20;
	s2 =	sshll.u32 s0, $0x4  }
0x8: {  	s21 =	smul.u32 $0x13C000, s0;
	s0 =	ssub.s32 $0x2, s0;
	s4 =	sor.u32 s9, s2  }
0x9: {  	s2 =	rddreg [dreg:$0x2];
	_ =	strace $0x8000004D;
	s9 =	smul.u32 $0x27800, s9  }
0xa: {  	s10 =	sshrl.u32 s0, $0x1;
	s5 =	smul.u32 $0x540, s4;
	s7 =	sadd.s32 s6, s21  }
0xb: {  	s4 =	sadd.s32 $0x71200, s3;
	s0 =	ssub.s32 s0, s10;
	s6 =	sadd.s32 s6, s2  }
0xc: {  	s21 =	simm.s32 $0x9400;
	s7 =	sshrl.u32 s7, $0x3;
	s22 =	sshrl.u32 s9, $0x2  }
0xd: {  	s0 =	smax.u32 s0, $0x1;
	s9 =	simm.s32 $0x0;
	s8 =	sadd.s32 s5, s3  }
0xe: {  	s3 =	sadd.s32 s7, s3;
	s7 =	sadd.s32 s22, s2;
	s1 =	sadd.s32 s1, s5  }
0xf: {  	[dreg:$0x9] =	wrdreg s0;
	s22 =	simm.s32 $0x2;
	s0 =	simm.s32 $0x6  }
0x10: {  	s5 =	simm.s32 $0x7;
	s23 =	sadd.s32 $0x3400, s8;
	[dreg:$0x5] =	wrdreg s1  }
.Ltmp0:
0x11: {  	s24 =	sadd.s32 $0x98A00, s3;
	[dreg:$0x4] =	wrdreg s23;
	(pc) =	sbr.rel .LBB2_1-.Ltmp0, $4  }
0x12: {  	s7 =	sadd.s32 $0x4F00, s7;
	s25 =	sadd.s32 $0x17A00, s8;
	[dreg:$0x6] =	wrdreg s24  }
0x13: {  	s26 =	sadd.s32 $0xAC600, s3;
	s1 =	simm.s32 $0x2B80;
	[dreg:$0x7] =	wrdreg s25  }
0x14: {  	s3 =	simm.s32 $0x280;
	s8 =	simm.s32 $0x8;
	[dreg:$0x8] =	wrdreg s26  }
0x15: {  	v0 =	vimm.f32 $0.0e+00;
	s23 =	simm.s32 $0x100;
	s25 =	simm.s32 $0xB400;
	s26 =	simm.s32 $0x3  }
.LBB2_9:
0x16: {  	_ =	swait.ge [sflag:s31], $0x2000  }
0x17: {  	[sflag:s31] =	ssyncset.done $0x0  }
0x18: {  	[sflag:s31] =	ssyncadd.s32 $0xFFFFE000  }
0x19: {  	[spmem:s2] =	stream.indirect.scatter.add.f32 [tilespmem:s25], [sflag:$0x8], $0x40, s23, s16, $0xb8;
	[tilespmem:$0x1C100] =	vst v63  }
0x1a: {  	_ =	swait.ge [sflag:s29], $0x2000  }
0x1b: {  	[sflag:s29] =	ssyncset.done $0x0  }
0x1c: {  	[sflag:s29] =	ssyncadd.s32 $0xFFFFE000  }
0x1d: {  	_ =	swait.ge [sflag:s0], $0x2000  }
0x1e: {  	[sflag:s0] =	ssyncset.done $0x0  }
0x1f: {  	[sflag:s0] =	ssyncadd.s32 $0xFFFFE000  }
0x20: {  	_ =	swait.ge [sflag:s5], $0x2000  }
0x21: {  	[sflag:s5] =	ssyncset.done $0x0  }
0x22: {  	[sflag:s5] =	ssyncadd.s32 $0xFFFFE000  }
0x23: {  	_ =	swait.ge [sflag:s8], $0x2000  }
0x24: {  	[sflag:s8] =	ssyncset.done $0x0  }
0x25: {  	[sflag:s8] =	ssyncadd.s32 $0xFFFFE000  }
0x26: {  	[bflag:$0x0] =	sbarrier.arrive $0xFFFF  }
0x27: {  	s12 =	rddreg [dreg:$0x8]  }
0x28: {  	[hbm:s12], [sflag:s10] =	dma.local [spmem:s11], $0x13C0  }
0x29: {  	_ =	swait.ge [sflag:s14], $0x13C0  }
0x2a: {  	s9 =	sadd.s32 $0x1, s9;
	s24 =	rddreg [dreg:$0x9]  }
0x2b: {  	p0 =	sne.s32 s9, s24  }
.Ltmp1:
0x2c: {  	_ = 	snop;
	(pc) =	sbr.rel @!p0 .LBB2_10-.Ltmp1, $3  }
0x2d: {  	_ =	sdelay $0x1  }
0x2e: {  	[sflag:s14] =	ssyncset.done $0x0  }
0x2f: {  	s23 =	simm.s32 $0x100;
	[sflag:s14] =	ssyncadd.s32 $0xFFFFEC40  }
.LBB2_1:
0x30: {  	s11 =	simm.s32 $0x0  }
0x31: {  	s10 =	sand.u32 $0x1FF00, s11  }
0x32: {  	s11 =	sand.u32 $0x30, s11;
	s12 =	sshrl.u32 s10, $0x2  }
0x33: {  	s10 =	simm.s32 $0x40;
	s12 =	sor.u32 s11, s12;
	s11 =	simm.s32 $0x0  }
.LBB2_2:
0x34: {  	p0 =	sne.s32 s10, $0x13BC0  }
0x35: {  	[tilespmem:s12+$0xD400] =	vst v0;
	s11 =	sadd.s32 $0x10, s11;
	s12 =	smov.u32 s10;
	s10 =	sadd.s32 $0x40, s10  }
.Ltmp2:
0x36: {  	(pc) =	sbr.rel @p0 .LBB2_2-.Ltmp2, $4  }
0x37: {  	_ = 	snop  }
0x38: {  	s12 =	sand.u32 $0x1FF00, s12  }
0x39: {  	s20 =	sand.u32 $0x30, s11;
	s12 =	sshrl.u32 s12, $0x2  }
0x3a: {  	s12 =	sor.u32 s20, s12  }
0x3b: {  	[tilespmem:s12+$0xD400] =	vst v0;
	s10 =	simm.s32 $0x0;
	s11 =	rddreg [dreg:$0x4]  }
0x3c: {  	[tilespmem:s13], [sflag:$0x9] =	stream.linear.gather [hbm4b:s11+s10], $0x2A00, $0x38;
	[tilespmem:$0x1C100] =	vst v63  }
0x3d: {  	_ =	swait.ge [sflag:s14], $0x2A00  }
0x3e: {  	[sflag:s14] =	ssyncset.done $0x0  }
0x3f: {  	[sflag:s14] =	ssyncadd.s32 $0xFFFFD600  }
0x40: {  	[spmem:s6] =	stream.linear.scatter [tilespmem:s15], [sflag:$0x9], $0x4F00, $0x38;
	[tilespmem:$0x1C100] =	vst v63  }
0x41: {  	_ =	swait.ge [sflag:s14], $0x4F00  }
0x42: {  	[sflag:s14] =	ssyncset.done $0x0  }
0x43: {  	[sflag:s14] =	ssyncadd.s32 $0xFFFFB100  }
0x44: {  	[spmem:s7] =	stream.linear.scatter [tilespmem:s15], [sflag:$0x9], $0x4F00, $0x38;
	[tilespmem:$0x1C100] =	vst v63  }
0x45: {  	_ =	swait.ge [sflag:s14], $0x4F00  }
0x46: {  	[sflag:s14] =	ssyncset.done $0x0  }
0x47: {  	s12 =	rddreg [dreg:$0x5];
	[sflag:s14] =	ssyncadd.s32 $0xFFFFB100  }
0x48: {  	[tilespmem:s10], [sflag:$0x9] =	stream.linear.gather [hbm4b:s12+s10], $0x2A00, $0x38;
	[tilespmem:$0x1C100] =	vst v63  }
0x49: {  	_ =	swait.ge [sflag:s14], $0x2A00  }
0x4a: {  	[sflag:s14] =	ssyncset.done $0x0  }
0x4b: {  	[sflag:s14] =	ssyncadd.s32 $0xFFFFD600  }
0x4c: {  	[bflag:$0x0] =	sbarrier.arrive $0xFFFF  }
0x4d: {  	[tilespmem:s17], [sflag:$0x1] =	stream.indirect.gather [hbm4b:s4+s16], $0x40, s10, s16, $0xb8;
	[tilespmem:$0x1C100] =	vst v63  }
0x4e: {  	_ = 	snop  }
0x4f: {  	[tilespmem:s18], [sflag:$0x2] =	stream.indirect.gather [hbm4b:s4+s16], $0x40, s16, s16, $0xb8;
	[tilespmem:$0x1C100] =	vst v63  }
0x50: {  	_ =	swait.ge [sflag:s19], $0x2000  }
0x51: {  	[sflag:s19] =	ssyncset.done $0x0  }
0x52: {  	[sflag:s19] =	ssyncadd.s32 $0xFFFFE000  }
0x53: {  	[spmem:s2] =	stream.indirect.scatter.add.f32 [tilespmem:s17], [sflag:$0x5], $0x40, s13, s16, $0xb8;
	[tilespmem:$0x1C100] =	vst v63  }
0x54: {  	_ = 	snop  }
0x55: {  	[tilespmem:s21], [sflag:$0x3] =	stream.indirect.gather [hbm4b:s4+s16], $0x40, s23, s16, $0xb8;
	[tilespmem:$0x1C100] =	vst v63  }
0x56: {  	_ =	swait.ge [sflag:s22], $0x2000  }
0x57: {  	[sflag:s22] =	ssyncset.done $0x0  }
0x58: {  	s20 =	simm.s32 $0x2A80;
	[sflag:s22] =	ssyncadd.s32 $0xFFFFE000  }
0x59: {  	[spmem:s2] =	stream.indirect.scatter.add.f32 [tilespmem:s18], [sflag:$0x6], $0x40, s20, s16, $0xb8;
	[tilespmem:$0x1C100] =	vst v63  }
0x5a: {  	s24 =	simm.s32 $0x180  }
0x5b: {  	[tilespmem:s25], [sflag:$0x4] =	stream.indirect.gather [hbm4b:s4+s16], $0x40, s24, s16, $0xb8;
	[tilespmem:$0x1C100] =	vst v63  }
0x5c: {  	_ =	swait.ge [sflag:s26], $0x2000  }
0x5d: {  	[sflag:s26] =	ssyncset.done $0x0  }
0x5e: {  	[sflag:s26] =	ssyncadd.s32 $0xFFFFE000  }
0x5f: {  	[spmem:s2] =	stream.indirect.scatter.add.f32 [tilespmem:s21], [sflag:$0x7], $0x40, s28, s16, $0xb8;
	[tilespmem:$0x1C100] =	vst v63  }
0x60: {  	_ =	swait.ge [sflag:s29], $0x2000  }
0x61: {  	[sflag:s29] =	ssyncset.done $0x0  }
0x62: {  	[sflag:s29] =	ssyncadd.s32 $0xFFFFE000  }
0x63: {  	[tilespmem:s17], [sflag:$0x1] =	stream.indirect.gather [hbm4b:s4+s16], $0x40, s30, s16, $0xb8;
	[tilespmem:$0x1C100] =	vst v63  }
0x64: {  	_ =	swait.ge [sflag:s31], $0x2000  }
0x65: {  	[sflag:s31] =	ssyncset.done $0x0  }
0x66: {  	[sflag:s31] =	ssyncadd.s32 $0xFFFFE000  }
0x67: {  	[spmem:s2] =	stream.indirect.scatter.add.f32 [tilespmem:s25], [sflag:$0x8], $0x40, s1, s16, $0xb8;
	[tilespmem:$0x1C100] =	vst v63  }
0x68: {  	_ =	swait.ge [sflag:s0], $0x2000  }
0x69: {  	[sflag:s0] =	ssyncset.done $0x0  }
0x6a: {  	[sflag:s0] =	ssyncadd.s32 $0xFFFFE000  }
0x6b: {  	[tilespmem:s18], [sflag:$0x2] =	stream.indirect.gather [hbm4b:s4+s16], $0x40, s3, s16, $0xb8;
	[tilespmem:$0x1C100] =	vst v63  }
.LBB2_4:
0x6c: {  	_ =	swait.ge [sflag:s19], $0x2000  }
0x6d: {  	s11 =	sshra.s32 s10, $0x2;
	[sflag:s19] =	ssyncset.done $0x0  }
0x6e: {  	s12 =	sadd.s32 $0x2C00, s11;
	[sflag:s19] =	ssyncadd.s32 $0xFFFFE000  }
0x6f: {  	[spmem:s2] =	stream.indirect.scatter.add.f32 [tilespmem:s17], [sflag:$0x5], $0x40, s12, s16, $0xb8;
	[tilespmem:$0x1C100] =	vst v63  }
0x70: {  	_ =	swait.ge [sflag:s5], $0x2000  }
0x71: {  	[sflag:s5] =	ssyncset.done $0x0  }
0x72: {  	s20 =	sadd.s32 $0x300, s11;
	[sflag:s5] =	ssyncadd.s32 $0xFFFFE000  }
0x73: {  	[tilespmem:s21], [sflag:$0x3] =	stream.indirect.gather [hbm4b:s4+s16], $0x40, s20, s16, $0xb8;
	[tilespmem:$0x1C100] =	vst v63  }
0x74: {  	_ =	swait.ge [sflag:s22], $0x2000  }
0x75: {  	[sflag:s22] =	ssyncset.done $0x0  }
0x76: {  	s24 =	sadd.s32 $0x2C80, s11;
	[sflag:s22] =	ssyncadd.s32 $0xFFFFE000  }
0x77: {  	[spmem:s2] =	stream.indirect.scatter.add.f32 [tilespmem:s18], [sflag:$0x6], $0x40, s24, s16, $0xb8;
	[tilespmem:$0x1C100] =	vst v63  }
0x78: {  	_ =	swait.ge [sflag:s8], $0x2000  }
0x79: {  	[sflag:s8] =	ssyncset.done $0x0  }
0x7a: {  	p0 =	seq.s32 s10, $0x9800;
	s20 =	sadd.s32 $0x380, s11;
	[sflag:s8] =	ssyncadd.s32 $0xFFFFE000  }
0x7b: {  	[tilespmem:s25], [sflag:$0x4] =	stream.indirect.gather [hbm4b:s4+s16], $0x40, s20, s16, $0xb8;
	[tilespmem:$0x1C100] =	vst v63  }
.Ltmp3:
0x7c: {  	_ = 	snop;
	(pc) =	sbr.rel @p0 .LBB2_6-.Ltmp3, $4  }
0x7d: {  	_ =	swait.ge [sflag:s26], $0x2000  }
0x7e: {  	[sflag:s26] =	ssyncset.done $0x0  }
0x7f: {  	s12 =	sadd.s32 $0x2D80, s11;
	s24 =	sadd.s32 $0x2D00, s11;
	[sflag:s26] =	ssyncadd.s32 $0xFFFFE000  }
0x80: {  	[spmem:s2] =	stream.indirect.scatter.add.f32 [tilespmem:s21], [sflag:$0x7], $0x40, s24, s16, $0xb8;
	[tilespmem:$0x1C100] =	vst v63  }
0x81: {  	_ =	swait.ge [sflag:s29], $0x2000  }
0x82: {  	[sflag:s29] =	ssyncset.done $0x0  }
0x83: {  	s20 =	sadd.s32 $0x400, s11;
	[sflag:s29] =	ssyncadd.s32 $0xFFFFE000  }
0x84: {  	[tilespmem:s17], [sflag:$0x1] =	stream.indirect.gather [hbm4b:s4+s16], $0x40, s20, s16, $0xb8;
	[tilespmem:$0x1C100] =	vst v63  }
0x85: {  	_ =	swait.ge [sflag:s31], $0x2000  }
0x86: {  	[sflag:s31] =	ssyncset.done $0x0  }
0x87: {  	[sflag:s31] =	ssyncadd.s32 $0xFFFFE000  }
0x88: {  	[spmem:s2] =	stream.indirect.scatter.add.f32 [tilespmem:s25], [sflag:$0x8], $0x40, s12, s16, $0xb8;
	[tilespmem:$0x1C100] =	vst v63  }
.Ltmp4:
0x89: {  	_ = 	snop;
	(pc) =	sbr.rel .LBB2_4-.Ltmp4, $4  }
0x8a: {  	_ =	swait.ge [sflag:s0], $0x2000  }
0x8b: {  	[sflag:s0] =	ssyncset.done $0x0  }
0x8c: {  	s24 =	sadd.s32 $0x480, s11;
	s10 =	sadd.s32 $0x800, s10;
	[sflag:s0] =	ssyncadd.s32 $0xFFFFE000  }
0x8d: {  	[tilespmem:s18], [sflag:$0x2] =	stream.indirect.gather [hbm4b:s4+s16], $0x40, s24, s16, $0xb8;
	[tilespmem:$0x1C100] =	vst v63  }
.LBB2_6:
0x8e: {  	_ =	swait.ge [sflag:s31], $0x2000  }
0x8f: {  	[sflag:s31] =	ssyncset.done $0x0  }
0x90: {  	[sflag:s31] =	ssyncadd.s32 $0xFFFFE000  }
0x91: {  	[spmem:s2] =	stream.indirect.scatter.add.f32 [tilespmem:s25], [sflag:$0x8], $0x40, s12, s16, $0xb8;
	[tilespmem:$0x1C100] =	vst v63  }
0x92: {  	_ =	swait.ge [sflag:s29], $0x2000  }
0x93: {  	[sflag:s29] =	ssyncset.done $0x0  }
0x94: {  	[sflag:s29] =	ssyncadd.s32 $0xFFFFE000  }
0x95: {  	_ =	swait.ge [sflag:s0], $0x2000  }
0x96: {  	[sflag:s0] =	ssyncset.done $0x0  }
0x97: {  	[sflag:s0] =	ssyncadd.s32 $0xFFFFE000  }
0x98: {  	_ =	swait.ge [sflag:s5], $0x2000  }
0x99: {  	[sflag:s5] =	ssyncset.done $0x0  }
0x9a: {  	[sflag:s5] =	ssyncadd.s32 $0xFFFFE000  }
0x9b: {  	_ =	swait.ge [sflag:s8], $0x2000  }
0x9c: {  	[sflag:s8] =	ssyncset.done $0x0  }
0x9d: {  	s10 =	stileid.u32;
	[sflag:s8] =	ssyncadd.s32 $0xFFFFE000  }
0x9e: {  	s10 =	sshll.u32 s10, $0x6;
	[bflag:$0x0] =	sbarrier.arrive $0xFFFF  }
0x9f: {  	s11 =	sshrl.u32 s6, $0x3;
	s10 =	sor.u32 $0x1C09, s10;
	s20 =	rddreg [dreg:$0x6]  }
0xa0: {  	[hbm:s20], [sflag:s10] =	dma.local [spmem:s11], $0x13C0  }
0xa1: {  	_ =	swait.ge [sflag:s14], $0x13C0  }
0xa2: {  	[sflag:s14] =	ssyncset.done $0x0  }
0xa3: {  	[sflag:s14] =	ssyncadd.s32 $0xFFFFEC40  }
0xa4: {  	[spmem:s6] =	stream.linear.scatter [tilespmem:s15], [sflag:$0x9], $0x4F00, $0x38;
	[tilespmem:$0x1C100] =	vst v63  }
0xa5: {  	_ =	swait.ge [sflag:s14], $0x4F00  }
0xa6: {  	[sflag:s14] =	ssyncset.done $0x0  }
0xa7: {  	[sflag:s14] =	ssyncadd.s32 $0xFFFFB100  }
0xa8: {  	[spmem:s7] =	stream.linear.scatter [tilespmem:s15], [sflag:$0x9], $0x4F00, $0x38;
	[tilespmem:$0x1C100] =	vst v63  }
0xa9: {  	_ =	swait.ge [sflag:s14], $0x4F00  }
0xaa: {  	[sflag:s14] =	ssyncset.done $0x0  }
0xab: {  	s12 =	simm.s32 $0x0;
	s20 =	rddreg [dreg:$0x7];
	[sflag:s14] =	ssyncadd.s32 $0xFFFFB100  }
0xac: {  	[tilespmem:s12], [sflag:$0x9] =	stream.linear.gather [hbm4b:s20+s12], $0x2A00, $0x38;
	[tilespmem:$0x1C100] =	vst v63  }
0xad: {  	_ =	swait.ge [sflag:s14], $0x2A00  }
0xae: {  	[sflag:s14] =	ssyncset.done $0x0  }
0xaf: {  	[sflag:s14] =	ssyncadd.s32 $0xFFFFD600  }
0xb0: {  	[bflag:$0x0] =	sbarrier.arrive $0xFFFF  }
0xb1: {  	[tilespmem:s17], [sflag:$0x1] =	stream.indirect.gather [hbm4b:s4+s16], $0x40, s12, s16, $0xb8;
	[tilespmem:$0x1C100] =	vst v63  }
0xb2: {  	_ = 	snop  }
0xb3: {  	[tilespmem:s18], [sflag:$0x2] =	stream.indirect.gather [hbm4b:s4+s16], $0x40, s16, s16, $0xb8;
	[tilespmem:$0x1C100] =	vst v63  }
0xb4: {  	_ =	swait.ge [sflag:s19], $0x2000  }
0xb5: {  	[sflag:s19] =	ssyncset.done $0x0  }
0xb6: {  	[sflag:s19] =	ssyncadd.s32 $0xFFFFE000  }
0xb7: {  	[spmem:s2] =	stream.indirect.scatter.add.f32 [tilespmem:s17], [sflag:$0x5], $0x40, s13, s16, $0xb8;
	[tilespmem:$0x1C100] =	vst v63  }
0xb8: {  	_ = 	snop  }
0xb9: {  	[tilespmem:s21], [sflag:$0x3] =	stream.indirect.gather [hbm4b:s4+s16], $0x40, s23, s16, $0xb8;
	[tilespmem:$0x1C100] =	vst v63  }
0xba: {  	_ =	swait.ge [sflag:s22], $0x2000  }
0xbb: {  	[sflag:s22] =	ssyncset.done $0x0  }
0xbc: {  	s23 =	simm.s32 $0x2A80;
	[sflag:s22] =	ssyncadd.s32 $0xFFFFE000  }
0xbd: {  	[spmem:s2] =	stream.indirect.scatter.add.f32 [tilespmem:s18], [sflag:$0x6], $0x40, s23, s16, $0xb8;
	[tilespmem:$0x1C100] =	vst v63  }
0xbe: {  	s24 =	simm.s32 $0x180  }
0xbf: {  	[tilespmem:s25], [sflag:$0x4] =	stream.indirect.gather [hbm4b:s4+s16], $0x40, s24, s16, $0xb8;
	[tilespmem:$0x1C100] =	vst v63  }
0xc0: {  	_ =	swait.ge [sflag:s26], $0x2000  }
0xc1: {  	[sflag:s26] =	ssyncset.done $0x0  }
0xc2: {  	[sflag:s26] =	ssyncadd.s32 $0xFFFFE000  }
0xc3: {  	[spmem:s2] =	stream.indirect.scatter.add.f32 [tilespmem:s21], [sflag:$0x7], $0x40, s28, s16, $0xb8;
	[tilespmem:$0x1C100] =	vst v63  }
0xc4: {  	_ =	swait.ge [sflag:s29], $0x2000  }
0xc5: {  	[sflag:s29] =	ssyncset.done $0x0  }
0xc6: {  	[sflag:s29] =	ssyncadd.s32 $0xFFFFE000  }
0xc7: {  	[tilespmem:s17], [sflag:$0x1] =	stream.indirect.gather [hbm4b:s4+s16], $0x40, s30, s16, $0xb8;
	[tilespmem:$0x1C100] =	vst v63  }
0xc8: {  	_ =	swait.ge [sflag:s31], $0x2000  }
0xc9: {  	[sflag:s31] =	ssyncset.done $0x0  }
0xca: {  	[sflag:s31] =	ssyncadd.s32 $0xFFFFE000  }
0xcb: {  	[spmem:s2] =	stream.indirect.scatter.add.f32 [tilespmem:s25], [sflag:$0x8], $0x40, s1, s16, $0xb8;
	[tilespmem:$0x1C100] =	vst v63  }
0xcc: {  	_ =	swait.ge [sflag:s0], $0x2000  }
0xcd: {  	[sflag:s0] =	ssyncset.done $0x0  }
0xce: {  	[sflag:s0] =	ssyncadd.s32 $0xFFFFE000  }
0xcf: {  	[tilespmem:s18], [sflag:$0x2] =	stream.indirect.gather [hbm4b:s4+s16], $0x40, s3, s16, $0xb8;
	[tilespmem:$0x1C100] =	vst v63  }
.LBB2_7:
0xd0: {  	_ =	swait.ge [sflag:s19], $0x2000  }
0xd1: {  	s20 =	sshra.s32 s12, $0x2;
	[sflag:s19] =	ssyncset.done $0x0  }
0xd2: {  	s23 =	sadd.s32 $0x2C00, s20;
	[sflag:s19] =	ssyncadd.s32 $0xFFFFE000  }
0xd3: {  	[spmem:s2] =	stream.indirect.scatter.add.f32 [tilespmem:s17], [sflag:$0x5], $0x40, s23, s16, $0xb8;
	[tilespmem:$0x1C100] =	vst v63  }
0xd4: {  	_ =	swait.ge [sflag:s5], $0x2000  }
0xd5: {  	[sflag:s5] =	ssyncset.done $0x0  }
0xd6: {  	s24 =	sadd.s32 $0x300, s20;
	[sflag:s5] =	ssyncadd.s32 $0xFFFFE000  }
0xd7: {  	[tilespmem:s21], [sflag:$0x3] =	stream.indirect.gather [hbm4b:s4+s16], $0x40, s24, s16, $0xb8;
	[tilespmem:$0x1C100] =	vst v63  }
0xd8: {  	_ =	swait.ge [sflag:s22], $0x2000  }
0xd9: {  	[sflag:s22] =	ssyncset.done $0x0  }
0xda: {  	s24 =	sadd.s32 $0x2C80, s20;
	[sflag:s22] =	ssyncadd.s32 $0xFFFFE000  }
0xdb: {  	[spmem:s2] =	stream.indirect.scatter.add.f32 [tilespmem:s18], [sflag:$0x6], $0x40, s24, s16, $0xb8;
	[tilespmem:$0x1C100] =	vst v63  }
0xdc: {  	_ =	swait.ge [sflag:s8], $0x2000  }
0xdd: {  	[sflag:s8] =	ssyncset.done $0x0  }
0xde: {  	p0 =	seq.s32 s12, $0x9800;
	s24 =	sadd.s32 $0x380, s20;
	[sflag:s8] =	ssyncadd.s32 $0xFFFFE000  }
0xdf: {  	[tilespmem:s25], [sflag:$0x4] =	stream.indirect.gather [hbm4b:s4+s16], $0x40, s24, s16, $0xb8;
	[tilespmem:$0x1C100] =	vst v63  }
.Ltmp5:
0xe0: {  	_ = 	snop;
	(pc) =	sbr.rel @p0 .LBB2_9-.Ltmp5, $4  }
0xe1: {  	_ =	swait.ge [sflag:s26], $0x2000  }
0xe2: {  	[sflag:s26] =	ssyncset.done $0x0  }
0xe3: {  	s23 =	sadd.s32 $0x2D80, s20;
	s24 =	sadd.s32 $0x2D00, s20;
	[sflag:s26] =	ssyncadd.s32 $0xFFFFE000  }
0xe4: {  	[spmem:s2] =	stream.indirect.scatter.add.f32 [tilespmem:s21], [sflag:$0x7], $0x40, s24, s16, $0xb8;
	[tilespmem:$0x1C100] =	vst v63  }
0xe5: {  	_ =	swait.ge [sflag:s29], $0x2000  }
0xe6: {  	[sflag:s29] =	ssyncset.done $0x0  }
0xe7: {  	s24 =	sadd.s32 $0x400, s20;
	[sflag:s29] =	ssyncadd.s32 $0xFFFFE000  }
0xe8: {  	[tilespmem:s17], [sflag:$0x1] =	stream.indirect.gather [hbm4b:s4+s16], $0x40, s24, s16, $0xb8;
	[tilespmem:$0x1C100] =	vst v63  }
0xe9: {  	_ =	swait.ge [sflag:s31], $0x2000  }
0xea: {  	[sflag:s31] =	ssyncset.done $0x0  }
0xeb: {  	[sflag:s31] =	ssyncadd.s32 $0xFFFFE000  }
0xec: {  	[spmem:s2] =	stream.indirect.scatter.add.f32 [tilespmem:s25], [sflag:$0x8], $0x40, s23, s16, $0xb8;
	[tilespmem:$0x1C100] =	vst v63  }
.Ltmp6:
0xed: {  	_ = 	snop;
	(pc) =	sbr.rel .LBB2_7-.Ltmp6, $4  }
0xee: {  	_ =	swait.ge [sflag:s0], $0x2000  }
0xef: {  	[sflag:s0] =	ssyncset.done $0x0  }
0xf0: {  	s12 =	sadd.s32 $0x800, s12;
	s24 =	sadd.s32 $0x480, s20;
	[sflag:s0] =	ssyncadd.s32 $0xFFFFE000  }
0xf1: {  	[tilespmem:s18], [sflag:$0x2] =	stream.indirect.gather [hbm4b:s4+s16], $0x40, s24, s16, $0xb8;
	[tilespmem:$0x1C100] =	vst v63  }
.LBB2_10:
0xf2: {  	_ =	sfence.sel $0x180000  }
0xf3: {  	[bflag:$0x0] =	sbarrier.arrive $0xFFFF  }
0xf4: {  	_ =	strace $0x9000004D  }
0xf5: {  	s0 =	stileid.u32;
	[bflag:$0x2] =	sbarrier.arrive $0xFFFF  }
0xf6: {  	p0 =	sne.s32 s0, $0x0;
	s0 =	rddreg [dreg:$0x3]  }
0xf7: {  	s0 =	sadd.s32 @!p0 $0x100000, s0  }
0xf8: {  	[sflag:s0] =	ssyncadd.tile.s32 @!p0 $0x1;
	_ =	shalt  }
.Lfunc_end2:
_tile_overlayer_lowered:
.L_overlay_start_2:
0xf9: {  	(tag) =	ssettag $0x2  }
0xfa: {  	s0 =	rddreg [dreg:$0x0];
	s2 =	stileid.u32  }
0xfb: {  	s1 =	rddreg [dreg:$0x1];
	p0 =	sne.s32 s2, $0x0  }
0xfc: {  	s3 =	rddreg [dreg:$0x2];
	[bflag:$0x3] =	sbarrier.arrive $0xFFFF;
	s2 =	simm.s32 @!p0 $0x1C09  }
0xfd: {  	[timem:s3], [sflag:s2] =	dma.local @!p0 [hbm:s0], s1  }
0xfe: {  	s0 =	simm.s32 @!p0 $0x9  }
0xff: {  	_ =	swait.ge @!p0 [sflag:s0], s1  }
0x100: {  	s1 =	ssub.s32 @!p0 $0x0, s1;
	[sflag:s0] =	ssyncset.done @!p0 $0x0  }
0x101: {  	[sflag:s0] =	ssyncadd.s32 @!p0 s1  }
0x102: {  	[bflag:$0x3] =	sbarrier.arrive $0xFFFF  }
0x103: {  	_ =	shalt  }

// kernel: kernel.19.cloned.1.call-start
scs
__scs_entry_jumppad:
0x0: {  	(pc) =	sbr.rel $0x88, $3  }
0x1: {  	(tag) =	ssettag $0x0;
	lr =	simm.s32 $0x1  }
0x2: {  	[smem:$0x3F97] =	sst lr;
	_ =	strace $0xD0000000  }
0x3: {  	_ = 	snop  }
0x4: {  	_ = 	snop  }
0x5: {  	_ = 	snop  }
0x6: {  	_ = 	snop  }
0x7: {  	_ = 	snop  }
__scs_overlays_trampoline_lowered:
0x8: {  	[smem:$0x3FA6] =	sst s0  }
0x9: {  	[smem:$0x3FA7] =	sst s1  }
0xa: {  	[smem:$0x3FA8] =	sst s2  }
0xb: {  	[smem:$0x3FA9] =	sst s3  }
0xc: {  	[smem:$0x3FAA] =	sst s4  }
0xd: {  	[smem:$0x3FAB] =	sst s5  }
0xe: {  	[smem:$0x3FAC] =	sst s6  }
0xf: {  	[smem:$0x3FAD] =	sst s7  }
0x10: {  	[smem:$0x3FAE] =	sst s8  }
0x11: {  	[smem:$0x3FAF] =	sst s9;
	s0 =	simm.s32 @!p0 $0x0  }
0x12: {  	s1 =	sld [smem:$0x3F95];
	s0 =	simm.s32 @p0 $0x1  }
0x13: {  	[smem:$0x3FB0] =	sst s0;
	s0 =	simm.s32 @!p1 $0x0  }
0x14: {  	s2 =	sld [smem:$0x3F94];
	s0 =	simm.s32 @p1 $0x1  }
0x15: {  	[smem:$0x3FB1] =	sst s0;
	s0 =	simm.s32 @!p2 $0x0  }
0x16: {  	s3 =	sld [smem:$0x3FDB];
	s0 =	simm.s32 @p2 $0x1  }
0x17: {  	s4 =	simm.s32 $0x1BF5;
	[smem:$0x3FB3] =	sst s0  }
0x18: {  	s0 =	sld [smem:$0x3F96];
	_ =	swait.ge [sflag:s4], $0x0  }
0x19: {  	s7 =	sld [smem:$0x3F97]  }
0x1a: {  	s8 =	sadd.s32 $0xFFFFE003, lr  }
0x1b: {  	s9 =	sadd.s32 $0xFFFFFEF7, lr;
	s5 =	simm.s32 $0xFFFFFFFF;
	p2 =	slt.u32 s8, $0xFFFFF086  }
0x1c: {  	p1 =	slt.u32 s9, $0xF7A;
	s5 =	simm.s32 @!p2 $0x0  }
0x1d: {  	s5 =	simm.s32 @p1 $0x1;
	p0 =	seq.s32 s7, s2  }
0x1e: {  	s7 =	smul.u32 @!p0 $0xF7A, s2;
	p2 =	seq.s32 @!p0 s5, $0x0  }
0x1f: {  	s9 =	smul.u32 $0xF7A, s1;
	s8 =	simm.s32 @!p0 $0x1BF5;
	p2 =	por !p2, p0  }
0x20: {  	[sflag:s8] =	ssyncset.s32 @!p0 $0xFFFFF086;
	s6 =	sadd.s32 @!p0 s3, s7;
	s7 =	simm.s32 @!p0 $0x108  }
0x21: {  	s3 =	sadd.s32 s3, s9;
	s6 =	sadd.s32 @!p0 $0x88, s6;
	s7 =	simm.s32 @p2 $0x1082  }
0x22: {  	[simem:s7], [sflag:s8] =	dma.local @!p0 [hbm:s6], $0xF7A  }
0x23: {  	s9 =	sor.u32 $0xD0000000, s2;
	s6 =	simm.s32 $0x108;
	_ =	swait.ge @!p0 [sflag:s8], $0x0  }
0x24: {  	s3 =	sadd.s32 $0x88, s3;
	s6 =	simm.s32 @!p1 $0x1082;
	[sflag:s4] =	ssyncset.s32 $0xFFFFF086  }
0x25: {  	[simem:s6], [sflag:s4] =	dma.local [hbm:s3], $0xF7A  }
0x26: {  	[smem:$0x3F97] =	sst s1;
	(tag) =	ssettag s2;
	_ =	strace s9  }
0x27: {  	s1 =	sld [smem:$0x3FA7]  }
0x28: {  	s2 =	sld [smem:$0x3FA8]  }
0x29: {  	s4 =	sld [smem:$0x3FAA]  }
0x2a: {  	p0 =	seq.s32 s5, $0x0;
	s5 =	sld [smem:$0x3FAB]  }
0x2b: {  	s6 =	sld [smem:$0x3FAC]  }
0x2c: {  	s7 =	sld [smem:$0x3FAD]  }
0x2d: {  	s3 =	simm.s32 $0x108;
	s8 =	sld [smem:$0x3FAE]  }
0x2e: {  	s3 =	simm.s32 @!p0 $0x1082;
	s9 =	sld [smem:$0x3FAF]  }
0x2f: {  	lr =	sadd.s32 s0, s3;
	s0 =	sld [smem:$0x3FA6]  }
0x30: {  	s3 =	sld [smem:$0x3FA9]  }
0x31: {  	[smem:$0x3FB2] =	sst s10  }
0x32: {  	s10 =	sld [smem:$0x3FB0];
	_ =	sdelay $0x3  }
0x33: {  	p0 =	seq.s32 s10, $0x1;
	s10 =	sld [smem:$0x3FB2];
	_ =	sdelay $0x3  }
0x34: {  	[smem:$0x3FB2] =	sst s10  }
0x35: {  	s10 =	sld [smem:$0x3FB1];
	_ =	sdelay $0x3  }
0x36: {  	p1 =	seq.s32 s10, $0x1;
	s10 =	sld [smem:$0x3FB2];
	_ =	sdelay $0x3  }
0x37: {  	[smem:$0x3FB2] =	sst s10  }
0x38: {  	s10 =	sld [smem:$0x3FB3]  }
0x39: {  	_ = 	snop;
	(pc) =	sbr.ind lr, $3  }
0x3a: {  	_ = 	snop  }
0x3b: {  	_ = 	snop  }
0x3c: {  	p2 =	seq.s32 s10, $0x1;
	s10 =	sld [smem:$0x3FB2]  }
0x3d: {  	_ =	shalt  }
0x3e: {  	_ =	shalt  }
0x3f: {  	_ =	shalt  }
0x40: {  	_ =	shalt  }
0x41: {  	_ =	shalt  }
0x42: {  	_ =	shalt  }
0x43: {  	_ =	shalt  }
0x44: {  	_ =	shalt  }
0x45: {  	_ =	shalt  }
0x46: {  	_ =	shalt  }
0x47: {  	_ =	shalt  }
0x48: {  	_ =	shalt  }
0x49: {  	_ =	shalt  }
0x4a: {  	_ =	shalt  }
0x4b: {  	_ =	shalt  }
0x4c: {  	_ =	shalt  }
0x4d: {  	_ =	shalt  }
0x4e: {  	_ =	shalt  }
0x4f: {  	_ =	shalt  }
0x50: {  	_ =	shalt  }
0x51: {  	_ =	shalt  }
0x52: {  	_ =	shalt  }
0x53: {  	_ =	shalt  }
0x54: {  	_ =	shalt  }
0x55: {  	_ =	shalt  }
0x56: {  	_ =	shalt  }
0x57: {  	_ =	shalt  }
0x58: {  	_ =	shalt  }
0x59: {  	_ =	shalt  }
0x5a: {  	_ =	shalt  }
0x5b: {  	_ =	shalt  }
0x5c: {  	_ =	shalt  }
0x5d: {  	_ =	shalt  }
0x5e: {  	_ =	shalt  }
0x5f: {  	_ =	shalt  }
0x60: {  	_ =	shalt  }
0x61: {  	_ =	shalt  }
0x62: {  	_ =	shalt  }
0x63: {  	_ =	shalt  }
0x64: {  	_ =	shalt  }
0x65: {  	_ =	shalt  }
0x66: {  	_ =	shalt  }
0x67: {  	_ =	shalt  }
0x68: {  	_ =	shalt  }
0x69: {  	_ =	shalt  }
0x6a: {  	_ =	shalt  }
0x6b: {  	_ =	shalt  }
0x6c: {  	_ =	shalt  }
0x6d: {  	_ =	shalt  }
0x6e: {  	_ =	shalt  }
0x6f: {  	_ =	shalt  }
0x70: {  	_ =	shalt  }
0x71: {  	_ =	shalt  }
0x72: {  	_ =	shalt  }
0x73: {  	_ =	shalt  }
0x74: {  	_ =	shalt  }
0x75: {  	_ =	shalt  }
0x76: {  	_ =	shalt  }
0x77: {  	_ =	shalt  }
0x78: {  	_ =	shalt  }
0x79: {  	_ =	shalt  }
0x7a: {  	_ =	shalt  }
0x7b: {  	_ =	shalt  }
0x7c: {  	_ =	shalt  }
0x7d: {  	_ =	shalt  }
0x7e: {  	_ =	shalt  }
0x7f: {  	_ =	shalt  }
0x80: {  	_ =	shalt  }
0x81: {  	_ =	shalt  }
0x82: {  	_ =	shalt  }
0x83: {  	_ =	shalt  }
0x84: {  	_ =	shalt  }
0x85: {  	_ =	shalt  }
0x86: {  	_ =	shalt  }
0x87: {  	_ =	shalt  }
.Lfunc_end0:
.L_simem_size_0:
called_computation.3_lowered:
.L_overlay_start_0:
0x88: {  	s2 =	sld [smem:$0x3FD9]  }
0x89: {  	s3 =	sld [smem:$0x3FFE];
	_ =	sdelay $0x1  }
0x8a: {  	s1 =	srdreg.scid  }
0x8b: {  	s0 =	sand.u32 $0x1, s1  }
0x8c: {  	s17 =	sshll.u32 s0, $0xA;
	s2 =	sadd.s32 s3, s2  }
0x8d: {  	s2 =	sadd.s32 s2, s17  }
0x8e: {  	[smem:$0x3FBE] =	sst s2  }
0x8f: {  	_ = 	snop  }
0x90: {  	s2 =	sld [smem:$0x3FD0];
	(tm) =	ssettm $0x1  }
0x91: {  	s18 =	sld [smem:$0x3FFB];
	_ =	sdelay $0x3  }
0x92: {  	_ =	strace s18  }
0x93: {  	s3 =	sld [smem:$0x3FFC];
	_ =	sdelay $0x3  }
0x94: {  	_ =	strace s3  }
0x95: {  	s3 =	sld [smem:$0x3FFD];
	_ =	sdelay $0x3  }
0x96: {  	_ =	strace s3  }
0x97: {  	_ =	strace $0x8FFFFFFF  }
0x98: {  	s19 =	sld [smem:$0x3FDB];
	_ =	sdelay $0x1  }
0x99: {  	s4 =	simm.s32 $_scs_section_size  }
0x9a: {  	s5 =	simm.s32 $_size__tile_overlayer_lowered;
	s6 =	simm.s32 $_tile_overlayer_lowered  }
0x9b: {  	s22 =	simm.s32 $0x1BFF;
	s21 =	sshll.u32 s6, $0x1;
	s3 =	sadd.s32 s4, s19  }
0x9c: {  	s7 =	simm.s32 $0x0;
	s20 =	sshll.u32 s5, $0x1;
	s5 =	sadd.s32 s21, s3  }
0x9d: {  	[timem:s7], [sflag:s22] =	dma.local [hbm:s5], s20  }
0x9e: {  	_ =	swait.ge [sflag:s22], s20  }
0x9f: {  	s4 =	ssub.s32 $0x0, s20;
	[sflag:s22] =	ssyncset.done $0x0  }
0xa0: {  	[sflag:s22] =	ssyncadd.s32 s4;
	_ =	sdelay $0x1  }
0xa1: {  	s23 =	simm.s32 $0x1B8B  }
0xa2: {  	_ =	swait.ge [sflag:s23], $0x1  }
0xa3: {  	[sflag:s23] =	ssyncset.done $0x0  }
0xa4: {  	s25 =	simm.s32 $0x1B8E;
	s24 =	sld [smem:$0x3FFE];
	[sflag:s23] =	ssyncadd.s32 $0xFFFFFFFF  }
0xa5: {  	s26 =	simm.s32 $execute0_lowered;
	[smem:$0x3FD2] =	sst s25  }
0xa6: {  	s5 =	sshll.u32 s26, $0x1;
	_ =	strace $0x8000004F;
	[dreg:$0x1] =	wrdreg $0xFFFFFFFF  }
0xa7: {  	s28 =	simm.s32 $_size_execute0_lowered;
	s3 =	sadd.s32 s3, s5;
	[dreg:$0x0] =	wrdreg $0x0  }
0xa8: {  	s5 =	sshll.u32 s28, $0x1;
	[dreg:$0x2] =	wrdreg s3  }
0xa9: {  	[dreg:$0x3] =	wrdreg s5  }
0xaa: {  	[dreg:$0x4] =	wrdreg $0xC0  }
0xab: {  	_ =	task [dreg:s7], $0x5FFFF  }
0xac: {  	[dreg:$0x1] =	wrdreg $0xFFFFFFFF  }
0xad: {  	[dreg:$0x0] =	wrdreg $0x60  }
0xae: {  	[dreg:$0x2] =	wrdreg s2  }
0xaf: {  	[dreg:$0x3] =	wrdreg s24  }
0xb0: {  	[dreg:$0x4] =	wrdreg $0x123000  }
0xb1: {  	[dreg:$0x5] =	wrdreg $0x9  }
0xb2: {  	_ =	task.clear_ibuf [dreg:s7], $0x6FFFF;
	_ =	strace $0x9000004F  }
0xb3: {  	s29 =	simm.s32 $0x9;
	_ =	strace $0x80000051  }
0xb4: {  	_ =	swait.ge [sflag:s29], $0x1  }
0xb5: {  	[sflag:s29] =	ssyncadd.s32 $0xFFFFFFFF  }
0xb6: {  	_ =	strace $0x90000051  }
0xb7: {  	_ =	sfence  }
0xb8: {  	s30 =	sld [smem:$0x0];
	_ =	sdelay $0x2  }
0xb9: {  	s31 =	sshll.u32 s1, $0xD;
	s1 =	sshrl.u32 s1, $0x2  }
0xba: {  	s3 =	sand.u32 $0x4000, s31;
	s1 =	sadd.s32 s1, s30  }
0xbb: {  	s0 =	sor.u32 s3, s0;
	s1 =	sshll.u32 s1, $0x11  }
0xbc: {  	s0 =	sor.u32 s1, s0  }
0xbd: {  	s0 =	sadd.s32 $0x8F2B, s0  }
0xbe: {  	[sflag:s0] =	ssyncadd.remote.s32 $0x1  }
0xbf: {  	_ =	sfence.sel $0xFFFF  }
0xc0: {  	[dreg:$0x0] =	wrdreg $0xFFFFFFFF;
	(pc) =	sbr.abs _section_cstart, $3  }
0xc1: {  	[dreg:$0x1] =	wrdreg $0xFFFFFFFF  }
0xc2: {  	_ =	task.clear_ibuf [dreg:s7], $0x2FFFF;
	_ =	strace $0x9FFFFFFF  }
0xc3: {  	(tm) =	ssettm $0x7FFFFFFF  }
tec
execute0_lowered:
.L_overlay_start_1:
0x0: {  	(tag) =	ssettag $0x1  }
0x1: {  	s0 =	srdreg.scid;
	s1 =	rddreg [dreg:$0x0]  }
0x2: {  	s9 =	stileid.u32;
	s3 =	rddreg [dreg:$0x1];
	s20 =	simm.s32 $0x0  }
0x3: {  	s13 =	simm.s32 $0x2A00;
	s14 =	simm.s32 $0x9;
	s15 =	simm.s32 $0xD400  }
0x4: {  	s16 =	simm.s32 $0x80;
	s17 =	simm.s32 $0x5400;
	s18 =	simm.s32 $0x7400  }
0x5: {  	s19 =	simm.s32 $0x1;
	s28 =	simm.s32 $0x2B00;
	s29 =	simm.s32 $0x5  }
0x6: {  	s30 =	simm.s32 $0x200;
	s31 =	simm.s32 $0x4;
	s0 =	sand.u32 $0x1, s0  }
0x7: {  	s6 =	smul.u32 $0x9E00, s9;
	[smem:$0x7FF] =	sst s20;
	s2 =	sshll.u32 s0, $0x4  }
0x8: {  	s21 =	smul.u32 $0x13C000, s0;
	s0 =	ssub.s32 $0x2, s0;
	s4 =	sor.u32 s9, s2  }
0x9: {  	s2 =	rddreg [dreg:$0x2];
	_ =	strace $0x80000050;
	s9 =	smul.u32 $0x27800, s9  }
0xa: {  	s10 =	sshrl.u32 s0, $0x1;
	s5 =	smul.u32 $0x540, s4;
	s7 =	sadd.s32 s6, s21  }
0xb: {  	s4 =	sadd.s32 $0x71200, s3;
	s0 =	ssub.s32 s0, s10;
	s6 =	sadd.s32 s6, s2  }
0xc: {  	s21 =	simm.s32 $0x9400;
	s7 =	sshrl.u32 s7, $0x3;
	s22 =	sshrl.u32 s9, $0x2  }
0xd: {  	s0 =	smax.u32 s0, $0x1;
	s9 =	simm.s32 $0x0;
	s8 =	sadd.s32 s5, s3  }
0xe: {  	s3 =	sadd.s32 s7, s3;
	s7 =	sadd.s32 s22, s2;
	s1 =	sadd.s32 s1, s5  }
0xf: {  	[dreg:$0x9] =	wrdreg s0;
	s22 =	simm.s32 $0x2;
	s0 =	simm.s32 $0x6  }
0x10: {  	s5 =	simm.s32 $0x7;
	s23 =	sadd.s32 $0x3400, s8;
	[dreg:$0x5] =	wrdreg s1  }
.Ltmp0:
0x11: {  	s24 =	sadd.s32 $0x98A00, s3;
	[dreg:$0x4] =	wrdreg s23;
	(pc) =	sbr.rel .LBB2_1-.Ltmp0, $4  }
0x12: {  	s7 =	sadd.s32 $0x4F00, s7;
	s25 =	sadd.s32 $0x17A00, s8;
	[dreg:$0x6] =	wrdreg s24  }
0x13: {  	s26 =	sadd.s32 $0xAC600, s3;
	s1 =	simm.s32 $0x2B80;
	[dreg:$0x7] =	wrdreg s25  }
0x14: {  	s3 =	simm.s32 $0x280;
	s8 =	simm.s32 $0x8;
	[dreg:$0x8] =	wrdreg s26  }
0x15: {  	v0 =	vimm.f32 $0.0e+00;
	s23 =	simm.s32 $0x100;
	s25 =	simm.s32 $0xB400;
	s26 =	simm.s32 $0x3  }
.LBB2_9:
0x16: {  	_ =	swait.ge [sflag:s31], $0x2000  }
0x17: {  	[sflag:s31] =	ssyncset.done $0x0  }
0x18: {  	[sflag:s31] =	ssyncadd.s32 $0xFFFFE000  }
0x19: {  	[spmem:s2] =	stream.indirect.scatter.add.f32 [tilespmem:s25], [sflag:$0x8], $0x40, s23, s16, $0xb8;
	[tilespmem:$0x1C100] =	vst v63  }
0x1a: {  	_ =	swait.ge [sflag:s29], $0x2000  }
0x1b: {  	[sflag:s29] =	ssyncset.done $0x0  }
0x1c: {  	[sflag:s29] =	ssyncadd.s32 $0xFFFFE000  }
0x1d: {  	_ =	swait.ge [sflag:s0], $0x2000  }
0x1e: {  	[sflag:s0] =	ssyncset.done $0x0  }
0x1f: {  	[sflag:s0] =	ssyncadd.s32 $0xFFFFE000  }
0x20: {  	_ =	swait.ge [sflag:s5], $0x2000  }
0x21: {  	[sflag:s5] =	ssyncset.done $0x0  }
0x22: {  	[sflag:s5] =	ssyncadd.s32 $0xFFFFE000  }
0x23: {  	_ =	swait.ge [sflag:s8], $0x2000  }
0x24: {  	[sflag:s8] =	ssyncset.done $0x0  }
0x25: {  	[sflag:s8] =	ssyncadd.s32 $0xFFFFE000  }
0x26: {  	[bflag:$0x0] =	sbarrier.arrive $0xFFFF  }
0x27: {  	s12 =	rddreg [dreg:$0x8]  }
0x28: {  	[hbm:s12], [sflag:s10] =	dma.local [spmem:s11], $0x13C0  }
0x29: {  	_ =	swait.ge [sflag:s14], $0x13C0  }
0x2a: {  	s9 =	sadd.s32 $0x1, s9;
	s24 =	rddreg [dreg:$0x9]  }
0x2b: {  	p0 =	sne.s32 s9, s24  }
.Ltmp1:
0x2c: {  	_ = 	snop;
	(pc) =	sbr.rel @!p0 .LBB2_10-.Ltmp1, $3  }
0x2d: {  	_ =	sdelay $0x1  }
0x2e: {  	[sflag:s14] =	ssyncset.done $0x0  }
0x2f: {  	s23 =	simm.s32 $0x100;
	[sflag:s14] =	ssyncadd.s32 $0xFFFFEC40  }
.LBB2_1:
0x30: {  	s11 =	simm.s32 $0x0  }
0x31: {  	s10 =	sand.u32 $0x1FF00, s11  }
0x32: {  	s11 =	sand.u32 $0x30, s11;
	s12 =	sshrl.u32 s10, $0x2  }
0x33: {  	s10 =	simm.s32 $0x40;
	s12 =	sor.u32 s11, s12;
	s11 =	simm.s32 $0x0  }
.LBB2_2:
0x34: {  	p0 =	sne.s32 s10, $0x13BC0  }
0x35: {  	[tilespmem:s12+$0xD400] =	vst v0;
	s11 =	sadd.s32 $0x10, s11;
	s12 =	smov.u32 s10;
	s10 =	sadd.s32 $0x40, s10  }
.Ltmp2:
0x36: {  	(pc) =	sbr.rel @p0 .LBB2_2-.Ltmp2, $4  }
0x37: {  	_ = 	snop  }
0x38: {  	s12 =	sand.u32 $0x1FF00, s12  }
0x39: {  	s20 =	sand.u32 $0x30, s11;
	s12 =	sshrl.u32 s12, $0x2  }
0x3a: {  	s12 =	sor.u32 s20, s12  }
0x3b: {  	[tilespmem:s12+$0xD400] =	vst v0;
	s10 =	simm.s32 $0x0;
	s11 =	rddreg [dreg:$0x4]  }
0x3c: {  	[tilespmem:s13], [sflag:$0x9] =	stream.linear.gather [hbm4b:s11+s10], $0x2A00, $0x38;
	[tilespmem:$0x1C100] =	vst v63  }
0x3d: {  	_ =	swait.ge [sflag:s14], $0x2A00  }
0x3e: {  	[sflag:s14] =	ssyncset.done $0x0  }
0x3f: {  	[sflag:s14] =	ssyncadd.s32 $0xFFFFD600  }
0x40: {  	[spmem:s6] =	stream.linear.scatter [tilespmem:s15], [sflag:$0x9], $0x4F00, $0x38;
	[tilespmem:$0x1C100] =	vst v63  }
0x41: {  	_ =	swait.ge [sflag:s14], $0x4F00  }
0x42: {  	[sflag:s14] =	ssyncset.done $0x0  }
0x43: {  	[sflag:s14] =	ssyncadd.s32 $0xFFFFB100  }
0x44: {  	[spmem:s7] =	stream.linear.scatter [tilespmem:s15], [sflag:$0x9], $0x4F00, $0x38;
	[tilespmem:$0x1C100] =	vst v63  }
0x45: {  	_ =	swait.ge [sflag:s14], $0x4F00  }
0x46: {  	[sflag:s14] =	ssyncset.done $0x0  }
0x47: {  	s12 =	rddreg [dreg:$0x5];
	[sflag:s14] =	ssyncadd.s32 $0xFFFFB100  }
0x48: {  	[tilespmem:s10], [sflag:$0x9] =	stream.linear.gather [hbm4b:s12+s10], $0x2A00, $0x38;
	[tilespmem:$0x1C100] =	vst v63  }
0x49: {  	_ =	swait.ge [sflag:s14], $0x2A00  }
0x4a: {  	[sflag:s14] =	ssyncset.done $0x0  }
0x4b: {  	[sflag:s14] =	ssyncadd.s32 $0xFFFFD600  }
0x4c: {  	[bflag:$0x0] =	sbarrier.arrive $0xFFFF  }
0x4d: {  	[tilespmem:s17], [sflag:$0x1] =	stream.indirect.gather [hbm4b:s4+s16], $0x40, s10, s16, $0xb8;
	[tilespmem:$0x1C100] =	vst v63  }
0x4e: {  	_ = 	snop  }
0x4f: {  	[tilespmem:s18], [sflag:$0x2] =	stream.indirect.gather [hbm4b:s4+s16], $0x40, s16, s16, $0xb8;
	[tilespmem:$0x1C100] =	vst v63  }
0x50: {  	_ =	swait.ge [sflag:s19], $0x2000  }
0x51: {  	[sflag:s19] =	ssyncset.done $0x0  }
0x52: {  	[sflag:s19] =	ssyncadd.s32 $0xFFFFE000  }
0x53: {  	[spmem:s2] =	stream.indirect.scatter.add.f32 [tilespmem:s17], [sflag:$0x5], $0x40, s13, s16, $0xb8;
	[tilespmem:$0x1C100] =	vst v63  }
0x54: {  	_ = 	snop  }
0x55: {  	[tilespmem:s21], [sflag:$0x3] =	stream.indirect.gather [hbm4b:s4+s16], $0x40, s23, s16, $0xb8;
	[tilespmem:$0x1C100] =	vst v63  }
0x56: {  	_ =	swait.ge [sflag:s22], $0x2000  }
0x57: {  	[sflag:s22] =	ssyncset.done $0x0  }
0x58: {  	s20 =	simm.s32 $0x2A80;
	[sflag:s22] =	ssyncadd.s32 $0xFFFFE000  }
0x59: {  	[spmem:s2] =	stream.indirect.scatter.add.f32 [tilespmem:s18], [sflag:$0x6], $0x40, s20, s16, $0xb8;
	[tilespmem:$0x1C100] =	vst v63  }
0x5a: {  	s24 =	simm.s32 $0x180  }
0x5b: {  	[tilespmem:s25], [sflag:$0x4] =	stream.indirect.gather [hbm4b:s4+s16], $0x40, s24, s16, $0xb8;
	[tilespmem:$0x1C100] =	vst v63  }
0x5c: {  	_ =	swait.ge [sflag:s26], $0x2000  }
0x5d: {  	[sflag:s26] =	ssyncset.done $0x0  }
0x5e: {  	[sflag:s26] =	ssyncadd.s32 $0xFFFFE000  }
0x5f: {  	[spmem:s2] =	stream.indirect.scatter.add.f32 [tilespmem:s21], [sflag:$0x7], $0x40, s28, s16, $0xb8;
	[tilespmem:$0x1C100] =	vst v63  }
0x60: {  	_ =	swait.ge [sflag:s29], $0x2000  }
0x61: {  	[sflag:s29] =	ssyncset.done $0x0  }
0x62: {  	[sflag:s29] =	ssyncadd.s32 $0xFFFFE000  }
0x63: {  	[tilespmem:s17], [sflag:$0x1] =	stream.indirect.gather [hbm4b:s4+s16], $0x40, s30, s16, $0xb8;
	[tilespmem:$0x1C100] =	vst v63  }
0x64: {  	_ =	swait.ge [sflag:s31], $0x2000  }
0x65: {  	[sflag:s31] =	ssyncset.done $0x0  }
0x66: {  	[sflag:s31] =	ssyncadd.s32 $0xFFFFE000  }
0x67: {  	[spmem:s2] =	stream.indirect.scatter.add.f32 [tilespmem:s25], [sflag:$0x8], $0x40, s1, s16, $0xb8;
	[tilespmem:$0x1C100] =	vst v63  }
0x68: {  	_ =	swait.ge [sflag:s0], $0x2000  }
0x69: {  	[sflag:s0] =	ssyncset.done $0x0  }
0x6a: {  	[sflag:s0] =	ssyncadd.s32 $0xFFFFE000  }
0x6b: {  	[tilespmem:s18], [sflag:$0x2] =	stream.indirect.gather [hbm4b:s4+s16], $0x40, s3, s16, $0xb8;
	[tilespmem:$0x1C100] =	vst v63  }
.LBB2_4:
0x6c: {  	_ =	swait.ge [sflag:s19], $0x2000  }
0x6d: {  	s11 =	sshra.s32 s10, $0x2;
	[sflag:s19] =	ssyncset.done $0x0  }
0x6e: {  	s12 =	sadd.s32 $0x2C00, s11;
	[sflag:s19] =	ssyncadd.s32 $0xFFFFE000  }
0x6f: {  	[spmem:s2] =	stream.indirect.scatter.add.f32 [tilespmem:s17], [sflag:$0x5], $0x40, s12, s16, $0xb8;
	[tilespmem:$0x1C100] =	vst v63  }
0x70: {  	_ =	swait.ge [sflag:s5], $0x2000  }
0x71: {  	[sflag:s5] =	ssyncset.done $0x0  }
0x72: {  	s20 =	sadd.s32 $0x300, s11;
	[sflag:s5] =	ssyncadd.s32 $0xFFFFE000  }
0x73: {  	[tilespmem:s21], [sflag:$0x3] =	stream.indirect.gather [hbm4b:s4+s16], $0x40, s20, s16, $0xb8;
	[tilespmem:$0x1C100] =	vst v63  }
0x74: {  	_ =	swait.ge [sflag:s22], $0x2000  }
0x75: {  	[sflag:s22] =	ssyncset.done $0x0  }
0x76: {  	s24 =	sadd.s32 $0x2C80, s11;
	[sflag:s22] =	ssyncadd.s32 $0xFFFFE000  }
0x77: {  	[spmem:s2] =	stream.indirect.scatter.add.f32 [tilespmem:s18], [sflag:$0x6], $0x40, s24, s16, $0xb8;
	[tilespmem:$0x1C100] =	vst v63  }
0x78: {  	_ =	swait.ge [sflag:s8], $0x2000  }
0x79: {  	[sflag:s8] =	ssyncset.done $0x0  }
0x7a: {  	p0 =	seq.s32 s10, $0x9800;
	s20 =	sadd.s32 $0x380, s11;
	[sflag:s8] =	ssyncadd.s32 $0xFFFFE000  }
0x7b: {  	[tilespmem:s25], [sflag:$0x4] =	stream.indirect.gather [hbm4b:s4+s16], $0x40, s20, s16, $0xb8;
	[tilespmem:$0x1C100] =	vst v63  }
.Ltmp3:
0x7c: {  	_ = 	snop;
	(pc) =	sbr.rel @p0 .LBB2_6-.Ltmp3, $4  }
0x7d: {  	_ =	swait.ge [sflag:s26], $0x2000  }
0x7e: {  	[sflag:s26] =	ssyncset.done $0x0  }
0x7f: {  	s12 =	sadd.s32 $0x2D80, s11;
	s24 =	sadd.s32 $0x2D00, s11;
	[sflag:s26] =	ssyncadd.s32 $0xFFFFE000  }
0x80: {  	[spmem:s2] =	stream.indirect.scatter.add.f32 [tilespmem:s21], [sflag:$0x7], $0x40, s24, s16, $0xb8;
	[tilespmem:$0x1C100] =	vst v63  }
0x81: {  	_ =	swait.ge [sflag:s29], $0x2000  }
0x82: {  	[sflag:s29] =	ssyncset.done $0x0  }
0x83: {  	s20 =	sadd.s32 $0x400, s11;
	[sflag:s29] =	ssyncadd.s32 $0xFFFFE000  }
0x84: {  	[tilespmem:s17], [sflag:$0x1] =	stream.indirect.gather [hbm4b:s4+s16], $0x40, s20, s16, $0xb8;
	[tilespmem:$0x1C100] =	vst v63  }
0x85: {  	_ =	swait.ge [sflag:s31], $0x2000  }
0x86: {  	[sflag:s31] =	ssyncset.done $0x0  }
0x87: {  	[sflag:s31] =	ssyncadd.s32 $0xFFFFE000  }
0x88: {  	[spmem:s2] =	stream.indirect.scatter.add.f32 [tilespmem:s25], [sflag:$0x8], $0x40, s12, s16, $0xb8;
	[tilespmem:$0x1C100] =	vst v63  }
.Ltmp4:
0x89: {  	_ = 	snop;
	(pc) =	sbr.rel .LBB2_4-.Ltmp4, $4  }
0x8a: {  	_ =	swait.ge [sflag:s0], $0x2000  }
0x8b: {  	[sflag:s0] =	ssyncset.done $0x0  }
0x8c: {  	s24 =	sadd.s32 $0x480, s11;
	s10 =	sadd.s32 $0x800, s10;
	[sflag:s0] =	ssyncadd.s32 $0xFFFFE000  }
0x8d: {  	[tilespmem:s18], [sflag:$0x2] =	stream.indirect.gather [hbm4b:s4+s16], $0x40, s24, s16, $0xb8;
	[tilespmem:$0x1C100] =	vst v63  }
.LBB2_6:
0x8e: {  	_ =	swait.ge [sflag:s31], $0x2000  }
0x8f: {  	[sflag:s31] =	ssyncset.done $0x0  }
0x90: {  	[sflag:s31] =	ssyncadd.s32 $0xFFFFE000  }
0x91: {  	[spmem:s2] =	stream.indirect.scatter.add.f32 [tilespmem:s25], [sflag:$0x8], $0x40, s12, s16, $0xb8;
	[tilespmem:$0x1C100] =	vst v63  }
0x92: {  	_ =	swait.ge [sflag:s29], $0x2000  }
0x93: {  	[sflag:s29] =	ssyncset.done $0x0  }
0x94: {  	[sflag:s29] =	ssyncadd.s32 $0xFFFFE000  }
0x95: {  	_ =	swait.ge [sflag:s0], $0x2000  }
0x96: {  	[sflag:s0] =	ssyncset.done $0x0  }
0x97: {  	[sflag:s0] =	ssyncadd.s32 $0xFFFFE000  }
0x98: {  	_ =	swait.ge [sflag:s5], $0x2000  }
0x99: {  	[sflag:s5] =	ssyncset.done $0x0  }
0x9a: {  	[sflag:s5] =	ssyncadd.s32 $0xFFFFE000  }
0x9b: {  	_ =	swait.ge [sflag:s8], $0x2000  }
0x9c: {  	[sflag:s8] =	ssyncset.done $0x0  }
0x9d: {  	s10 =	stileid.u32;
	[sflag:s8] =	ssyncadd.s32 $0xFFFFE000  }
0x9e: {  	s10 =	sshll.u32 s10, $0x6;
	[bflag:$0x0] =	sbarrier.arrive $0xFFFF  }
0x9f: {  	s11 =	sshrl.u32 s6, $0x3;
	s10 =	sor.u32 $0x1C09, s10;
	s20 =	rddreg [dreg:$0x6]  }
0xa0: {  	[hbm:s20], [sflag:s10] =	dma.local [spmem:s11], $0x13C0  }
0xa1: {  	_ =	swait.ge [sflag:s14], $0x13C0  }
0xa2: {  	[sflag:s14] =	ssyncset.done $0x0  }
0xa3: {  	[sflag:s14] =	ssyncadd.s32 $0xFFFFEC40  }
0xa4: {  	[spmem:s6] =	stream.linear.scatter [tilespmem:s15], [sflag:$0x9], $0x4F00, $0x38;
	[tilespmem:$0x1C100] =	vst v63  }
0xa5: {  	_ =	swait.ge [sflag:s14], $0x4F00  }
0xa6: {  	[sflag:s14] =	ssyncset.done $0x0  }
0xa7: {  	[sflag:s14] =	ssyncadd.s32 $0xFFFFB100  }
0xa8: {  	[spmem:s7] =	stream.linear.scatter [tilespmem:s15], [sflag:$0x9], $0x4F00, $0x38;
	[tilespmem:$0x1C100] =	vst v63  }
0xa9: {  	_ =	swait.ge [sflag:s14], $0x4F00  }
0xaa: {  	[sflag:s14] =	ssyncset.done $0x0  }
0xab: {  	s12 =	simm.s32 $0x0;
	s20 =	rddreg [dreg:$0x7];
	[sflag:s14] =	ssyncadd.s32 $0xFFFFB100  }
0xac: {  	[tilespmem:s12], [sflag:$0x9] =	stream.linear.gather [hbm4b:s20+s12], $0x2A00, $0x38;
	[tilespmem:$0x1C100] =	vst v63  }
0xad: {  	_ =	swait.ge [sflag:s14], $0x2A00  }
0xae: {  	[sflag:s14] =	ssyncset.done $0x0  }
0xaf: {  	[sflag:s14] =	ssyncadd.s32 $0xFFFFD600  }
0xb0: {  	[bflag:$0x0] =	sbarrier.arrive $0xFFFF  }
0xb1: {  	[tilespmem:s17], [sflag:$0x1] =	stream.indirect.gather [hbm4b:s4+s16], $0x40, s12, s16, $0xb8;
	[tilespmem:$0x1C100] =	vst v63  }
0xb2: {  	_ = 	snop  }
0xb3: {  	[tilespmem:s18], [sflag:$0x2] =	stream.indirect.gather [hbm4b:s4+s16], $0x40, s16, s16, $0xb8;
	[tilespmem:$0x1C100] =	vst v63  }
0xb4: {  	_ =	swait.ge [sflag:s19], $0x2000  }
0xb5: {  	[sflag:s19] =	ssyncset.done $0x0  }
0xb6: {  	[sflag:s19] =	ssyncadd.s32 $0xFFFFE000  }
0xb7: {  	[spmem:s2] =	stream.indirect.scatter.add.f32 [tilespmem:s17], [sflag:$0x5], $0x40, s13, s16, $0xb8;
	[tilespmem:$0x1C100] =	vst v63  }
0xb8: {  	_ = 	snop  }
0xb9: {  	[tilespmem:s21], [sflag:$0x3] =	stream.indirect.gather [hbm4b:s4+s16], $0x40, s23, s16, $0xb8;
	[tilespmem:$0x1C100] =	vst v63  }
0xba: {  	_ =	swait.ge [sflag:s22], $0x2000  }
0xbb: {  	[sflag:s22] =	ssyncset.done $0x0  }
0xbc: {  	s23 =	simm.s32 $0x2A80;
	[sflag:s22] =	ssyncadd.s32 $0xFFFFE000  }
0xbd: {  	[spmem:s2] =	stream.indirect.scatter.add.f32 [tilespmem:s18], [sflag:$0x6], $0x40, s23, s16, $0xb8;
	[tilespmem:$0x1C100] =	vst v63  }
0xbe: {  	s24 =	simm.s32 $0x180  }
0xbf: {  	[tilespmem:s25], [sflag:$0x4] =	stream.indirect.gather [hbm4b:s4+s16], $0x40, s24, s16, $0xb8;
	[tilespmem:$0x1C100] =	vst v63  }
0xc0: {  	_ =	swait.ge [sflag:s26], $0x2000  }
0xc1: {  	[sflag:s26] =	ssyncset.done $0x0  }
0xc2: {  	[sflag:s26] =	ssyncadd.s32 $0xFFFFE000  }
0xc3: {  	[spmem:s2] =	stream.indirect.scatter.add.f32 [tilespmem:s21], [sflag:$0x7], $0x40, s28, s16, $0xb8;
	[tilespmem:$0x1C100] =	vst v63  }
0xc4: {  	_ =	swait.ge [sflag:s29], $0x2000  }
0xc5: {  	[sflag:s29] =	ssyncset.done $0x0  }
0xc6: {  	[sflag:s29] =	ssyncadd.s32 $0xFFFFE000  }
0xc7: {  	[tilespmem:s17], [sflag:$0x1] =	stream.indirect.gather [hbm4b:s4+s16], $0x40, s30, s16, $0xb8;
	[tilespmem:$0x1C100] =	vst v63  }
0xc8: {  	_ =	swait.ge [sflag:s31], $0x2000  }
0xc9: {  	[sflag:s31] =	ssyncset.done $0x0  }
0xca: {  	[sflag:s31] =	ssyncadd.s32 $0xFFFFE000  }
0xcb: {  	[spmem:s2] =	stream.indirect.scatter.add.f32 [tilespmem:s25], [sflag:$0x8], $0x40, s1, s16, $0xb8;
	[tilespmem:$0x1C100] =	vst v63  }
0xcc: {  	_ =	swait.ge [sflag:s0], $0x2000  }
0xcd: {  	[sflag:s0] =	ssyncset.done $0x0  }
0xce: {  	[sflag:s0] =	ssyncadd.s32 $0xFFFFE000  }
0xcf: {  	[tilespmem:s18], [sflag:$0x2] =	stream.indirect.gather [hbm4b:s4+s16], $0x40, s3, s16, $0xb8;
	[tilespmem:$0x1C100] =	vst v63  }
.LBB2_7:
0xd0: {  	_ =	swait.ge [sflag:s19], $0x2000  }
0xd1: {  	s20 =	sshra.s32 s12, $0x2;
	[sflag:s19] =	ssyncset.done $0x0  }
0xd2: {  	s23 =	sadd.s32 $0x2C00, s20;
	[sflag:s19] =	ssyncadd.s32 $0xFFFFE000  }
0xd3: {  	[spmem:s2] =	stream.indirect.scatter.add.f32 [tilespmem:s17], [sflag:$0x5], $0x40, s23, s16, $0xb8;
	[tilespmem:$0x1C100] =	vst v63  }
0xd4: {  	_ =	swait.ge [sflag:s5], $0x2000  }
0xd5: {  	[sflag:s5] =	ssyncset.done $0x0  }
0xd6: {  	s24 =	sadd.s32 $0x300, s20;
	[sflag:s5] =	ssyncadd.s32 $0xFFFFE000  }
0xd7: {  	[tilespmem:s21], [sflag:$0x3] =	stream.indirect.gather [hbm4b:s4+s16], $0x40, s24, s16, $0xb8;
	[tilespmem:$0x1C100] =	vst v63  }
0xd8: {  	_ =	swait.ge [sflag:s22], $0x2000  }
0xd9: {  	[sflag:s22] =	ssyncset.done $0x0  }
0xda: {  	s24 =	sadd.s32 $0x2C80, s20;
	[sflag:s22] =	ssyncadd.s32 $0xFFFFE000  }
0xdb: {  	[spmem:s2] =	stream.indirect.scatter.add.f32 [tilespmem:s18], [sflag:$0x6], $0x40, s24, s16, $0xb8;
	[tilespmem:$0x1C100] =	vst v63  }
0xdc: {  	_ =	swait.ge [sflag:s8], $0x2000  }
0xdd: {  	[sflag:s8] =	ssyncset.done $0x0  }
0xde: {  	p0 =	seq.s32 s12, $0x9800;
	s24 =	sadd.s32 $0x380, s20;
	[sflag:s8] =	ssyncadd.s32 $0xFFFFE000  }
0xdf: {  	[tilespmem:s25], [sflag:$0x4] =	stream.indirect.gather [hbm4b:s4+s16], $0x40, s24, s16, $0xb8;
	[tilespmem:$0x1C100] =	vst v63  }
.Ltmp5:
0xe0: {  	_ = 	snop;
	(pc) =	sbr.rel @p0 .LBB2_9-.Ltmp5, $4  }
0xe1: {  	_ =	swait.ge [sflag:s26], $0x2000  }
0xe2: {  	[sflag:s26] =	ssyncset.done $0x0  }
0xe3: {  	s23 =	sadd.s32 $0x2D80, s20;
	s24 =	sadd.s32 $0x2D00, s20;
	[sflag:s26] =	ssyncadd.s32 $0xFFFFE000  }
0xe4: {  	[spmem:s2] =	stream.indirect.scatter.add.f32 [tilespmem:s21], [sflag:$0x7], $0x40, s24, s16, $0xb8;
	[tilespmem:$0x1C100] =	vst v63  }
0xe5: {  	_ =	swait.ge [sflag:s29], $0x2000  }
0xe6: {  	[sflag:s29] =	ssyncset.done $0x0  }
0xe7: {  	s24 =	sadd.s32 $0x400, s20;
	[sflag:s29] =	ssyncadd.s32 $0xFFFFE000  }
0xe8: {  	[tilespmem:s17], [sflag:$0x1] =	stream.indirect.gather [hbm4b:s4+s16], $0x40, s24, s16, $0xb8;
	[tilespmem:$0x1C100] =	vst v63  }
0xe9: {  	_ =	swait.ge [sflag:s31], $0x2000  }
0xea: {  	[sflag:s31] =	ssyncset.done $0x0  }
0xeb: {  	[sflag:s31] =	ssyncadd.s32 $0xFFFFE000  }
0xec: {  	[spmem:s2] =	stream.indirect.scatter.add.f32 [tilespmem:s25], [sflag:$0x8], $0x40, s23, s16, $0xb8;
	[tilespmem:$0x1C100] =	vst v63  }
.Ltmp6:
0xed: {  	_ = 	snop;
	(pc) =	sbr.rel .LBB2_7-.Ltmp6, $4  }
0xee: {  	_ =	swait.ge [sflag:s0], $0x2000  }
0xef: {  	[sflag:s0] =	ssyncset.done $0x0  }
0xf0: {  	s12 =	sadd.s32 $0x800, s12;
	s24 =	sadd.s32 $0x480, s20;
	[sflag:s0] =	ssyncadd.s32 $0xFFFFE000  }
0xf1: {  	[tilespmem:s18], [sflag:$0x2] =	stream.indirect.gather [hbm4b:s4+s16], $0x40, s24, s16, $0xb8;
	[tilespmem:$0x1C100] =	vst v63  }
.LBB2_10:
0xf2: {  	_ =	sfence.sel $0x180000  }
0xf3: {  	[bflag:$0x0] =	sbarrier.arrive $0xFFFF  }
0xf4: {  	_ =	strace $0x90000050  }
0xf5: {  	s0 =	stileid.u32;
	[bflag:$0x2] =	sbarrier.arrive $0xFFFF  }
0xf6: {  	p0 =	sne.s32 s0, $0x0;
	s0 =	rddreg [dreg:$0x3]  }
0xf7: {  	s0 =	sadd.s32 @!p0 $0x100000, s0  }
0xf8: {  	[sflag:s0] =	ssyncadd.tile.s32 @!p0 $0x1;
	_ =	shalt  }
.Lfunc_end2:
_tile_overlayer_lowered:
.L_overlay_start_2:
0xf9: {  	(tag) =	ssettag $0x2  }
0xfa: {  	s0 =	rddreg [dreg:$0x0];
	s2 =	stileid.u32  }
0xfb: {  	s1 =	rddreg [dreg:$0x1];
	p0 =	sne.s32 s2, $0x0  }
0xfc: {  	s3 =	rddreg [dreg:$0x2];
	[bflag:$0x3] =	sbarrier.arrive $0xFFFF;
	s2 =	simm.s32 @!p0 $0x1C09  }
0xfd: {  	[timem:s3], [sflag:s2] =	dma.local @!p0 [hbm:s0], s1  }
0xfe: {  	s0 =	simm.s32 @!p0 $0x9  }
0xff: {  	_ =	swait.ge @!p0 [sflag:s0], s1  }
0x100: {  	s1 =	ssub.s32 @!p0 $0x0, s1;
	[sflag:s0] =	ssyncset.done @!p0 $0x0  }
0x101: {  	[sflag:s0] =	ssyncadd.s32 @!p0 s1  }
0x102: {  	[bflag:$0x3] =	sbarrier.arrive $0xFFFF  }
0x103: {  	_ =	shalt  }

</sc_bundles>
